<compile_context>
chip_gen: v7x
topology: tpu7x:2x2x1
jax: 0.10.2.dev20260603
libtpu: 0.0.44.dev20260713+nightly
codegen_flags: <defaults>
</compile_context>

<pallas_src>
import functools

import jax
import jax.numpy as jnp
from jax import lax
from jax.experimental import pallas as pl
from jax.experimental.pallas import tpu as pltpu
from jax.experimental.pallas import tpu_sc as plsc

N = 10000
E = 320000
D = 128
H = 128
G = 16

EBLK = 2000

NC = 2
NS = 16
NW = NC * NS
EW = E // NW
CH = 40
DEPTH = 5
NSPLIT = 2
EC = E // NSPLIT

NRA = 632
NPAD = NRA * NS


EW = EC // NW
NCH = EW // CH
NRND = NCH // DEPTH


def _sc_gather(A, B, i_src, i_tgt):
    mesh = plsc.VectorSubcoreMesh(core_axis_name="c", subcore_axis_name="s")

    @functools.partial(
        pl.kernel, mesh=mesh,
        out_type=jax.ShapeDtypeStruct((EC, D), jnp.float32),
        scratch_types=(
            [pltpu.VMEM((CH,), jnp.int32) for _ in range(DEPTH)]
            + [pltpu.VMEM((CH,), jnp.int32) for _ in range(DEPTH)]
            + [pltpu.VMEM((CH, D), jnp.float32) for _ in range(DEPTH)]
            + [pltpu.VMEM_SHARED((NPAD, D), jnp.float32)]
            + [pltpu.SemaphoreType.DMA for _ in range(2 * DEPTH)]
        ),
    )
    def gk(a_hbm, b_hbm, is_hbm, it_hbm, out_hbm, *scr):
        idxs = scr[:DEPTH]
        idxt = scr[DEPTH:2 * DEPTH]
        rows = scr[2 * DEPTH:3 * DEPTH]
        taba = scr[3 * DEPTH]
        sg = scr[3 * DEPTH + 1:3 * DEPTH + 1 + DEPTH]
        so = scr[3 * DEPTH + 1 + DEPTH:]

        c = lax.axis_index("c")
        s = lax.axis_index("s")
        wid = s * NC + c
        base = wid * EW

        pltpu.sync_copy(a_hbm.at[pl.ds(s * NRA, NRA)],
                        taba.at[pl.ds(s * NRA, NRA)])
        plsc.subcore_barrier()

        def start_chunk(k, b):
            off = base + k * CH
            pltpu.sync_copy(is_hbm.at[pl.ds(off, CH)], idxs[b])
            pltpu.sync_copy(it_hbm.at[pl.ds(off, CH)], idxt[b])
            pltpu.async_copy(taba.at[idxs[b]], rows[b], sg[b])

        def finish_chunk(k, b):
            off = base + k * CH
            pltpu.make_async_copy(taba.at[idxs[b]], rows[b], sg[b]).wait()
            pltpu.sync_copy(b_hbm.at[idxt[b]], rows[b], add=True)
            pltpu.async_copy(rows[b], out_hbm.at[pl.ds(off, CH)], so[b])

        def wait_out(k, b):
            off = base + k * CH
            pltpu.make_async_copy(rows[b], out_hbm.at[pl.ds(off, CH)],
                                  so[b]).wait()

        def round_body(j, carry):
            for b in range(DEPTH):
                @pl.when(j > 0)
                def _():
                    wait_out((j - 1) * DEPTH + b, b)
                start_chunk(j * DEPTH + b, b)
            for b in range(DEPTH):
                finish_chunk(j * DEPTH + b, b)
            return carry

        lax.fori_loop(0, NRND, round_body, 0)
        for b in range(DEPTH):
            wait_out((NRND - 1) * DEPTH + b, b)

    return gk(A, B, i_src, i_tgt)


def _sc_scatter_add(H2, i_tgt, zeros_nd):
    mesh = plsc.VectorSubcoreMesh(core_axis_name="c", subcore_axis_name="s")

    @functools.partial(
        pl.kernel, mesh=mesh,
        out_type=jax.ShapeDtypeStruct((NC, NPAD, D), jnp.float32),
        scratch_types=(
            [pltpu.VMEM((CH,), jnp.int32) for _ in range(DEPTH)]
            + [pltpu.VMEM((CH, D), jnp.float32) for _ in range(DEPTH)]
            + [pltpu.VMEM_SHARED((NPAD, D), jnp.float32)]
            + [pltpu.SemaphoreType.DMA for _ in range(DEPTH)]
        ),
    )
    def sk(h2_hbm, it_hbm, z_hbm, out_hbm, *scr):
        idx = scr[:DEPTH]
        rows = scr[DEPTH:2 * DEPTH]
        acc = scr[2 * DEPTH]
        sr = scr[2 * DEPTH + 1:]

        c = lax.axis_index("c")
        s = lax.axis_index("s")
        pltpu.sync_copy(z_hbm, acc.at[pl.ds(s * NRA, NRA)])

        base = (s * NC + c) * EW

        def start_load(k, b):
            off = base + k * CH
            pltpu.async_copy(h2_hbm.at[pl.ds(off, CH)], rows[b], sr[b])

        def do_scatter(k, b):
            off = base + k * CH
            pltpu.sync_copy(it_hbm.at[pl.ds(off, CH)], idx[b])
            pltpu.make_async_copy(h2_hbm.at[pl.ds(off, CH)],
                                  rows[b], sr[b]).wait()
            pltpu.sync_copy(rows[b], acc.at[idx[b]], add=True)

        for b in range(DEPTH):
            start_load(b, b)
        plsc.subcore_barrier()

        def round_body(j, carry):
            for b in range(DEPTH):
                do_scatter(j * DEPTH + b, b)

                @pl.when(j < NRND - 1)
                def _():
                    start_load((j + 1) * DEPTH + b, b)
            return carry

        lax.fori_loop(0, NRND, round_body, 0)
        plsc.subcore_barrier()
        pltpu.sync_copy(acc.at[pl.ds(s * NRA, NRA)],
                        out_hbm.at[c, pl.ds(s * NRA, NRA)])

    return sk(H2, i_tgt, zeros_nd)


def _precompute_body(src_ref, tgt_ref, ws_ref, wt_ref, b1_ref, a_ref, b_ref):
    a_ref[...] = jnp.dot(src_ref[...], ws_ref[...],
                         preferred_element_type=jnp.float32)
    b_ref[...] = jnp.dot(tgt_ref[...], wt_ref[...],
                         preferred_element_type=jnp.float32) + b1_ref[...]


def _edge_mlp_body(gab_ref, dist_ref, w1d_ref, w2t_ref, b2_ref, out_ref):
    pre = gab_ref[...] + dist_ref[...] * w1d_ref[...]
    h = pre * jax.nn.sigmoid(pre)
    h2 = jnp.dot(h, w2t_ref[...], preferred_element_type=jnp.float32) + b2_ref[...]
    out_ref[...] = h2 * jax.nn.sigmoid(h2)


def _combine_norm_body(tgt_ref, p0_ref, p1_ref, p2_ref, p3_ref,
                       wc1t_t_ref, wc1t_a_ref, bc1_ref,
                       wc2t_ref, bc2_ref, gnw_ref, gnb_ref, gms_ref,
                       tb_col_ref, tb_row_ref, y_ref):
    tgt = tgt_ref[...]
    aggr = (p0_ref[...] + p1_ref[...]) + (p2_ref[...] + p3_ref[...])
    c1 = (jnp.dot(tgt, wc1t_t_ref[...], preferred_element_type=jnp.float32)
          + jnp.dot(aggr, wc1t_a_ref[...],
                    preferred_element_type=jnp.float32)
          + bc1_ref[...])
    c1 = c1 * jax.nn.sigmoid(c1)
    c = jnp.dot(c1, wc2t_ref[...], preferred_element_type=jnp.float32) + bc2_ref[...]
    x = tgt + c

    iota_col = jax.lax.broadcasted_iota(jnp.int32, (N, G), 1)
    onehot = (iota_col == tb_col_ref[...]).astype(jnp.float32)
    iota_row = jax.lax.broadcasted_iota(jnp.int32, (G, N), 0)
    onehot_t = (iota_row == tb_row_ref[...]).astype(jnp.float32)

    counts = jnp.maximum(jnp.sum(onehot_t, axis=1, keepdims=True), 1.0)
    mean = jnp.dot(onehot_t, x, preferred_element_type=jnp.float32) / counts
    out = x - gms_ref[...] * jnp.dot(onehot, mean,
                                     preferred_element_type=jnp.float32)
    var = jnp.dot(onehot_t, out * out,
                  preferred_element_type=jnp.float32) / counts
    rstd = jax.lax.rsqrt(var + 1e-5)
    y_ref[...] = (gnw_ref[...] * out
                  * jnp.dot(onehot, rstd, preferred_element_type=jnp.float32)
                  + gnb_ref[...])


def kernel(source_node, target_node, edge_attr, distance, W1, b1, W2, b2,
           Wc1, bc1, Wc2, bc2, gn_weight, gn_bias, gn_mean_scale,
           edge_index, target_batch):
    del edge_attr

    W1sT = W1[:, :D].T
    W1tT = W1[:, D:2 * D].T
    w1d = W1[:, 2 * D].reshape(1, H)
    b1r = b1.reshape(1, H)
    W2T = W2.T
    b2r = b2.reshape(1, H)
    Wc1T_t = Wc1[:, :D].T
    Wc1T_a = Wc1[:, D:].T
    bc1r = bc1.reshape(1, H)
    Wc2T = Wc2.T
    bc2r = bc2.reshape(1, H)
    gnw = gn_weight.reshape(1, H)
    gnb = gn_bias.reshape(1, H)
    gms = gn_mean_scale.reshape(1, H)
    tb_col = target_batch.reshape(N, 1)
    tb_row = target_batch.reshape(1, N)
    src_pad = jnp.pad(source_node, ((0, NPAD - N), (0, 0)))
    tgt_pad = jnp.pad(target_node, ((0, NPAD - N), (0, 0)))

    A, B = pl.pallas_call(
        _precompute_body,
        out_shape=[jax.ShapeDtypeStruct((NPAD, H), jnp.float32),
                   jax.ShapeDtypeStruct((NPAD, H), jnp.float32)],
    )(src_pad, tgt_pad, W1sT, W1tT, b1r)

    zeros_nd = jnp.zeros((NRA, D), jnp.float32)
    grid = EC // EBLK
    partials = []
    for ci in range(NSPLIT):
        lo = ci * EC
        isrc = lax.dynamic_slice_in_dim(edge_index[0], lo, EC)
        itgt = lax.dynamic_slice_in_dim(edge_index[1], lo, EC)
        dist = lax.dynamic_slice_in_dim(distance, lo, EC)

        Gab = _sc_gather(A, B, isrc, itgt)

        H2 = pl.pallas_call(
            _edge_mlp_body,
            grid=(grid,),
            in_specs=[
                pl.BlockSpec((EBLK, H), lambda i: (i, 0)),
                pl.BlockSpec((EBLK, 1), lambda i: (i, 0)),
                pl.BlockSpec((1, H), lambda i: (0, 0)),
                pl.BlockSpec((H, H), lambda i: (0, 0)),
                pl.BlockSpec((1, H), lambda i: (0, 0)),
            ],
            out_specs=pl.BlockSpec((EBLK, H), lambda i: (i, 0)),
            out_shape=jax.ShapeDtypeStruct((EC, H), jnp.float32),
        )(Gab, dist, w1d, W2T, b2r)

        partials.append(_sc_scatter_add(H2, itgt, zeros_nd))

    psum = [p[c, :N] for p in partials for c in range(NC)]
    y = pl.pallas_call(
        _combine_norm_body,
        out_shape=jax.ShapeDtypeStruct((N, H), jnp.float32),
    )(target_node, psum[0], psum[1], psum[2], psum[3], Wc1T_t, Wc1T_a, bc1r,
      Wc2T, bc2r, gnw, gnb, gms, tb_col, tb_row)

    return y

# --- scband reference (transcript-rebuilt; emitter-appended) ---
"""Pipeline reference for scband-egnnmessage-layer-18133351924499 (READ-ONLY COPY).

The authoritative reference and input builder live on the scoring server;
editing this copy changes nothing except your own understanding.
"""

import jax, jax.numpy as jnp
import numpy as np

N = 10000
E = 320000
D = 128
H = 128
OUT = 128
G = 16
MSG_IN = D + D + 1  # source + target + distance (edge_attr_size=0)


def setup_inputs(seed: int = 0) -> dict:
    key = jax.random.key(seed)
    ks = jax.random.split(key, 16)
    source_node = jax.random.normal(ks[0], (N, D), dtype=jnp.float32)
    target_node = jax.random.normal(ks[1], (N, D), dtype=jnp.float32)
    edge_index = jax.random.randint(ks[2], (2, E), 0, N, dtype=jnp.int32)
    edge_attr = jnp.zeros((E, 0), dtype=jnp.float32)
    distance = jax.random.uniform(ks[3], (E, 1), dtype=jnp.float32)
    target_batch = jnp.sort(jax.random.randint(ks[4], (N,), 0, G, dtype=jnp.int32))
    # fn_message: Linear(257->128), act, Linear(128->128), act
    W1 = jax.random.normal(ks[5], (H, MSG_IN), dtype=jnp.float32) * 0.05
    b1 = jnp.zeros((H,), dtype=jnp.float32)
    W2 = jax.random.normal(ks[6], (H, H), dtype=jnp.float32) * 0.05
    b2 = jnp.zeros((H,), dtype=jnp.float32)
    # fn_combine: Linear(target+hidden=256 -> 128), act, Linear(128 -> 128)
    Wc1 = jax.random.normal(ks[7], (H, D + H), dtype=jnp.float32) * 0.05
    bc1 = jnp.zeros((H,), dtype=jnp.float32)
    Wc2 = jax.random.normal(ks[8], (OUT, H), dtype=jnp.float32) * 0.05
    bc2 = jnp.zeros((OUT,), dtype=jnp.float32)
    # GraphNorm(128) params: weight, bias, mean_scale (alpha)
    gn_weight = jnp.ones((OUT,), dtype=jnp.float32)
    gn_bias = jnp.zeros((OUT,), dtype=jnp.float32)
    gn_mean_scale = jnp.ones((OUT,), dtype=jnp.float32)
    return {
        "source_node": source_node, "target_node": target_node,
        "edge_attr": edge_attr, "distance": distance,
        "W1": W1, "b1": b1, "W2": W2, "b2": b2,
        "Wc1": Wc1, "bc1": bc1, "Wc2": Wc2, "bc2": bc2,
        "gn_weight": gn_weight, "gn_bias": gn_bias, "gn_mean_scale": gn_mean_scale,
        "edge_index": edge_index, "target_batch": target_batch,
    }


def reference(source_node, target_node, edge_attr, distance,
              W1, b1, W2, b2, Wc1, bc1, Wc2, bc2,
              gn_weight, gn_bias, gn_mean_scale,
              edge_index, target_batch):
    i_source = edge_index[0]
    i_target = edge_index[1]
    # create_message_repr: cat(source_node[i_source], target_node[i_target], distance)
    msg = jnp.concatenate([jnp.take(source_node, i_source, axis=0),
                           jnp.take(target_node, i_target, axis=0),
                           distance], axis=1)
    h = jax.nn.silu(msg @ W1.T + b1)
    h = jax.nn.silu(h @ W2.T + b2)
    # scatter-add into zeros_like(target_node) (hidden == target size)
    aggr = jax.ops.segment_sum(h, i_target, num_segments=N)
    c = jnp.concatenate([target_node, aggr], axis=1)
    c = jax.nn.silu(c @ Wc1.T + bc1)
    c = c @ Wc2.T + bc2
    x = target_node + c  # residual_proj is Identity (128 == 128)
    # GraphNorm over graphs given by target_batch
    ones = jnp.ones((N, 1), dtype=x.dtype)
    counts = jnp.maximum(jax.ops.segment_sum(ones, target_batch, num_segments=G), 1.0)
    mean = jax.ops.segment_sum(x, target_batch, num_segments=G) / counts
    out = x - gn_mean_scale * jnp.take(mean, target_batch, axis=0)
    var = jax.ops.segment_sum(out * out, target_batch, num_segments=G) / counts
    std = jnp.sqrt(var + 1e-5)
    y = gn_weight * out / jnp.take(std, target_batch, axis=0) + gn_bias
    return y  # final_act = 'none'

if __name__ == "__main__":
    import jax
    _d = setup_inputs()
    print(jax.jit(kernel)(*tuple(_d.values())))

</pallas_src>

<mosaic_0001>
#map = affine_map<(d0, d1) -> (0, 0)>
#map1 = affine_map<(d0, d1) -> (0)>
#map2 = affine_map<(d0, d1) -> (0, 0, 0)>
module attributes {stable_mosaic.version = 14 : i64} {
  func.func @sk(%arg0: i32, %arg1: i32, %arg2: memref<160000x128xf32, #tpu.memory_space<hbm>>, %arg3: memref<160000xi32, #tpu.memory_space<hbm>>, %arg4: memref<632x128xf32, #tpu.memory_space<hbm>>, %arg5: memref<2x10112x128xf32, #tpu.memory_space<hbm>>, %arg6: memref<40xi32, #tpu.memory_space<vmem>>, %arg7: memref<40xi32, #tpu.memory_space<vmem>>, %arg8: memref<40xi32, #tpu.memory_space<vmem>>, %arg9: memref<40xi32, #tpu.memory_space<vmem>>, %arg10: memref<40xi32, #tpu.memory_space<vmem>>, %arg11: memref<40x128xf32, #tpu.memory_space<vmem>>, %arg12: memref<40x128xf32, #tpu.memory_space<vmem>>, %arg13: memref<40x128xf32, #tpu.memory_space<vmem>>, %arg14: memref<40x128xf32, #tpu.memory_space<vmem>>, %arg15: memref<40x128xf32, #tpu.memory_space<vmem>>, %arg16: memref<10112x128xf32, #tpu.memory_space<vmem_shared>>, %arg17: memref<!tpu.dma_semaphore, #tpu.memory_space<semaphore_mem>>, %arg18: memref<!tpu.dma_semaphore, #tpu.memory_space<semaphore_mem>>, %arg19: memref<!tpu.dma_semaphore, #tpu.memory_space<semaphore_mem>>, %arg20: memref<!tpu.dma_semaphore, #tpu.memory_space<semaphore_mem>>, %arg21: memref<!tpu.dma_semaphore, #tpu.memory_space<semaphore_mem>>) attributes {dimension_semantics = [#tpu.dimension_semantics<core_parallel>, #tpu.dimension_semantics<subcore_parallel>], iteration_bounds = array<i64: 2, 16>, scalar_prefetch = 0 : i64, scratch_operands = 16 : i64, tpu.core_type = #tpu.core_type<sc_vector_subcore>, window_params = [{transform_indices = #map}, {transform_indices = #map1}, {transform_indices = #map}, {transform_indices = #map2}]} {
    %mul3A = arith.constant 632 : i32
    %mul3A_0 = arith.muli %arg1, %mul3A : i32
    "tpu.region"() ({
      %run_scoped3A = tpu.sem_alloc : memref<!tpu.dma_semaphore, #tpu.memory_space<semaphore_mem>>
      %dma_start3A_44 = arith.constant 0 : i32
      %dma_start3A_45 = tpu.memref_slice %arg16[%mul3A_0, %dma_start3A_44] : memref<10112x128xf32, #tpu.memory_space<vmem_shared>> -> memref<632x128xf32, #tpu.memory_space<vmem_shared>>
      tpu.enqueue_dma source(%arg4 : memref<632x128xf32, #tpu.memory_space<hbm>>) target(%dma_start3A_45 : memref<632x128xf32, #tpu.memory_space<vmem_shared>>) target_semaphore(%run_scoped3A : memref<!tpu.dma_semaphore, #tpu.memory_space<semaphore_mem>>)
      %dma_wait3A = arith.constant 0 : i32
      %dma_wait3A_46 = tpu.memref_slice %arg16[%mul3A_0, %dma_wait3A] : memref<10112x128xf32, #tpu.memory_space<vmem_shared>> -> memref<632x128xf32, #tpu.memory_space<vmem_shared>>
      tpu.wait_dma2 semaphore(%run_scoped3A : memref<!tpu.dma_semaphore, #tpu.memory_space<semaphore_mem>>) src(%arg4 : memref<632x128xf32, #tpu.memory_space<hbm>>) dst(%dma_wait3A_46 : memref<632x128xf32, #tpu.memory_space<vmem_shared>>)
      tpu.yield
    }) : () -> ()
    %mul3A_1 = arith.constant 2 : i32
    %mul3A_2 = arith.muli %arg1, %mul3A_1 : i32
    %add3A = arith.addi %mul3A_2, %arg0 : i32
    %mul3A_3 = arith.constant 5000 : i32
    %mul3A_4 = arith.muli %add3A, %mul3A_3 : i32
    %add3A_5 = arith.constant 0 : i32
    %add3A_6 = arith.addi %mul3A_4, %add3A_5 : i32
    %dma_start3A = arith.constant 0 : i32
    %dma_start3A_7 = tpu.memref_slice %arg2[%add3A_6, %dma_start3A] : memref<160000x128xf32, #tpu.memory_space<hbm>> -> memref<40x128xf32, #tpu.memory_space<hbm>>
    %dma_start3A_8 = arith.constant 0 : i32
    %dma_start3A_9 = tpu.memref_slice %arg2[%add3A_6, %dma_start3A_8] : memref<160000x128xf32, #tpu.memory_space<hbm>> -> memref<40x128xf32, #tpu.memory_space<hbm>>
    tpu.enqueue_dma source(%dma_start3A_9 : memref<40x128xf32, #tpu.memory_space<hbm>>) target(%arg11 : memref<40x128xf32, #tpu.memory_space<vmem>>) target_semaphore(%arg17 : memref<!tpu.dma_semaphore, #tpu.memory_space<semaphore_mem>>)
    %add3A_10 = arith.constant 40 : i32
    %add3A_11 = arith.addi %mul3A_4, %add3A_10 : i32
    %dma_start3A_12 = arith.constant 0 : i32
    %dma_start3A_13 = tpu.memref_slice %arg2[%add3A_11, %dma_start3A_12] : memref<160000x128xf32, #tpu.memory_space<hbm>> -> memref<40x128xf32, #tpu.memory_space<hbm>>
    %dma_start3A_14 = arith.constant 0 : i32
    %dma_start3A_15 = tpu.memref_slice %arg2[%add3A_11, %dma_start3A_14] : memref<160000x128xf32, #tpu.memory_space<hbm>> -> memref<40x128xf32, #tpu.memory_space<hbm>>
    tpu.enqueue_dma source(%dma_start3A_15 : memref<40x128xf32, #tpu.memory_space<hbm>>) target(%arg12 : memref<40x128xf32, #tpu.memory_space<vmem>>) target_semaphore(%arg18 : memref<!tpu.dma_semaphore, #tpu.memory_space<semaphore_mem>>)
    %add3A_16 = arith.constant 80 : i32
    %add3A_17 = arith.addi %mul3A_4, %add3A_16 : i32
    %dma_start3A_18 = arith.constant 0 : i32
    %dma_start3A_19 = tpu.memref_slice %arg2[%add3A_17, %dma_start3A_18] : memref<160000x128xf32, #tpu.memory_space<hbm>> -> memref<40x128xf32, #tpu.memory_space<hbm>>
    %dma_start3A_20 = arith.constant 0 : i32
    %dma_start3A_21 = tpu.memref_slice %arg2[%add3A_17, %dma_start3A_20] : memref<160000x128xf32, #tpu.memory_space<hbm>> -> memref<40x128xf32, #tpu.memory_space<hbm>>
    tpu.enqueue_dma source(%dma_start3A_21 : memref<40x128xf32, #tpu.memory_space<hbm>>) target(%arg13 : memref<40x128xf32, #tpu.memory_space<vmem>>) target_semaphore(%arg19 : memref<!tpu.dma_semaphore, #tpu.memory_space<semaphore_mem>>)
    %add3A_22 = arith.constant 120 : i32
    %add3A_23 = arith.addi %mul3A_4, %add3A_22 : i32
    %dma_start3A_24 = arith.constant 0 : i32
    %dma_start3A_25 = tpu.memref_slice %arg2[%add3A_23, %dma_start3A_24] : memref<160000x128xf32, #tpu.memory_space<hbm>> -> memref<40x128xf32, #tpu.memory_space<hbm>>
    %dma_start3A_26 = arith.constant 0 : i32
    %dma_start3A_27 = tpu.memref_slice %arg2[%add3A_23, %dma_start3A_26] : memref<160000x128xf32, #tpu.memory_space<hbm>> -> memref<40x128xf32, #tpu.memory_space<hbm>>
    tpu.enqueue_dma source(%dma_start3A_27 : memref<40x128xf32, #tpu.memory_space<hbm>>) target(%arg14 : memref<40x128xf32, #tpu.memory_space<vmem>>) target_semaphore(%arg20 : memref<!tpu.dma_semaphore, #tpu.memory_space<semaphore_mem>>)
    %add3A_28 = arith.constant 160 : i32
    %add3A_29 = arith.addi %mul3A_4, %add3A_28 : i32
    %dma_start3A_30 = arith.constant 0 : i32
    %dma_start3A_31 = tpu.memref_slice %arg2[%add3A_29, %dma_start3A_30] : memref<160000x128xf32, #tpu.memory_space<hbm>> -> memref<40x128xf32, #tpu.memory_space<hbm>>
    %dma_start3A_32 = arith.constant 0 : i32
    %dma_start3A_33 = tpu.memref_slice %arg2[%add3A_29, %dma_start3A_32] : memref<160000x128xf32, #tpu.memory_space<hbm>> -> memref<40x128xf32, #tpu.memory_space<hbm>>
    tpu.enqueue_dma source(%dma_start3A_33 : memref<40x128xf32, #tpu.memory_space<hbm>>) target(%arg15 : memref<40x128xf32, #tpu.memory_space<vmem>>) target_semaphore(%arg21 : memref<!tpu.dma_semaphore, #tpu.memory_space<semaphore_mem>>)
    %barrier3A = arith.constant 0 : index
    tpu.barrier barrier_id(%barrier3A)
    %scan3A = arith.constant 0 : i32
    %scan3A_34 = arith.constant 0 : i32
    %scan3A_35 = arith.constant 25 : i32
    %scan3A_36 = arith.addi %scan3A_34, %scan3A_35 : i32
    %scan3A_37 = arith.constant 1 : i32
    scf.for %scan3A_44 = %scan3A_34 to %scan3A_36 step %scan3A_37  : i32 {
      %mul3A_45 = arith.constant 5 : i32
      %mul3A_46 = arith.muli %scan3A_44, %mul3A_45 : i32
      %add3A_47 = arith.constant 0 : i32
      %add3A_48 = arith.addi %mul3A_46, %add3A_47 : i32
      %mul3A_49 = arith.constant 40 : i32
      %mul3A_50 = arith.muli %add3A_48, %mul3A_49 : i32
      %add3A_51 = arith.addi %mul3A_4, %mul3A_50 : i32
      "tpu.region"() ({
        %run_scoped3A = tpu.sem_alloc : memref<!tpu.dma_semaphore, #tpu.memory_space<semaphore_mem>>
        %dma_start3A_121 = tpu.memref_slice %arg3[%add3A_51] : memref<160000xi32, #tpu.memory_space<hbm>> -> memref<40xi32, #tpu.memory_space<hbm>>
        %dma_start3A_122 = tpu.memref_slice %arg3[%add3A_51] : memref<160000xi32, #tpu.memory_space<hbm>> -> memref<40xi32, #tpu.memory_space<hbm>>
        tpu.enqueue_dma source(%dma_start3A_122 : memref<40xi32, #tpu.memory_space<hbm>>) target(%arg6 : memref<40xi32, #tpu.memory_space<vmem>>) target_semaphore(%run_scoped3A : memref<!tpu.dma_semaphore, #tpu.memory_space<semaphore_mem>>)
        %dma_wait3A_123 = tpu.memref_slice %arg3[%add3A_51] : memref<160000xi32, #tpu.memory_space<hbm>> -> memref<40xi32, #tpu.memory_space<hbm>>
        %dma_wait3A_124 = tpu.memref_slice %arg3[%add3A_51] : memref<160000xi32, #tpu.memory_space<hbm>> -> memref<40xi32, #tpu.memory_space<hbm>>
        tpu.wait_dma2 semaphore(%run_scoped3A : memref<!tpu.dma_semaphore, #tpu.memory_space<semaphore_mem>>) src(%dma_wait3A_124 : memref<40xi32, #tpu.memory_space<hbm>>) dst(%arg6 : memref<40xi32, #tpu.memory_space<vmem>>)
        tpu.yield
      }) : () -> ()
      %dma_wait3A = arith.constant 0 : i32
      %dma_wait3A_52 = tpu.memref_slice %arg2[%add3A_51, %dma_wait3A] : memref<160000x128xf32, #tpu.memory_space<hbm>> -> memref<40x128xf32, #tpu.memory_space<hbm>>
      %dma_wait3A_53 = arith.constant 0 : i32
      %dma_wait3A_54 = tpu.memref_slice %arg2[%add3A_51, %dma_wait3A_53] : memref<160000x128xf32, #tpu.memory_space<hbm>> -> memref<40x128xf32, #tpu.memory_space<hbm>>
      tpu.wait_dma2 semaphore(%arg17 : memref<!tpu.dma_semaphore, #tpu.memory_space<semaphore_mem>>) src(%dma_wait3A_54 : memref<40x128xf32, #tpu.memory_space<hbm>>) dst(%arg11 : memref<40x128xf32, #tpu.memory_space<vmem>>)
      "tpu.region"() ({
        %run_scoped3A = tpu.sem_alloc : memref<!tpu.dma_semaphore, #tpu.memory_space<semaphore_mem>>
        %dma_start3A_121 = arith.constant 0 : i32
        %dma_start3A_122 = arith.constant 0 : i32
        %dma_start3A_123 = tpu.memref_slice %arg16[%dma_start3A_121, %dma_start3A_122] : memref<10112x128xf32, #tpu.memory_space<vmem_shared>> -> memref<10112x128xf32, #tpu.memory_space<vmem_shared>>
        tpu.enqueue_indirect_dma source(%arg11 : memref<40x128xf32, #tpu.memory_space<vmem>>) target(%dma_start3A_123 : memref<10112x128xf32, #tpu.memory_space<vmem_shared>>) offsets(%arg6 : memref<40xi32, #tpu.memory_space<vmem>>) semaphore(%run_scoped3A : memref<!tpu.dma_semaphore, #tpu.memory_space<semaphore_mem>>) {add = true}
        %dma_wait3A_124 = arith.constant 0 : i32
        %dma_wait3A_125 = arith.constant 0 : i32
        %dma_wait3A_126 = tpu.memref_slice %arg16[%dma_wait3A_124, %dma_wait3A_125] : memref<10112x128xf32, #tpu.memory_space<vmem_shared>> -> memref<10112x128xf32, #tpu.memory_space<vmem_shared>>
        tpu.wait_indirect_dma semaphore(%run_scoped3A : memref<!tpu.dma_semaphore, #tpu.memory_space<semaphore_mem>>) src(%arg11 : memref<40x128xf32, #tpu.memory_space<vmem>>) dst(%dma_wait3A_126 : memref<10112x128xf32, #tpu.memory_space<vmem_shared>>)
        tpu.yield
      }) : () -> ()
      %lt3A = arith.constant 24 : i32
      %lt3A_55 = arith.cmpi slt, %scan3A_44, %lt3A : i32
      %convert_element_type3A = arith.extui %lt3A_55 : i1 to i32
      %cond3A = arith.constant 0 : i32
      %cond3A_56 = arith.cmpi ne, %convert_element_type3A, %cond3A : i32
      scf.if %cond3A_56 {
        %add3A_121 = arith.constant 1 : i32
        %add3A_122 = arith.addi %scan3A_44, %add3A_121 : i32
        %mul3A_123 = arith.constant 5 : i32
        %mul3A_124 = arith.muli %add3A_122, %mul3A_123 : i32
        %add3A_125 = arith.constant 0 : i32
        %add3A_126 = arith.addi %mul3A_124, %add3A_125 : i32
        %mul3A_127 = arith.constant 40 : i32
        %mul3A_128 = arith.muli %add3A_126, %mul3A_127 : i32
        %add3A_129 = arith.addi %mul3A_4, %mul3A_128 : i32
        %dma_start3A_130 = arith.constant 0 : i32
        %dma_start3A_131 = tpu.memref_slice %arg2[%add3A_129, %dma_start3A_130] : memref<160000x128xf32, #tpu.memory_space<hbm>> -> memref<40x128xf32, #tpu.memory_space<hbm>>
        %dma_start3A_132 = arith.constant 0 : i32
        %dma_start3A_133 = tpu.memref_slice %arg2[%add3A_129, %dma_start3A_132] : memref<160000x128xf32, #tpu.memory_space<hbm>> -> memref<40x128xf32, #tpu.memory_space<hbm>>
        tpu.enqueue_dma source(%dma_start3A_133 : memref<40x128xf32, #tpu.memory_space<hbm>>) target(%arg11 : memref<40x128xf32, #tpu.memory_space<vmem>>) target_semaphore(%arg17 : memref<!tpu.dma_semaphore, #tpu.memory_space<semaphore_mem>>)
      } else {
      }
      %mul3A_57 = arith.constant 5 : i32
      %mul3A_58 = arith.muli %scan3A_44, %mul3A_57 : i32
      %add3A_59 = arith.constant 1 : i32
      %add3A_60 = arith.addi %mul3A_58, %add3A_59 : i32
      %mul3A_61 = arith.constant 40 : i32
      %mul3A_62 = arith.muli %add3A_60, %mul3A_61 : i32
      %add3A_63 = arith.addi %mul3A_4, %mul3A_62 : i32
      "tpu.region"() ({
        %run_scoped3A = tpu.sem_alloc : memref<!tpu.dma_semaphore, #tpu.memory_space<semaphore_mem>>
        %dma_start3A_121 = tpu.memref_slice %arg3[%add3A_63] : memref<160000xi32, #tpu.memory_space<hbm>> -> memref<40xi32, #tpu.memory_space<hbm>>
        %dma_start3A_122 = tpu.memref_slice %arg3[%add3A_63] : memref<160000xi32, #tpu.memory_space<hbm>> -> memref<40xi32, #tpu.memory_space<hbm>>
        tpu.enqueue_dma source(%dma_start3A_122 : memref<40xi32, #tpu.memory_space<hbm>>) target(%arg7 : memref<40xi32, #tpu.memory_space<vmem>>) target_semaphore(%run_scoped3A : memref<!tpu.dma_semaphore, #tpu.memory_space<semaphore_mem>>)
        %dma_wait3A_123 = tpu.memref_slice %arg3[%add3A_63] : memref<160000xi32, #tpu.memory_space<hbm>> -> memref<40xi32, #tpu.memory_space<hbm>>
        %dma_wait3A_124 = tpu.memref_slice %arg3[%add3A_63] : memref<160000xi32, #tpu.memory_space<hbm>> -> memref<40xi32, #tpu.memory_space<hbm>>
        tpu.wait_dma2 semaphore(%run_scoped3A : memref<!tpu.dma_semaphore, #tpu.memory_space<semaphore_mem>>) src(%dma_wait3A_124 : memref<40xi32, #tpu.memory_space<hbm>>) dst(%arg7 : memref<40xi32, #tpu.memory_space<vmem>>)
        tpu.yield
      }) : () -> ()
      %dma_wait3A_64 = arith.constant 0 : i32
      %dma_wait3A_65 = tpu.memref_slice %arg2[%add3A_63, %dma_wait3A_64] : memref<160000x128xf32, #tpu.memory_space<hbm>> -> memref<40x128xf32, #tpu.memory_space<hbm>>
      %dma_wait3A_66 = arith.constant 0 : i32
      %dma_wait3A_67 = tpu.memref_slice %arg2[%add3A_63, %dma_wait3A_66] : memref<160000x128xf32, #tpu.memory_space<hbm>> -> memref<40x128xf32, #tpu.memory_space<hbm>>
      tpu.wait_dma2 semaphore(%arg18 : memref<!tpu.dma_semaphore, #tpu.memory_space<semaphore_mem>>) src(%dma_wait3A_67 : memref<40x128xf32, #tpu.memory_space<hbm>>) dst(%arg12 : memref<40x128xf32, #tpu.memory_space<vmem>>)
      "tpu.region"() ({
        %run_scoped3A = tpu.sem_alloc : memref<!tpu.dma_semaphore, #tpu.memory_space<semaphore_mem>>
        %dma_start3A_121 = arith.constant 0 : i32
        %dma_start3A_122 = arith.constant 0 : i32
        %dma_start3A_123 = tpu.memref_slice %arg16[%dma_start3A_121, %dma_start3A_122] : memref<10112x128xf32, #tpu.memory_space<vmem_shared>> -> memref<10112x128xf32, #tpu.memory_space<vmem_shared>>
        tpu.enqueue_indirect_dma source(%arg12 : memref<40x128xf32, #tpu.memory_space<vmem>>) target(%dma_start3A_123 : memref<10112x128xf32, #tpu.memory_space<vmem_shared>>) offsets(%arg7 : memref<40xi32, #tpu.memory_space<vmem>>) semaphore(%run_scoped3A : memref<!tpu.dma_semaphore, #tpu.memory_space<semaphore_mem>>) {add = true}
        %dma_wait3A_124 = arith.constant 0 : i32
        %dma_wait3A_125 = arith.constant 0 : i32
        %dma_wait3A_126 = tpu.memref_slice %arg16[%dma_wait3A_124, %dma_wait3A_125] : memref<10112x128xf32, #tpu.memory_space<vmem_shared>> -> memref<10112x128xf32, #tpu.memory_space<vmem_shared>>
        tpu.wait_indirect_dma semaphore(%run_scoped3A : memref<!tpu.dma_semaphore, #tpu.memory_space<semaphore_mem>>) src(%arg12 : memref<40x128xf32, #tpu.memory_space<vmem>>) dst(%dma_wait3A_126 : memref<10112x128xf32, #tpu.memory_space<vmem_shared>>)
        tpu.yield
      }) : () -> ()
      %lt3A_68 = arith.constant 24 : i32
      %lt3A_69 = arith.cmpi slt, %scan3A_44, %lt3A_68 : i32
      %convert_element_type3A_70 = arith.extui %lt3A_69 : i1 to i32
      %cond3A_71 = arith.constant 0 : i32
      %cond3A_72 = arith.cmpi ne, %convert_element_type3A_70, %cond3A_71 : i32
      scf.if %cond3A_72 {
        %add3A_121 = arith.constant 1 : i32
        %add3A_122 = arith.addi %scan3A_44, %add3A_121 : i32
        %mul3A_123 = arith.constant 5 : i32
        %mul3A_124 = arith.muli %add3A_122, %mul3A_123 : i32
        %add3A_125 = arith.constant 1 : i32
        %add3A_126 = arith.addi %mul3A_124, %add3A_125 : i32
        %mul3A_127 = arith.constant 40 : i32
        %mul3A_128 = arith.muli %add3A_126, %mul3A_127 : i32
        %add3A_129 = arith.addi %mul3A_4, %mul3A_128 : i32
        %dma_start3A_130 = arith.constant 0 : i32
        %dma_start3A_131 = tpu.memref_slice %arg2[%add3A_129, %dma_start3A_130] : memref<160000x128xf32, #tpu.memory_space<hbm>> -> memref<40x128xf32, #tpu.memory_space<hbm>>
        %dma_start3A_132 = arith.constant 0 : i32
        %dma_start3A_133 = tpu.memref_slice %arg2[%add3A_129, %dma_start3A_132] : memref<160000x128xf32, #tpu.memory_space<hbm>> -> memref<40x128xf32, #tpu.memory_space<hbm>>
        tpu.enqueue_dma source(%dma_start3A_133 : memref<40x128xf32, #tpu.memory_space<hbm>>) target(%arg12 : memref<40x128xf32, #tpu.memory_space<vmem>>) target_semaphore(%arg18 : memref<!tpu.dma_semaphore, #tpu.memory_space<semaphore_mem>>)
      } else {
      }
      %mul3A_73 = arith.constant 5 : i32
      %mul3A_74 = arith.muli %scan3A_44, %mul3A_73 : i32
      %add3A_75 = arith.constant 2 : i32
      %add3A_76 = arith.addi %mul3A_74, %add3A_75 : i32
      %mul3A_77 = arith.constant 40 : i32
      %mul3A_78 = arith.muli %add3A_76, %mul3A_77 : i32
      %add3A_79 = arith.addi %mul3A_4, %mul3A_78 : i32
      "tpu.region"() ({
        %run_scoped3A = tpu.sem_alloc : memref<!tpu.dma_semaphore, #tpu.memory_space<semaphore_mem>>
        %dma_start3A_121 = tpu.memref_slice %arg3[%add3A_79] : memref<160000xi32, #tpu.memory_space<hbm>> -> memref<40xi32, #tpu.memory_space<hbm>>
        %dma_start3A_122 = tpu.memref_slice %arg3[%add3A_79] : memref<160000xi32, #tpu.memory_space<hbm>> -> memref<40xi32, #tpu.memory_space<hbm>>
        tpu.enqueue_dma source(%dma_start3A_122 : memref<40xi32, #tpu.memory_space<hbm>>) target(%arg8 : memref<40xi32, #tpu.memory_space<vmem>>) target_semaphore(%run_scoped3A : memref<!tpu.dma_semaphore, #tpu.memory_space<semaphore_mem>>)
        %dma_wait3A_123 = tpu.memref_slice %arg3[%add3A_79] : memref<160000xi32, #tpu.memory_space<hbm>> -> memref<40xi32, #tpu.memory_space<hbm>>
        %dma_wait3A_124 = tpu.memref_slice %arg3[%add3A_79] : memref<160000xi32, #tpu.memory_space<hbm>> -> memref<40xi32, #tpu.memory_space<hbm>>
        tpu.wait_dma2 semaphore(%run_scoped3A : memref<!tpu.dma_semaphore, #tpu.memory_space<semaphore_mem>>) src(%dma_wait3A_124 : memref<40xi32, #tpu.memory_space<hbm>>) dst(%arg8 : memref<40xi32, #tpu.memory_space<vmem>>)
        tpu.yield
      }) : () -> ()
      %dma_wait3A_80 = arith.constant 0 : i32
      %dma_wait3A_81 = tpu.memref_slice %arg2[%add3A_79, %dma_wait3A_80] : memref<160000x128xf32, #tpu.memory_space<hbm>> -> memref<40x128xf32, #tpu.memory_space<hbm>>
      %dma_wait3A_82 = arith.constant 0 : i32
      %dma_wait3A_83 = tpu.memref_slice %arg2[%add3A_79, %dma_wait3A_82] : memref<160000x128xf32, #tpu.memory_space<hbm>> -> memref<40x128xf32, #tpu.memory_space<hbm>>
      tpu.wait_dma2 semaphore(%arg19 : memref<!tpu.dma_semaphore, #tpu.memory_space<semaphore_mem>>) src(%dma_wait3A_83 : memref<40x128xf32, #tpu.memory_space<hbm>>) dst(%arg13 : memref<40x128xf32, #tpu.memory_space<vmem>>)
      "tpu.region"() ({
        %run_scoped3A = tpu.sem_alloc : memref<!tpu.dma_semaphore, #tpu.memory_space<semaphore_mem>>
        %dma_start3A_121 = arith.constant 0 : i32
        %dma_start3A_122 = arith.constant 0 : i32
        %dma_start3A_123 = tpu.memref_slice %arg16[%dma_start3A_121, %dma_start3A_122] : memref<10112x128xf32, #tpu.memory_space<vmem_shared>> -> memref<10112x128xf32, #tpu.memory_space<vmem_shared>>
        tpu.enqueue_indirect_dma source(%arg13 : memref<40x128xf32, #tpu.memory_space<vmem>>) target(%dma_start3A_123 : memref<10112x128xf32, #tpu.memory_space<vmem_shared>>) offsets(%arg8 : memref<40xi32, #tpu.memory_space<vmem>>) semaphore(%run_scoped3A : memref<!tpu.dma_semaphore, #tpu.memory_space<semaphore_mem>>) {add = true}
        %dma_wait3A_124 = arith.constant 0 : i32
        %dma_wait3A_125 = arith.constant 0 : i32
        %dma_wait3A_126 = tpu.memref_slice %arg16[%dma_wait3A_124, %dma_wait3A_125] : memref<10112x128xf32, #tpu.memory_space<vmem_shared>> -> memref<10112x128xf32, #tpu.memory_space<vmem_shared>>
        tpu.wait_indirect_dma semaphore(%run_scoped3A : memref<!tpu.dma_semaphore, #tpu.memory_space<semaphore_mem>>) src(%arg13 : memref<40x128xf32, #tpu.memory_space<vmem>>) dst(%dma_wait3A_126 : memref<10112x128xf32, #tpu.memory_space<vmem_shared>>)
        tpu.yield
      }) : () -> ()
      %lt3A_84 = arith.constant 24 : i32
      %lt3A_85 = arith.cmpi slt, %scan3A_44, %lt3A_84 : i32
      %convert_element_type3A_86 = arith.extui %lt3A_85 : i1 to i32
      %cond3A_87 = arith.constant 0 : i32
      %cond3A_88 = arith.cmpi ne, %convert_element_type3A_86, %cond3A_87 : i32
      scf.if %cond3A_88 {
        %add3A_121 = arith.constant 1 : i32
        %add3A_122 = arith.addi %scan3A_44, %add3A_121 : i32
        %mul3A_123 = arith.constant 5 : i32
        %mul3A_124 = arith.muli %add3A_122, %mul3A_123 : i32
        %add3A_125 = arith.constant 2 : i32
        %add3A_126 = arith.addi %mul3A_124, %add3A_125 : i32
        %mul3A_127 = arith.constant 40 : i32
        %mul3A_128 = arith.muli %add3A_126, %mul3A_127 : i32
        %add3A_129 = arith.addi %mul3A_4, %mul3A_128 : i32
        %dma_start3A_130 = arith.constant 0 : i32
        %dma_start3A_131 = tpu.memref_slice %arg2[%add3A_129, %dma_start3A_130] : memref<160000x128xf32, #tpu.memory_space<hbm>> -> memref<40x128xf32, #tpu.memory_space<hbm>>
        %dma_start3A_132 = arith.constant 0 : i32
        %dma_start3A_133 = tpu.memref_slice %arg2[%add3A_129, %dma_start3A_132] : memref<160000x128xf32, #tpu.memory_space<hbm>> -> memref<40x128xf32, #tpu.memory_space<hbm>>
        tpu.enqueue_dma source(%dma_start3A_133 : memref<40x128xf32, #tpu.memory_space<hbm>>) target(%arg13 : memref<40x128xf32, #tpu.memory_space<vmem>>) target_semaphore(%arg19 : memref<!tpu.dma_semaphore, #tpu.memory_space<semaphore_mem>>)
      } else {
      }
      %mul3A_89 = arith.constant 5 : i32
      %mul3A_90 = arith.muli %scan3A_44, %mul3A_89 : i32
      %add3A_91 = arith.constant 3 : i32
      %add3A_92 = arith.addi %mul3A_90, %add3A_91 : i32
      %mul3A_93 = arith.constant 40 : i32
      %mul3A_94 = arith.muli %add3A_92, %mul3A_93 : i32
      %add3A_95 = arith.addi %mul3A_4, %mul3A_94 : i32
      "tpu.region"() ({
        %run_scoped3A = tpu.sem_alloc : memref<!tpu.dma_semaphore, #tpu.memory_space<semaphore_mem>>
        %dma_start3A_121 = tpu.memref_slice %arg3[%add3A_95] : memref<160000xi32, #tpu.memory_space<hbm>> -> memref<40xi32, #tpu.memory_space<hbm>>
        %dma_start3A_122 = tpu.memref_slice %arg3[%add3A_95] : memref<160000xi32, #tpu.memory_space<hbm>> -> memref<40xi32, #tpu.memory_space<hbm>>
        tpu.enqueue_dma source(%dma_start3A_122 : memref<40xi32, #tpu.memory_space<hbm>>) target(%arg9 : memref<40xi32, #tpu.memory_space<vmem>>) target_semaphore(%run_scoped3A : memref<!tpu.dma_semaphore, #tpu.memory_space<semaphore_mem>>)
        %dma_wait3A_123 = tpu.memref_slice %arg3[%add3A_95] : memref<160000xi32, #tpu.memory_space<hbm>> -> memref<40xi32, #tpu.memory_space<hbm>>
        %dma_wait3A_124 = tpu.memref_slice %arg3[%add3A_95] : memref<160000xi32, #tpu.memory_space<hbm>> -> memref<40xi32, #tpu.memory_space<hbm>>
        tpu.wait_dma2 semaphore(%run_scoped3A : memref<!tpu.dma_semaphore, #tpu.memory_space<semaphore_mem>>) src(%dma_wait3A_124 : memref<40xi32, #tpu.memory_space<hbm>>) dst(%arg9 : memref<40xi32, #tpu.memory_space<vmem>>)
        tpu.yield
      }) : () -> ()
      %dma_wait3A_96 = arith.constant 0 : i32
      %dma_wait3A_97 = tpu.memref_slice %arg2[%add3A_95, %dma_wait3A_96] : memref<160000x128xf32, #tpu.memory_space<hbm>> -> memref<40x128xf32, #tpu.memory_space<hbm>>
      %dma_wait3A_98 = arith.constant 0 : i32
      %dma_wait3A_99 = tpu.memref_slice %arg2[%add3A_95, %dma_wait3A_98] : memref<160000x128xf32, #tpu.memory_space<hbm>> -> memref<40x128xf32, #tpu.memory_space<hbm>>
      tpu.wait_dma2 semaphore(%arg20 : memref<!tpu.dma_semaphore, #tpu.memory_space<semaphore_mem>>) src(%dma_wait3A_99 : memref<40x128xf32, #tpu.memory_space<hbm>>) dst(%arg14 : memref<40x128xf32, #tpu.memory_space<vmem>>)
      "tpu.region"() ({
        %run_scoped3A = tpu.sem_alloc : memref<!tpu.dma_semaphore, #tpu.memory_space<semaphore_mem>>
        %dma_start3A_121 = arith.constant 0 : i32
        %dma_start3A_122 = arith.constant 0 : i32
        %dma_start3A_123 = tpu.memref_slice %arg16[%dma_start3A_121, %dma_start3A_122] : memref<10112x128xf32, #tpu.memory_space<vmem_shared>> -> memref<10112x128xf32, #tpu.memory_space<vmem_shared>>
        tpu.enqueue_indirect_dma source(%arg14 : memref<40x128xf32, #tpu.memory_space<vmem>>) target(%dma_start3A_123 : memref<10112x128xf32, #tpu.memory_space<vmem_shared>>) offsets(%arg9 : memref<40xi32, #tpu.memory_space<vmem>>) semaphore(%run_scoped3A : memref<!tpu.dma_semaphore, #tpu.memory_space<semaphore_mem>>) {add = true}
        %dma_wait3A_124 = arith.constant 0 : i32
        %dma_wait3A_125 = arith.constant 0 : i32
        %dma_wait3A_126 = tpu.memref_slice %arg16[%dma_wait3A_124, %dma_wait3A_125] : memref<10112x128xf32, #tpu.memory_space<vmem_shared>> -> memref<10112x128xf32, #tpu.memory_space<vmem_shared>>
        tpu.wait_indirect_dma semaphore(%run_scoped3A : memref<!tpu.dma_semaphore, #tpu.memory_space<semaphore_mem>>) src(%arg14 : memref<40x128xf32, #tpu.memory_space<vmem>>) dst(%dma_wait3A_126 : memref<10112x128xf32, #tpu.memory_space<vmem_shared>>)
        tpu.yield
      }) : () -> ()
      %lt3A_100 = arith.constant 24 : i32
      %lt3A_101 = arith.cmpi slt, %scan3A_44, %lt3A_100 : i32
      %convert_element_type3A_102 = arith.extui %lt3A_101 : i1 to i32
      %cond3A_103 = arith.constant 0 : i32
      %cond3A_104 = arith.cmpi ne, %convert_element_type3A_102, %cond3A_103 : i32
      scf.if %cond3A_104 {
        %add3A_121 = arith.constant 1 : i32
        %add3A_122 = arith.addi %scan3A_44, %add3A_121 : i32
        %mul3A_123 = arith.constant 5 : i32
        %mul3A_124 = arith.muli %add3A_122, %mul3A_123 : i32
        %add3A_125 = arith.constant 3 : i32
        %add3A_126 = arith.addi %mul3A_124, %add3A_125 : i32
        %mul3A_127 = arith.constant 40 : i32
        %mul3A_128 = arith.muli %add3A_126, %mul3A_127 : i32
        %add3A_129 = arith.addi %mul3A_4, %mul3A_128 : i32
        %dma_start3A_130 = arith.constant 0 : i32
        %dma_start3A_131 = tpu.memref_slice %arg2[%add3A_129, %dma_start3A_130] : memref<160000x128xf32, #tpu.memory_space<hbm>> -> memref<40x128xf32, #tpu.memory_space<hbm>>
        %dma_start3A_132 = arith.constant 0 : i32
        %dma_start3A_133 = tpu.memref_slice %arg2[%add3A_129, %dma_start3A_132] : memref<160000x128xf32, #tpu.memory_space<hbm>> -> memref<40x128xf32, #tpu.memory_space<hbm>>
        tpu.enqueue_dma source(%dma_start3A_133 : memref<40x128xf32, #tpu.memory_space<hbm>>) target(%arg14 : memref<40x128xf32, #tpu.memory_space<vmem>>) target_semaphore(%arg20 : memref<!tpu.dma_semaphore, #tpu.memory_space<semaphore_mem>>)
      } else {
      }
      %mul3A_105 = arith.constant 5 : i32
      %mul3A_106 = arith.muli %scan3A_44, %mul3A_105 : i32
      %add3A_107 = arith.constant 4 : i32
      %add3A_108 = arith.addi %mul3A_106, %add3A_107 : i32
      %mul3A_109 = arith.constant 40 : i32
      %mul3A_110 = arith.muli %add3A_108, %mul3A_109 : i32
      %add3A_111 = arith.addi %mul3A_4, %mul3A_110 : i32
      "tpu.region"() ({
        %run_scoped3A = tpu.sem_alloc : memref<!tpu.dma_semaphore, #tpu.memory_space<semaphore_mem>>
        %dma_start3A_121 = tpu.memref_slice %arg3[%add3A_111] : memref<160000xi32, #tpu.memory_space<hbm>> -> memref<40xi32, #tpu.memory_space<hbm>>
        %dma_start3A_122 = tpu.memref_slice %arg3[%add3A_111] : memref<160000xi32, #tpu.memory_space<hbm>> -> memref<40xi32, #tpu.memory_space<hbm>>
        tpu.enqueue_dma source(%dma_start3A_122 : memref<40xi32, #tpu.memory_space<hbm>>) target(%arg10 : memref<40xi32, #tpu.memory_space<vmem>>) target_semaphore(%run_scoped3A : memref<!tpu.dma_semaphore, #tpu.memory_space<semaphore_mem>>)
        %dma_wait3A_123 = tpu.memref_slice %arg3[%add3A_111] : memref<160000xi32, #tpu.memory_space<hbm>> -> memref<40xi32, #tpu.memory_space<hbm>>
        %dma_wait3A_124 = tpu.memref_slice %arg3[%add3A_111] : memref<160000xi32, #tpu.memory_space<hbm>> -> memref<40xi32, #tpu.memory_space<hbm>>
        tpu.wait_dma2 semaphore(%run_scoped3A : memref<!tpu.dma_semaphore, #tpu.memory_space<semaphore_mem>>) src(%dma_wait3A_124 : memref<40xi32, #tpu.memory_space<hbm>>) dst(%arg10 : memref<40xi32, #tpu.memory_space<vmem>>)
        tpu.yield
      }) : () -> ()
      %dma_wait3A_112 = arith.constant 0 : i32
      %dma_wait3A_113 = tpu.memref_slice %arg2[%add3A_111, %dma_wait3A_112] : memref<160000x128xf32, #tpu.memory_space<hbm>> -> memref<40x128xf32, #tpu.memory_space<hbm>>
      %dma_wait3A_114 = arith.constant 0 : i32
      %dma_wait3A_115 = tpu.memref_slice %arg2[%add3A_111, %dma_wait3A_114] : memref<160000x128xf32, #tpu.memory_space<hbm>> -> memref<40x128xf32, #tpu.memory_space<hbm>>
      tpu.wait_dma2 semaphore(%arg21 : memref<!tpu.dma_semaphore, #tpu.memory_space<semaphore_mem>>) src(%dma_wait3A_115 : memref<40x128xf32, #tpu.memory_space<hbm>>) dst(%arg15 : memref<40x128xf32, #tpu.memory_space<vmem>>)
      "tpu.region"() ({
        %run_scoped3A = tpu.sem_alloc : memref<!tpu.dma_semaphore, #tpu.memory_space<semaphore_mem>>
        %dma_start3A_121 = arith.constant 0 : i32
        %dma_start3A_122 = arith.constant 0 : i32
        %dma_start3A_123 = tpu.memref_slice %arg16[%dma_start3A_121, %dma_start3A_122] : memref<10112x128xf32, #tpu.memory_space<vmem_shared>> -> memref<10112x128xf32, #tpu.memory_space<vmem_shared>>
        tpu.enqueue_indirect_dma source(%arg15 : memref<40x128xf32, #tpu.memory_space<vmem>>) target(%dma_start3A_123 : memref<10112x128xf32, #tpu.memory_space<vmem_shared>>) offsets(%arg10 : memref<40xi32, #tpu.memory_space<vmem>>) semaphore(%run_scoped3A : memref<!tpu.dma_semaphore, #tpu.memory_space<semaphore_mem>>) {add = true}
        %dma_wait3A_124 = arith.constant 0 : i32
        %dma_wait3A_125 = arith.constant 0 : i32
        %dma_wait3A_126 = tpu.memref_slice %arg16[%dma_wait3A_124, %dma_wait3A_125] : memref<10112x128xf32, #tpu.memory_space<vmem_shared>> -> memref<10112x128xf32, #tpu.memory_space<vmem_shared>>
        tpu.wait_indirect_dma semaphore(%run_scoped3A : memref<!tpu.dma_semaphore, #tpu.memory_space<semaphore_mem>>) src(%arg15 : memref<40x128xf32, #tpu.memory_space<vmem>>) dst(%dma_wait3A_126 : memref<10112x128xf32, #tpu.memory_space<vmem_shared>>)
        tpu.yield
      }) : () -> ()
      %lt3A_116 = arith.constant 24 : i32
      %lt3A_117 = arith.cmpi slt, %scan3A_44, %lt3A_116 : i32
      %convert_element_type3A_118 = arith.extui %lt3A_117 : i1 to i32
      %cond3A_119 = arith.constant 0 : i32
      %cond3A_120 = arith.cmpi ne, %convert_element_type3A_118, %cond3A_119 : i32
      scf.if %cond3A_120 {
        %add3A_121 = arith.constant 1 : i32
        %add3A_122 = arith.addi %scan3A_44, %add3A_121 : i32
        %mul3A_123 = arith.constant 5 : i32
        %mul3A_124 = arith.muli %add3A_122, %mul3A_123 : i32
        %add3A_125 = arith.constant 4 : i32
        %add3A_126 = arith.addi %mul3A_124, %add3A_125 : i32
        %mul3A_127 = arith.constant 40 : i32
        %mul3A_128 = arith.muli %add3A_126, %mul3A_127 : i32
        %add3A_129 = arith.addi %mul3A_4, %mul3A_128 : i32
        %dma_start3A_130 = arith.constant 0 : i32
        %dma_start3A_131 = tpu.memref_slice %arg2[%add3A_129, %dma_start3A_130] : memref<160000x128xf32, #tpu.memory_space<hbm>> -> memref<40x128xf32, #tpu.memory_space<hbm>>
        %dma_start3A_132 = arith.constant 0 : i32
        %dma_start3A_133 = tpu.memref_slice %arg2[%add3A_129, %dma_start3A_132] : memref<160000x128xf32, #tpu.memory_space<hbm>> -> memref<40x128xf32, #tpu.memory_space<hbm>>
        tpu.enqueue_dma source(%dma_start3A_133 : memref<40x128xf32, #tpu.memory_space<hbm>>) target(%arg15 : memref<40x128xf32, #tpu.memory_space<vmem>>) target_semaphore(%arg21 : memref<!tpu.dma_semaphore, #tpu.memory_space<semaphore_mem>>)
      } else {
      }
    }
    %scan3A_38 = arith.constant 25 : i32
    %barrier3A_39 = arith.constant 0 : index
    tpu.barrier barrier_id(%barrier3A_39)
    %mul3A_40 = arith.constant 632 : i32
    %mul3A_41 = arith.muli %arg1, %mul3A_40 : i32
    %mul3A_42 = arith.constant 632 : i32
    %mul3A_43 = arith.muli %arg1, %mul3A_42 : i32
    "tpu.region"() ({
      %run_scoped3A = tpu.sem_alloc : memref<!tpu.dma_semaphore, #tpu.memory_space<semaphore_mem>>
      %dma_start3A_44 = arith.constant 0 : i32
      %dma_start3A_45 = tpu.memref_slice %arg5[%arg0, %mul3A_43, %dma_start3A_44] : memref<2x10112x128xf32, #tpu.memory_space<hbm>> -> memref<1x632x128xf32, #tpu.memory_space<hbm>>
      %dma_start3A_46 = tpu.memref_squeeze %dma_start3A_45 : memref<1x632x128xf32, #tpu.memory_space<hbm>> -> memref<632x128xf32, #tpu.memory_space<hbm>>
      %dma_start3A_47 = arith.constant 0 : i32
      %dma_start3A_48 = tpu.memref_slice %arg16[%mul3A_41, %dma_start3A_47] : memref<10112x128xf32, #tpu.memory_space<vmem_shared>> -> memref<632x128xf32, #tpu.memory_space<vmem_shared>>
      tpu.enqueue_dma source(%dma_start3A_48 : memref<632x128xf32, #tpu.memory_space<vmem_shared>>) target(%dma_start3A_46 : memref<632x128xf32, #tpu.memory_space<hbm>>) target_semaphore(%run_scoped3A : memref<!tpu.dma_semaphore, #tpu.memory_space<semaphore_mem>>)
      %dma_wait3A = arith.constant 0 : i32
      %dma_wait3A_49 = tpu.memref_slice %arg5[%arg0, %mul3A_43, %dma_wait3A] : memref<2x10112x128xf32, #tpu.memory_space<hbm>> -> memref<1x632x128xf32, #tpu.memory_space<hbm>>
      %dma_wait3A_50 = tpu.memref_squeeze %dma_wait3A_49 : memref<1x632x128xf32, #tpu.memory_space<hbm>> -> memref<632x128xf32, #tpu.memory_space<hbm>>
      %dma_wait3A_51 = arith.constant 0 : i32
      %dma_wait3A_52 = tpu.memref_slice %arg16[%mul3A_41, %dma_wait3A_51] : memref<10112x128xf32, #tpu.memory_space<vmem_shared>> -> memref<632x128xf32, #tpu.memory_space<vmem_shared>>
      tpu.wait_dma2 semaphore(%run_scoped3A : memref<!tpu.dma_semaphore, #tpu.memory_space<semaphore_mem>>) src(%dma_wait3A_52 : memref<632x128xf32, #tpu.memory_space<vmem_shared>>) dst(%dma_wait3A_50 : memref<632x128xf32, #tpu.memory_space<hbm>>)
      tpu.yield
    }) : () -> ()
    return
  }
}

#map = affine_map<(d0, d1) -> (0, 0)>
#map1 = affine_map<(d0, d1) -> (0)>
module attributes {stable_mosaic.version = 14 : i64} {
  func.func @gk(%arg0: i32, %arg1: i32, %arg2: memref<10112x128xf32, #tpu.memory_space<hbm>>, %arg3: memref<10112x128xf32, #tpu.memory_space<hbm>>, %arg4: memref<160000xi32, #tpu.memory_space<hbm>>, %arg5: memref<160000xi32, #tpu.memory_space<hbm>>, %arg6: memref<160000x128xf32, #tpu.memory_space<hbm>>, %arg7: memref<40xi32, #tpu.memory_space<vmem>>, %arg8: memref<40xi32, #tpu.memory_space<vmem>>, %arg9: memref<40xi32, #tpu.memory_space<vmem>>, %arg10: memref<40xi32, #tpu.memory_space<vmem>>, %arg11: memref<40xi32, #tpu.memory_space<vmem>>, %arg12: memref<40xi32, #tpu.memory_space<vmem>>, %arg13: memref<40xi32, #tpu.memory_space<vmem>>, %arg14: memref<40xi32, #tpu.memory_space<vmem>>, %arg15: memref<40xi32, #tpu.memory_space<vmem>>, %arg16: memref<40xi32, #tpu.memory_space<vmem>>, %arg17: memref<40x128xf32, #tpu.memory_space<vmem>>, %arg18: memref<40x128xf32, #tpu.memory_space<vmem>>, %arg19: memref<40x128xf32, #tpu.memory_space<vmem>>, %arg20: memref<40x128xf32, #tpu.memory_space<vmem>>, %arg21: memref<40x128xf32, #tpu.memory_space<vmem>>, %arg22: memref<10112x128xf32, #tpu.memory_space<vmem_shared>>, %arg23: memref<!tpu.dma_semaphore, #tpu.memory_space<semaphore_mem>>, %arg24: memref<!tpu.dma_semaphore, #tpu.memory_space<semaphore_mem>>, %arg25: memref<!tpu.dma_semaphore, #tpu.memory_space<semaphore_mem>>, %arg26: memref<!tpu.dma_semaphore, #tpu.memory_space<semaphore_mem>>, %arg27: memref<!tpu.dma_semaphore, #tpu.memory_space<semaphore_mem>>, %arg28: memref<!tpu.dma_semaphore, #tpu.memory_space<semaphore_mem>>, %arg29: memref<!tpu.dma_semaphore, #tpu.memory_space<semaphore_mem>>, %arg30: memref<!tpu.dma_semaphore, #tpu.memory_space<semaphore_mem>>, %arg31: memref<!tpu.dma_semaphore, #tpu.memory_space<semaphore_mem>>, %arg32: memref<!tpu.dma_semaphore, #tpu.memory_space<semaphore_mem>>) attributes {dimension_semantics = [#tpu.dimension_semantics<core_parallel>, #tpu.dimension_semantics<subcore_parallel>], iteration_bounds = array<i64: 2, 16>, scalar_prefetch = 0 : i64, scratch_operands = 26 : i64, tpu.core_type = #tpu.core_type<sc_vector_subcore>, window_params = [{transform_indices = #map}, {transform_indices = #map}, {transform_indices = #map1}, {transform_indices = #map1}, {transform_indices = #map}]} {
    %mul3A = arith.constant 2 : i32
    %mul3A_0 = arith.muli %arg1, %mul3A : i32
    %add3A = arith.addi %mul3A_0, %arg0 : i32
    %mul3A_1 = arith.constant 5000 : i32
    %mul3A_2 = arith.muli %add3A, %mul3A_1 : i32
    %mul3A_3 = arith.constant 632 : i32
    %mul3A_4 = arith.muli %arg1, %mul3A_3 : i32
    %mul3A_5 = arith.constant 632 : i32
    %mul3A_6 = arith.muli %arg1, %mul3A_5 : i32
    "tpu.region"() ({
      %run_scoped3A = tpu.sem_alloc : memref<!tpu.dma_semaphore, #tpu.memory_space<semaphore_mem>>
      %dma_start3A = arith.constant 0 : i32
      %dma_start3A_41 = tpu.memref_slice %arg22[%mul3A_6, %dma_start3A] : memref<10112x128xf32, #tpu.memory_space<vmem_shared>> -> memref<632x128xf32, #tpu.memory_space<vmem_shared>>
      %dma_start3A_42 = arith.constant 0 : i32
      %dma_start3A_43 = tpu.memref_slice %arg2[%mul3A_4, %dma_start3A_42] : memref<10112x128xf32, #tpu.memory_space<hbm>> -> memref<632x128xf32, #tpu.memory_space<hbm>>
      tpu.enqueue_dma source(%dma_start3A_43 : memref<632x128xf32, #tpu.memory_space<hbm>>) target(%dma_start3A_41 : memref<632x128xf32, #tpu.memory_space<vmem_shared>>) target_semaphore(%run_scoped3A : memref<!tpu.dma_semaphore, #tpu.memory_space<semaphore_mem>>)
      %dma_wait3A_44 = arith.constant 0 : i32
      %dma_wait3A_45 = tpu.memref_slice %arg22[%mul3A_6, %dma_wait3A_44] : memref<10112x128xf32, #tpu.memory_space<vmem_shared>> -> memref<632x128xf32, #tpu.memory_space<vmem_shared>>
      %dma_wait3A_46 = arith.constant 0 : i32
      %dma_wait3A_47 = tpu.memref_slice %arg2[%mul3A_4, %dma_wait3A_46] : memref<10112x128xf32, #tpu.memory_space<hbm>> -> memref<632x128xf32, #tpu.memory_space<hbm>>
      tpu.wait_dma2 semaphore(%run_scoped3A : memref<!tpu.dma_semaphore, #tpu.memory_space<semaphore_mem>>) src(%dma_wait3A_47 : memref<632x128xf32, #tpu.memory_space<hbm>>) dst(%dma_wait3A_45 : memref<632x128xf32, #tpu.memory_space<vmem_shared>>)
      tpu.yield
    }) : () -> ()
    %barrier3A = arith.constant 0 : index
    tpu.barrier barrier_id(%barrier3A)
    %scan3A = arith.constant 0 : i32
    %scan3A_7 = arith.constant 0 : i32
    %scan3A_8 = arith.constant 25 : i32
    %scan3A_9 = arith.addi %scan3A_7, %scan3A_8 : i32
    %scan3A_10 = arith.constant 1 : i32
    scf.for %scan3A_41 = %scan3A_7 to %scan3A_9 step %scan3A_10  : i32 {
      %gt3A = arith.constant 0 : i32
      %gt3A_42 = arith.cmpi sgt, %scan3A_41, %gt3A : i32
      %convert_element_type3A = arith.extui %gt3A_42 : i1 to i32
      %cond3A = arith.constant 0 : i32
      %cond3A_43 = arith.cmpi ne, %convert_element_type3A, %cond3A : i32
      scf.if %cond3A_43 {
        %sub3A = arith.constant 1 : i32
        %sub3A_183 = arith.subi %scan3A_41, %sub3A : i32
        %mul3A_184 = arith.constant 5 : i32
        %mul3A_185 = arith.muli %sub3A_183, %mul3A_184 : i32
        %add3A_186 = arith.constant 0 : i32
        %add3A_187 = arith.addi %mul3A_185, %add3A_186 : i32
        %mul3A_188 = arith.constant 40 : i32
        %mul3A_189 = arith.muli %add3A_187, %mul3A_188 : i32
        %add3A_190 = arith.addi %mul3A_2, %mul3A_189 : i32
        %dma_wait3A_191 = arith.constant 0 : i32
        %dma_wait3A_192 = tpu.memref_slice %arg6[%add3A_190, %dma_wait3A_191] : memref<160000x128xf32, #tpu.memory_space<hbm>> -> memref<40x128xf32, #tpu.memory_space<hbm>>
        %dma_wait3A_193 = arith.constant 0 : i32
        %dma_wait3A_194 = tpu.memref_slice %arg6[%add3A_190, %dma_wait3A_193] : memref<160000x128xf32, #tpu.memory_space<hbm>> -> memref<40x128xf32, #tpu.memory_space<hbm>>
        tpu.wait_dma2 semaphore(%arg28 : memref<!tpu.dma_semaphore, #tpu.memory_space<semaphore_mem>>) src(%arg17 : memref<40x128xf32, #tpu.memory_space<vmem>>) dst(%dma_wait3A_194 : memref<40x128xf32, #tpu.memory_space<hbm>>)
      } else {
      }
      %mul3A_44 = arith.constant 5 : i32
      %mul3A_45 = arith.muli %scan3A_41, %mul3A_44 : i32
      %add3A_46 = arith.constant 0 : i32
      %add3A_47 = arith.addi %mul3A_45, %add3A_46 : i32
      %mul3A_48 = arith.constant 40 : i32
      %mul3A_49 = arith.muli %add3A_47, %mul3A_48 : i32
      %add3A_50 = arith.addi %mul3A_2, %mul3A_49 : i32
      "tpu.region"() ({
        %run_scoped3A = tpu.sem_alloc : memref<!tpu.dma_semaphore, #tpu.memory_space<semaphore_mem>>
        %dma_start3A_183 = tpu.memref_slice %arg4[%add3A_50] : memref<160000xi32, #tpu.memory_space<hbm>> -> memref<40xi32, #tpu.memory_space<hbm>>
        %dma_start3A_184 = tpu.memref_slice %arg4[%add3A_50] : memref<160000xi32, #tpu.memory_space<hbm>> -> memref<40xi32, #tpu.memory_space<hbm>>
        tpu.enqueue_dma source(%dma_start3A_184 : memref<40xi32, #tpu.memory_space<hbm>>) target(%arg7 : memref<40xi32, #tpu.memory_space<vmem>>) target_semaphore(%run_scoped3A : memref<!tpu.dma_semaphore, #tpu.memory_space<semaphore_mem>>)
        %dma_wait3A_185 = tpu.memref_slice %arg4[%add3A_50] : memref<160000xi32, #tpu.memory_space<hbm>> -> memref<40xi32, #tpu.memory_space<hbm>>
        %dma_wait3A_186 = tpu.memref_slice %arg4[%add3A_50] : memref<160000xi32, #tpu.memory_space<hbm>> -> memref<40xi32, #tpu.memory_space<hbm>>
        tpu.wait_dma2 semaphore(%run_scoped3A : memref<!tpu.dma_semaphore, #tpu.memory_space<semaphore_mem>>) src(%dma_wait3A_186 : memref<40xi32, #tpu.memory_space<hbm>>) dst(%arg7 : memref<40xi32, #tpu.memory_space<vmem>>)
        tpu.yield
      }) : () -> ()
      "tpu.region"() ({
        %run_scoped3A = tpu.sem_alloc : memref<!tpu.dma_semaphore, #tpu.memory_space<semaphore_mem>>
        %dma_start3A_183 = tpu.memref_slice %arg5[%add3A_50] : memref<160000xi32, #tpu.memory_space<hbm>> -> memref<40xi32, #tpu.memory_space<hbm>>
        %dma_start3A_184 = tpu.memref_slice %arg5[%add3A_50] : memref<160000xi32, #tpu.memory_space<hbm>> -> memref<40xi32, #tpu.memory_space<hbm>>
        tpu.enqueue_dma source(%dma_start3A_184 : memref<40xi32, #tpu.memory_space<hbm>>) target(%arg12 : memref<40xi32, #tpu.memory_space<vmem>>) target_semaphore(%run_scoped3A : memref<!tpu.dma_semaphore, #tpu.memory_space<semaphore_mem>>)
        %dma_wait3A_185 = tpu.memref_slice %arg5[%add3A_50] : memref<160000xi32, #tpu.memory_space<hbm>> -> memref<40xi32, #tpu.memory_space<hbm>>
        %dma_wait3A_186 = tpu.memref_slice %arg5[%add3A_50] : memref<160000xi32, #tpu.memory_space<hbm>> -> memref<40xi32, #tpu.memory_space<hbm>>
        tpu.wait_dma2 semaphore(%run_scoped3A : memref<!tpu.dma_semaphore, #tpu.memory_space<semaphore_mem>>) src(%dma_wait3A_186 : memref<40xi32, #tpu.memory_space<hbm>>) dst(%arg12 : memref<40xi32, #tpu.memory_space<vmem>>)
        tpu.yield
      }) : () -> ()
      %dma_start3A = arith.constant 0 : i32
      %dma_start3A_51 = arith.constant 0 : i32
      %dma_start3A_52 = tpu.memref_slice %arg22[%dma_start3A, %dma_start3A_51] : memref<10112x128xf32, #tpu.memory_space<vmem_shared>> -> memref<10112x128xf32, #tpu.memory_space<vmem_shared>>
      tpu.enqueue_indirect_dma source(%dma_start3A_52 : memref<10112x128xf32, #tpu.memory_space<vmem_shared>>) target(%arg17 : memref<40x128xf32, #tpu.memory_space<vmem>>) offsets(%arg7 : memref<40xi32, #tpu.memory_space<vmem>>) semaphore(%arg23 : memref<!tpu.dma_semaphore, #tpu.memory_space<semaphore_mem>>)
      %gt3A_53 = arith.constant 0 : i32
      %gt3A_54 = arith.cmpi sgt, %scan3A_41, %gt3A_53 : i32
      %convert_element_type3A_55 = arith.extui %gt3A_54 : i1 to i32
      %cond3A_56 = arith.constant 0 : i32
      %cond3A_57 = arith.cmpi ne, %convert_element_type3A_55, %cond3A_56 : i32
      scf.if %cond3A_57 {
        %sub3A = arith.constant 1 : i32
        %sub3A_183 = arith.subi %scan3A_41, %sub3A : i32
        %mul3A_184 = arith.constant 5 : i32
        %mul3A_185 = arith.muli %sub3A_183, %mul3A_184 : i32
        %add3A_186 = arith.constant 1 : i32
        %add3A_187 = arith.addi %mul3A_185, %add3A_186 : i32
        %mul3A_188 = arith.constant 40 : i32
        %mul3A_189 = arith.muli %add3A_187, %mul3A_188 : i32
        %add3A_190 = arith.addi %mul3A_2, %mul3A_189 : i32
        %dma_wait3A_191 = arith.constant 0 : i32
        %dma_wait3A_192 = tpu.memref_slice %arg6[%add3A_190, %dma_wait3A_191] : memref<160000x128xf32, #tpu.memory_space<hbm>> -> memref<40x128xf32, #tpu.memory_space<hbm>>
        %dma_wait3A_193 = arith.constant 0 : i32
        %dma_wait3A_194 = tpu.memref_slice %arg6[%add3A_190, %dma_wait3A_193] : memref<160000x128xf32, #tpu.memory_space<hbm>> -> memref<40x128xf32, #tpu.memory_space<hbm>>
        tpu.wait_dma2 semaphore(%arg29 : memref<!tpu.dma_semaphore, #tpu.memory_space<semaphore_mem>>) src(%arg18 : memref<40x128xf32, #tpu.memory_space<vmem>>) dst(%dma_wait3A_194 : memref<40x128xf32, #tpu.memory_space<hbm>>)
      } else {
      }
      %mul3A_58 = arith.constant 5 : i32
      %mul3A_59 = arith.muli %scan3A_41, %mul3A_58 : i32
      %add3A_60 = arith.constant 1 : i32
      %add3A_61 = arith.addi %mul3A_59, %add3A_60 : i32
      %mul3A_62 = arith.constant 40 : i32
      %mul3A_63 = arith.muli %add3A_61, %mul3A_62 : i32
      %add3A_64 = arith.addi %mul3A_2, %mul3A_63 : i32
      "tpu.region"() ({
        %run_scoped3A = tpu.sem_alloc : memref<!tpu.dma_semaphore, #tpu.memory_space<semaphore_mem>>
        %dma_start3A_183 = tpu.memref_slice %arg4[%add3A_64] : memref<160000xi32, #tpu.memory_space<hbm>> -> memref<40xi32, #tpu.memory_space<hbm>>
        %dma_start3A_184 = tpu.memref_slice %arg4[%add3A_64] : memref<160000xi32, #tpu.memory_space<hbm>> -> memref<40xi32, #tpu.memory_space<hbm>>
        tpu.enqueue_dma source(%dma_start3A_184 : memref<40xi32, #tpu.memory_space<hbm>>) target(%arg8 : memref<40xi32, #tpu.memory_space<vmem>>) target_semaphore(%run_scoped3A : memref<!tpu.dma_semaphore, #tpu.memory_space<semaphore_mem>>)
        %dma_wait3A_185 = tpu.memref_slice %arg4[%add3A_64] : memref<160000xi32, #tpu.memory_space<hbm>> -> memref<40xi32, #tpu.memory_space<hbm>>
        %dma_wait3A_186 = tpu.memref_slice %arg4[%add3A_64] : memref<160000xi32, #tpu.memory_space<hbm>> -> memref<40xi32, #tpu.memory_space<hbm>>
        tpu.wait_dma2 semaphore(%run_scoped3A : memref<!tpu.dma_semaphore, #tpu.memory_space<semaphore_mem>>) src(%dma_wait3A_186 : memref<40xi32, #tpu.memory_space<hbm>>) dst(%arg8 : memref<40xi32, #tpu.memory_space<vmem>>)
        tpu.yield
      }) : () -> ()
      "tpu.region"() ({
        %run_scoped3A = tpu.sem_alloc : memref<!tpu.dma_semaphore, #tpu.memory_space<semaphore_mem>>
        %dma_start3A_183 = tpu.memref_slice %arg5[%add3A_64] : memref<160000xi32, #tpu.memory_space<hbm>> -> memref<40xi32, #tpu.memory_space<hbm>>
        %dma_start3A_184 = tpu.memref_slice %arg5[%add3A_64] : memref<160000xi32, #tpu.memory_space<hbm>> -> memref<40xi32, #tpu.memory_space<hbm>>
        tpu.enqueue_dma source(%dma_start3A_184 : memref<40xi32, #tpu.memory_space<hbm>>) target(%arg13 : memref<40xi32, #tpu.memory_space<vmem>>) target_semaphore(%run_scoped3A : memref<!tpu.dma_semaphore, #tpu.memory_space<semaphore_mem>>)
        %dma_wait3A_185 = tpu.memref_slice %arg5[%add3A_64] : memref<160000xi32, #tpu.memory_space<hbm>> -> memref<40xi32, #tpu.memory_space<hbm>>
        %dma_wait3A_186 = tpu.memref_slice %arg5[%add3A_64] : memref<160000xi32, #tpu.memory_space<hbm>> -> memref<40xi32, #tpu.memory_space<hbm>>
        tpu.wait_dma2 semaphore(%run_scoped3A : memref<!tpu.dma_semaphore, #tpu.memory_space<semaphore_mem>>) src(%dma_wait3A_186 : memref<40xi32, #tpu.memory_space<hbm>>) dst(%arg13 : memref<40xi32, #tpu.memory_space<vmem>>)
        tpu.yield
      }) : () -> ()
      %dma_start3A_65 = arith.constant 0 : i32
      %dma_start3A_66 = arith.constant 0 : i32
      %dma_start3A_67 = tpu.memref_slice %arg22[%dma_start3A_65, %dma_start3A_66] : memref<10112x128xf32, #tpu.memory_space<vmem_shared>> -> memref<10112x128xf32, #tpu.memory_space<vmem_shared>>
      tpu.enqueue_indirect_dma source(%dma_start3A_67 : memref<10112x128xf32, #tpu.memory_space<vmem_shared>>) target(%arg18 : memref<40x128xf32, #tpu.memory_space<vmem>>) offsets(%arg8 : memref<40xi32, #tpu.memory_space<vmem>>) semaphore(%arg24 : memref<!tpu.dma_semaphore, #tpu.memory_space<semaphore_mem>>)
      %gt3A_68 = arith.constant 0 : i32
      %gt3A_69 = arith.cmpi sgt, %scan3A_41, %gt3A_68 : i32
      %convert_element_type3A_70 = arith.extui %gt3A_69 : i1 to i32
      %cond3A_71 = arith.constant 0 : i32
      %cond3A_72 = arith.cmpi ne, %convert_element_type3A_70, %cond3A_71 : i32
      scf.if %cond3A_72 {
        %sub3A = arith.constant 1 : i32
        %sub3A_183 = arith.subi %scan3A_41, %sub3A : i32
        %mul3A_184 = arith.constant 5 : i32
        %mul3A_185 = arith.muli %sub3A_183, %mul3A_184 : i32
        %add3A_186 = arith.constant 2 : i32
        %add3A_187 = arith.addi %mul3A_185, %add3A_186 : i32
        %mul3A_188 = arith.constant 40 : i32
        %mul3A_189 = arith.muli %add3A_187, %mul3A_188 : i32
        %add3A_190 = arith.addi %mul3A_2, %mul3A_189 : i32
        %dma_wait3A_191 = arith.constant 0 : i32
        %dma_wait3A_192 = tpu.memref_slice %arg6[%add3A_190, %dma_wait3A_191] : memref<160000x128xf32, #tpu.memory_space<hbm>> -> memref<40x128xf32, #tpu.memory_space<hbm>>
        %dma_wait3A_193 = arith.constant 0 : i32
        %dma_wait3A_194 = tpu.memref_slice %arg6[%add3A_190, %dma_wait3A_193] : memref<160000x128xf32, #tpu.memory_space<hbm>> -> memref<40x128xf32, #tpu.memory_space<hbm>>
        tpu.wait_dma2 semaphore(%arg30 : memref<!tpu.dma_semaphore, #tpu.memory_space<semaphore_mem>>) src(%arg19 : memref<40x128xf32, #tpu.memory_space<vmem>>) dst(%dma_wait3A_194 : memref<40x128xf32, #tpu.memory_space<hbm>>)
      } else {
      }
      %mul3A_73 = arith.constant 5 : i32
      %mul3A_74 = arith.muli %scan3A_41, %mul3A_73 : i32
      %add3A_75 = arith.constant 2 : i32
      %add3A_76 = arith.addi %mul3A_74, %add3A_75 : i32
      %mul3A_77 = arith.constant 40 : i32
      %mul3A_78 = arith.muli %add3A_76, %mul3A_77 : i32
      %add3A_79 = arith.addi %mul3A_2, %mul3A_78 : i32
      "tpu.region"() ({
        %run_scoped3A = tpu.sem_alloc : memref<!tpu.dma_semaphore, #tpu.memory_space<semaphore_mem>>
        %dma_start3A_183 = tpu.memref_slice %arg4[%add3A_79] : memref<160000xi32, #tpu.memory_space<hbm>> -> memref<40xi32, #tpu.memory_space<hbm>>
        %dma_start3A_184 = tpu.memref_slice %arg4[%add3A_79] : memref<160000xi32, #tpu.memory_space<hbm>> -> memref<40xi32, #tpu.memory_space<hbm>>
        tpu.enqueue_dma source(%dma_start3A_184 : memref<40xi32, #tpu.memory_space<hbm>>) target(%arg9 : memref<40xi32, #tpu.memory_space<vmem>>) target_semaphore(%run_scoped3A : memref<!tpu.dma_semaphore, #tpu.memory_space<semaphore_mem>>)
        %dma_wait3A_185 = tpu.memref_slice %arg4[%add3A_79] : memref<160000xi32, #tpu.memory_space<hbm>> -> memref<40xi32, #tpu.memory_space<hbm>>
        %dma_wait3A_186 = tpu.memref_slice %arg4[%add3A_79] : memref<160000xi32, #tpu.memory_space<hbm>> -> memref<40xi32, #tpu.memory_space<hbm>>
        tpu.wait_dma2 semaphore(%run_scoped3A : memref<!tpu.dma_semaphore, #tpu.memory_space<semaphore_mem>>) src(%dma_wait3A_186 : memref<40xi32, #tpu.memory_space<hbm>>) dst(%arg9 : memref<40xi32, #tpu.memory_space<vmem>>)
        tpu.yield
      }) : () -> ()
      "tpu.region"() ({
        %run_scoped3A = tpu.sem_alloc : memref<!tpu.dma_semaphore, #tpu.memory_space<semaphore_mem>>
        %dma_start3A_183 = tpu.memref_slice %arg5[%add3A_79] : memref<160000xi32, #tpu.memory_space<hbm>> -> memref<40xi32, #tpu.memory_space<hbm>>
        %dma_start3A_184 = tpu.memref_slice %arg5[%add3A_79] : memref<160000xi32, #tpu.memory_space<hbm>> -> memref<40xi32, #tpu.memory_space<hbm>>
        tpu.enqueue_dma source(%dma_start3A_184 : memref<40xi32, #tpu.memory_space<hbm>>) target(%arg14 : memref<40xi32, #tpu.memory_space<vmem>>) target_semaphore(%run_scoped3A : memref<!tpu.dma_semaphore, #tpu.memory_space<semaphore_mem>>)
        %dma_wait3A_185 = tpu.memref_slice %arg5[%add3A_79] : memref<160000xi32, #tpu.memory_space<hbm>> -> memref<40xi32, #tpu.memory_space<hbm>>
        %dma_wait3A_186 = tpu.memref_slice %arg5[%add3A_79] : memref<160000xi32, #tpu.memory_space<hbm>> -> memref<40xi32, #tpu.memory_space<hbm>>
        tpu.wait_dma2 semaphore(%run_scoped3A : memref<!tpu.dma_semaphore, #tpu.memory_space<semaphore_mem>>) src(%dma_wait3A_186 : memref<40xi32, #tpu.memory_space<hbm>>) dst(%arg14 : memref<40xi32, #tpu.memory_space<vmem>>)
        tpu.yield
      }) : () -> ()
      %dma_start3A_80 = arith.constant 0 : i32
      %dma_start3A_81 = arith.constant 0 : i32
      %dma_start3A_82 = tpu.memref_slice %arg22[%dma_start3A_80, %dma_start3A_81] : memref<10112x128xf32, #tpu.memory_space<vmem_shared>> -> memref<10112x128xf32, #tpu.memory_space<vmem_shared>>
      tpu.enqueue_indirect_dma source(%dma_start3A_82 : memref<10112x128xf32, #tpu.memory_space<vmem_shared>>) target(%arg19 : memref<40x128xf32, #tpu.memory_space<vmem>>) offsets(%arg9 : memref<40xi32, #tpu.memory_space<vmem>>) semaphore(%arg25 : memref<!tpu.dma_semaphore, #tpu.memory_space<semaphore_mem>>)
      %gt3A_83 = arith.constant 0 : i32
      %gt3A_84 = arith.cmpi sgt, %scan3A_41, %gt3A_83 : i32
      %convert_element_type3A_85 = arith.extui %gt3A_84 : i1 to i32
      %cond3A_86 = arith.constant 0 : i32
      %cond3A_87 = arith.cmpi ne, %convert_element_type3A_85, %cond3A_86 : i32
      scf.if %cond3A_87 {
        %sub3A = arith.constant 1 : i32
        %sub3A_183 = arith.subi %scan3A_41, %sub3A : i32
        %mul3A_184 = arith.constant 5 : i32
        %mul3A_185 = arith.muli %sub3A_183, %mul3A_184 : i32
        %add3A_186 = arith.constant 3 : i32
        %add3A_187 = arith.addi %mul3A_185, %add3A_186 : i32
        %mul3A_188 = arith.constant 40 : i32
        %mul3A_189 = arith.muli %add3A_187, %mul3A_188 : i32
        %add3A_190 = arith.addi %mul3A_2, %mul3A_189 : i32
        %dma_wait3A_191 = arith.constant 0 : i32
        %dma_wait3A_192 = tpu.memref_slice %arg6[%add3A_190, %dma_wait3A_191] : memref<160000x128xf32, #tpu.memory_space<hbm>> -> memref<40x128xf32, #tpu.memory_space<hbm>>
        %dma_wait3A_193 = arith.constant 0 : i32
        %dma_wait3A_194 = tpu.memref_slice %arg6[%add3A_190, %dma_wait3A_193] : memref<160000x128xf32, #tpu.memory_space<hbm>> -> memref<40x128xf32, #tpu.memory_space<hbm>>
        tpu.wait_dma2 semaphore(%arg31 : memref<!tpu.dma_semaphore, #tpu.memory_space<semaphore_mem>>) src(%arg20 : memref<40x128xf32, #tpu.memory_space<vmem>>) dst(%dma_wait3A_194 : memref<40x128xf32, #tpu.memory_space<hbm>>)
      } else {
      }
      %mul3A_88 = arith.constant 5 : i32
      %mul3A_89 = arith.muli %scan3A_41, %mul3A_88 : i32
      %add3A_90 = arith.constant 3 : i32
      %add3A_91 = arith.addi %mul3A_89, %add3A_90 : i32
      %mul3A_92 = arith.constant 40 : i32
      %mul3A_93 = arith.muli %add3A_91, %mul3A_92 : i32
      %add3A_94 = arith.addi %mul3A_2, %mul3A_93 : i32
      "tpu.region"() ({
        %run_scoped3A = tpu.sem_alloc : memref<!tpu.dma_semaphore, #tpu.memory_space<semaphore_mem>>
        %dma_start3A_183 = tpu.memref_slice %arg4[%add3A_94] : memref<160000xi32, #tpu.memory_space<hbm>> -> memref<40xi32, #tpu.memory_space<hbm>>
        %dma_start3A_184 = tpu.memref_slice %arg4[%add3A_94] : memref<160000xi32, #tpu.memory_space<hbm>> -> memref<40xi32, #tpu.memory_space<hbm>>
        tpu.enqueue_dma source(%dma_start3A_184 : memref<40xi32, #tpu.memory_space<hbm>>) target(%arg10 : memref<40xi32, #tpu.memory_space<vmem>>) target_semaphore(%run_scoped3A : memref<!tpu.dma_semaphore, #tpu.memory_space<semaphore_mem>>)
        %dma_wait3A_185 = tpu.memref_slice %arg4[%add3A_94] : memref<160000xi32, #tpu.memory_space<hbm>> -> memref<40xi32, #tpu.memory_space<hbm>>
        %dma_wait3A_186 = tpu.memref_slice %arg4[%add3A_94] : memref<160000xi32, #tpu.memory_space<hbm>> -> memref<40xi32, #tpu.memory_space<hbm>>
        tpu.wait_dma2 semaphore(%run_scoped3A : memref<!tpu.dma_semaphore, #tpu.memory_space<semaphore_mem>>) src(%dma_wait3A_186 : memref<40xi32, #tpu.memory_space<hbm>>) dst(%arg10 : memref<40xi32, #tpu.memory_space<vmem>>)
        tpu.yield
      }) : () -> ()
      "tpu.region"() ({
        %run_scoped3A = tpu.sem_alloc : memref<!tpu.dma_semaphore, #tpu.memory_space<semaphore_mem>>
        %dma_start3A_183 = tpu.memref_slice %arg5[%add3A_94] : memref<160000xi32, #tpu.memory_space<hbm>> -> memref<40xi32, #tpu.memory_space<hbm>>
        %dma_start3A_184 = tpu.memref_slice %arg5[%add3A_94] : memref<160000xi32, #tpu.memory_space<hbm>> -> memref<40xi32, #tpu.memory_space<hbm>>
        tpu.enqueue_dma source(%dma_start3A_184 : memref<40xi32, #tpu.memory_space<hbm>>) target(%arg15 : memref<40xi32, #tpu.memory_space<vmem>>) target_semaphore(%run_scoped3A : memref<!tpu.dma_semaphore, #tpu.memory_space<semaphore_mem>>)
        %dma_wait3A_185 = tpu.memref_slice %arg5[%add3A_94] : memref<160000xi32, #tpu.memory_space<hbm>> -> memref<40xi32, #tpu.memory_space<hbm>>
        %dma_wait3A_186 = tpu.memref_slice %arg5[%add3A_94] : memref<160000xi32, #tpu.memory_space<hbm>> -> memref<40xi32, #tpu.memory_space<hbm>>
        tpu.wait_dma2 semaphore(%run_scoped3A : memref<!tpu.dma_semaphore, #tpu.memory_space<semaphore_mem>>) src(%dma_wait3A_186 : memref<40xi32, #tpu.memory_space<hbm>>) dst(%arg15 : memref<40xi32, #tpu.memory_space<vmem>>)
        tpu.yield
      }) : () -> ()
      %dma_start3A_95 = arith.constant 0 : i32
      %dma_start3A_96 = arith.constant 0 : i32
      %dma_start3A_97 = tpu.memref_slice %arg22[%dma_start3A_95, %dma_start3A_96] : memref<10112x128xf32, #tpu.memory_space<vmem_shared>> -> memref<10112x128xf32, #tpu.memory_space<vmem_shared>>
      tpu.enqueue_indirect_dma source(%dma_start3A_97 : memref<10112x128xf32, #tpu.memory_space<vmem_shared>>) target(%arg20 : memref<40x128xf32, #tpu.memory_space<vmem>>) offsets(%arg10 : memref<40xi32, #tpu.memory_space<vmem>>) semaphore(%arg26 : memref<!tpu.dma_semaphore, #tpu.memory_space<semaphore_mem>>)
      %gt3A_98 = arith.constant 0 : i32
      %gt3A_99 = arith.cmpi sgt, %scan3A_41, %gt3A_98 : i32
      %convert_element_type3A_100 = arith.extui %gt3A_99 : i1 to i32
      %cond3A_101 = arith.constant 0 : i32
      %cond3A_102 = arith.cmpi ne, %convert_element_type3A_100, %cond3A_101 : i32
      scf.if %cond3A_102 {
        %sub3A = arith.constant 1 : i32
        %sub3A_183 = arith.subi %scan3A_41, %sub3A : i32
        %mul3A_184 = arith.constant 5 : i32
        %mul3A_185 = arith.muli %sub3A_183, %mul3A_184 : i32
        %add3A_186 = arith.constant 4 : i32
        %add3A_187 = arith.addi %mul3A_185, %add3A_186 : i32
        %mul3A_188 = arith.constant 40 : i32
        %mul3A_189 = arith.muli %add3A_187, %mul3A_188 : i32
        %add3A_190 = arith.addi %mul3A_2, %mul3A_189 : i32
        %dma_wait3A_191 = arith.constant 0 : i32
        %dma_wait3A_192 = tpu.memref_slice %arg6[%add3A_190, %dma_wait3A_191] : memref<160000x128xf32, #tpu.memory_space<hbm>> -> memref<40x128xf32, #tpu.memory_space<hbm>>
        %dma_wait3A_193 = arith.constant 0 : i32
        %dma_wait3A_194 = tpu.memref_slice %arg6[%add3A_190, %dma_wait3A_193] : memref<160000x128xf32, #tpu.memory_space<hbm>> -> memref<40x128xf32, #tpu.memory_space<hbm>>
        tpu.wait_dma2 semaphore(%arg32 : memref<!tpu.dma_semaphore, #tpu.memory_space<semaphore_mem>>) src(%arg21 : memref<40x128xf32, #tpu.memory_space<vmem>>) dst(%dma_wait3A_194 : memref<40x128xf32, #tpu.memory_space<hbm>>)
      } else {
      }
      %mul3A_103 = arith.constant 5 : i32
      %mul3A_104 = arith.muli %scan3A_41, %mul3A_103 : i32
      %add3A_105 = arith.constant 4 : i32
      %add3A_106 = arith.addi %mul3A_104, %add3A_105 : i32
      %mul3A_107 = arith.constant 40 : i32
      %mul3A_108 = arith.muli %add3A_106, %mul3A_107 : i32
      %add3A_109 = arith.addi %mul3A_2, %mul3A_108 : i32
      "tpu.region"() ({
        %run_scoped3A = tpu.sem_alloc : memref<!tpu.dma_semaphore, #tpu.memory_space<semaphore_mem>>
        %dma_start3A_183 = tpu.memref_slice %arg4[%add3A_109] : memref<160000xi32, #tpu.memory_space<hbm>> -> memref<40xi32, #tpu.memory_space<hbm>>
        %dma_start3A_184 = tpu.memref_slice %arg4[%add3A_109] : memref<160000xi32, #tpu.memory_space<hbm>> -> memref<40xi32, #tpu.memory_space<hbm>>
        tpu.enqueue_dma source(%dma_start3A_184 : memref<40xi32, #tpu.memory_space<hbm>>) target(%arg11 : memref<40xi32, #tpu.memory_space<vmem>>) target_semaphore(%run_scoped3A : memref<!tpu.dma_semaphore, #tpu.memory_space<semaphore_mem>>)
        %dma_wait3A_185 = tpu.memref_slice %arg4[%add3A_109] : memref<160000xi32, #tpu.memory_space<hbm>> -> memref<40xi32, #tpu.memory_space<hbm>>
        %dma_wait3A_186 = tpu.memref_slice %arg4[%add3A_109] : memref<160000xi32, #tpu.memory_space<hbm>> -> memref<40xi32, #tpu.memory_space<hbm>>
        tpu.wait_dma2 semaphore(%run_scoped3A : memref<!tpu.dma_semaphore, #tpu.memory_space<semaphore_mem>>) src(%dma_wait3A_186 : memref<40xi32, #tpu.memory_space<hbm>>) dst(%arg11 : memref<40xi32, #tpu.memory_space<vmem>>)
        tpu.yield
      }) : () -> ()
      "tpu.region"() ({
        %run_scoped3A = tpu.sem_alloc : memref<!tpu.dma_semaphore, #tpu.memory_space<semaphore_mem>>
        %dma_start3A_183 = tpu.memref_slice %arg5[%add3A_109] : memref<160000xi32, #tpu.memory_space<hbm>> -> memref<40xi32, #tpu.memory_space<hbm>>
        %dma_start3A_184 = tpu.memref_slice %arg5[%add3A_109] : memref<160000xi32, #tpu.memory_space<hbm>> -> memref<40xi32, #tpu.memory_space<hbm>>
        tpu.enqueue_dma source(%dma_start3A_184 : memref<40xi32, #tpu.memory_space<hbm>>) target(%arg16 : memref<40xi32, #tpu.memory_space<vmem>>) target_semaphore(%run_scoped3A : memref<!tpu.dma_semaphore, #tpu.memory_space<semaphore_mem>>)
        %dma_wait3A_185 = tpu.memref_slice %arg5[%add3A_109] : memref<160000xi32, #tpu.memory_space<hbm>> -> memref<40xi32, #tpu.memory_space<hbm>>
        %dma_wait3A_186 = tpu.memref_slice %arg5[%add3A_109] : memref<160000xi32, #tpu.memory_space<hbm>> -> memref<40xi32, #tpu.memory_space<hbm>>
        tpu.wait_dma2 semaphore(%run_scoped3A : memref<!tpu.dma_semaphore, #tpu.memory_space<semaphore_mem>>) src(%dma_wait3A_186 : memref<40xi32, #tpu.memory_space<hbm>>) dst(%arg16 : memref<40xi32, #tpu.memory_space<vmem>>)
        tpu.yield
      }) : () -> ()
      %dma_start3A_110 = arith.constant 0 : i32
      %dma_start3A_111 = arith.constant 0 : i32
      %dma_start3A_112 = tpu.memref_slice %arg22[%dma_start3A_110, %dma_start3A_111] : memref<10112x128xf32, #tpu.memory_space<vmem_shared>> -> memref<10112x128xf32, #tpu.memory_space<vmem_shared>>
      tpu.enqueue_indirect_dma source(%dma_start3A_112 : memref<10112x128xf32, #tpu.memory_space<vmem_shared>>) target(%arg21 : memref<40x128xf32, #tpu.memory_space<vmem>>) offsets(%arg11 : memref<40xi32, #tpu.memory_space<vmem>>) semaphore(%arg27 : memref<!tpu.dma_semaphore, #tpu.memory_space<semaphore_mem>>)
      %mul3A_113 = arith.constant 5 : i32
      %mul3A_114 = arith.muli %scan3A_41, %mul3A_113 : i32
      %add3A_115 = arith.constant 0 : i32
      %add3A_116 = arith.addi %mul3A_114, %add3A_115 : i32
      %mul3A_117 = arith.constant 40 : i32
      %mul3A_118 = arith.muli %add3A_116, %mul3A_117 : i32
      %add3A_119 = arith.addi %mul3A_2, %mul3A_118 : i32
      %dma_wait3A_120 = arith.constant 0 : i32
      %dma_wait3A_121 = arith.constant 0 : i32
      %dma_wait3A_122 = tpu.memref_slice %arg22[%dma_wait3A_120, %dma_wait3A_121] : memref<10112x128xf32, #tpu.memory_space<vmem_shared>> -> memref<10112x128xf32, #tpu.memory_space<vmem_shared>>
      tpu.wait_indirect_dma semaphore(%arg23 : memref<!tpu.dma_semaphore, #tpu.memory_space<semaphore_mem>>) src(%dma_wait3A_122 : memref<10112x128xf32, #tpu.memory_space<vmem_shared>>) dst(%arg17 : memref<40x128xf32, #tpu.memory_space<vmem>>)
      "tpu.region"() ({
        %run_scoped3A = tpu.sem_alloc : memref<!tpu.dma_semaphore, #tpu.memory_space<semaphore_mem>>
        %dma_start3A_183 = arith.constant 0 : i32
        %dma_start3A_184 = arith.constant 0 : i32
        %dma_start3A_185 = tpu.memref_slice %arg3[%dma_start3A_183, %dma_start3A_184] : memref<10112x128xf32, #tpu.memory_space<hbm>> -> memref<10112x128xf32, #tpu.memory_space<hbm>>
        tpu.enqueue_indirect_dma source(%dma_start3A_185 : memref<10112x128xf32, #tpu.memory_space<hbm>>) target(%arg17 : memref<40x128xf32, #tpu.memory_space<vmem>>) offsets(%arg12 : memref<40xi32, #tpu.memory_space<vmem>>) semaphore(%run_scoped3A : memref<!tpu.dma_semaphore, #tpu.memory_space<semaphore_mem>>) {add = true}
        %dma_wait3A_186 = arith.constant 0 : i32
        %dma_wait3A_187 = arith.constant 0 : i32
        %dma_wait3A_188 = tpu.memref_slice %arg3[%dma_wait3A_186, %dma_wait3A_187] : memref<10112x128xf32, #tpu.memory_space<hbm>> -> memref<10112x128xf32, #tpu.memory_space<hbm>>
        tpu.wait_indirect_dma semaphore(%run_scoped3A : memref<!tpu.dma_semaphore, #tpu.memory_space<semaphore_mem>>) src(%dma_wait3A_188 : memref<10112x128xf32, #tpu.memory_space<hbm>>) dst(%arg17 : memref<40x128xf32, #tpu.memory_space<vmem>>)
        tpu.yield
      }) : () -> ()
      %dma_start3A_123 = arith.constant 0 : i32
      %dma_start3A_124 = tpu.memref_slice %arg6[%add3A_119, %dma_start3A_123] : memref<160000x128xf32, #tpu.memory_space<hbm>> -> memref<40x128xf32, #tpu.memory_space<hbm>>
      %dma_start3A_125 = arith.constant 0 : i32
      %dma_start3A_126 = tpu.memref_slice %arg6[%add3A_119, %dma_start3A_125] : memref<160000x128xf32, #tpu.memory_space<hbm>> -> memref<40x128xf32, #tpu.memory_space<hbm>>
      tpu.enqueue_dma source(%arg17 : memref<40x128xf32, #tpu.memory_space<vmem>>) target(%dma_start3A_126 : memref<40x128xf32, #tpu.memory_space<hbm>>) target_semaphore(%arg28 : memref<!tpu.dma_semaphore, #tpu.memory_space<semaphore_mem>>)
      %mul3A_127 = arith.constant 5 : i32
      %mul3A_128 = arith.muli %scan3A_41, %mul3A_127 : i32
      %add3A_129 = arith.constant 1 : i32
      %add3A_130 = arith.addi %mul3A_128, %add3A_129 : i32
      %mul3A_131 = arith.constant 40 : i32
      %mul3A_132 = arith.muli %add3A_130, %mul3A_131 : i32
      %add3A_133 = arith.addi %mul3A_2, %mul3A_132 : i32
      %dma_wait3A_134 = arith.constant 0 : i32
      %dma_wait3A_135 = arith.constant 0 : i32
      %dma_wait3A_136 = tpu.memref_slice %arg22[%dma_wait3A_134, %dma_wait3A_135] : memref<10112x128xf32, #tpu.memory_space<vmem_shared>> -> memref<10112x128xf32, #tpu.memory_space<vmem_shared>>
      tpu.wait_indirect_dma semaphore(%arg24 : memref<!tpu.dma_semaphore, #tpu.memory_space<semaphore_mem>>) src(%dma_wait3A_136 : memref<10112x128xf32, #tpu.memory_space<vmem_shared>>) dst(%arg18 : memref<40x128xf32, #tpu.memory_space<vmem>>)
      "tpu.region"() ({
        %run_scoped3A = tpu.sem_alloc : memref<!tpu.dma_semaphore, #tpu.memory_space<semaphore_mem>>
        %dma_start3A_183 = arith.constant 0 : i32
        %dma_start3A_184 = arith.constant 0 : i32
        %dma_start3A_185 = tpu.memref_slice %arg3[%dma_start3A_183, %dma_start3A_184] : memref<10112x128xf32, #tpu.memory_space<hbm>> -> memref<10112x128xf32, #tpu.memory_space<hbm>>
        tpu.enqueue_indirect_dma source(%dma_start3A_185 : memref<10112x128xf32, #tpu.memory_space<hbm>>) target(%arg18 : memref<40x128xf32, #tpu.memory_space<vmem>>) offsets(%arg13 : memref<40xi32, #tpu.memory_space<vmem>>) semaphore(%run_scoped3A : memref<!tpu.dma_semaphore, #tpu.memory_space<semaphore_mem>>) {add = true}
        %dma_wait3A_186 = arith.constant 0 : i32
        %dma_wait3A_187 = arith.constant 0 : i32
        %dma_wait3A_188 = tpu.memref_slice %arg3[%dma_wait3A_186, %dma_wait3A_187] : memref<10112x128xf32, #tpu.memory_space<hbm>> -> memref<10112x128xf32, #tpu.memory_space<hbm>>
        tpu.wait_indirect_dma semaphore(%run_scoped3A : memref<!tpu.dma_semaphore, #tpu.memory_space<semaphore_mem>>) src(%dma_wait3A_188 : memref<10112x128xf32, #tpu.memory_space<hbm>>) dst(%arg18 : memref<40x128xf32, #tpu.memory_space<vmem>>)
        tpu.yield
      }) : () -> ()
      %dma_start3A_137 = arith.constant 0 : i32
      %dma_start3A_138 = tpu.memref_slice %arg6[%add3A_133, %dma_start3A_137] : memref<160000x128xf32, #tpu.memory_space<hbm>> -> memref<40x128xf32, #tpu.memory_space<hbm>>
      %dma_start3A_139 = arith.constant 0 : i32
      %dma_start3A_140 = tpu.memref_slice %arg6[%add3A_133, %dma_start3A_139] : memref<160000x128xf32, #tpu.memory_space<hbm>> -> memref<40x128xf32, #tpu.memory_space<hbm>>
      tpu.enqueue_dma source(%arg18 : memref<40x128xf32, #tpu.memory_space<vmem>>) target(%dma_start3A_140 : memref<40x128xf32, #tpu.memory_space<hbm>>) target_semaphore(%arg29 : memref<!tpu.dma_semaphore, #tpu.memory_space<semaphore_mem>>)
      %mul3A_141 = arith.constant 5 : i32
      %mul3A_142 = arith.muli %scan3A_41, %mul3A_141 : i32
      %add3A_143 = arith.constant 2 : i32
      %add3A_144 = arith.addi %mul3A_142, %add3A_143 : i32
      %mul3A_145 = arith.constant 40 : i32
      %mul3A_146 = arith.muli %add3A_144, %mul3A_145 : i32
      %add3A_147 = arith.addi %mul3A_2, %mul3A_146 : i32
      %dma_wait3A_148 = arith.constant 0 : i32
      %dma_wait3A_149 = arith.constant 0 : i32
      %dma_wait3A_150 = tpu.memref_slice %arg22[%dma_wait3A_148, %dma_wait3A_149] : memref<10112x128xf32, #tpu.memory_space<vmem_shared>> -> memref<10112x128xf32, #tpu.memory_space<vmem_shared>>
      tpu.wait_indirect_dma semaphore(%arg25 : memref<!tpu.dma_semaphore, #tpu.memory_space<semaphore_mem>>) src(%dma_wait3A_150 : memref<10112x128xf32, #tpu.memory_space<vmem_shared>>) dst(%arg19 : memref<40x128xf32, #tpu.memory_space<vmem>>)
      "tpu.region"() ({
        %run_scoped3A = tpu.sem_alloc : memref<!tpu.dma_semaphore, #tpu.memory_space<semaphore_mem>>
        %dma_start3A_183 = arith.constant 0 : i32
        %dma_start3A_184 = arith.constant 0 : i32
        %dma_start3A_185 = tpu.memref_slice %arg3[%dma_start3A_183, %dma_start3A_184] : memref<10112x128xf32, #tpu.memory_space<hbm>> -> memref<10112x128xf32, #tpu.memory_space<hbm>>
        tpu.enqueue_indirect_dma source(%dma_start3A_185 : memref<10112x128xf32, #tpu.memory_space<hbm>>) target(%arg19 : memref<40x128xf32, #tpu.memory_space<vmem>>) offsets(%arg14 : memref<40xi32, #tpu.memory_space<vmem>>) semaphore(%run_scoped3A : memref<!tpu.dma_semaphore, #tpu.memory_space<semaphore_mem>>) {add = true}
        %dma_wait3A_186 = arith.constant 0 : i32
        %dma_wait3A_187 = arith.constant 0 : i32
        %dma_wait3A_188 = tpu.memref_slice %arg3[%dma_wait3A_186, %dma_wait3A_187] : memref<10112x128xf32, #tpu.memory_space<hbm>> -> memref<10112x128xf32, #tpu.memory_space<hbm>>
        tpu.wait_indirect_dma semaphore(%run_scoped3A : memref<!tpu.dma_semaphore, #tpu.memory_space<semaphore_mem>>) src(%dma_wait3A_188 : memref<10112x128xf32, #tpu.memory_space<hbm>>) dst(%arg19 : memref<40x128xf32, #tpu.memory_space<vmem>>)
        tpu.yield
      }) : () -> ()
      %dma_start3A_151 = arith.constant 0 : i32
      %dma_start3A_152 = tpu.memref_slice %arg6[%add3A_147, %dma_start3A_151] : memref<160000x128xf32, #tpu.memory_space<hbm>> -> memref<40x128xf32, #tpu.memory_space<hbm>>
      %dma_start3A_153 = arith.constant 0 : i32
      %dma_start3A_154 = tpu.memref_slice %arg6[%add3A_147, %dma_start3A_153] : memref<160000x128xf32, #tpu.memory_space<hbm>> -> memref<40x128xf32, #tpu.memory_space<hbm>>
      tpu.enqueue_dma source(%arg19 : memref<40x128xf32, #tpu.memory_space<vmem>>) target(%dma_start3A_154 : memref<40x128xf32, #tpu.memory_space<hbm>>) target_semaphore(%arg30 : memref<!tpu.dma_semaphore, #tpu.memory_space<semaphore_mem>>)
      %mul3A_155 = arith.constant 5 : i32
      %mul3A_156 = arith.muli %scan3A_41, %mul3A_155 : i32
      %add3A_157 = arith.constant 3 : i32
      %add3A_158 = arith.addi %mul3A_156, %add3A_157 : i32
      %mul3A_159 = arith.constant 40 : i32
      %mul3A_160 = arith.muli %add3A_158, %mul3A_159 : i32
      %add3A_161 = arith.addi %mul3A_2, %mul3A_160 : i32
      %dma_wait3A_162 = arith.constant 0 : i32
      %dma_wait3A_163 = arith.constant 0 : i32
      %dma_wait3A_164 = tpu.memref_slice %arg22[%dma_wait3A_162, %dma_wait3A_163] : memref<10112x128xf32, #tpu.memory_space<vmem_shared>> -> memref<10112x128xf32, #tpu.memory_space<vmem_shared>>
      tpu.wait_indirect_dma semaphore(%arg26 : memref<!tpu.dma_semaphore, #tpu.memory_space<semaphore_mem>>) src(%dma_wait3A_164 : memref<10112x128xf32, #tpu.memory_space<vmem_shared>>) dst(%arg20 : memref<40x128xf32, #tpu.memory_space<vmem>>)
      "tpu.region"() ({
        %run_scoped3A = tpu.sem_alloc : memref<!tpu.dma_semaphore, #tpu.memory_space<semaphore_mem>>
        %dma_start3A_183 = arith.constant 0 : i32
        %dma_start3A_184 = arith.constant 0 : i32
        %dma_start3A_185 = tpu.memref_slice %arg3[%dma_start3A_183, %dma_start3A_184] : memref<10112x128xf32, #tpu.memory_space<hbm>> -> memref<10112x128xf32, #tpu.memory_space<hbm>>
        tpu.enqueue_indirect_dma source(%dma_start3A_185 : memref<10112x128xf32, #tpu.memory_space<hbm>>) target(%arg20 : memref<40x128xf32, #tpu.memory_space<vmem>>) offsets(%arg15 : memref<40xi32, #tpu.memory_space<vmem>>) semaphore(%run_scoped3A : memref<!tpu.dma_semaphore, #tpu.memory_space<semaphore_mem>>) {add = true}
        %dma_wait3A_186 = arith.constant 0 : i32
        %dma_wait3A_187 = arith.constant 0 : i32
        %dma_wait3A_188 = tpu.memref_slice %arg3[%dma_wait3A_186, %dma_wait3A_187] : memref<10112x128xf32, #tpu.memory_space<hbm>> -> memref<10112x128xf32, #tpu.memory_space<hbm>>
        tpu.wait_indirect_dma semaphore(%run_scoped3A : memref<!tpu.dma_semaphore, #tpu.memory_space<semaphore_mem>>) src(%dma_wait3A_188 : memref<10112x128xf32, #tpu.memory_space<hbm>>) dst(%arg20 : memref<40x128xf32, #tpu.memory_space<vmem>>)
        tpu.yield
      }) : () -> ()
      %dma_start3A_165 = arith.constant 0 : i32
      %dma_start3A_166 = tpu.memref_slice %arg6[%add3A_161, %dma_start3A_165] : memref<160000x128xf32, #tpu.memory_space<hbm>> -> memref<40x128xf32, #tpu.memory_space<hbm>>
      %dma_start3A_167 = arith.constant 0 : i32
      %dma_start3A_168 = tpu.memref_slice %arg6[%add3A_161, %dma_start3A_167] : memref<160000x128xf32, #tpu.memory_space<hbm>> -> memref<40x128xf32, #tpu.memory_space<hbm>>
      tpu.enqueue_dma source(%arg20 : memref<40x128xf32, #tpu.memory_space<vmem>>) target(%dma_start3A_168 : memref<40x128xf32, #tpu.memory_space<hbm>>) target_semaphore(%arg31 : memref<!tpu.dma_semaphore, #tpu.memory_space<semaphore_mem>>)
      %mul3A_169 = arith.constant 5 : i32
      %mul3A_170 = arith.muli %scan3A_41, %mul3A_169 : i32
      %add3A_171 = arith.constant 4 : i32
      %add3A_172 = arith.addi %mul3A_170, %add3A_171 : i32
      %mul3A_173 = arith.constant 40 : i32
      %mul3A_174 = arith.muli %add3A_172, %mul3A_173 : i32
      %add3A_175 = arith.addi %mul3A_2, %mul3A_174 : i32
      %dma_wait3A_176 = arith.constant 0 : i32
      %dma_wait3A_177 = arith.constant 0 : i32
      %dma_wait3A_178 = tpu.memref_slice %arg22[%dma_wait3A_176, %dma_wait3A_177] : memref<10112x128xf32, #tpu.memory_space<vmem_shared>> -> memref<10112x128xf32, #tpu.memory_space<vmem_shared>>
      tpu.wait_indirect_dma semaphore(%arg27 : memref<!tpu.dma_semaphore, #tpu.memory_space<semaphore_mem>>) src(%dma_wait3A_178 : memref<10112x128xf32, #tpu.memory_space<vmem_shared>>) dst(%arg21 : memref<40x128xf32, #tpu.memory_space<vmem>>)
      "tpu.region"() ({
        %run_scoped3A = tpu.sem_alloc : memref<!tpu.dma_semaphore, #tpu.memory_space<semaphore_mem>>
        %dma_start3A_183 = arith.constant 0 : i32
        %dma_start3A_184 = arith.constant 0 : i32
        %dma_start3A_185 = tpu.memref_slice %arg3[%dma_start3A_183, %dma_start3A_184] : memref<10112x128xf32, #tpu.memory_space<hbm>> -> memref<10112x128xf32, #tpu.memory_space<hbm>>
        tpu.enqueue_indirect_dma source(%dma_start3A_185 : memref<10112x128xf32, #tpu.memory_space<hbm>>) target(%arg21 : memref<40x128xf32, #tpu.memory_space<vmem>>) offsets(%arg16 : memref<40xi32, #tpu.memory_space<vmem>>) semaphore(%run_scoped3A : memref<!tpu.dma_semaphore, #tpu.memory_space<semaphore_mem>>) {add = true}
        %dma_wait3A_186 = arith.constant 0 : i32
        %dma_wait3A_187 = arith.constant 0 : i32
        %dma_wait3A_188 = tpu.memref_slice %arg3[%dma_wait3A_186, %dma_wait3A_187] : memref<10112x128xf32, #tpu.memory_space<hbm>> -> memref<10112x128xf32, #tpu.memory_space<hbm>>
        tpu.wait_indirect_dma semaphore(%run_scoped3A : memref<!tpu.dma_semaphore, #tpu.memory_space<semaphore_mem>>) src(%dma_wait3A_188 : memref<10112x128xf32, #tpu.memory_space<hbm>>) dst(%arg21 : memref<40x128xf32, #tpu.memory_space<vmem>>)
        tpu.yield
      }) : () -> ()
      %dma_start3A_179 = arith.constant 0 : i32
      %dma_start3A_180 = tpu.memref_slice %arg6[%add3A_175, %dma_start3A_179] : memref<160000x128xf32, #tpu.memory_space<hbm>> -> memref<40x128xf32, #tpu.memory_space<hbm>>
      %dma_start3A_181 = arith.constant 0 : i32
      %dma_start3A_182 = tpu.memref_slice %arg6[%add3A_175, %dma_start3A_181] : memref<160000x128xf32, #tpu.memory_space<hbm>> -> memref<40x128xf32, #tpu.memory_space<hbm>>
      tpu.enqueue_dma source(%arg21 : memref<40x128xf32, #tpu.memory_space<vmem>>) target(%dma_start3A_182 : memref<40x128xf32, #tpu.memory_space<hbm>>) target_semaphore(%arg32 : memref<!tpu.dma_semaphore, #tpu.memory_space<semaphore_mem>>)
    }
    %scan3A_11 = arith.constant 25 : i32
    %add3A_12 = arith.constant 4800 : i32
    %add3A_13 = arith.addi %mul3A_2, %add3A_12 : i32
    %dma_wait3A = arith.constant 0 : i32
    %dma_wait3A_14 = tpu.memref_slice %arg6[%add3A_13, %dma_wait3A] : memref<160000x128xf32, #tpu.memory_space<hbm>> -> memref<40x128xf32, #tpu.memory_space<hbm>>
    %dma_wait3A_15 = arith.constant 0 : i32
    %dma_wait3A_16 = tpu.memref_slice %arg6[%add3A_13, %dma_wait3A_15] : memref<160000x128xf32, #tpu.memory_space<hbm>> -> memref<40x128xf32, #tpu.memory_space<hbm>>
    tpu.wait_dma2 semaphore(%arg28 : memref<!tpu.dma_semaphore, #tpu.memory_space<semaphore_mem>>) src(%arg17 : memref<40x128xf32, #tpu.memory_space<vmem>>) dst(%dma_wait3A_16 : memref<40x128xf32, #tpu.memory_space<hbm>>)
    %add3A_17 = arith.constant 4840 : i32
    %add3A_18 = arith.addi %mul3A_2, %add3A_17 : i32
    %dma_wait3A_19 = arith.constant 0 : i32
    %dma_wait3A_20 = tpu.memref_slice %arg6[%add3A_18, %dma_wait3A_19] : memref<160000x128xf32, #tpu.memory_space<hbm>> -> memref<40x128xf32, #tpu.memory_space<hbm>>
    %dma_wait3A_21 = arith.constant 0 : i32
    %dma_wait3A_22 = tpu.memref_slice %arg6[%add3A_18, %dma_wait3A_21] : memref<160000x128xf32, #tpu.memory_space<hbm>> -> memref<40x128xf32, #tpu.memory_space<hbm>>
    tpu.wait_dma2 semaphore(%arg29 : memref<!tpu.dma_semaphore, #tpu.memory_space<semaphore_mem>>) src(%arg18 : memref<40x128xf32, #tpu.memory_space<vmem>>) dst(%dma_wait3A_22 : memref<40x128xf32, #tpu.memory_space<hbm>>)
    %add3A_23 = arith.constant 4880 : i32
    %add3A_24 = arith.addi %mul3A_2, %add3A_23 : i32
    %dma_wait3A_25 = arith.constant 0 : i32
    %dma_wait3A_26 = tpu.memref_slice %arg6[%add3A_24, %dma_wait3A_25] : memref<160000x128xf32, #tpu.memory_space<hbm>> -> memref<40x128xf32, #tpu.memory_space<hbm>>
    %dma_wait3A_27 = arith.constant 0 : i32
    %dma_wait3A_28 = tpu.memref_slice %arg6[%add3A_24, %dma_wait3A_27] : memref<160000x128xf32, #tpu.memory_space<hbm>> -> memref<40x128xf32, #tpu.memory_space<hbm>>
    tpu.wait_dma2 semaphore(%arg30 : memref<!tpu.dma_semaphore, #tpu.memory_space<semaphore_mem>>) src(%arg19 : memref<40x128xf32, #tpu.memory_space<vmem>>) dst(%dma_wait3A_28 : memref<40x128xf32, #tpu.memory_space<hbm>>)
    %add3A_29 = arith.constant 4920 : i32
    %add3A_30 = arith.addi %mul3A_2, %add3A_29 : i32
    %dma_wait3A_31 = arith.constant 0 : i32
    %dma_wait3A_32 = tpu.memref_slice %arg6[%add3A_30, %dma_wait3A_31] : memref<160000x128xf32, #tpu.memory_space<hbm>> -> memref<40x128xf32, #tpu.memory_space<hbm>>
    %dma_wait3A_33 = arith.constant 0 : i32
    %dma_wait3A_34 = tpu.memref_slice %arg6[%add3A_30, %dma_wait3A_33] : memref<160000x128xf32, #tpu.memory_space<hbm>> -> memref<40x128xf32, #tpu.memory_space<hbm>>
    tpu.wait_dma2 semaphore(%arg31 : memref<!tpu.dma_semaphore, #tpu.memory_space<semaphore_mem>>) src(%arg20 : memref<40x128xf32, #tpu.memory_space<vmem>>) dst(%dma_wait3A_34 : memref<40x128xf32, #tpu.memory_space<hbm>>)
    %add3A_35 = arith.constant 4960 : i32
    %add3A_36 = arith.addi %mul3A_2, %add3A_35 : i32
    %dma_wait3A_37 = arith.constant 0 : i32
    %dma_wait3A_38 = tpu.memref_slice %arg6[%add3A_36, %dma_wait3A_37] : memref<160000x128xf32, #tpu.memory_space<hbm>> -> memref<40x128xf32, #tpu.memory_space<hbm>>
    %dma_wait3A_39 = arith.constant 0 : i32
    %dma_wait3A_40 = tpu.memref_slice %arg6[%add3A_36, %dma_wait3A_39] : memref<160000x128xf32, #tpu.memory_space<hbm>> -> memref<40x128xf32, #tpu.memory_space<hbm>>
    tpu.wait_dma2 semaphore(%arg32 : memref<!tpu.dma_semaphore, #tpu.memory_space<semaphore_mem>>) src(%arg21 : memref<40x128xf32, #tpu.memory_space<vmem>>) dst(%dma_wait3A_40 : memref<40x128xf32, #tpu.memory_space<hbm>>)
    return
  }
}

#map = affine_map<(d0, d1) -> (0, 0)>
#map1 = affine_map<(d0, d1) -> (0)>
module attributes {stable_mosaic.version = 14 : i64} {
  func.func @gk(%arg0: i32, %arg1: i32, %arg2: memref<10112x128xf32, #tpu.memory_space<hbm>>, %arg3: memref<10112x128xf32, #tpu.memory_space<hbm>>, %arg4: memref<160000xi32, #tpu.memory_space<hbm>>, %arg5: memref<160000xi32, #tpu.memory_space<hbm>>, %arg6: memref<160000x128xf32, #tpu.memory_space<hbm>>, %arg7: memref<40xi32, #tpu.memory_space<vmem>>, %arg8: memref<40xi32, #tpu.memory_space<vmem>>, %arg9: memref<40xi32, #tpu.memory_space<vmem>>, %arg10: memref<40xi32, #tpu.memory_space<vmem>>, %arg11: memref<40xi32, #tpu.memory_space<vmem>>, %arg12: memref<40xi32, #tpu.memory_space<vmem>>, %arg13: memref<40xi32, #tpu.memory_space<vmem>>, %arg14: memref<40xi32, #tpu.memory_space<vmem>>, %arg15: memref<40xi32, #tpu.memory_space<vmem>>, %arg16: memref<40xi32, #tpu.memory_space<vmem>>, %arg17: memref<40x128xf32, #tpu.memory_space<vmem>>, %arg18: memref<40x128xf32, #tpu.memory_space<vmem>>, %arg19: memref<40x128xf32, #tpu.memory_space<vmem>>, %arg20: memref<40x128xf32, #tpu.memory_space<vmem>>, %arg21: memref<40x128xf32, #tpu.memory_space<vmem>>, %arg22: memref<10112x128xf32, #tpu.memory_space<vmem_shared>>, %arg23: memref<!tpu.dma_semaphore, #tpu.memory_space<semaphore_mem>>, %arg24: memref<!tpu.dma_semaphore, #tpu.memory_space<semaphore_mem>>, %arg25: memref<!tpu.dma_semaphore, #tpu.memory_space<semaphore_mem>>, %arg26: memref<!tpu.dma_semaphore, #tpu.memory_space<semaphore_mem>>, %arg27: memref<!tpu.dma_semaphore, #tpu.memory_space<semaphore_mem>>, %arg28: memref<!tpu.dma_semaphore, #tpu.memory_space<semaphore_mem>>, %arg29: memref<!tpu.dma_semaphore, #tpu.memory_space<semaphore_mem>>, %arg30: memref<!tpu.dma_semaphore, #tpu.memory_space<semaphore_mem>>, %arg31: memref<!tpu.dma_semaphore, #tpu.memory_space<semaphore_mem>>, %arg32: memref<!tpu.dma_semaphore, #tpu.memory_space<semaphore_mem>>) attributes {dimension_semantics = [#tpu.dimension_semantics<core_parallel>, #tpu.dimension_semantics<subcore_parallel>], iteration_bounds = array<i64: 2, 16>, scalar_prefetch = 0 : i64, scratch_operands = 26 : i64, tpu.core_type = #tpu.core_type<sc_vector_subcore>, window_params = [{transform_indices = #map}, {transform_indices = #map}, {transform_indices = #map1}, {transform_indices = #map1}, {transform_indices = #map}]} {
    %mul3A = arith.constant 2 : i32
    %mul3A_0 = arith.muli %arg1, %mul3A : i32
    %add3A = arith.addi %mul3A_0, %arg0 : i32
    %mul3A_1 = arith.constant 5000 : i32
    %mul3A_2 = arith.muli %add3A, %mul3A_1 : i32
    %mul3A_3 = arith.constant 632 : i32
    %mul3A_4 = arith.muli %arg1, %mul3A_3 : i32
    %mul3A_5 = arith.constant 632 : i32
    %mul3A_6 = arith.muli %arg1, %mul3A_5 : i32
    "tpu.region"() ({
      %run_scoped3A = tpu.sem_alloc : memref<!tpu.dma_semaphore, #tpu.memory_space<semaphore_mem>>
      %dma_start3A = arith.constant 0 : i32
      %dma_start3A_41 = tpu.memref_slice %arg22[%mul3A_6, %dma_start3A] : memref<10112x128xf32, #tpu.memory_space<vmem_shared>> -> memref<632x128xf32, #tpu.memory_space<vmem_shared>>
      %dma_start3A_42 = arith.constant 0 : i32
      %dma_start3A_43 = tpu.memref_slice %arg2[%mul3A_4, %dma_start3A_42] : memref<10112x128xf32, #tpu.memory_space<hbm>> -> memref<632x128xf32, #tpu.memory_space<hbm>>
      tpu.enqueue_dma source(%dma_start3A_43 : memref<632x128xf32, #tpu.memory_space<hbm>>) target(%dma_start3A_41 : memref<632x128xf32, #tpu.memory_space<vmem_shared>>) target_semaphore(%run_scoped3A : memref<!tpu.dma_semaphore, #tpu.memory_space<semaphore_mem>>)
      %dma_wait3A_44 = arith.constant 0 : i32
      %dma_wait3A_45 = tpu.memref_slice %arg22[%mul3A_6, %dma_wait3A_44] : memref<10112x128xf32, #tpu.memory_space<vmem_shared>> -> memref<632x128xf32, #tpu.memory_space<vmem_shared>>
      %dma_wait3A_46 = arith.constant 0 : i32
      %dma_wait3A_47 = tpu.memref_slice %arg2[%mul3A_4, %dma_wait3A_46] : memref<10112x128xf32, #tpu.memory_space<hbm>> -> memref<632x128xf32, #tpu.memory_space<hbm>>
      tpu.wait_dma2 semaphore(%run_scoped3A : memref<!tpu.dma_semaphore, #tpu.memory_space<semaphore_mem>>) src(%dma_wait3A_47 : memref<632x128xf32, #tpu.memory_space<hbm>>) dst(%dma_wait3A_45 : memref<632x128xf32, #tpu.memory_space<vmem_shared>>)
      tpu.yield
    }) : () -> ()
    %barrier3A = arith.constant 0 : index
    tpu.barrier barrier_id(%barrier3A)
    %scan3A = arith.constant 0 : i32
    %scan3A_7 = arith.constant 0 : i32
    %scan3A_8 = arith.constant 25 : i32
    %scan3A_9 = arith.addi %scan3A_7, %scan3A_8 : i32
    %scan3A_10 = arith.constant 1 : i32
    scf.for %scan3A_41 = %scan3A_7 to %scan3A_9 step %scan3A_10  : i32 {
      %gt3A = arith.constant 0 : i32
      %gt3A_42 = arith.cmpi sgt, %scan3A_41, %gt3A : i32
      %convert_element_type3A = arith.extui %gt3A_42 : i1 to i32
      %cond3A = arith.constant 0 : i32
      %cond3A_43 = arith.cmpi ne, %convert_element_type3A, %cond3A : i32
      scf.if %cond3A_43 {
        %sub3A = arith.constant 1 : i32
        %sub3A_183 = arith.subi %scan3A_41, %sub3A : i32
        %mul3A_184 = arith.constant 5 : i32
        %mul3A_185 = arith.muli %sub3A_183, %mul3A_184 : i32
        %add3A_186 = arith.constant 0 : i32
        %add3A_187 = arith.addi %mul3A_185, %add3A_186 : i32
        %mul3A_188 = arith.constant 40 : i32
        %mul3A_189 = arith.muli %add3A_187, %mul3A_188 : i32
        %add3A_190 = arith.addi %mul3A_2, %mul3A_189 : i32
        %dma_wait3A_191 = arith.constant 0 : i32
        %dma_wait3A_192 = tpu.memref_slice %arg6[%add3A_190, %dma_wait3A_191] : memref<160000x128xf32, #tpu.memory_space<hbm>> -> memref<40x128xf32, #tpu.memory_space<hbm>>
        %dma_wait3A_193 = arith.constant 0 : i32
        %dma_wait3A_194 = tpu.memref_slice %arg6[%add3A_190, %dma_wait3A_193] : memref<160000x128xf32, #tpu.memory_space<hbm>> -> memref<40x128xf32, #tpu.memory_space<hbm>>
        tpu.wait_dma2 semaphore(%arg28 : memref<!tpu.dma_semaphore, #tpu.memory_space<semaphore_mem>>) src(%arg17 : memref<40x128xf32, #tpu.memory_space<vmem>>) dst(%dma_wait3A_194 : memref<40x128xf32, #tpu.memory_space<hbm>>)
      } else {
      }
      %mul3A_44 = arith.constant 5 : i32
      %mul3A_45 = arith.muli %scan3A_41, %mul3A_44 : i32
      %add3A_46 = arith.constant 0 : i32
      %add3A_47 = arith.addi %mul3A_45, %add3A_46 : i32
      %mul3A_48 = arith.constant 40 : i32
      %mul3A_49 = arith.muli %add3A_47, %mul3A_48 : i32
      %add3A_50 = arith.addi %mul3A_2, %mul3A_49 : i32
      "tpu.region"() ({
        %run_scoped3A = tpu.sem_alloc : memref<!tpu.dma_semaphore, #tpu.memory_space<semaphore_mem>>
        %dma_start3A_183 = tpu.memref_slice %arg4[%add3A_50] : memref<160000xi32, #tpu.memory_space<hbm>> -> memref<40xi32, #tpu.memory_space<hbm>>
        %dma_start3A_184 = tpu.memref_slice %arg4[%add3A_50] : memref<160000xi32, #tpu.memory_space<hbm>> -> memref<40xi32, #tpu.memory_space<hbm>>
        tpu.enqueue_dma source(%dma_start3A_184 : memref<40xi32, #tpu.memory_space<hbm>>) target(%arg7 : memref<40xi32, #tpu.memory_space<vmem>>) target_semaphore(%run_scoped3A : memref<!tpu.dma_semaphore, #tpu.memory_space<semaphore_mem>>)
        %dma_wait3A_185 = tpu.memref_slice %arg4[%add3A_50] : memref<160000xi32, #tpu.memory_space<hbm>> -> memref<40xi32, #tpu.memory_space<hbm>>
        %dma_wait3A_186 = tpu.memref_slice %arg4[%add3A_50] : memref<160000xi32, #tpu.memory_space<hbm>> -> memref<40xi32, #tpu.memory_space<hbm>>
        tpu.wait_dma2 semaphore(%run_scoped3A : memref<!tpu.dma_semaphore, #tpu.memory_space<semaphore_mem>>) src(%dma_wait3A_186 : memref<40xi32, #tpu.memory_space<hbm>>) dst(%arg7 : memref<40xi32, #tpu.memory_space<vmem>>)
        tpu.yield
      }) : () -> ()
      "tpu.region"() ({
        %run_scoped3A = tpu.sem_alloc : memref<!tpu.dma_semaphore, #tpu.memory_space<semaphore_mem>>
        %dma_start3A_183 = tpu.memref_slice %arg5[%add3A_50] : memref<160000xi32, #tpu.memory_space<hbm>> -> memref<40xi32, #tpu.memory_space<hbm>>
        %dma_start3A_184 = tpu.memref_slice %arg5[%add3A_50] : memref<160000xi32, #tpu.memory_space<hbm>> -> memref<40xi32, #tpu.memory_space<hbm>>
        tpu.enqueue_dma source(%dma_start3A_184 : memref<40xi32, #tpu.memory_space<hbm>>) target(%arg12 : memref<40xi32, #tpu.memory_space<vmem>>) target_semaphore(%run_scoped3A : memref<!tpu.dma_semaphore, #tpu.memory_space<semaphore_mem>>)
        %dma_wait3A_185 = tpu.memref_slice %arg5[%add3A_50] : memref<160000xi32, #tpu.memory_space<hbm>> -> memref<40xi32, #tpu.memory_space<hbm>>
        %dma_wait3A_186 = tpu.memref_slice %arg5[%add3A_50] : memref<160000xi32, #tpu.memory_space<hbm>> -> memref<40xi32, #tpu.memory_space<hbm>>
        tpu.wait_dma2 semaphore(%run_scoped3A : memref<!tpu.dma_semaphore, #tpu.memory_space<semaphore_mem>>) src(%dma_wait3A_186 : memref<40xi32, #tpu.memory_space<hbm>>) dst(%arg12 : memref<40xi32, #tpu.memory_space<vmem>>)
        tpu.yield
      }) : () -> ()
      %dma_start3A = arith.constant 0 : i32
      %dma_start3A_51 = arith.constant 0 : i32
      %dma_start3A_52 = tpu.memref_slice %arg22[%dma_start3A, %dma_start3A_51] : memref<10112x128xf32, #tpu.memory_space<vmem_shared>> -> memref<10112x128xf32, #tpu.memory_space<vmem_shared>>
      tpu.enqueue_indirect_dma source(%dma_start3A_52 : memref<10112x128xf32, #tpu.memory_space<vmem_shared>>) target(%arg17 : memref<40x128xf32, #tpu.memory_space<vmem>>) offsets(%arg7 : memref<40xi32, #tpu.memory_space<vmem>>) semaphore(%arg23 : memref<!tpu.dma_semaphore, #tpu.memory_space<semaphore_mem>>)
      %gt3A_53 = arith.constant 0 : i32
      %gt3A_54 = arith.cmpi sgt, %scan3A_41, %gt3A_53 : i32
      %convert_element_type3A_55 = arith.extui %gt3A_54 : i1 to i32
      %cond3A_56 = arith.constant 0 : i32
      %cond3A_57 = arith.cmpi ne, %convert_element_type3A_55, %cond3A_56 : i32
      scf.if %cond3A_57 {
        %sub3A = arith.constant 1 : i32
        %sub3A_183 = arith.subi %scan3A_41, %sub3A : i32
        %mul3A_184 = arith.constant 5 : i32
        %mul3A_185 = arith.muli %sub3A_183, %mul3A_184 : i32
        %add3A_186 = arith.constant 1 : i32
        %add3A_187 = arith.addi %mul3A_185, %add3A_186 : i32
        %mul3A_188 = arith.constant 40 : i32
        %mul3A_189 = arith.muli %add3A_187, %mul3A_188 : i32
        %add3A_190 = arith.addi %mul3A_2, %mul3A_189 : i32
        %dma_wait3A_191 = arith.constant 0 : i32
        %dma_wait3A_192 = tpu.memref_slice %arg6[%add3A_190, %dma_wait3A_191] : memref<160000x128xf32, #tpu.memory_space<hbm>> -> memref<40x128xf32, #tpu.memory_space<hbm>>
        %dma_wait3A_193 = arith.constant 0 : i32
        %dma_wait3A_194 = tpu.memref_slice %arg6[%add3A_190, %dma_wait3A_193] : memref<160000x128xf32, #tpu.memory_space<hbm>> -> memref<40x128xf32, #tpu.memory_space<hbm>>
        tpu.wait_dma2 semaphore(%arg29 : memref<!tpu.dma_semaphore, #tpu.memory_space<semaphore_mem>>) src(%arg18 : memref<40x128xf32, #tpu.memory_space<vmem>>) dst(%dma_wait3A_194 : memref<40x128xf32, #tpu.memory_space<hbm>>)
      } else {
      }
      %mul3A_58 = arith.constant 5 : i32
      %mul3A_59 = arith.muli %scan3A_41, %mul3A_58 : i32
      %add3A_60 = arith.constant 1 : i32
      %add3A_61 = arith.addi %mul3A_59, %add3A_60 : i32
      %mul3A_62 = arith.constant 40 : i32
      %mul3A_63 = arith.muli %add3A_61, %mul3A_62 : i32
      %add3A_64 = arith.addi %mul3A_2, %mul3A_63 : i32
      "tpu.region"() ({
        %run_scoped3A = tpu.sem_alloc : memref<!tpu.dma_semaphore, #tpu.memory_space<semaphore_mem>>
        %dma_start3A_183 = tpu.memref_slice %arg4[%add3A_64] : memref<160000xi32, #tpu.memory_space<hbm>> -> memref<40xi32, #tpu.memory_space<hbm>>
        %dma_start3A_184 = tpu.memref_slice %arg4[%add3A_64] : memref<160000xi32, #tpu.memory_space<hbm>> -> memref<40xi32, #tpu.memory_space<hbm>>
        tpu.enqueue_dma source(%dma_start3A_184 : memref<40xi32, #tpu.memory_space<hbm>>) target(%arg8 : memref<40xi32, #tpu.memory_space<vmem>>) target_semaphore(%run_scoped3A : memref<!tpu.dma_semaphore, #tpu.memory_space<semaphore_mem>>)
        %dma_wait3A_185 = tpu.memref_slice %arg4[%add3A_64] : memref<160000xi32, #tpu.memory_space<hbm>> -> memref<40xi32, #tpu.memory_space<hbm>>
        %dma_wait3A_186 = tpu.memref_slice %arg4[%add3A_64] : memref<160000xi32, #tpu.memory_space<hbm>> -> memref<40xi32, #tpu.memory_space<hbm>>
        tpu.wait_dma2 semaphore(%run_scoped3A : memref<!tpu.dma_semaphore, #tpu.memory_space<semaphore_mem>>) src(%dma_wait3A_186 : memref<40xi32, #tpu.memory_space<hbm>>) dst(%arg8 : memref<40xi32, #tpu.memory_space<vmem>>)
        tpu.yield
      }) : () -> ()
      "tpu.region"() ({
        %run_scoped3A = tpu.sem_alloc : memref<!tpu.dma_semaphore, #tpu.memory_space<semaphore_mem>>
        %dma_start3A_183 = tpu.memref_slice %arg5[%add3A_64] : memref<160000xi32, #tpu.memory_space<hbm>> -> memref<40xi32, #tpu.memory_space<hbm>>
        %dma_start3A_184 = tpu.memref_slice %arg5[%add3A_64] : memref<160000xi32, #tpu.memory_space<hbm>> -> memref<40xi32, #tpu.memory_space<hbm>>
        tpu.enqueue_dma source(%dma_start3A_184 : memref<40xi32, #tpu.memory_space<hbm>>) target(%arg13 : memref<40xi32, #tpu.memory_space<vmem>>) target_semaphore(%run_scoped3A : memref<!tpu.dma_semaphore, #tpu.memory_space<semaphore_mem>>)
        %dma_wait3A_185 = tpu.memref_slice %arg5[%add3A_64] : memref<160000xi32, #tpu.memory_space<hbm>> -> memref<40xi32, #tpu.memory_space<hbm>>
        %dma_wait3A_186 = tpu.memref_slice %arg5[%add3A_64] : memref<160000xi32, #tpu.memory_space<hbm>> -> memref<40xi32, #tpu.memory_space<hbm>>
        tpu.wait_dma2 semaphore(%run_scoped3A : memref<!tpu.dma_semaphore, #tpu.memory_space<semaphore_mem>>) src(%dma_wait3A_186 : memref<40xi32, #tpu.memory_space<hbm>>) dst(%arg13 : memref<40xi32, #tpu.memory_space<vmem>>)
        tpu.yield
      }) : () -> ()
      %dma_start3A_65 = arith.constant 0 : i32
      %dma_start3A_66 = arith.constant 0 : i32
      %dma_start3A_67 = tpu.memref_slice %arg22[%dma_start3A_65, %dma_start3A_66] : memref<10112x128xf32, #tpu.memory_space<vmem_shared>> -> memref<10112x128xf32, #tpu.memory_space<vmem_shared>>
      tpu.enqueue_indirect_dma source(%dma_start3A_67 : memref<10112x128xf32, #tpu.memory_space<vmem_shared>>) target(%arg18 : memref<40x128xf32, #tpu.memory_space<vmem>>) offsets(%arg8 : memref<40xi32, #tpu.memory_space<vmem>>) semaphore(%arg24 : memref<!tpu.dma_semaphore, #tpu.memory_space<semaphore_mem>>)
      %gt3A_68 = arith.constant 0 : i32
      %gt3A_69 = arith.cmpi sgt, %scan3A_41, %gt3A_68 : i32
      %convert_element_type3A_70 = arith.extui %gt3A_69 : i1 to i32
      %cond3A_71 = arith.constant 0 : i32
      %cond3A_72 = arith.cmpi ne, %convert_element_type3A_70, %cond3A_71 : i32
      scf.if %cond3A_72 {
        %sub3A = arith.constant 1 : i32
        %sub3A_183 = arith.subi %scan3A_41, %sub3A : i32
        %mul3A_184 = arith.constant 5 : i32
        %mul3A_185 = arith.muli %sub3A_183, %mul3A_184 : i32
        %add3A_186 = arith.constant 2 : i32
        %add3A_187 = arith.addi %mul3A_185, %add3A_186 : i32
        %mul3A_188 = arith.constant 40 : i32
        %mul3A_189 = arith.muli %add3A_187, %mul3A_188 : i32
        %add3A_190 = arith.addi %mul3A_2, %mul3A_189 : i32
        %dma_wait3A_191 = arith.constant 0 : i32
        %dma_wait3A_192 = tpu.memref_slice %arg6[%add3A_190, %dma_wait3A_191] : memref<160000x128xf32, #tpu.memory_space<hbm>> -> memref<40x128xf32, #tpu.memory_space<hbm>>
        %dma_wait3A_193 = arith.constant 0 : i32
        %dma_wait3A_194 = tpu.memref_slice %arg6[%add3A_190, %dma_wait3A_193] : memref<160000x128xf32, #tpu.memory_space<hbm>> -> memref<40x128xf32, #tpu.memory_space<hbm>>
        tpu.wait_dma2 semaphore(%arg30 : memref<!tpu.dma_semaphore, #tpu.memory_space<semaphore_mem>>) src(%arg19 : memref<40x128xf32, #tpu.memory_space<vmem>>) dst(%dma_wait3A_194 : memref<40x128xf32, #tpu.memory_space<hbm>>)
      } else {
      }
      %mul3A_73 = arith.constant 5 : i32
      %mul3A_74 = arith.muli %scan3A_41, %mul3A_73 : i32
      %add3A_75 = arith.constant 2 : i32
      %add3A_76 = arith.addi %mul3A_74, %add3A_75 : i32
      %mul3A_77 = arith.constant 40 : i32
      %mul3A_78 = arith.muli %add3A_76, %mul3A_77 : i32
      %add3A_79 = arith.addi %mul3A_2, %mul3A_78 : i32
      "tpu.region"() ({
        %run_scoped3A = tpu.sem_alloc : memref<!tpu.dma_semaphore, #tpu.memory_space<semaphore_mem>>
        %dma_start3A_183 = tpu.memref_slice %arg4[%add3A_79] : memref<160000xi32, #tpu.memory_space<hbm>> -> memref<40xi32, #tpu.memory_space<hbm>>
        %dma_start3A_184 = tpu.memref_slice %arg4[%add3A_79] : memref<160000xi32, #tpu.memory_space<hbm>> -> memref<40xi32, #tpu.memory_space<hbm>>
        tpu.enqueue_dma source(%dma_start3A_184 : memref<40xi32, #tpu.memory_space<hbm>>) target(%arg9 : memref<40xi32, #tpu.memory_space<vmem>>) target_semaphore(%run_scoped3A : memref<!tpu.dma_semaphore, #tpu.memory_space<semaphore_mem>>)
        %dma_wait3A_185 = tpu.memref_slice %arg4[%add3A_79] : memref<160000xi32, #tpu.memory_space<hbm>> -> memref<40xi32, #tpu.memory_space<hbm>>
        %dma_wait3A_186 = tpu.memref_slice %arg4[%add3A_79] : memref<160000xi32, #tpu.memory_space<hbm>> -> memref<40xi32, #tpu.memory_space<hbm>>
        tpu.wait_dma2 semaphore(%run_scoped3A : memref<!tpu.dma_semaphore, #tpu.memory_space<semaphore_mem>>) src(%dma_wait3A_186 : memref<40xi32, #tpu.memory_space<hbm>>) dst(%arg9 : memref<40xi32, #tpu.memory_space<vmem>>)
        tpu.yield
      }) : () -> ()
      "tpu.region"() ({
        %run_scoped3A = tpu.sem_alloc : memref<!tpu.dma_semaphore, #tpu.memory_space<semaphore_mem>>
        %dma_start3A_183 = tpu.memref_slice %arg5[%add3A_79] : memref<160000xi32, #tpu.memory_space<hbm>> -> memref<40xi32, #tpu.memory_space<hbm>>
        %dma_start3A_184 = tpu.memref_slice %arg5[%add3A_79] : memref<160000xi32, #tpu.memory_space<hbm>> -> memref<40xi32, #tpu.memory_space<hbm>>
        tpu.enqueue_dma source(%dma_start3A_184 : memref<40xi32, #tpu.memory_space<hbm>>) target(%arg14 : memref<40xi32, #tpu.memory_space<vmem>>) target_semaphore(%run_scoped3A : memref<!tpu.dma_semaphore, #tpu.memory_space<semaphore_mem>>)
        %dma_wait3A_185 = tpu.memref_slice %arg5[%add3A_79] : memref<160000xi32, #tpu.memory_space<hbm>> -> memref<40xi32, #tpu.memory_space<hbm>>
        %dma_wait3A_186 = tpu.memref_slice %arg5[%add3A_79] : memref<160000xi32, #tpu.memory_space<hbm>> -> memref<40xi32, #tpu.memory_space<hbm>>
        tpu.wait_dma2 semaphore(%run_scoped3A : memref<!tpu.dma_semaphore, #tpu.memory_space<semaphore_mem>>) src(%dma_wait3A_186 : memref<40xi32, #tpu.memory_space<hbm>>) dst(%arg14 : memref<40xi32, #tpu.memory_space<vmem>>)
        tpu.yield
      }) : () -> ()
      %dma_start3A_80 = arith.constant 0 : i32
      %dma_start3A_81 = arith.constant 0 : i32
      %dma_start3A_82 = tpu.memref_slice %arg22[%dma_start3A_80, %dma_start3A_81] : memref<10112x128xf32, #tpu.memory_space<vmem_shared>> -> memref<10112x128xf32, #tpu.memory_space<vmem_shared>>
      tpu.enqueue_indirect_dma source(%dma_start3A_82 : memref<10112x128xf32, #tpu.memory_space<vmem_shared>>) target(%arg19 : memref<40x128xf32, #tpu.memory_space<vmem>>) offsets(%arg9 : memref<40xi32, #tpu.memory_space<vmem>>) semaphore(%arg25 : memref<!tpu.dma_semaphore, #tpu.memory_space<semaphore_mem>>)
      %gt3A_83 = arith.constant 0 : i32
      %gt3A_84 = arith.cmpi sgt, %scan3A_41, %gt3A_83 : i32
      %convert_element_type3A_85 = arith.extui %gt3A_84 : i1 to i32
      %cond3A_86 = arith.constant 0 : i32
      %cond3A_87 = arith.cmpi ne, %convert_element_type3A_85, %cond3A_86 : i32
      scf.if %cond3A_87 {
        %sub3A = arith.constant 1 : i32
        %sub3A_183 = arith.subi %scan3A_41, %sub3A : i32
        %mul3A_184 = arith.constant 5 : i32
        %mul3A_185 = arith.muli %sub3A_183, %mul3A_184 : i32
        %add3A_186 = arith.constant 3 : i32
        %add3A_187 = arith.addi %mul3A_185, %add3A_186 : i32
        %mul3A_188 = arith.constant 40 : i32
        %mul3A_189 = arith.muli %add3A_187, %mul3A_188 : i32
        %add3A_190 = arith.addi %mul3A_2, %mul3A_189 : i32
        %dma_wait3A_191 = arith.constant 0 : i32
        %dma_wait3A_192 = tpu.memref_slice %arg6[%add3A_190, %dma_wait3A_191] : memref<160000x128xf32, #tpu.memory_space<hbm>> -> memref<40x128xf32, #tpu.memory_space<hbm>>
        %dma_wait3A_193 = arith.constant 0 : i32
        %dma_wait3A_194 = tpu.memref_slice %arg6[%add3A_190, %dma_wait3A_193] : memref<160000x128xf32, #tpu.memory_space<hbm>> -> memref<40x128xf32, #tpu.memory_space<hbm>>
        tpu.wait_dma2 semaphore(%arg31 : memref<!tpu.dma_semaphore, #tpu.memory_space<semaphore_mem>>) src(%arg20 : memref<40x128xf32, #tpu.memory_space<vmem>>) dst(%dma_wait3A_194 : memref<40x128xf32, #tpu.memory_space<hbm>>)
      } else {
      }
      %mul3A_88 = arith.constant 5 : i32
      %mul3A_89 = arith.muli %scan3A_41, %mul3A_88 : i32
      %add3A_90 = arith.constant 3 : i32
      %add3A_91 = arith.addi %mul3A_89, %add3A_90 : i32
      %mul3A_92 = arith.constant 40 : i32
      %mul3A_93 = arith.muli %add3A_91, %mul3A_92 : i32
      %add3A_94 = arith.addi %mul3A_2, %mul3A_93 : i32
      "tpu.region"() ({
        %run_scoped3A = tpu.sem_alloc : memref<!tpu.dma_semaphore, #tpu.memory_space<semaphore_mem>>
        %dma_start3A_183 = tpu.memref_slice %arg4[%add3A_94] : memref<160000xi32, #tpu.memory_space<hbm>> -> memref<40xi32, #tpu.memory_space<hbm>>
        %dma_start3A_184 = tpu.memref_slice %arg4[%add3A_94] : memref<160000xi32, #tpu.memory_space<hbm>> -> memref<40xi32, #tpu.memory_space<hbm>>
        tpu.enqueue_dma source(%dma_start3A_184 : memref<40xi32, #tpu.memory_space<hbm>>) target(%arg10 : memref<40xi32, #tpu.memory_space<vmem>>) target_semaphore(%run_scoped3A : memref<!tpu.dma_semaphore, #tpu.memory_space<semaphore_mem>>)
        %dma_wait3A_185 = tpu.memref_slice %arg4[%add3A_94] : memref<160000xi32, #tpu.memory_space<hbm>> -> memref<40xi32, #tpu.memory_space<hbm>>
        %dma_wait3A_186 = tpu.memref_slice %arg4[%add3A_94] : memref<160000xi32, #tpu.memory_space<hbm>> -> memref<40xi32, #tpu.memory_space<hbm>>
        tpu.wait_dma2 semaphore(%run_scoped3A : memref<!tpu.dma_semaphore, #tpu.memory_space<semaphore_mem>>) src(%dma_wait3A_186 : memref<40xi32, #tpu.memory_space<hbm>>) dst(%arg10 : memref<40xi32, #tpu.memory_space<vmem>>)
        tpu.yield
      }) : () -> ()
      "tpu.region"() ({
        %run_scoped3A = tpu.sem_alloc : memref<!tpu.dma_semaphore, #tpu.memory_space<semaphore_mem>>
        %dma_start3A_183 = tpu.memref_slice %arg5[%add3A_94] : memref<160000xi32, #tpu.memory_space<hbm>> -> memref<40xi32, #tpu.memory_space<hbm>>
        %dma_start3A_184 = tpu.memref_slice %arg5[%add3A_94] : memref<160000xi32, #tpu.memory_space<hbm>> -> memref<40xi32, #tpu.memory_space<hbm>>
        tpu.enqueue_dma source(%dma_start3A_184 : memref<40xi32, #tpu.memory_space<hbm>>) target(%arg15 : memref<40xi32, #tpu.memory_space<vmem>>) target_semaphore(%run_scoped3A : memref<!tpu.dma_semaphore, #tpu.memory_space<semaphore_mem>>)
        %dma_wait3A_185 = tpu.memref_slice %arg5[%add3A_94] : memref<160000xi32, #tpu.memory_space<hbm>> -> memref<40xi32, #tpu.memory_space<hbm>>
        %dma_wait3A_186 = tpu.memref_slice %arg5[%add3A_94] : memref<160000xi32, #tpu.memory_space<hbm>> -> memref<40xi32, #tpu.memory_space<hbm>>
        tpu.wait_dma2 semaphore(%run_scoped3A : memref<!tpu.dma_semaphore, #tpu.memory_space<semaphore_mem>>) src(%dma_wait3A_186 : memref<40xi32, #tpu.memory_space<hbm>>) dst(%arg15 : memref<40xi32, #tpu.memory_space<vmem>>)
        tpu.yield
      }) : () -> ()
      %dma_start3A_95 = arith.constant 0 : i32
      %dma_start3A_96 = arith.constant 0 : i32
      %dma_start3A_97 = tpu.memref_slice %arg22[%dma_start3A_95, %dma_start3A_96] : memref<10112x128xf32, #tpu.memory_space<vmem_shared>> -> memref<10112x128xf32, #tpu.memory_space<vmem_shared>>
      tpu.enqueue_indirect_dma source(%dma_start3A_97 : memref<10112x128xf32, #tpu.memory_space<vmem_shared>>) target(%arg20 : memref<40x128xf32, #tpu.memory_space<vmem>>) offsets(%arg10 : memref<40xi32, #tpu.memory_space<vmem>>) semaphore(%arg26 : memref<!tpu.dma_semaphore, #tpu.memory_space<semaphore_mem>>)
      %gt3A_98 = arith.constant 0 : i32
      %gt3A_99 = arith.cmpi sgt, %scan3A_41, %gt3A_98 : i32
      %convert_element_type3A_100 = arith.extui %gt3A_99 : i1 to i32
      %cond3A_101 = arith.constant 0 : i32
      %cond3A_102 = arith.cmpi ne, %convert_element_type3A_100, %cond3A_101 : i32
      scf.if %cond3A_102 {
        %sub3A = arith.constant 1 : i32
        %sub3A_183 = arith.subi %scan3A_41, %sub3A : i32
        %mul3A_184 = arith.constant 5 : i32
        %mul3A_185 = arith.muli %sub3A_183, %mul3A_184 : i32
        %add3A_186 = arith.constant 4 : i32
        %add3A_187 = arith.addi %mul3A_185, %add3A_186 : i32
        %mul3A_188 = arith.constant 40 : i32
        %mul3A_189 = arith.muli %add3A_187, %mul3A_188 : i32
        %add3A_190 = arith.addi %mul3A_2, %mul3A_189 : i32
        %dma_wait3A_191 = arith.constant 0 : i32
        %dma_wait3A_192 = tpu.memref_slice %arg6[%add3A_190, %dma_wait3A_191] : memref<160000x128xf32, #tpu.memory_space<hbm>> -> memref<40x128xf32, #tpu.memory_space<hbm>>
        %dma_wait3A_193 = arith.constant 0 : i32
        %dma_wait3A_194 = tpu.memref_slice %arg6[%add3A_190, %dma_wait3A_193] : memref<160000x128xf32, #tpu.memory_space<hbm>> -> memref<40x128xf32, #tpu.memory_space<hbm>>
        tpu.wait_dma2 semaphore(%arg32 : memref<!tpu.dma_semaphore, #tpu.memory_space<semaphore_mem>>) src(%arg21 : memref<40x128xf32, #tpu.memory_space<vmem>>) dst(%dma_wait3A_194 : memref<40x128xf32, #tpu.memory_space<hbm>>)
      } else {
      }
      %mul3A_103 = arith.constant 5 : i32
      %mul3A_104 = arith.muli %scan3A_41, %mul3A_103 : i32
      %add3A_105 = arith.constant 4 : i32
      %add3A_106 = arith.addi %mul3A_104, %add3A_105 : i32
      %mul3A_107 = arith.constant 40 : i32
      %mul3A_108 = arith.muli %add3A_106, %mul3A_107 : i32
      %add3A_109 = arith.addi %mul3A_2, %mul3A_108 : i32
      "tpu.region"() ({
        %run_scoped3A = tpu.sem_alloc : memref<!tpu.dma_semaphore, #tpu.memory_space<semaphore_mem>>
        %dma_start3A_183 = tpu.memref_slice %arg4[%add3A_109] : memref<160000xi32, #tpu.memory_space<hbm>> -> memref<40xi32, #tpu.memory_space<hbm>>
        %dma_start3A_184 = tpu.memref_slice %arg4[%add3A_109] : memref<160000xi32, #tpu.memory_space<hbm>> -> memref<40xi32, #tpu.memory_space<hbm>>
        tpu.enqueue_dma source(%dma_start3A_184 : memref<40xi32, #tpu.memory_space<hbm>>) target(%arg11 : memref<40xi32, #tpu.memory_space<vmem>>) target_semaphore(%run_scoped3A : memref<!tpu.dma_semaphore, #tpu.memory_space<semaphore_mem>>)
        %dma_wait3A_185 = tpu.memref_slice %arg4[%add3A_109] : memref<160000xi32, #tpu.memory_space<hbm>> -> memref<40xi32, #tpu.memory_space<hbm>>
        %dma_wait3A_186 = tpu.memref_slice %arg4[%add3A_109] : memref<160000xi32, #tpu.memory_space<hbm>> -> memref<40xi32, #tpu.memory_space<hbm>>
        tpu.wait_dma2 semaphore(%run_scoped3A : memref<!tpu.dma_semaphore, #tpu.memory_space<semaphore_mem>>) src(%dma_wait3A_186 : memref<40xi32, #tpu.memory_space<hbm>>) dst(%arg11 : memref<40xi32, #tpu.memory_space<vmem>>)
        tpu.yield
      }) : () -> ()
      "tpu.region"() ({
        %run_scoped3A = tpu.sem_alloc : memref<!tpu.dma_semaphore, #tpu.memory_space<semaphore_mem>>
        %dma_start3A_183 = tpu.memref_slice %arg5[%add3A_109] : memref<160000xi32, #tpu.memory_space<hbm>> -> memref<40xi32, #tpu.memory_space<hbm>>
        %dma_start3A_184 = tpu.memref_slice %arg5[%add3A_109] : memref<160000xi32, #tpu.memory_space<hbm>> -> memref<40xi32, #tpu.memory_space<hbm>>
        tpu.enqueue_dma source(%dma_start3A_184 : memref<40xi32, #tpu.memory_space<hbm>>) target(%arg16 : memref<40xi32, #tpu.memory_space<vmem>>) target_semaphore(%run_scoped3A : memref<!tpu.dma_semaphore, #tpu.memory_space<semaphore_mem>>)
        %dma_wait3A_185 = tpu.memref_slice %arg5[%add3A_109] : memref<160000xi32, #tpu.memory_space<hbm>> -> memref<40xi32, #tpu.memory_space<hbm>>
        %dma_wait3A_186 = tpu.memref_slice %arg5[%add3A_109] : memref<160000xi32, #tpu.memory_space<hbm>> -> memref<40xi32, #tpu.memory_space<hbm>>
        tpu.wait_dma2 semaphore(%run_scoped3A : memref<!tpu.dma_semaphore, #tpu.memory_space<semaphore_mem>>) src(%dma_wait3A_186 : memref<40xi32, #tpu.memory_space<hbm>>) dst(%arg16 : memref<40xi32, #tpu.memory_space<vmem>>)
        tpu.yield
      }) : () -> ()
      %dma_start3A_110 = arith.constant 0 : i32
      %dma_start3A_111 = arith.constant 0 : i32
      %dma_start3A_112 = tpu.memref_slice %arg22[%dma_start3A_110, %dma_start3A_111] : memref<10112x128xf32, #tpu.memory_space<vmem_shared>> -> memref<10112x128xf32, #tpu.memory_space<vmem_shared>>
      tpu.enqueue_indirect_dma source(%dma_start3A_112 : memref<10112x128xf32, #tpu.memory_space<vmem_shared>>) target(%arg21 : memref<40x128xf32, #tpu.memory_space<vmem>>) offsets(%arg11 : memref<40xi32, #tpu.memory_space<vmem>>) semaphore(%arg27 : memref<!tpu.dma_semaphore, #tpu.memory_space<semaphore_mem>>)
      %mul3A_113 = arith.constant 5 : i32
      %mul3A_114 = arith.muli %scan3A_41, %mul3A_113 : i32
      %add3A_115 = arith.constant 0 : i32
      %add3A_116 = arith.addi %mul3A_114, %add3A_115 : i32
      %mul3A_117 = arith.constant 40 : i32
      %mul3A_118 = arith.muli %add3A_116, %mul3A_117 : i32
      %add3A_119 = arith.addi %mul3A_2, %mul3A_118 : i32
      %dma_wait3A_120 = arith.constant 0 : i32
      %dma_wait3A_121 = arith.constant 0 : i32
      %dma_wait3A_122 = tpu.memref_slice %arg22[%dma_wait3A_120, %dma_wait3A_121] : memref<10112x128xf32, #tpu.memory_space<vmem_shared>> -> memref<10112x128xf32, #tpu.memory_space<vmem_shared>>
      tpu.wait_indirect_dma semaphore(%arg23 : memref<!tpu.dma_semaphore, #tpu.memory_space<semaphore_mem>>) src(%dma_wait3A_122 : memref<10112x128xf32, #tpu.memory_space<vmem_shared>>) dst(%arg17 : memref<40x128xf32, #tpu.memory_space<vmem>>)
      "tpu.region"() ({
        %run_scoped3A = tpu.sem_alloc : memref<!tpu.dma_semaphore, #tpu.memory_space<semaphore_mem>>
        %dma_start3A_183 = arith.constant 0 : i32
        %dma_start3A_184 = arith.constant 0 : i32
        %dma_start3A_185 = tpu.memref_slice %arg3[%dma_start3A_183, %dma_start3A_184] : memref<10112x128xf32, #tpu.memory_space<hbm>> -> memref<10112x128xf32, #tpu.memory_space<hbm>>
        tpu.enqueue_indirect_dma source(%dma_start3A_185 : memref<10112x128xf32, #tpu.memory_space<hbm>>) target(%arg17 : memref<40x128xf32, #tpu.memory_space<vmem>>) offsets(%arg12 : memref<40xi32, #tpu.memory_space<vmem>>) semaphore(%run_scoped3A : memref<!tpu.dma_semaphore, #tpu.memory_space<semaphore_mem>>) {add = true}
        %dma_wait3A_186 = arith.constant 0 : i32
        %dma_wait3A_187 = arith.constant 0 : i32
        %dma_wait3A_188 = tpu.memref_slice %arg3[%dma_wait3A_186, %dma_wait3A_187] : memref<10112x128xf32, #tpu.memory_space<hbm>> -> memref<10112x128xf32, #tpu.memory_space<hbm>>
        tpu.wait_indirect_dma semaphore(%run_scoped3A : memref<!tpu.dma_semaphore, #tpu.memory_space<semaphore_mem>>) src(%dma_wait3A_188 : memref<10112x128xf32, #tpu.memory_space<hbm>>) dst(%arg17 : memref<40x128xf32, #tpu.memory_space<vmem>>)
        tpu.yield
      }) : () -> ()
      %dma_start3A_123 = arith.constant 0 : i32
      %dma_start3A_124 = tpu.memref_slice %arg6[%add3A_119, %dma_start3A_123] : memref<160000x128xf32, #tpu.memory_space<hbm>> -> memref<40x128xf32, #tpu.memory_space<hbm>>
      %dma_start3A_125 = arith.constant 0 : i32
      %dma_start3A_126 = tpu.memref_slice %arg6[%add3A_119, %dma_start3A_125] : memref<160000x128xf32, #tpu.memory_space<hbm>> -> memref<40x128xf32, #tpu.memory_space<hbm>>
      tpu.enqueue_dma source(%arg17 : memref<40x128xf32, #tpu.memory_space<vmem>>) target(%dma_start3A_126 : memref<40x128xf32, #tpu.memory_space<hbm>>) target_semaphore(%arg28 : memref<!tpu.dma_semaphore, #tpu.memory_space<semaphore_mem>>)
      %mul3A_127 = arith.constant 5 : i32
      %mul3A_128 = arith.muli %scan3A_41, %mul3A_127 : i32
      %add3A_129 = arith.constant 1 : i32
      %add3A_130 = arith.addi %mul3A_128, %add3A_129 : i32
      %mul3A_131 = arith.constant 40 : i32
      %mul3A_132 = arith.muli %add3A_130, %mul3A_131 : i32
      %add3A_133 = arith.addi %mul3A_2, %mul3A_132 : i32
      %dma_wait3A_134 = arith.constant 0 : i32
      %dma_wait3A_135 = arith.constant 0 : i32
      %dma_wait3A_136 = tpu.memref_slice %arg22[%dma_wait3A_134, %dma_wait3A_135] : memref<10112x128xf32, #tpu.memory_space<vmem_shared>> -> memref<10112x128xf32, #tpu.memory_space<vmem_shared>>
      tpu.wait_indirect_dma semaphore(%arg24 : memref<!tpu.dma_semaphore, #tpu.memory_space<semaphore_mem>>) src(%dma_wait3A_136 : memref<10112x128xf32, #tpu.memory_space<vmem_shared>>) dst(%arg18 : memref<40x128xf32, #tpu.memory_space<vmem>>)
      "tpu.region"() ({
        %run_scoped3A = tpu.sem_alloc : memref<!tpu.dma_semaphore, #tpu.memory_space<semaphore_mem>>
        %dma_start3A_183 = arith.constant 0 : i32
        %dma_start3A_184 = arith.constant 0 : i32
        %dma_start3A_185 = tpu.memref_slice %arg3[%dma_start3A_183, %dma_start3A_184] : memref<10112x128xf32, #tpu.memory_space<hbm>> -> memref<10112x128xf32, #tpu.memory_space<hbm>>
        tpu.enqueue_indirect_dma source(%dma_start3A_185 : memref<10112x128xf32, #tpu.memory_space<hbm>>) target(%arg18 : memref<40x128xf32, #tpu.memory_space<vmem>>) offsets(%arg13 : memref<40xi32, #tpu.memory_space<vmem>>) semaphore(%run_scoped3A : memref<!tpu.dma_semaphore, #tpu.memory_space<semaphore_mem>>) {add = true}
        %dma_wait3A_186 = arith.constant 0 : i32
        %dma_wait3A_187 = arith.constant 0 : i32
        %dma_wait3A_188 = tpu.memref_slice %arg3[%dma_wait3A_186, %dma_wait3A_187] : memref<10112x128xf32, #tpu.memory_space<hbm>> -> memref<10112x128xf32, #tpu.memory_space<hbm>>
        tpu.wait_indirect_dma semaphore(%run_scoped3A : memref<!tpu.dma_semaphore, #tpu.memory_space<semaphore_mem>>) src(%dma_wait3A_188 : memref<10112x128xf32, #tpu.memory_space<hbm>>) dst(%arg18 : memref<40x128xf32, #tpu.memory_space<vmem>>)
        tpu.yield
      }) : () -> ()
      %dma_start3A_137 = arith.constant 0 : i32
      %dma_start3A_138 = tpu.memref_slice %arg6[%add3A_133, %dma_start3A_137] : memref<160000x128xf32, #tpu.memory_space<hbm>> -> memref<40x128xf32, #tpu.memory_space<hbm>>
      %dma_start3A_139 = arith.constant 0 : i32
      %dma_start3A_140 = tpu.memref_slice %arg6[%add3A_133, %dma_start3A_139] : memref<160000x128xf32, #tpu.memory_space<hbm>> -> memref<40x128xf32, #tpu.memory_space<hbm>>
      tpu.enqueue_dma source(%arg18 : memref<40x128xf32, #tpu.memory_space<vmem>>) target(%dma_start3A_140 : memref<40x128xf32, #tpu.memory_space<hbm>>) target_semaphore(%arg29 : memref<!tpu.dma_semaphore, #tpu.memory_space<semaphore_mem>>)
      %mul3A_141 = arith.constant 5 : i32
      %mul3A_142 = arith.muli %scan3A_41, %mul3A_141 : i32
      %add3A_143 = arith.constant 2 : i32
      %add3A_144 = arith.addi %mul3A_142, %add3A_143 : i32
      %mul3A_145 = arith.constant 40 : i32
      %mul3A_146 = arith.muli %add3A_144, %mul3A_145 : i32
      %add3A_147 = arith.addi %mul3A_2, %mul3A_146 : i32
      %dma_wait3A_148 = arith.constant 0 : i32
      %dma_wait3A_149 = arith.constant 0 : i32
      %dma_wait3A_150 = tpu.memref_slice %arg22[%dma_wait3A_148, %dma_wait3A_149] : memref<10112x128xf32, #tpu.memory_space<vmem_shared>> -> memref<10112x128xf32, #tpu.memory_space<vmem_shared>>
      tpu.wait_indirect_dma semaphore(%arg25 : memref<!tpu.dma_semaphore, #tpu.memory_space<semaphore_mem>>) src(%dma_wait3A_150 : memref<10112x128xf32, #tpu.memory_space<vmem_shared>>) dst(%arg19 : memref<40x128xf32, #tpu.memory_space<vmem>>)
      "tpu.region"() ({
        %run_scoped3A = tpu.sem_alloc : memref<!tpu.dma_semaphore, #tpu.memory_space<semaphore_mem>>
        %dma_start3A_183 = arith.constant 0 : i32
        %dma_start3A_184 = arith.constant 0 : i32
        %dma_start3A_185 = tpu.memref_slice %arg3[%dma_start3A_183, %dma_start3A_184] : memref<10112x128xf32, #tpu.memory_space<hbm>> -> memref<10112x128xf32, #tpu.memory_space<hbm>>
        tpu.enqueue_indirect_dma source(%dma_start3A_185 : memref<10112x128xf32, #tpu.memory_space<hbm>>) target(%arg19 : memref<40x128xf32, #tpu.memory_space<vmem>>) offsets(%arg14 : memref<40xi32, #tpu.memory_space<vmem>>) semaphore(%run_scoped3A : memref<!tpu.dma_semaphore, #tpu.memory_space<semaphore_mem>>) {add = true}
        %dma_wait3A_186 = arith.constant 0 : i32
        %dma_wait3A_187 = arith.constant 0 : i32
        %dma_wait3A_188 = tpu.memref_slice %arg3[%dma_wait3A_186, %dma_wait3A_187] : memref<10112x128xf32, #tpu.memory_space<hbm>> -> memref<10112x128xf32, #tpu.memory_space<hbm>>
        tpu.wait_indirect_dma semaphore(%run_scoped3A : memref<!tpu.dma_semaphore, #tpu.memory_space<semaphore_mem>>) src(%dma_wait3A_188 : memref<10112x128xf32, #tpu.memory_space<hbm>>) dst(%arg19 : memref<40x128xf32, #tpu.memory_space<vmem>>)
        tpu.yield
      }) : () -> ()
      %dma_start3A_151 = arith.constant 0 : i32
      %dma_start3A_152 = tpu.memref_slice %arg6[%add3A_147, %dma_start3A_151] : memref<160000x128xf32, #tpu.memory_space<hbm>> -> memref<40x128xf32, #tpu.memory_space<hbm>>
      %dma_start3A_153 = arith.constant 0 : i32
      %dma_start3A_154 = tpu.memref_slice %arg6[%add3A_147, %dma_start3A_153] : memref<160000x128xf32, #tpu.memory_space<hbm>> -> memref<40x128xf32, #tpu.memory_space<hbm>>
      tpu.enqueue_dma source(%arg19 : memref<40x128xf32, #tpu.memory_space<vmem>>) target(%dma_start3A_154 : memref<40x128xf32, #tpu.memory_space<hbm>>) target_semaphore(%arg30 : memref<!tpu.dma_semaphore, #tpu.memory_space<semaphore_mem>>)
      %mul3A_155 = arith.constant 5 : i32
      %mul3A_156 = arith.muli %scan3A_41, %mul3A_155 : i32
      %add3A_157 = arith.constant 3 : i32
      %add3A_158 = arith.addi %mul3A_156, %add3A_157 : i32
      %mul3A_159 = arith.constant 40 : i32
      %mul3A_160 = arith.muli %add3A_158, %mul3A_159 : i32
      %add3A_161 = arith.addi %mul3A_2, %mul3A_160 : i32
      %dma_wait3A_162 = arith.constant 0 : i32
      %dma_wait3A_163 = arith.constant 0 : i32
      %dma_wait3A_164 = tpu.memref_slice %arg22[%dma_wait3A_162, %dma_wait3A_163] : memref<10112x128xf32, #tpu.memory_space<vmem_shared>> -> memref<10112x128xf32, #tpu.memory_space<vmem_shared>>
      tpu.wait_indirect_dma semaphore(%arg26 : memref<!tpu.dma_semaphore, #tpu.memory_space<semaphore_mem>>) src(%dma_wait3A_164 : memref<10112x128xf32, #tpu.memory_space<vmem_shared>>) dst(%arg20 : memref<40x128xf32, #tpu.memory_space<vmem>>)
      "tpu.region"() ({
        %run_scoped3A = tpu.sem_alloc : memref<!tpu.dma_semaphore, #tpu.memory_space<semaphore_mem>>
        %dma_start3A_183 = arith.constant 0 : i32
        %dma_start3A_184 = arith.constant 0 : i32
        %dma_start3A_185 = tpu.memref_slice %arg3[%dma_start3A_183, %dma_start3A_184] : memref<10112x128xf32, #tpu.memory_space<hbm>> -> memref<10112x128xf32, #tpu.memory_space<hbm>>
        tpu.enqueue_indirect_dma source(%dma_start3A_185 : memref<10112x128xf32, #tpu.memory_space<hbm>>) target(%arg20 : memref<40x128xf32, #tpu.memory_space<vmem>>) offsets(%arg15 : memref<40xi32, #tpu.memory_space<vmem>>) semaphore(%run_scoped3A : memref<!tpu.dma_semaphore, #tpu.memory_space<semaphore_mem>>) {add = true}
        %dma_wait3A_186 = arith.constant 0 : i32
        %dma_wait3A_187 = arith.constant 0 : i32
        %dma_wait3A_188 = tpu.memref_slice %arg3[%dma_wait3A_186, %dma_wait3A_187] : memref<10112x128xf32, #tpu.memory_space<hbm>> -> memref<10112x128xf32, #tpu.memory_space<hbm>>
        tpu.wait_indirect_dma semaphore(%run_scoped3A : memref<!tpu.dma_semaphore, #tpu.memory_space<semaphore_mem>>) src(%dma_wait3A_188 : memref<10112x128xf32, #tpu.memory_space<hbm>>) dst(%arg20 : memref<40x128xf32, #tpu.memory_space<vmem>>)
        tpu.yield
      }) : () -> ()
      %dma_start3A_165 = arith.constant 0 : i32
      %dma_start3A_166 = tpu.memref_slice %arg6[%add3A_161, %dma_start3A_165] : memref<160000x128xf32, #tpu.memory_space<hbm>> -> memref<40x128xf32, #tpu.memory_space<hbm>>
      %dma_start3A_167 = arith.constant 0 : i32
      %dma_start3A_168 = tpu.memref_slice %arg6[%add3A_161, %dma_start3A_167] : memref<160000x128xf32, #tpu.memory_space<hbm>> -> memref<40x128xf32, #tpu.memory_space<hbm>>
      tpu.enqueue_dma source(%arg20 : memref<40x128xf32, #tpu.memory_space<vmem>>) target(%dma_start3A_168 : memref<40x128xf32, #tpu.memory_space<hbm>>) target_semaphore(%arg31 : memref<!tpu.dma_semaphore, #tpu.memory_space<semaphore_mem>>)
      %mul3A_169 = arith.constant 5 : i32
      %mul3A_170 = arith.muli %scan3A_41, %mul3A_169 : i32
      %add3A_171 = arith.constant 4 : i32
      %add3A_172 = arith.addi %mul3A_170, %add3A_171 : i32
      %mul3A_173 = arith.constant 40 : i32
      %mul3A_174 = arith.muli %add3A_172, %mul3A_173 : i32
      %add3A_175 = arith.addi %mul3A_2, %mul3A_174 : i32
      %dma_wait3A_176 = arith.constant 0 : i32
      %dma_wait3A_177 = arith.constant 0 : i32
      %dma_wait3A_178 = tpu.memref_slice %arg22[%dma_wait3A_176, %dma_wait3A_177] : memref<10112x128xf32, #tpu.memory_space<vmem_shared>> -> memref<10112x128xf32, #tpu.memory_space<vmem_shared>>
      tpu.wait_indirect_dma semaphore(%arg27 : memref<!tpu.dma_semaphore, #tpu.memory_space<semaphore_mem>>) src(%dma_wait3A_178 : memref<10112x128xf32, #tpu.memory_space<vmem_shared>>) dst(%arg21 : memref<40x128xf32, #tpu.memory_space<vmem>>)
      "tpu.region"() ({
        %run_scoped3A = tpu.sem_alloc : memref<!tpu.dma_semaphore, #tpu.memory_space<semaphore_mem>>
        %dma_start3A_183 = arith.constant 0 : i32
        %dma_start3A_184 = arith.constant 0 : i32
        %dma_start3A_185 = tpu.memref_slice %arg3[%dma_start3A_183, %dma_start3A_184] : memref<10112x128xf32, #tpu.memory_space<hbm>> -> memref<10112x128xf32, #tpu.memory_space<hbm>>
        tpu.enqueue_indirect_dma source(%dma_start3A_185 : memref<10112x128xf32, #tpu.memory_space<hbm>>) target(%arg21 : memref<40x128xf32, #tpu.memory_space<vmem>>) offsets(%arg16 : memref<40xi32, #tpu.memory_space<vmem>>) semaphore(%run_scoped3A : memref<!tpu.dma_semaphore, #tpu.memory_space<semaphore_mem>>) {add = true}
        %dma_wait3A_186 = arith.constant 0 : i32
        %dma_wait3A_187 = arith.constant 0 : i32
        %dma_wait3A_188 = tpu.memref_slice %arg3[%dma_wait3A_186, %dma_wait3A_187] : memref<10112x128xf32, #tpu.memory_space<hbm>> -> memref<10112x128xf32, #tpu.memory_space<hbm>>
        tpu.wait_indirect_dma semaphore(%run_scoped3A : memref<!tpu.dma_semaphore, #tpu.memory_space<semaphore_mem>>) src(%dma_wait3A_188 : memref<10112x128xf32, #tpu.memory_space<hbm>>) dst(%arg21 : memref<40x128xf32, #tpu.memory_space<vmem>>)
        tpu.yield
      }) : () -> ()
      %dma_start3A_179 = arith.constant 0 : i32
      %dma_start3A_180 = tpu.memref_slice %arg6[%add3A_175, %dma_start3A_179] : memref<160000x128xf32, #tpu.memory_space<hbm>> -> memref<40x128xf32, #tpu.memory_space<hbm>>
      %dma_start3A_181 = arith.constant 0 : i32
      %dma_start3A_182 = tpu.memref_slice %arg6[%add3A_175, %dma_start3A_181] : memref<160000x128xf32, #tpu.memory_space<hbm>> -> memref<40x128xf32, #tpu.memory_space<hbm>>
      tpu.enqueue_dma source(%arg21 : memref<40x128xf32, #tpu.memory_space<vmem>>) target(%dma_start3A_182 : memref<40x128xf32, #tpu.memory_space<hbm>>) target_semaphore(%arg32 : memref<!tpu.dma_semaphore, #tpu.memory_space<semaphore_mem>>)
    }
    %scan3A_11 = arith.constant 25 : i32
    %add3A_12 = arith.constant 4800 : i32
    %add3A_13 = arith.addi %mul3A_2, %add3A_12 : i32
    %dma_wait3A = arith.constant 0 : i32
    %dma_wait3A_14 = tpu.memref_slice %arg6[%add3A_13, %dma_wait3A] : memref<160000x128xf32, #tpu.memory_space<hbm>> -> memref<40x128xf32, #tpu.memory_space<hbm>>
    %dma_wait3A_15 = arith.constant 0 : i32
    %dma_wait3A_16 = tpu.memref_slice %arg6[%add3A_13, %dma_wait3A_15] : memref<160000x128xf32, #tpu.memory_space<hbm>> -> memref<40x128xf32, #tpu.memory_space<hbm>>
    tpu.wait_dma2 semaphore(%arg28 : memref<!tpu.dma_semaphore, #tpu.memory_space<semaphore_mem>>) src(%arg17 : memref<40x128xf32, #tpu.memory_space<vmem>>) dst(%dma_wait3A_16 : memref<40x128xf32, #tpu.memory_space<hbm>>)
    %add3A_17 = arith.constant 4840 : i32
    %add3A_18 = arith.addi %mul3A_2, %add3A_17 : i32
    %dma_wait3A_19 = arith.constant 0 : i32
    %dma_wait3A_20 = tpu.memref_slice %arg6[%add3A_18, %dma_wait3A_19] : memref<160000x128xf32, #tpu.memory_space<hbm>> -> memref<40x128xf32, #tpu.memory_space<hbm>>
    %dma_wait3A_21 = arith.constant 0 : i32
    %dma_wait3A_22 = tpu.memref_slice %arg6[%add3A_18, %dma_wait3A_21] : memref<160000x128xf32, #tpu.memory_space<hbm>> -> memref<40x128xf32, #tpu.memory_space<hbm>>
    tpu.wait_dma2 semaphore(%arg29 : memref<!tpu.dma_semaphore, #tpu.memory_space<semaphore_mem>>) src(%arg18 : memref<40x128xf32, #tpu.memory_space<vmem>>) dst(%dma_wait3A_22 : memref<40x128xf32, #tpu.memory_space<hbm>>)
    %add3A_23 = arith.constant 4880 : i32
    %add3A_24 = arith.addi %mul3A_2, %add3A_23 : i32
    %dma_wait3A_25 = arith.constant 0 : i32
    %dma_wait3A_26 = tpu.memref_slice %arg6[%add3A_24, %dma_wait3A_25] : memref<160000x128xf32, #tpu.memory_space<hbm>> -> memref<40x128xf32, #tpu.memory_space<hbm>>
    %dma_wait3A_27 = arith.constant 0 : i32
    %dma_wait3A_28 = tpu.memref_slice %arg6[%add3A_24, %dma_wait3A_27] : memref<160000x128xf32, #tpu.memory_space<hbm>> -> memref<40x128xf32, #tpu.memory_space<hbm>>
    tpu.wait_dma2 semaphore(%arg30 : memref<!tpu.dma_semaphore, #tpu.memory_space<semaphore_mem>>) src(%arg19 : memref<40x128xf32, #tpu.memory_space<vmem>>) dst(%dma_wait3A_28 : memref<40x128xf32, #tpu.memory_space<hbm>>)
    %add3A_29 = arith.constant 4920 : i32
    %add3A_30 = arith.addi %mul3A_2, %add3A_29 : i32
    %dma_wait3A_31 = arith.constant 0 : i32
    %dma_wait3A_32 = tpu.memref_slice %arg6[%add3A_30, %dma_wait3A_31] : memref<160000x128xf32, #tpu.memory_space<hbm>> -> memref<40x128xf32, #tpu.memory_space<hbm>>
    %dma_wait3A_33 = arith.constant 0 : i32
    %dma_wait3A_34 = tpu.memref_slice %arg6[%add3A_30, %dma_wait3A_33] : memref<160000x128xf32, #tpu.memory_space<hbm>> -> memref<40x128xf32, #tpu.memory_space<hbm>>
    tpu.wait_dma2 semaphore(%arg31 : memref<!tpu.dma_semaphore, #tpu.memory_space<semaphore_mem>>) src(%arg20 : memref<40x128xf32, #tpu.memory_space<vmem>>) dst(%dma_wait3A_34 : memref<40x128xf32, #tpu.memory_space<hbm>>)
    %add3A_35 = arith.constant 4960 : i32
    %add3A_36 = arith.addi %mul3A_2, %add3A_35 : i32
    %dma_wait3A_37 = arith.constant 0 : i32
    %dma_wait3A_38 = tpu.memref_slice %arg6[%add3A_36, %dma_wait3A_37] : memref<160000x128xf32, #tpu.memory_space<hbm>> -> memref<40x128xf32, #tpu.memory_space<hbm>>
    %dma_wait3A_39 = arith.constant 0 : i32
    %dma_wait3A_40 = tpu.memref_slice %arg6[%add3A_36, %dma_wait3A_39] : memref<160000x128xf32, #tpu.memory_space<hbm>> -> memref<40x128xf32, #tpu.memory_space<hbm>>
    tpu.wait_dma2 semaphore(%arg32 : memref<!tpu.dma_semaphore, #tpu.memory_space<semaphore_mem>>) src(%arg21 : memref<40x128xf32, #tpu.memory_space<vmem>>) dst(%dma_wait3A_40 : memref<40x128xf32, #tpu.memory_space<hbm>>)
    return
  }
}

#map = affine_map<(d0, d1) -> (0, 0)>
#map1 = affine_map<(d0, d1) -> (0)>
#map2 = affine_map<(d0, d1) -> (0, 0, 0)>
module attributes {stable_mosaic.version = 14 : i64} {
  func.func @sk(%arg0: i32, %arg1: i32, %arg2: memref<160000x128xf32, #tpu.memory_space<hbm>>, %arg3: memref<160000xi32, #tpu.memory_space<hbm>>, %arg4: memref<632x128xf32, #tpu.memory_space<hbm>>, %arg5: memref<2x10112x128xf32, #tpu.memory_space<hbm>>, %arg6: memref<40xi32, #tpu.memory_space<vmem>>, %arg7: memref<40xi32, #tpu.memory_space<vmem>>, %arg8: memref<40xi32, #tpu.memory_space<vmem>>, %arg9: memref<40xi32, #tpu.memory_space<vmem>>, %arg10: memref<40xi32, #tpu.memory_space<vmem>>, %arg11: memref<40x128xf32, #tpu.memory_space<vmem>>, %arg12: memref<40x128xf32, #tpu.memory_space<vmem>>, %arg13: memref<40x128xf32, #tpu.memory_space<vmem>>, %arg14: memref<40x128xf32, #tpu.memory_space<vmem>>, %arg15: memref<40x128xf32, #tpu.memory_space<vmem>>, %arg16: memref<10112x128xf32, #tpu.memory_space<vmem_shared>>, %arg17: memref<!tpu.dma_semaphore, #tpu.memory_space<semaphore_mem>>, %arg18: memref<!tpu.dma_semaphore, #tpu.memory_space<semaphore_mem>>, %arg19: memref<!tpu.dma_semaphore, #tpu.memory_space<semaphore_mem>>, %arg20: memref<!tpu.dma_semaphore, #tpu.memory_space<semaphore_mem>>, %arg21: memref<!tpu.dma_semaphore, #tpu.memory_space<semaphore_mem>>) attributes {dimension_semantics = [#tpu.dimension_semantics<core_parallel>, #tpu.dimension_semantics<subcore_parallel>], iteration_bounds = array<i64: 2, 16>, scalar_prefetch = 0 : i64, scratch_operands = 16 : i64, tpu.core_type = #tpu.core_type<sc_vector_subcore>, window_params = [{transform_indices = #map}, {transform_indices = #map1}, {transform_indices = #map}, {transform_indices = #map2}]} {
    %mul3A = arith.constant 632 : i32
    %mul3A_0 = arith.muli %arg1, %mul3A : i32
    "tpu.region"() ({
      %run_scoped3A = tpu.sem_alloc : memref<!tpu.dma_semaphore, #tpu.memory_space<semaphore_mem>>
      %dma_start3A_44 = arith.constant 0 : i32
      %dma_start3A_45 = tpu.memref_slice %arg16[%mul3A_0, %dma_start3A_44] : memref<10112x128xf32, #tpu.memory_space<vmem_shared>> -> memref<632x128xf32, #tpu.memory_space<vmem_shared>>
      tpu.enqueue_dma source(%arg4 : memref<632x128xf32, #tpu.memory_space<hbm>>) target(%dma_start3A_45 : memref<632x128xf32, #tpu.memory_space<vmem_shared>>) target_semaphore(%run_scoped3A : memref<!tpu.dma_semaphore, #tpu.memory_space<semaphore_mem>>)
      %dma_wait3A = arith.constant 0 : i32
      %dma_wait3A_46 = tpu.memref_slice %arg16[%mul3A_0, %dma_wait3A] : memref<10112x128xf32, #tpu.memory_space<vmem_shared>> -> memref<632x128xf32, #tpu.memory_space<vmem_shared>>
      tpu.wait_dma2 semaphore(%run_scoped3A : memref<!tpu.dma_semaphore, #tpu.memory_space<semaphore_mem>>) src(%arg4 : memref<632x128xf32, #tpu.memory_space<hbm>>) dst(%dma_wait3A_46 : memref<632x128xf32, #tpu.memory_space<vmem_shared>>)
      tpu.yield
    }) : () -> ()
    %mul3A_1 = arith.constant 2 : i32
    %mul3A_2 = arith.muli %arg1, %mul3A_1 : i32
    %add3A = arith.addi %mul3A_2, %arg0 : i32
    %mul3A_3 = arith.constant 5000 : i32
    %mul3A_4 = arith.muli %add3A, %mul3A_3 : i32
    %add3A_5 = arith.constant 0 : i32
    %add3A_6 = arith.addi %mul3A_4, %add3A_5 : i32
    %dma_start3A = arith.constant 0 : i32
    %dma_start3A_7 = tpu.memref_slice %arg2[%add3A_6, %dma_start3A] : memref<160000x128xf32, #tpu.memory_space<hbm>> -> memref<40x128xf32, #tpu.memory_space<hbm>>
    %dma_start3A_8 = arith.constant 0 : i32
    %dma_start3A_9 = tpu.memref_slice %arg2[%add3A_6, %dma_start3A_8] : memref<160000x128xf32, #tpu.memory_space<hbm>> -> memref<40x128xf32, #tpu.memory_space<hbm>>
    tpu.enqueue_dma source(%dma_start3A_9 : memref<40x128xf32, #tpu.memory_space<hbm>>) target(%arg11 : memref<40x128xf32, #tpu.memory_space<vmem>>) target_semaphore(%arg17 : memref<!tpu.dma_semaphore, #tpu.memory_space<semaphore_mem>>)
    %add3A_10 = arith.constant 40 : i32
    %add3A_11 = arith.addi %mul3A_4, %add3A_10 : i32
    %dma_start3A_12 = arith.constant 0 : i32
    %dma_start3A_13 = tpu.memref_slice %arg2[%add3A_11, %dma_start3A_12] : memref<160000x128xf32, #tpu.memory_space<hbm>> -> memref<40x128xf32, #tpu.memory_space<hbm>>
    %dma_start3A_14 = arith.constant 0 : i32
    %dma_start3A_15 = tpu.memref_slice %arg2[%add3A_11, %dma_start3A_14] : memref<160000x128xf32, #tpu.memory_space<hbm>> -> memref<40x128xf32, #tpu.memory_space<hbm>>
    tpu.enqueue_dma source(%dma_start3A_15 : memref<40x128xf32, #tpu.memory_space<hbm>>) target(%arg12 : memref<40x128xf32, #tpu.memory_space<vmem>>) target_semaphore(%arg18 : memref<!tpu.dma_semaphore, #tpu.memory_space<semaphore_mem>>)
    %add3A_16 = arith.constant 80 : i32
    %add3A_17 = arith.addi %mul3A_4, %add3A_16 : i32
    %dma_start3A_18 = arith.constant 0 : i32
    %dma_start3A_19 = tpu.memref_slice %arg2[%add3A_17, %dma_start3A_18] : memref<160000x128xf32, #tpu.memory_space<hbm>> -> memref<40x128xf32, #tpu.memory_space<hbm>>
    %dma_start3A_20 = arith.constant 0 : i32
    %dma_start3A_21 = tpu.memref_slice %arg2[%add3A_17, %dma_start3A_20] : memref<160000x128xf32, #tpu.memory_space<hbm>> -> memref<40x128xf32, #tpu.memory_space<hbm>>
    tpu.enqueue_dma source(%dma_start3A_21 : memref<40x128xf32, #tpu.memory_space<hbm>>) target(%arg13 : memref<40x128xf32, #tpu.memory_space<vmem>>) target_semaphore(%arg19 : memref<!tpu.dma_semaphore, #tpu.memory_space<semaphore_mem>>)
    %add3A_22 = arith.constant 120 : i32
    %add3A_23 = arith.addi %mul3A_4, %add3A_22 : i32
    %dma_start3A_24 = arith.constant 0 : i32
    %dma_start3A_25 = tpu.memref_slice %arg2[%add3A_23, %dma_start3A_24] : memref<160000x128xf32, #tpu.memory_space<hbm>> -> memref<40x128xf32, #tpu.memory_space<hbm>>
    %dma_start3A_26 = arith.constant 0 : i32
    %dma_start3A_27 = tpu.memref_slice %arg2[%add3A_23, %dma_start3A_26] : memref<160000x128xf32, #tpu.memory_space<hbm>> -> memref<40x128xf32, #tpu.memory_space<hbm>>
    tpu.enqueue_dma source(%dma_start3A_27 : memref<40x128xf32, #tpu.memory_space<hbm>>) target(%arg14 : memref<40x128xf32, #tpu.memory_space<vmem>>) target_semaphore(%arg20 : memref<!tpu.dma_semaphore, #tpu.memory_space<semaphore_mem>>)
    %add3A_28 = arith.constant 160 : i32
    %add3A_29 = arith.addi %mul3A_4, %add3A_28 : i32
    %dma_start3A_30 = arith.constant 0 : i32
    %dma_start3A_31 = tpu.memref_slice %arg2[%add3A_29, %dma_start3A_30] : memref<160000x128xf32, #tpu.memory_space<hbm>> -> memref<40x128xf32, #tpu.memory_space<hbm>>
    %dma_start3A_32 = arith.constant 0 : i32
    %dma_start3A_33 = tpu.memref_slice %arg2[%add3A_29, %dma_start3A_32] : memref<160000x128xf32, #tpu.memory_space<hbm>> -> memref<40x128xf32, #tpu.memory_space<hbm>>
    tpu.enqueue_dma source(%dma_start3A_33 : memref<40x128xf32, #tpu.memory_space<hbm>>) target(%arg15 : memref<40x128xf32, #tpu.memory_space<vmem>>) target_semaphore(%arg21 : memref<!tpu.dma_semaphore, #tpu.memory_space<semaphore_mem>>)
    %barrier3A = arith.constant 0 : index
    tpu.barrier barrier_id(%barrier3A)
    %scan3A = arith.constant 0 : i32
    %scan3A_34 = arith.constant 0 : i32
    %scan3A_35 = arith.constant 25 : i32
    %scan3A_36 = arith.addi %scan3A_34, %scan3A_35 : i32
    %scan3A_37 = arith.constant 1 : i32
    scf.for %scan3A_44 = %scan3A_34 to %scan3A_36 step %scan3A_37  : i32 {
      %mul3A_45 = arith.constant 5 : i32
      %mul3A_46 = arith.muli %scan3A_44, %mul3A_45 : i32
      %add3A_47 = arith.constant 0 : i32
      %add3A_48 = arith.addi %mul3A_46, %add3A_47 : i32
      %mul3A_49 = arith.constant 40 : i32
      %mul3A_50 = arith.muli %add3A_48, %mul3A_49 : i32
      %add3A_51 = arith.addi %mul3A_4, %mul3A_50 : i32
      "tpu.region"() ({
        %run_scoped3A = tpu.sem_alloc : memref<!tpu.dma_semaphore, #tpu.memory_space<semaphore_mem>>
        %dma_start3A_121 = tpu.memref_slice %arg3[%add3A_51] : memref<160000xi32, #tpu.memory_space<hbm>> -> memref<40xi32, #tpu.memory_space<hbm>>
        %dma_start3A_122 = tpu.memref_slice %arg3[%add3A_51] : memref<160000xi32, #tpu.memory_space<hbm>> -> memref<40xi32, #tpu.memory_space<hbm>>
        tpu.enqueue_dma source(%dma_start3A_122 : memref<40xi32, #tpu.memory_space<hbm>>) target(%arg6 : memref<40xi32, #tpu.memory_space<vmem>>) target_semaphore(%run_scoped3A : memref<!tpu.dma_semaphore, #tpu.memory_space<semaphore_mem>>)
        %dma_wait3A_123 = tpu.memref_slice %arg3[%add3A_51] : memref<160000xi32, #tpu.memory_space<hbm>> -> memref<40xi32, #tpu.memory_space<hbm>>
        %dma_wait3A_124 = tpu.memref_slice %arg3[%add3A_51] : memref<160000xi32, #tpu.memory_space<hbm>> -> memref<40xi32, #tpu.memory_space<hbm>>
        tpu.wait_dma2 semaphore(%run_scoped3A : memref<!tpu.dma_semaphore, #tpu.memory_space<semaphore_mem>>) src(%dma_wait3A_124 : memref<40xi32, #tpu.memory_space<hbm>>) dst(%arg6 : memref<40xi32, #tpu.memory_space<vmem>>)
        tpu.yield
      }) : () -> ()
      %dma_wait3A = arith.constant 0 : i32
      %dma_wait3A_52 = tpu.memref_slice %arg2[%add3A_51, %dma_wait3A] : memref<160000x128xf32, #tpu.memory_space<hbm>> -> memref<40x128xf32, #tpu.memory_space<hbm>>
      %dma_wait3A_53 = arith.constant 0 : i32
      %dma_wait3A_54 = tpu.memref_slice %arg2[%add3A_51, %dma_wait3A_53] : memref<160000x128xf32, #tpu.memory_space<hbm>> -> memref<40x128xf32, #tpu.memory_space<hbm>>
      tpu.wait_dma2 semaphore(%arg17 : memref<!tpu.dma_semaphore, #tpu.memory_space<semaphore_mem>>) src(%dma_wait3A_54 : memref<40x128xf32, #tpu.memory_space<hbm>>) dst(%arg11 : memref<40x128xf32, #tpu.memory_space<vmem>>)
      "tpu.region"() ({
        %run_scoped3A = tpu.sem_alloc : memref<!tpu.dma_semaphore, #tpu.memory_space<semaphore_mem>>
        %dma_start3A_121 = arith.constant 0 : i32
        %dma_start3A_122 = arith.constant 0 : i32
        %dma_start3A_123 = tpu.memref_slice %arg16[%dma_start3A_121, %dma_start3A_122] : memref<10112x128xf32, #tpu.memory_space<vmem_shared>> -> memref<10112x128xf32, #tpu.memory_space<vmem_shared>>
        tpu.enqueue_indirect_dma source(%arg11 : memref<40x128xf32, #tpu.memory_space<vmem>>) target(%dma_start3A_123 : memref<10112x128xf32, #tpu.memory_space<vmem_shared>>) offsets(%arg6 : memref<40xi32, #tpu.memory_space<vmem>>) semaphore(%run_scoped3A : memref<!tpu.dma_semaphore, #tpu.memory_space<semaphore_mem>>) {add = true}
        %dma_wait3A_124 = arith.constant 0 : i32
        %dma_wait3A_125 = arith.constant 0 : i32
        %dma_wait3A_126 = tpu.memref_slice %arg16[%dma_wait3A_124, %dma_wait3A_125] : memref<10112x128xf32, #tpu.memory_space<vmem_shared>> -> memref<10112x128xf32, #tpu.memory_space<vmem_shared>>
        tpu.wait_indirect_dma semaphore(%run_scoped3A : memref<!tpu.dma_semaphore, #tpu.memory_space<semaphore_mem>>) src(%arg11 : memref<40x128xf32, #tpu.memory_space<vmem>>) dst(%dma_wait3A_126 : memref<10112x128xf32, #tpu.memory_space<vmem_shared>>)
        tpu.yield
      }) : () -> ()
      %lt3A = arith.constant 24 : i32
      %lt3A_55 = arith.cmpi slt, %scan3A_44, %lt3A : i32
      %convert_element_type3A = arith.extui %lt3A_55 : i1 to i32
      %cond3A = arith.constant 0 : i32
      %cond3A_56 = arith.cmpi ne, %convert_element_type3A, %cond3A : i32
      scf.if %cond3A_56 {
        %add3A_121 = arith.constant 1 : i32
        %add3A_122 = arith.addi %scan3A_44, %add3A_121 : i32
        %mul3A_123 = arith.constant 5 : i32
        %mul3A_124 = arith.muli %add3A_122, %mul3A_123 : i32
        %add3A_125 = arith.constant 0 : i32
        %add3A_126 = arith.addi %mul3A_124, %add3A_125 : i32
        %mul3A_127 = arith.constant 40 : i32
        %mul3A_128 = arith.muli %add3A_126, %mul3A_127 : i32
        %add3A_129 = arith.addi %mul3A_4, %mul3A_128 : i32
        %dma_start3A_130 = arith.constant 0 : i32
        %dma_start3A_131 = tpu.memref_slice %arg2[%add3A_129, %dma_start3A_130] : memref<160000x128xf32, #tpu.memory_space<hbm>> -> memref<40x128xf32, #tpu.memory_space<hbm>>
        %dma_start3A_132 = arith.constant 0 : i32
        %dma_start3A_133 = tpu.memref_slice %arg2[%add3A_129, %dma_start3A_132] : memref<160000x128xf32, #tpu.memory_space<hbm>> -> memref<40x128xf32, #tpu.memory_space<hbm>>
        tpu.enqueue_dma source(%dma_start3A_133 : memref<40x128xf32, #tpu.memory_space<hbm>>) target(%arg11 : memref<40x128xf32, #tpu.memory_space<vmem>>) target_semaphore(%arg17 : memref<!tpu.dma_semaphore, #tpu.memory_space<semaphore_mem>>)
      } else {
      }
      %mul3A_57 = arith.constant 5 : i32
      %mul3A_58 = arith.muli %scan3A_44, %mul3A_57 : i32
      %add3A_59 = arith.constant 1 : i32
      %add3A_60 = arith.addi %mul3A_58, %add3A_59 : i32
      %mul3A_61 = arith.constant 40 : i32
      %mul3A_62 = arith.muli %add3A_60, %mul3A_61 : i32
      %add3A_63 = arith.addi %mul3A_4, %mul3A_62 : i32
      "tpu.region"() ({
        %run_scoped3A = tpu.sem_alloc : memref<!tpu.dma_semaphore, #tpu.memory_space<semaphore_mem>>
        %dma_start3A_121 = tpu.memref_slice %arg3[%add3A_63] : memref<160000xi32, #tpu.memory_space<hbm>> -> memref<40xi32, #tpu.memory_space<hbm>>
        %dma_start3A_122 = tpu.memref_slice %arg3[%add3A_63] : memref<160000xi32, #tpu.memory_space<hbm>> -> memref<40xi32, #tpu.memory_space<hbm>>
        tpu.enqueue_dma source(%dma_start3A_122 : memref<40xi32, #tpu.memory_space<hbm>>) target(%arg7 : memref<40xi32, #tpu.memory_space<vmem>>) target_semaphore(%run_scoped3A : memref<!tpu.dma_semaphore, #tpu.memory_space<semaphore_mem>>)
        %dma_wait3A_123 = tpu.memref_slice %arg3[%add3A_63] : memref<160000xi32, #tpu.memory_space<hbm>> -> memref<40xi32, #tpu.memory_space<hbm>>
        %dma_wait3A_124 = tpu.memref_slice %arg3[%add3A_63] : memref<160000xi32, #tpu.memory_space<hbm>> -> memref<40xi32, #tpu.memory_space<hbm>>
        tpu.wait_dma2 semaphore(%run_scoped3A : memref<!tpu.dma_semaphore, #tpu.memory_space<semaphore_mem>>) src(%dma_wait3A_124 : memref<40xi32, #tpu.memory_space<hbm>>) dst(%arg7 : memref<40xi32, #tpu.memory_space<vmem>>)
        tpu.yield
      }) : () -> ()
      %dma_wait3A_64 = arith.constant 0 : i32
      %dma_wait3A_65 = tpu.memref_slice %arg2[%add3A_63, %dma_wait3A_64] : memref<160000x128xf32, #tpu.memory_space<hbm>> -> memref<40x128xf32, #tpu.memory_space<hbm>>
      %dma_wait3A_66 = arith.constant 0 : i32
      %dma_wait3A_67 = tpu.memref_slice %arg2[%add3A_63, %dma_wait3A_66] : memref<160000x128xf32, #tpu.memory_space<hbm>> -> memref<40x128xf32, #tpu.memory_space<hbm>>
      tpu.wait_dma2 semaphore(%arg18 : memref<!tpu.dma_semaphore, #tpu.memory_space<semaphore_mem>>) src(%dma_wait3A_67 : memref<40x128xf32, #tpu.memory_space<hbm>>) dst(%arg12 : memref<40x128xf32, #tpu.memory_space<vmem>>)
      "tpu.region"() ({
        %run_scoped3A = tpu.sem_alloc : memref<!tpu.dma_semaphore, #tpu.memory_space<semaphore_mem>>
        %dma_start3A_121 = arith.constant 0 : i32
        %dma_start3A_122 = arith.constant 0 : i32
        %dma_start3A_123 = tpu.memref_slice %arg16[%dma_start3A_121, %dma_start3A_122] : memref<10112x128xf32, #tpu.memory_space<vmem_shared>> -> memref<10112x128xf32, #tpu.memory_space<vmem_shared>>
        tpu.enqueue_indirect_dma source(%arg12 : memref<40x128xf32, #tpu.memory_space<vmem>>) target(%dma_start3A_123 : memref<10112x128xf32, #tpu.memory_space<vmem_shared>>) offsets(%arg7 : memref<40xi32, #tpu.memory_space<vmem>>) semaphore(%run_scoped3A : memref<!tpu.dma_semaphore, #tpu.memory_space<semaphore_mem>>) {add = true}
        %dma_wait3A_124 = arith.constant 0 : i32
        %dma_wait3A_125 = arith.constant 0 : i32
        %dma_wait3A_126 = tpu.memref_slice %arg16[%dma_wait3A_124, %dma_wait3A_125] : memref<10112x128xf32, #tpu.memory_space<vmem_shared>> -> memref<10112x128xf32, #tpu.memory_space<vmem_shared>>
        tpu.wait_indirect_dma semaphore(%run_scoped3A : memref<!tpu.dma_semaphore, #tpu.memory_space<semaphore_mem>>) src(%arg12 : memref<40x128xf32, #tpu.memory_space<vmem>>) dst(%dma_wait3A_126 : memref<10112x128xf32, #tpu.memory_space<vmem_shared>>)
        tpu.yield
      }) : () -> ()
      %lt3A_68 = arith.constant 24 : i32
      %lt3A_69 = arith.cmpi slt, %scan3A_44, %lt3A_68 : i32
      %convert_element_type3A_70 = arith.extui %lt3A_69 : i1 to i32
      %cond3A_71 = arith.constant 0 : i32
      %cond3A_72 = arith.cmpi ne, %convert_element_type3A_70, %cond3A_71 : i32
      scf.if %cond3A_72 {
        %add3A_121 = arith.constant 1 : i32
        %add3A_122 = arith.addi %scan3A_44, %add3A_121 : i32
        %mul3A_123 = arith.constant 5 : i32
        %mul3A_124 = arith.muli %add3A_122, %mul3A_123 : i32
        %add3A_125 = arith.constant 1 : i32
        %add3A_126 = arith.addi %mul3A_124, %add3A_125 : i32
        %mul3A_127 = arith.constant 40 : i32
        %mul3A_128 = arith.muli %add3A_126, %mul3A_127 : i32
        %add3A_129 = arith.addi %mul3A_4, %mul3A_128 : i32
        %dma_start3A_130 = arith.constant 0 : i32
        %dma_start3A_131 = tpu.memref_slice %arg2[%add3A_129, %dma_start3A_130] : memref<160000x128xf32, #tpu.memory_space<hbm>> -> memref<40x128xf32, #tpu.memory_space<hbm>>
        %dma_start3A_132 = arith.constant 0 : i32
        %dma_start3A_133 = tpu.memref_slice %arg2[%add3A_129, %dma_start3A_132] : memref<160000x128xf32, #tpu.memory_space<hbm>> -> memref<40x128xf32, #tpu.memory_space<hbm>>
        tpu.enqueue_dma source(%dma_start3A_133 : memref<40x128xf32, #tpu.memory_space<hbm>>) target(%arg12 : memref<40x128xf32, #tpu.memory_space<vmem>>) target_semaphore(%arg18 : memref<!tpu.dma_semaphore, #tpu.memory_space<semaphore_mem>>)
      } else {
      }
      %mul3A_73 = arith.constant 5 : i32
      %mul3A_74 = arith.muli %scan3A_44, %mul3A_73 : i32
      %add3A_75 = arith.constant 2 : i32
      %add3A_76 = arith.addi %mul3A_74, %add3A_75 : i32
      %mul3A_77 = arith.constant 40 : i32
      %mul3A_78 = arith.muli %add3A_76, %mul3A_77 : i32
      %add3A_79 = arith.addi %mul3A_4, %mul3A_78 : i32
      "tpu.region"() ({
        %run_scoped3A = tpu.sem_alloc : memref<!tpu.dma_semaphore, #tpu.memory_space<semaphore_mem>>
        %dma_start3A_121 = tpu.memref_slice %arg3[%add3A_79] : memref<160000xi32, #tpu.memory_space<hbm>> -> memref<40xi32, #tpu.memory_space<hbm>>
        %dma_start3A_122 = tpu.memref_slice %arg3[%add3A_79] : memref<160000xi32, #tpu.memory_space<hbm>> -> memref<40xi32, #tpu.memory_space<hbm>>
        tpu.enqueue_dma source(%dma_start3A_122 : memref<40xi32, #tpu.memory_space<hbm>>) target(%arg8 : memref<40xi32, #tpu.memory_space<vmem>>) target_semaphore(%run_scoped3A : memref<!tpu.dma_semaphore, #tpu.memory_space<semaphore_mem>>)
        %dma_wait3A_123 = tpu.memref_slice %arg3[%add3A_79] : memref<160000xi32, #tpu.memory_space<hbm>> -> memref<40xi32, #tpu.memory_space<hbm>>
        %dma_wait3A_124 = tpu.memref_slice %arg3[%add3A_79] : memref<160000xi32, #tpu.memory_space<hbm>> -> memref<40xi32, #tpu.memory_space<hbm>>
        tpu.wait_dma2 semaphore(%run_scoped3A : memref<!tpu.dma_semaphore, #tpu.memory_space<semaphore_mem>>) src(%dma_wait3A_124 : memref<40xi32, #tpu.memory_space<hbm>>) dst(%arg8 : memref<40xi32, #tpu.memory_space<vmem>>)
        tpu.yield
      }) : () -> ()
      %dma_wait3A_80 = arith.constant 0 : i32
      %dma_wait3A_81 = tpu.memref_slice %arg2[%add3A_79, %dma_wait3A_80] : memref<160000x128xf32, #tpu.memory_space<hbm>> -> memref<40x128xf32, #tpu.memory_space<hbm>>
      %dma_wait3A_82 = arith.constant 0 : i32
      %dma_wait3A_83 = tpu.memref_slice %arg2[%add3A_79, %dma_wait3A_82] : memref<160000x128xf32, #tpu.memory_space<hbm>> -> memref<40x128xf32, #tpu.memory_space<hbm>>
      tpu.wait_dma2 semaphore(%arg19 : memref<!tpu.dma_semaphore, #tpu.memory_space<semaphore_mem>>) src(%dma_wait3A_83 : memref<40x128xf32, #tpu.memory_space<hbm>>) dst(%arg13 : memref<40x128xf32, #tpu.memory_space<vmem>>)
      "tpu.region"() ({
        %run_scoped3A = tpu.sem_alloc : memref<!tpu.dma_semaphore, #tpu.memory_space<semaphore_mem>>
        %dma_start3A_121 = arith.constant 0 : i32
        %dma_start3A_122 = arith.constant 0 : i32
        %dma_start3A_123 = tpu.memref_slice %arg16[%dma_start3A_121, %dma_start3A_122] : memref<10112x128xf32, #tpu.memory_space<vmem_shared>> -> memref<10112x128xf32, #tpu.memory_space<vmem_shared>>
        tpu.enqueue_indirect_dma source(%arg13 : memref<40x128xf32, #tpu.memory_space<vmem>>) target(%dma_start3A_123 : memref<10112x128xf32, #tpu.memory_space<vmem_shared>>) offsets(%arg8 : memref<40xi32, #tpu.memory_space<vmem>>) semaphore(%run_scoped3A : memref<!tpu.dma_semaphore, #tpu.memory_space<semaphore_mem>>) {add = true}
        %dma_wait3A_124 = arith.constant 0 : i32
        %dma_wait3A_125 = arith.constant 0 : i32
        %dma_wait3A_126 = tpu.memref_slice %arg16[%dma_wait3A_124, %dma_wait3A_125] : memref<10112x128xf32, #tpu.memory_space<vmem_shared>> -> memref<10112x128xf32, #tpu.memory_space<vmem_shared>>
        tpu.wait_indirect_dma semaphore(%run_scoped3A : memref<!tpu.dma_semaphore, #tpu.memory_space<semaphore_mem>>) src(%arg13 : memref<40x128xf32, #tpu.memory_space<vmem>>) dst(%dma_wait3A_126 : memref<10112x128xf32, #tpu.memory_space<vmem_shared>>)
        tpu.yield
      }) : () -> ()
      %lt3A_84 = arith.constant 24 : i32
      %lt3A_85 = arith.cmpi slt, %scan3A_44, %lt3A_84 : i32
      %convert_element_type3A_86 = arith.extui %lt3A_85 : i1 to i32
      %cond3A_87 = arith.constant 0 : i32
      %cond3A_88 = arith.cmpi ne, %convert_element_type3A_86, %cond3A_87 : i32
      scf.if %cond3A_88 {
        %add3A_121 = arith.constant 1 : i32
        %add3A_122 = arith.addi %scan3A_44, %add3A_121 : i32
        %mul3A_123 = arith.constant 5 : i32
        %mul3A_124 = arith.muli %add3A_122, %mul3A_123 : i32
        %add3A_125 = arith.constant 2 : i32
        %add3A_126 = arith.addi %mul3A_124, %add3A_125 : i32
        %mul3A_127 = arith.constant 40 : i32
        %mul3A_128 = arith.muli %add3A_126, %mul3A_127 : i32
        %add3A_129 = arith.addi %mul3A_4, %mul3A_128 : i32
        %dma_start3A_130 = arith.constant 0 : i32
        %dma_start3A_131 = tpu.memref_slice %arg2[%add3A_129, %dma_start3A_130] : memref<160000x128xf32, #tpu.memory_space<hbm>> -> memref<40x128xf32, #tpu.memory_space<hbm>>
        %dma_start3A_132 = arith.constant 0 : i32
        %dma_start3A_133 = tpu.memref_slice %arg2[%add3A_129, %dma_start3A_132] : memref<160000x128xf32, #tpu.memory_space<hbm>> -> memref<40x128xf32, #tpu.memory_space<hbm>>
        tpu.enqueue_dma source(%dma_start3A_133 : memref<40x128xf32, #tpu.memory_space<hbm>>) target(%arg13 : memref<40x128xf32, #tpu.memory_space<vmem>>) target_semaphore(%arg19 : memref<!tpu.dma_semaphore, #tpu.memory_space<semaphore_mem>>)
      } else {
      }
      %mul3A_89 = arith.constant 5 : i32
      %mul3A_90 = arith.muli %scan3A_44, %mul3A_89 : i32
      %add3A_91 = arith.constant 3 : i32
      %add3A_92 = arith.addi %mul3A_90, %add3A_91 : i32
      %mul3A_93 = arith.constant 40 : i32
      %mul3A_94 = arith.muli %add3A_92, %mul3A_93 : i32
      %add3A_95 = arith.addi %mul3A_4, %mul3A_94 : i32
      "tpu.region"() ({
        %run_scoped3A = tpu.sem_alloc : memref<!tpu.dma_semaphore, #tpu.memory_space<semaphore_mem>>
        %dma_start3A_121 = tpu.memref_slice %arg3[%add3A_95] : memref<160000xi32, #tpu.memory_space<hbm>> -> memref<40xi32, #tpu.memory_space<hbm>>
        %dma_start3A_122 = tpu.memref_slice %arg3[%add3A_95] : memref<160000xi32, #tpu.memory_space<hbm>> -> memref<40xi32, #tpu.memory_space<hbm>>
        tpu.enqueue_dma source(%dma_start3A_122 : memref<40xi32, #tpu.memory_space<hbm>>) target(%arg9 : memref<40xi32, #tpu.memory_space<vmem>>) target_semaphore(%run_scoped3A : memref<!tpu.dma_semaphore, #tpu.memory_space<semaphore_mem>>)
        %dma_wait3A_123 = tpu.memref_slice %arg3[%add3A_95] : memref<160000xi32, #tpu.memory_space<hbm>> -> memref<40xi32, #tpu.memory_space<hbm>>
        %dma_wait3A_124 = tpu.memref_slice %arg3[%add3A_95] : memref<160000xi32, #tpu.memory_space<hbm>> -> memref<40xi32, #tpu.memory_space<hbm>>
        tpu.wait_dma2 semaphore(%run_scoped3A : memref<!tpu.dma_semaphore, #tpu.memory_space<semaphore_mem>>) src(%dma_wait3A_124 : memref<40xi32, #tpu.memory_space<hbm>>) dst(%arg9 : memref<40xi32, #tpu.memory_space<vmem>>)
        tpu.yield
      }) : () -> ()
      %dma_wait3A_96 = arith.constant 0 : i32
      %dma_wait3A_97 = tpu.memref_slice %arg2[%add3A_95, %dma_wait3A_96] : memref<160000x128xf32, #tpu.memory_space<hbm>> -> memref<40x128xf32, #tpu.memory_space<hbm>>
      %dma_wait3A_98 = arith.constant 0 : i32
      %dma_wait3A_99 = tpu.memref_slice %arg2[%add3A_95, %dma_wait3A_98] : memref<160000x128xf32, #tpu.memory_space<hbm>> -> memref<40x128xf32, #tpu.memory_space<hbm>>
      tpu.wait_dma2 semaphore(%arg20 : memref<!tpu.dma_semaphore, #tpu.memory_space<semaphore_mem>>) src(%dma_wait3A_99 : memref<40x128xf32, #tpu.memory_space<hbm>>) dst(%arg14 : memref<40x128xf32, #tpu.memory_space<vmem>>)
      "tpu.region"() ({
        %run_scoped3A = tpu.sem_alloc : memref<!tpu.dma_semaphore, #tpu.memory_space<semaphore_mem>>
        %dma_start3A_121 = arith.constant 0 : i32
        %dma_start3A_122 = arith.constant 0 : i32
        %dma_start3A_123 = tpu.memref_slice %arg16[%dma_start3A_121, %dma_start3A_122] : memref<10112x128xf32, #tpu.memory_space<vmem_shared>> -> memref<10112x128xf32, #tpu.memory_space<vmem_shared>>
        tpu.enqueue_indirect_dma source(%arg14 : memref<40x128xf32, #tpu.memory_space<vmem>>) target(%dma_start3A_123 : memref<10112x128xf32, #tpu.memory_space<vmem_shared>>) offsets(%arg9 : memref<40xi32, #tpu.memory_space<vmem>>) semaphore(%run_scoped3A : memref<!tpu.dma_semaphore, #tpu.memory_space<semaphore_mem>>) {add = true}
        %dma_wait3A_124 = arith.constant 0 : i32
        %dma_wait3A_125 = arith.constant 0 : i32
        %dma_wait3A_126 = tpu.memref_slice %arg16[%dma_wait3A_124, %dma_wait3A_125] : memref<10112x128xf32, #tpu.memory_space<vmem_shared>> -> memref<10112x128xf32, #tpu.memory_space<vmem_shared>>
        tpu.wait_indirect_dma semaphore(%run_scoped3A : memref<!tpu.dma_semaphore, #tpu.memory_space<semaphore_mem>>) src(%arg14 : memref<40x128xf32, #tpu.memory_space<vmem>>) dst(%dma_wait3A_126 : memref<10112x128xf32, #tpu.memory_space<vmem_shared>>)
        tpu.yield
      }) : () -> ()
      %lt3A_100 = arith.constant 24 : i32
      %lt3A_101 = arith.cmpi slt, %scan3A_44, %lt3A_100 : i32
      %convert_element_type3A_102 = arith.extui %lt3A_101 : i1 to i32
      %cond3A_103 = arith.constant 0 : i32
      %cond3A_104 = arith.cmpi ne, %convert_element_type3A_102, %cond3A_103 : i32
      scf.if %cond3A_104 {
        %add3A_121 = arith.constant 1 : i32
        %add3A_122 = arith.addi %scan3A_44, %add3A_121 : i32
        %mul3A_123 = arith.constant 5 : i32
        %mul3A_124 = arith.muli %add3A_122, %mul3A_123 : i32
        %add3A_125 = arith.constant 3 : i32
        %add3A_126 = arith.addi %mul3A_124, %add3A_125 : i32
        %mul3A_127 = arith.constant 40 : i32
        %mul3A_128 = arith.muli %add3A_126, %mul3A_127 : i32
        %add3A_129 = arith.addi %mul3A_4, %mul3A_128 : i32
        %dma_start3A_130 = arith.constant 0 : i32
        %dma_start3A_131 = tpu.memref_slice %arg2[%add3A_129, %dma_start3A_130] : memref<160000x128xf32, #tpu.memory_space<hbm>> -> memref<40x128xf32, #tpu.memory_space<hbm>>
        %dma_start3A_132 = arith.constant 0 : i32
        %dma_start3A_133 = tpu.memref_slice %arg2[%add3A_129, %dma_start3A_132] : memref<160000x128xf32, #tpu.memory_space<hbm>> -> memref<40x128xf32, #tpu.memory_space<hbm>>
        tpu.enqueue_dma source(%dma_start3A_133 : memref<40x128xf32, #tpu.memory_space<hbm>>) target(%arg14 : memref<40x128xf32, #tpu.memory_space<vmem>>) target_semaphore(%arg20 : memref<!tpu.dma_semaphore, #tpu.memory_space<semaphore_mem>>)
      } else {
      }
      %mul3A_105 = arith.constant 5 : i32
      %mul3A_106 = arith.muli %scan3A_44, %mul3A_105 : i32
      %add3A_107 = arith.constant 4 : i32
      %add3A_108 = arith.addi %mul3A_106, %add3A_107 : i32
      %mul3A_109 = arith.constant 40 : i32
      %mul3A_110 = arith.muli %add3A_108, %mul3A_109 : i32
      %add3A_111 = arith.addi %mul3A_4, %mul3A_110 : i32
      "tpu.region"() ({
        %run_scoped3A = tpu.sem_alloc : memref<!tpu.dma_semaphore, #tpu.memory_space<semaphore_mem>>
        %dma_start3A_121 = tpu.memref_slice %arg3[%add3A_111] : memref<160000xi32, #tpu.memory_space<hbm>> -> memref<40xi32, #tpu.memory_space<hbm>>
        %dma_start3A_122 = tpu.memref_slice %arg3[%add3A_111] : memref<160000xi32, #tpu.memory_space<hbm>> -> memref<40xi32, #tpu.memory_space<hbm>>
        tpu.enqueue_dma source(%dma_start3A_122 : memref<40xi32, #tpu.memory_space<hbm>>) target(%arg10 : memref<40xi32, #tpu.memory_space<vmem>>) target_semaphore(%run_scoped3A : memref<!tpu.dma_semaphore, #tpu.memory_space<semaphore_mem>>)
        %dma_wait3A_123 = tpu.memref_slice %arg3[%add3A_111] : memref<160000xi32, #tpu.memory_space<hbm>> -> memref<40xi32, #tpu.memory_space<hbm>>
        %dma_wait3A_124 = tpu.memref_slice %arg3[%add3A_111] : memref<160000xi32, #tpu.memory_space<hbm>> -> memref<40xi32, #tpu.memory_space<hbm>>
        tpu.wait_dma2 semaphore(%run_scoped3A : memref<!tpu.dma_semaphore, #tpu.memory_space<semaphore_mem>>) src(%dma_wait3A_124 : memref<40xi32, #tpu.memory_space<hbm>>) dst(%arg10 : memref<40xi32, #tpu.memory_space<vmem>>)
        tpu.yield
      }) : () -> ()
      %dma_wait3A_112 = arith.constant 0 : i32
      %dma_wait3A_113 = tpu.memref_slice %arg2[%add3A_111, %dma_wait3A_112] : memref<160000x128xf32, #tpu.memory_space<hbm>> -> memref<40x128xf32, #tpu.memory_space<hbm>>
      %dma_wait3A_114 = arith.constant 0 : i32
      %dma_wait3A_115 = tpu.memref_slice %arg2[%add3A_111, %dma_wait3A_114] : memref<160000x128xf32, #tpu.memory_space<hbm>> -> memref<40x128xf32, #tpu.memory_space<hbm>>
      tpu.wait_dma2 semaphore(%arg21 : memref<!tpu.dma_semaphore, #tpu.memory_space<semaphore_mem>>) src(%dma_wait3A_115 : memref<40x128xf32, #tpu.memory_space<hbm>>) dst(%arg15 : memref<40x128xf32, #tpu.memory_space<vmem>>)
      "tpu.region"() ({
        %run_scoped3A = tpu.sem_alloc : memref<!tpu.dma_semaphore, #tpu.memory_space<semaphore_mem>>
        %dma_start3A_121 = arith.constant 0 : i32
        %dma_start3A_122 = arith.constant 0 : i32
        %dma_start3A_123 = tpu.memref_slice %arg16[%dma_start3A_121, %dma_start3A_122] : memref<10112x128xf32, #tpu.memory_space<vmem_shared>> -> memref<10112x128xf32, #tpu.memory_space<vmem_shared>>
        tpu.enqueue_indirect_dma source(%arg15 : memref<40x128xf32, #tpu.memory_space<vmem>>) target(%dma_start3A_123 : memref<10112x128xf32, #tpu.memory_space<vmem_shared>>) offsets(%arg10 : memref<40xi32, #tpu.memory_space<vmem>>) semaphore(%run_scoped3A : memref<!tpu.dma_semaphore, #tpu.memory_space<semaphore_mem>>) {add = true}
        %dma_wait3A_124 = arith.constant 0 : i32
        %dma_wait3A_125 = arith.constant 0 : i32
        %dma_wait3A_126 = tpu.memref_slice %arg16[%dma_wait3A_124, %dma_wait3A_125] : memref<10112x128xf32, #tpu.memory_space<vmem_shared>> -> memref<10112x128xf32, #tpu.memory_space<vmem_shared>>
        tpu.wait_indirect_dma semaphore(%run_scoped3A : memref<!tpu.dma_semaphore, #tpu.memory_space<semaphore_mem>>) src(%arg15 : memref<40x128xf32, #tpu.memory_space<vmem>>) dst(%dma_wait3A_126 : memref<10112x128xf32, #tpu.memory_space<vmem_shared>>)
        tpu.yield
      }) : () -> ()
      %lt3A_116 = arith.constant 24 : i32
      %lt3A_117 = arith.cmpi slt, %scan3A_44, %lt3A_116 : i32
      %convert_element_type3A_118 = arith.extui %lt3A_117 : i1 to i32
      %cond3A_119 = arith.constant 0 : i32
      %cond3A_120 = arith.cmpi ne, %convert_element_type3A_118, %cond3A_119 : i32
      scf.if %cond3A_120 {
        %add3A_121 = arith.constant 1 : i32
        %add3A_122 = arith.addi %scan3A_44, %add3A_121 : i32
        %mul3A_123 = arith.constant 5 : i32
        %mul3A_124 = arith.muli %add3A_122, %mul3A_123 : i32
        %add3A_125 = arith.constant 4 : i32
        %add3A_126 = arith.addi %mul3A_124, %add3A_125 : i32
        %mul3A_127 = arith.constant 40 : i32
        %mul3A_128 = arith.muli %add3A_126, %mul3A_127 : i32
        %add3A_129 = arith.addi %mul3A_4, %mul3A_128 : i32
        %dma_start3A_130 = arith.constant 0 : i32
        %dma_start3A_131 = tpu.memref_slice %arg2[%add3A_129, %dma_start3A_130] : memref<160000x128xf32, #tpu.memory_space<hbm>> -> memref<40x128xf32, #tpu.memory_space<hbm>>
        %dma_start3A_132 = arith.constant 0 : i32
        %dma_start3A_133 = tpu.memref_slice %arg2[%add3A_129, %dma_start3A_132] : memref<160000x128xf32, #tpu.memory_space<hbm>> -> memref<40x128xf32, #tpu.memory_space<hbm>>
        tpu.enqueue_dma source(%dma_start3A_133 : memref<40x128xf32, #tpu.memory_space<hbm>>) target(%arg15 : memref<40x128xf32, #tpu.memory_space<vmem>>) target_semaphore(%arg21 : memref<!tpu.dma_semaphore, #tpu.memory_space<semaphore_mem>>)
      } else {
      }
    }
    %scan3A_38 = arith.constant 25 : i32
    %barrier3A_39 = arith.constant 0 : index
    tpu.barrier barrier_id(%barrier3A_39)
    %mul3A_40 = arith.constant 632 : i32
    %mul3A_41 = arith.muli %arg1, %mul3A_40 : i32
    %mul3A_42 = arith.constant 632 : i32
    %mul3A_43 = arith.muli %arg1, %mul3A_42 : i32
    "tpu.region"() ({
      %run_scoped3A = tpu.sem_alloc : memref<!tpu.dma_semaphore, #tpu.memory_space<semaphore_mem>>
      %dma_start3A_44 = arith.constant 0 : i32
      %dma_start3A_45 = tpu.memref_slice %arg5[%arg0, %mul3A_43, %dma_start3A_44] : memref<2x10112x128xf32, #tpu.memory_space<hbm>> -> memref<1x632x128xf32, #tpu.memory_space<hbm>>
      %dma_start3A_46 = tpu.memref_squeeze %dma_start3A_45 : memref<1x632x128xf32, #tpu.memory_space<hbm>> -> memref<632x128xf32, #tpu.memory_space<hbm>>
      %dma_start3A_47 = arith.constant 0 : i32
      %dma_start3A_48 = tpu.memref_slice %arg16[%mul3A_41, %dma_start3A_47] : memref<10112x128xf32, #tpu.memory_space<vmem_shared>> -> memref<632x128xf32, #tpu.memory_space<vmem_shared>>
      tpu.enqueue_dma source(%dma_start3A_48 : memref<632x128xf32, #tpu.memory_space<vmem_shared>>) target(%dma_start3A_46 : memref<632x128xf32, #tpu.memory_space<hbm>>) target_semaphore(%run_scoped3A : memref<!tpu.dma_semaphore, #tpu.memory_space<semaphore_mem>>)
      %dma_wait3A = arith.constant 0 : i32
      %dma_wait3A_49 = tpu.memref_slice %arg5[%arg0, %mul3A_43, %dma_wait3A] : memref<2x10112x128xf32, #tpu.memory_space<hbm>> -> memref<1x632x128xf32, #tpu.memory_space<hbm>>
      %dma_wait3A_50 = tpu.memref_squeeze %dma_wait3A_49 : memref<1x632x128xf32, #tpu.memory_space<hbm>> -> memref<632x128xf32, #tpu.memory_space<hbm>>
      %dma_wait3A_51 = arith.constant 0 : i32
      %dma_wait3A_52 = tpu.memref_slice %arg16[%mul3A_41, %dma_wait3A_51] : memref<10112x128xf32, #tpu.memory_space<vmem_shared>> -> memref<632x128xf32, #tpu.memory_space<vmem_shared>>
      tpu.wait_dma2 semaphore(%run_scoped3A : memref<!tpu.dma_semaphore, #tpu.memory_space<semaphore_mem>>) src(%dma_wait3A_52 : memref<632x128xf32, #tpu.memory_space<vmem_shared>>) dst(%dma_wait3A_50 : memref<632x128xf32, #tpu.memory_space<hbm>>)
      tpu.yield
    }) : () -> ()
    return
  }
}

module attributes {stable_mosaic.version = 14 : i64} {
  func.func @_precompute_body(%arg0: memref<10112x128xf32, #tpu.memory_space<vmem>>, %arg1: memref<10112x128xf32, #tpu.memory_space<vmem>>, %arg2: memref<128x128xf32, #tpu.memory_space<vmem>>, %arg3: memref<128x128xf32, #tpu.memory_space<vmem>>, %arg4: memref<1x128xf32, #tpu.memory_space<vmem>>, %arg5: memref<10112x128xf32, #tpu.memory_space<vmem>>, %arg6: memref<10112x128xf32, #tpu.memory_space<vmem>>) attributes {dimension_semantics = [], scalar_prefetch = 0 : i64, scratch_operands = 0 : i64, tpu.core_type = #tpu.core_type<tc>} {
    %get3A = arith.constant 0 : index
    %get3A_0 = arith.constant 0 : index
    %get3A_1 = vector.load %arg0[%get3A, %get3A_0] : memref<10112x128xf32, #tpu.memory_space<vmem>>, vector<10112x128xf32>
    %get3A_2 = arith.constant 0 : index
    %get3A_3 = arith.constant 0 : index
    %get3A_4 = vector.load %arg2[%get3A_2, %get3A_3] : memref<128x128xf32, #tpu.memory_space<vmem>>, vector<128x128xf32>
    %dot_general3A = arith.constant dense<0.000000e+00> : vector<10112x128xf32>
    %dot_general3A_5 = tpu.matmul %get3A_1, %get3A_4, %dot_general3A {dimension_numbers = #tpu.dot_dimension_numbers<[1], [0], [0], [1], [0, 0, 1, 1], [], []>, transpose_lhs_hint = false} : vector<10112x128xf32>, vector<128x128xf32>, vector<10112x128xf32> -> vector<10112x128xf32>
    %swap3A = arith.constant 0 : index
    %swap3A_6 = arith.constant 0 : index
    %swap3A_7 = vector.load %arg5[%swap3A, %swap3A_6] : memref<10112x128xf32, #tpu.memory_space<vmem>>, vector<10112x128xf32>
    tpu.vector_store %arg5[%swap3A, %swap3A_6], %dot_general3A_5 {strides = array<i32>} : memref<10112x128xf32, #tpu.memory_space<vmem>>, vector<10112x128xf32>,
    %get3A_8 = arith.constant 0 : index
    %get3A_9 = arith.constant 0 : index
    %get3A_10 = vector.load %arg1[%get3A_8, %get3A_9] : memref<10112x128xf32, #tpu.memory_space<vmem>>, vector<10112x128xf32>
    %get3A_11 = arith.constant 0 : index
    %get3A_12 = arith.constant 0 : index
    %get3A_13 = vector.load %arg3[%get3A_11, %get3A_12] : memref<128x128xf32, #tpu.memory_space<vmem>>, vector<128x128xf32>
    %dot_general3A_14 = arith.constant dense<0.000000e+00> : vector<10112x128xf32>
    %dot_general3A_15 = tpu.matmul %get3A_10, %get3A_13, %dot_general3A_14 {dimension_numbers = #tpu.dot_dimension_numbers<[1], [0], [0], [1], [0, 0, 1, 1], [], []>, transpose_lhs_hint = false} : vector<10112x128xf32>, vector<128x128xf32>, vector<10112x128xf32> -> vector<10112x128xf32>
    %get3A_16 = arith.constant 0 : index
    %get3A_17 = arith.constant 0 : index
    %get3A_18 = vector.load %arg4[%get3A_16, %get3A_17] : memref<1x128xf32, #tpu.memory_space<vmem>>, vector<1x128xf32>
    %add3A = vector.broadcast %get3A_18 : vector<1x128xf32> to vector<10112x128xf32>
    %add3A_19 = arith.addf %dot_general3A_15, %add3A : vector<10112x128xf32>
    %swap3A_20 = arith.constant 0 : index
    %swap3A_21 = arith.constant 0 : index
    %swap3A_22 = vector.load %arg6[%swap3A_20, %swap3A_21] : memref<10112x128xf32, #tpu.memory_space<vmem>>, vector<10112x128xf32>
    tpu.vector_store %arg6[%swap3A_20, %swap3A_21], %add3A_19 {strides = array<i32>} : memref<10112x128xf32, #tpu.memory_space<vmem>>, vector<10112x128xf32>,
    return
  }
}

module attributes {stable_mosaic.version = 14 : i64} {
  func.func @_edge_mlp_body(%arg0: i32, %arg1: memref<2000x128xf32, #tpu.memory_space<vmem>>, %arg2: memref<2000x1xf32, #tpu.memory_space<vmem>>, %arg3: memref<1x128xf32, #tpu.memory_space<vmem>>, %arg4: memref<128x128xf32, #tpu.memory_space<vmem>>, %arg5: memref<1x128xf32, #tpu.memory_space<vmem>>, %arg6: memref<2000x128xf32, #tpu.memory_space<vmem>>) attributes {dimension_semantics = [#tpu.dimension_semantics<arbitrary>], iteration_bounds = array<i64: 80>, scalar_prefetch = 0 : i64, scratch_operands = 0 : i64, tpu.core_type = #tpu.core_type<tc>, window_params = [{transform_indices = @transform_0, window_bounds = array<i64: 2000, 128>}, {transform_indices = @transform_1, window_bounds = array<i64: 2000, 1>}, {pipeline_mode = #tpu.pipeline_mode<synchronous>, transform_indices = @transform_2, window_bounds = array<i64: 1, 128>}, {pipeline_mode = #tpu.pipeline_mode<synchronous>, transform_indices = @transform_3, window_bounds = array<i64: 128, 128>}, {pipeline_mode = #tpu.pipeline_mode<synchronous>, transform_indices = @transform_4, window_bounds = array<i64: 1, 128>}, {transform_indices = @transform_5, window_bounds = array<i64: 2000, 128>}]} {
    %get3A = arith.constant 0 : index
    %get3A_0 = arith.constant 0 : index
    %get3A_1 = vector.load %arg1[%get3A, %get3A_0] : memref<2000x128xf32, #tpu.memory_space<vmem>>, vector<2000x128xf32>
    %get3A_2 = arith.constant 0 : index
    %get3A_3 = arith.constant 0 : index
    %get3A_4 = vector.load %arg2[%get3A_2, %get3A_3] : memref<2000x1xf32, #tpu.memory_space<vmem>>, vector<2000x1xf32>
    %get3A_5 = arith.constant 0 : index
    %get3A_6 = arith.constant 0 : index
    %get3A_7 = vector.load %arg3[%get3A_5, %get3A_6] : memref<1x128xf32, #tpu.memory_space<vmem>>, vector<1x128xf32>
    %mul3A = vector.broadcast %get3A_4 : vector<2000x1xf32> to vector<2000x128xf32>
    %mul3A_8 = vector.broadcast %get3A_7 : vector<1x128xf32> to vector<2000x128xf32>
    %mul3A_9 = arith.mulf %mul3A, %mul3A_8 : vector<2000x128xf32>
    %add3A = arith.addf %get3A_1, %mul3A_9 : vector<2000x128xf32>
    %logistic3A = arith.negf %add3A : vector<2000x128xf32>
    %logistic3A_10 = math.exp %logistic3A : vector<2000x128xf32>
    %logistic3A_11 = arith.constant 1.000000e+00 : f32
    %logistic3A_12 = vector.broadcast %logistic3A_11 : f32 to vector<2000x128xf32>
    %logistic3A_13 = arith.addf %logistic3A_12, %logistic3A_10 : vector<2000x128xf32>
    %logistic3A_14 = arith.divf %logistic3A_12, %logistic3A_13 : vector<2000x128xf32>
    %mul3A_15 = arith.mulf %add3A, %logistic3A_14 : vector<2000x128xf32>
    %get3A_16 = arith.constant 0 : index
    %get3A_17 = arith.constant 0 : index
    %get3A_18 = vector.load %arg4[%get3A_16, %get3A_17] : memref<128x128xf32, #tpu.memory_space<vmem>>, vector<128x128xf32>
    %dot_general3A = arith.constant dense<0.000000e+00> : vector<2000x128xf32>
    %dot_general3A_19 = tpu.matmul %mul3A_15, %get3A_18, %dot_general3A {dimension_numbers = #tpu.dot_dimension_numbers<[1], [0], [0], [1], [0, 0, 1, 1], [], []>, transpose_lhs_hint = false} : vector<2000x128xf32>, vector<128x128xf32>, vector<2000x128xf32> -> vector<2000x128xf32>
    %get3A_20 = arith.constant 0 : index
    %get3A_21 = arith.constant 0 : index
    %get3A_22 = vector.load %arg5[%get3A_20, %get3A_21] : memref<1x128xf32, #tpu.memory_space<vmem>>, vector<1x128xf32>
    %add3A_23 = vector.broadcast %get3A_22 : vector<1x128xf32> to vector<2000x128xf32>
    %add3A_24 = arith.addf %dot_general3A_19, %add3A_23 : vector<2000x128xf32>
    %logistic3A_25 = arith.negf %add3A_24 : vector<2000x128xf32>
    %logistic3A_26 = math.exp %logistic3A_25 : vector<2000x128xf32>
    %logistic3A_27 = arith.constant 1.000000e+00 : f32
    %logistic3A_28 = vector.broadcast %logistic3A_27 : f32 to vector<2000x128xf32>
    %logistic3A_29 = arith.addf %logistic3A_28, %logistic3A_26 : vector<2000x128xf32>
    %logistic3A_30 = arith.divf %logistic3A_28, %logistic3A_29 : vector<2000x128xf32>
    %mul3A_31 = arith.mulf %add3A_24, %logistic3A_30 : vector<2000x128xf32>
    %swap3A = arith.constant 0 : index
    %swap3A_32 = arith.constant 0 : index
    %swap3A_33 = vector.load %arg6[%swap3A, %swap3A_32] : memref<2000x128xf32, #tpu.memory_space<vmem>>, vector<2000x128xf32>
    tpu.vector_store %arg6[%swap3A, %swap3A_32], %mul3A_31 {strides = array<i32>} : memref<2000x128xf32, #tpu.memory_space<vmem>>, vector<2000x128xf32>,
    return
  }
  func.func @transform_0(%arg0: i32) -> (i32, i32) {
    %c0_i32 = arith.constant 0 : i32
    %c0_i32_0 = arith.constant 0 : i32
    return %arg0, %c0_i32 : i32, i32
  }
  func.func @transform_1(%arg0: i32) -> (i32, i32) {
    %c0_i32 = arith.constant 0 : i32
    %c0_i32_0 = arith.constant 0 : i32
    return %arg0, %c0_i32 : i32, i32
  }
  func.func @transform_2(%arg0: i32) -> (i32, i32) {
    %c0_i32 = arith.constant 0 : i32
    %c0_i32_0 = arith.constant 0 : i32
    %c0_i32_1 = arith.constant 0 : i32
    return %c0_i32, %c0_i32_0 : i32, i32
  }
  func.func @transform_3(%arg0: i32) -> (i32, i32) {
    %c0_i32 = arith.constant 0 : i32
    %c0_i32_0 = arith.constant 0 : i32
    %c0_i32_1 = arith.constant 0 : i32
    return %c0_i32, %c0_i32_0 : i32, i32
  }
  func.func @transform_4(%arg0: i32) -> (i32, i32) {
    %c0_i32 = arith.constant 0 : i32
    %c0_i32_0 = arith.constant 0 : i32
    %c0_i32_1 = arith.constant 0 : i32
    return %c0_i32, %c0_i32_0 : i32, i32
  }
  func.func @transform_5(%arg0: i32) -> (i32, i32) {
    %c0_i32 = arith.constant 0 : i32
    %c0_i32_0 = arith.constant 0 : i32
    return %arg0, %c0_i32 : i32, i32
  }
}

module attributes {stable_mosaic.version = 14 : i64} {
  func.func @_combine_norm_body(%arg0: memref<10000x128xf32, #tpu.memory_space<vmem>>, %arg1: memref<10000x128xf32, #tpu.memory_space<vmem>>, %arg2: memref<10000x128xf32, #tpu.memory_space<vmem>>, %arg3: memref<10000x128xf32, #tpu.memory_space<vmem>>, %arg4: memref<10000x128xf32, #tpu.memory_space<vmem>>, %arg5: memref<128x128xf32, #tpu.memory_space<vmem>>, %arg6: memref<128x128xf32, #tpu.memory_space<vmem>>, %arg7: memref<1x128xf32, #tpu.memory_space<vmem>>, %arg8: memref<128x128xf32, #tpu.memory_space<vmem>>, %arg9: memref<1x128xf32, #tpu.memory_space<vmem>>, %arg10: memref<1x128xf32, #tpu.memory_space<vmem>>, %arg11: memref<1x128xf32, #tpu.memory_space<vmem>>, %arg12: memref<1x128xf32, #tpu.memory_space<vmem>>, %arg13: memref<10000x1xi32, #tpu.memory_space<vmem>>, %arg14: memref<1x10000xi32, #tpu.memory_space<vmem>>, %arg15: memref<10000x128xf32, #tpu.memory_space<vmem>>) attributes {dimension_semantics = [], scalar_prefetch = 0 : i64, scratch_operands = 0 : i64, tpu.core_type = #tpu.core_type<tc>} {
    %get3A = arith.constant 0 : index
    %get3A_0 = arith.constant 0 : index
    %get3A_1 = vector.load %arg0[%get3A, %get3A_0] : memref<10000x128xf32, #tpu.memory_space<vmem>>, vector<10000x128xf32>
    %get3A_2 = arith.constant 0 : index
    %get3A_3 = arith.constant 0 : index
    %get3A_4 = vector.load %arg1[%get3A_2, %get3A_3] : memref<10000x128xf32, #tpu.memory_space<vmem>>, vector<10000x128xf32>
    %get3A_5 = arith.constant 0 : index
    %get3A_6 = arith.constant 0 : index
    %get3A_7 = vector.load %arg2[%get3A_5, %get3A_6] : memref<10000x128xf32, #tpu.memory_space<vmem>>, vector<10000x128xf32>
    %add3A = arith.addf %get3A_4, %get3A_7 : vector<10000x128xf32>
    %get3A_8 = arith.constant 0 : index
    %get3A_9 = arith.constant 0 : index
    %get3A_10 = vector.load %arg3[%get3A_8, %get3A_9] : memref<10000x128xf32, #tpu.memory_space<vmem>>, vector<10000x128xf32>
    %get3A_11 = arith.constant 0 : index
    %get3A_12 = arith.constant 0 : index
    %get3A_13 = vector.load %arg4[%get3A_11, %get3A_12] : memref<10000x128xf32, #tpu.memory_space<vmem>>, vector<10000x128xf32>
    %add3A_14 = arith.addf %get3A_10, %get3A_13 : vector<10000x128xf32>
    %add3A_15 = arith.addf %add3A, %add3A_14 : vector<10000x128xf32>
    %get3A_16 = arith.constant 0 : index
    %get3A_17 = arith.constant 0 : index
    %get3A_18 = vector.load %arg5[%get3A_16, %get3A_17] : memref<128x128xf32, #tpu.memory_space<vmem>>, vector<128x128xf32>
    %dot_general3A = arith.constant dense<0.000000e+00> : vector<10000x128xf32>
    %dot_general3A_19 = tpu.matmul %get3A_1, %get3A_18, %dot_general3A {dimension_numbers = #tpu.dot_dimension_numbers<[1], [0], [0], [1], [0, 0, 1, 1], [], []>, transpose_lhs_hint = false} : vector<10000x128xf32>, vector<128x128xf32>, vector<10000x128xf32> -> vector<10000x128xf32>
    %get3A_20 = arith.constant 0 : index
    %get3A_21 = arith.constant 0 : index
    %get3A_22 = vector.load %arg6[%get3A_20, %get3A_21] : memref<128x128xf32, #tpu.memory_space<vmem>>, vector<128x128xf32>
    %dot_general3A_23 = arith.constant dense<0.000000e+00> : vector<10000x128xf32>
    %dot_general3A_24 = tpu.matmul %add3A_15, %get3A_22, %dot_general3A_23 {dimension_numbers = #tpu.dot_dimension_numbers<[1], [0], [0], [1], [0, 0, 1, 1], [], []>, transpose_lhs_hint = false} : vector<10000x128xf32>, vector<128x128xf32>, vector<10000x128xf32> -> vector<10000x128xf32>
    %add3A_25 = arith.addf %dot_general3A_19, %dot_general3A_24 : vector<10000x128xf32>
    %get3A_26 = arith.constant 0 : index
    %get3A_27 = arith.constant 0 : index
    %get3A_28 = vector.load %arg7[%get3A_26, %get3A_27] : memref<1x128xf32, #tpu.memory_space<vmem>>, vector<1x128xf32>
    %add3A_29 = vector.broadcast %get3A_28 : vector<1x128xf32> to vector<10000x128xf32>
    %add3A_30 = arith.addf %add3A_25, %add3A_29 : vector<10000x128xf32>
    %logistic3A = arith.negf %add3A_30 : vector<10000x128xf32>
    %logistic3A_31 = math.exp %logistic3A : vector<10000x128xf32>
    %logistic3A_32 = arith.constant 1.000000e+00 : f32
    %logistic3A_33 = vector.broadcast %logistic3A_32 : f32 to vector<10000x128xf32>
    %logistic3A_34 = arith.addf %logistic3A_33, %logistic3A_31 : vector<10000x128xf32>
    %logistic3A_35 = arith.divf %logistic3A_33, %logistic3A_34 : vector<10000x128xf32>
    %mul3A = arith.mulf %add3A_30, %logistic3A_35 : vector<10000x128xf32>
    %get3A_36 = arith.constant 0 : index
    %get3A_37 = arith.constant 0 : index
    %get3A_38 = vector.load %arg8[%get3A_36, %get3A_37] : memref<128x128xf32, #tpu.memory_space<vmem>>, vector<128x128xf32>
    %dot_general3A_39 = arith.constant dense<0.000000e+00> : vector<10000x128xf32>
    %dot_general3A_40 = tpu.matmul %mul3A, %get3A_38, %dot_general3A_39 {dimension_numbers = #tpu.dot_dimension_numbers<[1], [0], [0], [1], [0, 0, 1, 1], [], []>, transpose_lhs_hint = false} : vector<10000x128xf32>, vector<128x128xf32>, vector<10000x128xf32> -> vector<10000x128xf32>
    %get3A_41 = arith.constant 0 : index
    %get3A_42 = arith.constant 0 : index
    %get3A_43 = vector.load %arg9[%get3A_41, %get3A_42] : memref<1x128xf32, #tpu.memory_space<vmem>>, vector<1x128xf32>
    %add3A_44 = vector.broadcast %get3A_43 : vector<1x128xf32> to vector<10000x128xf32>
    %add3A_45 = arith.addf %dot_general3A_40, %add3A_44 : vector<10000x128xf32>
    %add3A_46 = arith.addf %get3A_1, %add3A_45 : vector<10000x128xf32>
    %iota3A = tpu.iota {dimensions = array<i32: 1>} : vector<10000x16xi32>
    %get3A_47 = arith.constant 0 : index
    %get3A_48 = arith.constant 0 : index
    %get3A_49 = vector.load %arg13[%get3A_47, %get3A_48] : memref<10000x1xi32, #tpu.memory_space<vmem>>, vector<10000x1xi32>
    %eq3A = vector.broadcast %get3A_49 : vector<10000x1xi32> to vector<10000x16xi32>
    %eq3A_50 = arith.cmpi eq, %iota3A, %eq3A : vector<10000x16xi32>
    %convert_element_type3A = arith.extui %eq3A_50 : vector<10000x16xi1> to vector<10000x16xi32>
    %convert_element_type3A_51 = arith.sitofp %convert_element_type3A : vector<10000x16xi32> to vector<10000x16xf32>
    %iota3A_52 = tpu.iota {dimensions = array<i32: 0>} : vector<16x10000xi32>
    %get3A_53 = arith.constant 0 : index
    %get3A_54 = arith.constant 0 : index
    %get3A_55 = vector.load %arg14[%get3A_53, %get3A_54] : memref<1x10000xi32, #tpu.memory_space<vmem>>, vector<1x10000xi32>
    %eq3A_56 = vector.broadcast %get3A_55 : vector<1x10000xi32> to vector<16x10000xi32>
    %eq3A_57 = arith.cmpi eq, %iota3A_52, %eq3A_56 : vector<16x10000xi32>
    %convert_element_type3A_58 = arith.extui %eq3A_57 : vector<16x10000xi1> to vector<16x10000xi32>
    %convert_element_type3A_59 = arith.sitofp %convert_element_type3A_58 : vector<16x10000xi32> to vector<16x10000xf32>
    %reduce_sum3A = arith.constant dense<0.000000e+00> : vector<16xf32>
    %reduce_sum3A_60 = vector.multi_reduction <add>, %convert_element_type3A_59, %reduce_sum3A [1] : vector<16x10000xf32> to vector<16xf32>
    %broadcast_in_dim3A = vector.shape_cast %reduce_sum3A_60 : vector<16xf32> to vector<16x1xf32>
    %max3A = arith.constant 1.000000e+00 : f32
    %max3A_61 = vector.broadcast %max3A : f32 to vector<16x1xf32>
    %max3A_62 = arith.maximumf %broadcast_in_dim3A, %max3A_61 : vector<16x1xf32>
    %dot_general3A_63 = arith.constant dense<0.000000e+00> : vector<16x128xf32>
    %dot_general3A_64 = tpu.matmul %convert_element_type3A_59, %add3A_46, %dot_general3A_63 {dimension_numbers = #tpu.dot_dimension_numbers<[1], [0], [0], [1], [0, 0, 1, 1], [], []>, transpose_lhs_hint = false} : vector<16x10000xf32>, vector<10000x128xf32>, vector<16x128xf32> -> vector<16x128xf32>
    %div3A = vector.broadcast %max3A_62 : vector<16x1xf32> to vector<16x128xf32>
    %div3A_65 = arith.divf %dot_general3A_64, %div3A : vector<16x128xf32>
    %get3A_66 = arith.constant 0 : index
    %get3A_67 = arith.constant 0 : index
    %get3A_68 = vector.load %arg12[%get3A_66, %get3A_67] : memref<1x128xf32, #tpu.memory_space<vmem>>, vector<1x128xf32>
    %dot_general3A_69 = arith.constant dense<0.000000e+00> : vector<10000x128xf32>
    %dot_general3A_70 = tpu.matmul %convert_element_type3A_51, %div3A_65, %dot_general3A_69 {dimension_numbers = #tpu.dot_dimension_numbers<[1], [0], [0], [1], [0, 0, 1, 1], [], []>, transpose_lhs_hint = false} : vector<10000x16xf32>, vector<16x128xf32>, vector<10000x128xf32> -> vector<10000x128xf32>
    %mul3A_71 = vector.broadcast %get3A_68 : vector<1x128xf32> to vector<10000x128xf32>
    %mul3A_72 = arith.mulf %mul3A_71, %dot_general3A_70 : vector<10000x128xf32>
    %sub3A = arith.subf %add3A_46, %mul3A_72 : vector<10000x128xf32>
    %mul3A_73 = arith.mulf %sub3A, %sub3A : vector<10000x128xf32>
    %dot_general3A_74 = arith.constant dense<0.000000e+00> : vector<16x128xf32>
    %dot_general3A_75 = tpu.matmul %convert_element_type3A_59, %mul3A_73, %dot_general3A_74 {dimension_numbers = #tpu.dot_dimension_numbers<[1], [0], [0], [1], [0, 0, 1, 1], [], []>, transpose_lhs_hint = false} : vector<16x10000xf32>, vector<10000x128xf32>, vector<16x128xf32> -> vector<16x128xf32>
    %div3A_76 = vector.broadcast %max3A_62 : vector<16x1xf32> to vector<16x128xf32>
    %div3A_77 = arith.divf %dot_general3A_75, %div3A_76 : vector<16x128xf32>
    %add3A_78 = arith.constant 9.99999974E-6 : f32
    %add3A_79 = vector.broadcast %add3A_78 : f32 to vector<16x128xf32>
    %add3A_80 = arith.addf %div3A_77, %add3A_79 : vector<16x128xf32>
    %rsqrt3A = math.rsqrt %add3A_80 : vector<16x128xf32>
    %get3A_81 = arith.constant 0 : index
    %get3A_82 = arith.constant 0 : index
    %get3A_83 = vector.load %arg10[%get3A_81, %get3A_82] : memref<1x128xf32, #tpu.memory_space<vmem>>, vector<1x128xf32>
    %mul3A_84 = vector.broadcast %get3A_83 : vector<1x128xf32> to vector<10000x128xf32>
    %mul3A_85 = arith.mulf %mul3A_84, %sub3A : vector<10000x128xf32>
    %dot_general3A_86 = arith.constant dense<0.000000e+00> : vector<10000x128xf32>
    %dot_general3A_87 = tpu.matmul %convert_element_type3A_51, %rsqrt3A, %dot_general3A_86 {dimension_numbers = #tpu.dot_dimension_numbers<[1], [0], [0], [1], [0, 0, 1, 1], [], []>, transpose_lhs_hint = false} : vector<10000x16xf32>, vector<16x128xf32>, vector<10000x128xf32> -> vector<10000x128xf32>
    %mul3A_88 = arith.mulf %mul3A_85, %dot_general3A_87 : vector<10000x128xf32>
    %get3A_89 = arith.constant 0 : index
    %get3A_90 = arith.constant 0 : index
    %get3A_91 = vector.load %arg11[%get3A_89, %get3A_90] : memref<1x128xf32, #tpu.memory_space<vmem>>, vector<1x128xf32>
    %add3A_92 = vector.broadcast %get3A_91 : vector<1x128xf32> to vector<10000x128xf32>
    %add3A_93 = arith.addf %mul3A_88, %add3A_92 : vector<10000x128xf32>
    %swap3A = arith.constant 0 : index
    %swap3A_94 = arith.constant 0 : index
    %swap3A_95 = vector.load %arg15[%swap3A, %swap3A_94] : memref<10000x128xf32, #tpu.memory_space<vmem>>, vector<10000x128xf32>
    tpu.vector_store %arg15[%swap3A, %swap3A_94], %add3A_93 {strides = array<i32>} : memref<10000x128xf32, #tpu.memory_space<vmem>>, vector<10000x128xf32>,
    return
  }
}

</mosaic_0001>

<sc_bundles>
// kernel: kernel.10.cloned.1.call-start
scs
__scs_entry_jumppad:
0x0: {  	(pc) =	sbr.rel $0x88, $3  }
0x1: {  	(tag) =	ssettag $0x0;
	lr =	simm.s32 $0x1  }
0x2: {  	[smem:$0x3F91] =	sst lr;
	_ =	strace $0xD0000000  }
0x3: {  	_ = 	snop  }
0x4: {  	_ = 	snop  }
0x5: {  	_ = 	snop  }
0x6: {  	_ = 	snop  }
0x7: {  	_ = 	snop  }
__scs_overlays_trampoline_lowered:
0x8: {  	[smem:$0x3FA0] =	sst s0  }
0x9: {  	[smem:$0x3FA1] =	sst s1  }
0xa: {  	[smem:$0x3FA2] =	sst s2  }
0xb: {  	[smem:$0x3FA3] =	sst s3  }
0xc: {  	[smem:$0x3FA4] =	sst s4  }
0xd: {  	[smem:$0x3FA5] =	sst s5  }
0xe: {  	[smem:$0x3FA6] =	sst s6  }
0xf: {  	[smem:$0x3FA7] =	sst s7  }
0x10: {  	[smem:$0x3FA8] =	sst s8  }
0x11: {  	[smem:$0x3FA9] =	sst s9;
	s0 =	simm.s32 @!p0 $0x0  }
0x12: {  	s1 =	sld [smem:$0x3F8F];
	s0 =	simm.s32 @p0 $0x1  }
0x13: {  	[smem:$0x3FAA] =	sst s0;
	s0 =	simm.s32 @!p1 $0x0  }
0x14: {  	s2 =	sld [smem:$0x3F8E];
	s0 =	simm.s32 @p1 $0x1  }
0x15: {  	[smem:$0x3FAB] =	sst s0;
	s0 =	simm.s32 @!p2 $0x0  }
0x16: {  	s3 =	sld [smem:$0x3FDB];
	s0 =	simm.s32 @p2 $0x1  }
0x17: {  	s4 =	simm.s32 $0x1BF5;
	[smem:$0x3FAD] =	sst s0  }
0x18: {  	s0 =	sld [smem:$0x3F90];
	_ =	swait.ge [sflag:s4], $0x0  }
0x19: {  	s7 =	sld [smem:$0x3F91]  }
0x1a: {  	s8 =	sadd.s32 $0xFFFFE003, lr  }
0x1b: {  	s9 =	sadd.s32 $0xFFFFFEF7, lr;
	s5 =	simm.s32 $0xFFFFFFFF;
	p2 =	slt.u32 s8, $0xFFFFF086  }
0x1c: {  	p1 =	slt.u32 s9, $0xF7A;
	s5 =	simm.s32 @!p2 $0x0  }
0x1d: {  	s5 =	simm.s32 @p1 $0x1;
	p0 =	seq.s32 s7, s2  }
0x1e: {  	s7 =	smul.u32 @!p0 $0xF7A, s2;
	p2 =	seq.s32 @!p0 s5, $0x0  }
0x1f: {  	s9 =	smul.u32 $0xF7A, s1;
	s8 =	simm.s32 @!p0 $0x1BF5;
	p2 =	por !p2, p0  }
0x20: {  	[sflag:s8] =	ssyncset.s32 @!p0 $0xFFFFF086;
	s6 =	sadd.s32 @!p0 s3, s7;
	s7 =	simm.s32 @!p0 $0x108  }
0x21: {  	s3 =	sadd.s32 s3, s9;
	s6 =	sadd.s32 @!p0 $0x88, s6;
	s7 =	simm.s32 @p2 $0x1082  }
0x22: {  	[simem:s7], [sflag:s8] =	dma.local @!p0 [hbm:s6], $0xF7A  }
0x23: {  	s9 =	sor.u32 $0xD0000000, s2;
	s6 =	simm.s32 $0x108;
	_ =	swait.ge @!p0 [sflag:s8], $0x0  }
0x24: {  	s3 =	sadd.s32 $0x88, s3;
	s6 =	simm.s32 @!p1 $0x1082;
	[sflag:s4] =	ssyncset.s32 $0xFFFFF086  }
0x25: {  	[simem:s6], [sflag:s4] =	dma.local [hbm:s3], $0xF7A  }
0x26: {  	[smem:$0x3F91] =	sst s1;
	(tag) =	ssettag s2;
	_ =	strace s9  }
0x27: {  	s1 =	sld [smem:$0x3FA1]  }
0x28: {  	s2 =	sld [smem:$0x3FA2]  }
0x29: {  	s4 =	sld [smem:$0x3FA4]  }
0x2a: {  	p0 =	seq.s32 s5, $0x0;
	s5 =	sld [smem:$0x3FA5]  }
0x2b: {  	s6 =	sld [smem:$0x3FA6]  }
0x2c: {  	s7 =	sld [smem:$0x3FA7]  }
0x2d: {  	s3 =	simm.s32 $0x108;
	s8 =	sld [smem:$0x3FA8]  }
0x2e: {  	s3 =	simm.s32 @!p0 $0x1082;
	s9 =	sld [smem:$0x3FA9]  }
0x2f: {  	lr =	sadd.s32 s0, s3;
	s0 =	sld [smem:$0x3FA0]  }
0x30: {  	s3 =	sld [smem:$0x3FA3]  }
0x31: {  	[smem:$0x3FAC] =	sst s10  }
0x32: {  	s10 =	sld [smem:$0x3FAA];
	_ =	sdelay $0x3  }
0x33: {  	p0 =	seq.s32 s10, $0x1;
	s10 =	sld [smem:$0x3FAC];
	_ =	sdelay $0x3  }
0x34: {  	[smem:$0x3FAC] =	sst s10  }
0x35: {  	s10 =	sld [smem:$0x3FAB];
	_ =	sdelay $0x3  }
0x36: {  	p1 =	seq.s32 s10, $0x1;
	s10 =	sld [smem:$0x3FAC];
	_ =	sdelay $0x3  }
0x37: {  	[smem:$0x3FAC] =	sst s10  }
0x38: {  	s10 =	sld [smem:$0x3FAD]  }
0x39: {  	_ = 	snop;
	(pc) =	sbr.ind lr, $3  }
0x3a: {  	_ = 	snop  }
0x3b: {  	_ = 	snop  }
0x3c: {  	p2 =	seq.s32 s10, $0x1;
	s10 =	sld [smem:$0x3FAC]  }
0x3d: {  	_ =	shalt  }
0x3e: {  	_ =	shalt  }
0x3f: {  	_ =	shalt  }
0x40: {  	_ =	shalt  }
0x41: {  	_ =	shalt  }
0x42: {  	_ =	shalt  }
0x43: {  	_ =	shalt  }
0x44: {  	_ =	shalt  }
0x45: {  	_ =	shalt  }
0x46: {  	_ =	shalt  }
0x47: {  	_ =	shalt  }
0x48: {  	_ =	shalt  }
0x49: {  	_ =	shalt  }
0x4a: {  	_ =	shalt  }
0x4b: {  	_ =	shalt  }
0x4c: {  	_ =	shalt  }
0x4d: {  	_ =	shalt  }
0x4e: {  	_ =	shalt  }
0x4f: {  	_ =	shalt  }
0x50: {  	_ =	shalt  }
0x51: {  	_ =	shalt  }
0x52: {  	_ =	shalt  }
0x53: {  	_ =	shalt  }
0x54: {  	_ =	shalt  }
0x55: {  	_ =	shalt  }
0x56: {  	_ =	shalt  }
0x57: {  	_ =	shalt  }
0x58: {  	_ =	shalt  }
0x59: {  	_ =	shalt  }
0x5a: {  	_ =	shalt  }
0x5b: {  	_ =	shalt  }
0x5c: {  	_ =	shalt  }
0x5d: {  	_ =	shalt  }
0x5e: {  	_ =	shalt  }
0x5f: {  	_ =	shalt  }
0x60: {  	_ =	shalt  }
0x61: {  	_ =	shalt  }
0x62: {  	_ =	shalt  }
0x63: {  	_ =	shalt  }
0x64: {  	_ =	shalt  }
0x65: {  	_ =	shalt  }
0x66: {  	_ =	shalt  }
0x67: {  	_ =	shalt  }
0x68: {  	_ =	shalt  }
0x69: {  	_ =	shalt  }
0x6a: {  	_ =	shalt  }
0x6b: {  	_ =	shalt  }
0x6c: {  	_ =	shalt  }
0x6d: {  	_ =	shalt  }
0x6e: {  	_ =	shalt  }
0x6f: {  	_ =	shalt  }
0x70: {  	_ =	shalt  }
0x71: {  	_ =	shalt  }
0x72: {  	_ =	shalt  }
0x73: {  	_ =	shalt  }
0x74: {  	_ =	shalt  }
0x75: {  	_ =	shalt  }
0x76: {  	_ =	shalt  }
0x77: {  	_ =	shalt  }
0x78: {  	_ =	shalt  }
0x79: {  	_ =	shalt  }
0x7a: {  	_ =	shalt  }
0x7b: {  	_ =	shalt  }
0x7c: {  	_ =	shalt  }
0x7d: {  	_ =	shalt  }
0x7e: {  	_ =	shalt  }
0x7f: {  	_ =	shalt  }
0x80: {  	_ =	shalt  }
0x81: {  	_ =	shalt  }
0x82: {  	_ =	shalt  }
0x83: {  	_ =	shalt  }
0x84: {  	_ =	shalt  }
0x85: {  	_ =	shalt  }
0x86: {  	_ =	shalt  }
0x87: {  	_ =	shalt  }
.Lfunc_end0:
.L_simem_size_0:
called_computation_lowered:
.L_overlay_start_0:
0x88: {  	s2 =	sld [smem:$0x3FD9]  }
0x89: {  	s3 =	sld [smem:$0x3FFE];
	_ =	sdelay $0x1  }
0x8a: {  	s1 =	srdreg.scid  }
0x8b: {  	s0 =	sand.u32 $0x1, s1  }
0x8c: {  	s16 =	sshll.u32 s0, $0xA;
	s2 =	sadd.s32 s3, s2  }
0x8d: {  	s2 =	sadd.s32 s2, s16  }
0x8e: {  	[smem:$0x3FB8] =	sst s2  }
0x8f: {  	_ = 	snop  }
0x90: {  	(tm) =	ssettm $0x1  }
0x91: {  	s17 =	sld [smem:$0x3FFB];
	_ =	sdelay $0x3  }
0x92: {  	_ =	strace s17  }
0x93: {  	s2 =	sld [smem:$0x3FFC];
	_ =	sdelay $0x3  }
0x94: {  	_ =	strace s2  }
0x95: {  	s2 =	sld [smem:$0x3FFD];
	_ =	sdelay $0x3  }
0x96: {  	_ =	strace s2  }
0x97: {  	_ =	strace $0x8FFFFFFF  }
0x98: {  	s18 =	sld [smem:$0x3FDB];
	_ =	sdelay $0x1  }
0x99: {  	s19 =	simm.s32 $_scs_section_size  }
0x9a: {  	s4 =	simm.s32 $_size__tile_overlayer_lowered;
	s5 =	simm.s32 $_tile_overlayer_lowered  }
0x9b: {  	s22 =	simm.s32 $0x1BFF;
	s21 =	sshll.u32 s5, $0x1;
	s2 =	sadd.s32 s19, s18  }
0x9c: {  	s6 =	simm.s32 $0x0;
	s20 =	sshll.u32 s4, $0x1;
	s4 =	sadd.s32 s21, s2  }
0x9d: {  	[timem:s6], [sflag:s22] =	dma.local [hbm:s4], s20  }
0x9e: {  	_ =	swait.ge [sflag:s22], s20  }
0x9f: {  	s3 =	ssub.s32 $0x0, s20;
	[sflag:s22] =	ssyncset.done $0x0  }
0xa0: {  	[sflag:s22] =	ssyncadd.s32 s3;
	_ =	sdelay $0x1  }
0xa1: {  	s23 =	simm.s32 $0x1B8B  }
0xa2: {  	_ =	swait.ge [sflag:s23], $0x1  }
0xa3: {  	[sflag:s23] =	ssyncset.done $0x0  }
0xa4: {  	s25 =	simm.s32 $0x1B8E;
	s24 =	sld [smem:$0x3FFE];
	[sflag:s23] =	ssyncadd.s32 $0xFFFFFFFF  }
0xa5: {  	s26 =	simm.s32 $execute0_lowered;
	[smem:$0x3FD2] =	sst s25  }
0xa6: {  	s4 =	sshll.u32 s26, $0x1;
	_ =	strace $0x80000046;
	[dreg:$0x1] =	wrdreg $0xFFFFFFFF  }
0xa7: {  	s28 =	simm.s32 $_size_execute0_lowered;
	s2 =	sadd.s32 s2, s4;
	[dreg:$0x0] =	wrdreg $0x0  }
0xa8: {  	s4 =	sshll.u32 s28, $0x1;
	[dreg:$0x2] =	wrdreg s2  }
0xa9: {  	[dreg:$0x3] =	wrdreg s4  }
0xaa: {  	[dreg:$0x4] =	wrdreg $0xC0  }
0xab: {  	_ =	task [dreg:s6], $0x5FFFF  }
0xac: {  	[dreg:$0x1] =	wrdreg $0xFFFFFFFF  }
0xad: {  	[dreg:$0x0] =	wrdreg $0x60  }
0xae: {  	[dreg:$0x2] =	wrdreg s24  }
0xaf: {  	[dreg:$0x3] =	wrdreg $0x69000  }
0xb0: {  	[dreg:$0x4] =	wrdreg $0x9  }
0xb1: {  	_ =	task.clear_ibuf [dreg:s6], $0x5FFFF;
	_ =	strace $0x90000046  }
0xb2: {  	s29 =	simm.s32 $0x9;
	_ =	strace $0x80000048  }
0xb3: {  	_ =	swait.ge [sflag:s29], $0x1  }
0xb4: {  	[sflag:s29] =	ssyncadd.s32 $0xFFFFFFFF  }
0xb5: {  	_ =	strace $0x90000048  }
0xb6: {  	_ =	sfence  }
0xb7: {  	s30 =	sld [smem:$0x0];
	_ =	sdelay $0x2  }
0xb8: {  	s31 =	sshll.u32 s1, $0xD;
	s1 =	sshrl.u32 s1, $0x2  }
0xb9: {  	s3 =	sand.u32 $0x4000, s31;
	s1 =	sadd.s32 s1, s30  }
0xba: {  	s0 =	sor.u32 s3, s0;
	s1 =	sshll.u32 s1, $0x11  }
0xbb: {  	s0 =	sor.u32 s1, s0  }
0xbc: {  	s0 =	sadd.s32 $0x8F2B, s0  }
0xbd: {  	[sflag:s0] =	ssyncadd.remote.s32 $0x1  }
0xbe: {  	_ =	sfence.sel $0xFFFF  }
0xbf: {  	[dreg:$0x0] =	wrdreg $0xFFFFFFFF;
	(pc) =	sbr.abs _section_cstart, $3  }
0xc0: {  	[dreg:$0x1] =	wrdreg $0xFFFFFFFF  }
0xc1: {  	_ =	task.clear_ibuf [dreg:s6], $0x2FFFF;
	_ =	strace $0x9FFFFFFF  }
0xc2: {  	(tm) =	ssettm $0x7FFFFFFF  }
0xc3: {  	_ =	shalt  }
tec
execute0_lowered:
.L_overlay_start_1:
0x0: {  	(tag) =	ssettag $0x1  }
0x1: {  	s0 =	rddreg [dreg:$0x0]  }
0x2: {  	s2 =	rddreg [dreg:$0x1];
	s13 =	stileid.u32;
	s3 =	simm.s32 $0x0  }
0x3: {  	s4 =	srdreg.scid;
	s28 =	simm.s32 $0x2;
	s1 =	smul.u32 $0x2780, s13  }
0x4: {  	s29 =	simm.s32 $0x3;
	s30 =	simm.s32 $0x4;
	s5 =	smul.u32 $0x27100, s13  }
0x5: {  	s31 =	simm.s32 $0x5;
	[smem:$0x7FF] =	sst s3;
	s6 =	smul.u32 $0x4F000, s13  }
0x6: {  	s7 =	sand.u32 $0x1, s4;
	s8 =	smul.u32 $0x2710, s13;
	s4 =	sadd.s32 $0x35000, s0  }
0x7: {  	s9 =	sadd.s32 $0x3800, s0;
	s11 =	sadd.s32 $0x8800, s0;
	s24 =	sshll.u32 s13, $0x6  }
0x8: {  	_ =	strace $0x80000047;
	s10 =	smul.u32 $0x1388, s7;
	s22 =	ssub.s32 $0x2, s7  }
0x9: {  	s7 =	smul.u32 $0x13880, s7;
	s1 =	sadd.s32 s1, s0;
	s0 =	sadd.s32 s5, s0  }
0xa: {  	s12 =	sshrl.u32 s22, $0x1;
	s6 =	sshrl.u32 s6, $0x2;
	s8 =	sadd.s32 s10, s8  }
0xb: {  	s5 =	ssub.s32 s22, s12;
	s10 =	sadd.s32 s6, s2;
	s1 =	sadd.s32 $0xD800, s1  }
0xc: {  	s0 =	sadd.s32 s7, s0;
	s23 =	sadd.s32 $0xA0, s8;
	[dreg:$0xd] =	wrdreg s1  }
0xd: {  	s1 =	sor.u32 $0x1C0B, s24;
	s26 =	sadd.s32 $0x78, s8;
	s14 =	sadd.s32 $0x50, s8  }
0xe: {  	s18 =	sadd.s32 $0x28, s8;
	s5 =	smax.u32 s5, $0x1;
	s0 =	sadd.s32 $0x5D200, s0  }
0xf: {  	s6 =	sshrl.u32 s23, $0x3;
	[dreg:$0xe] =	wrdreg s1;
	s12 =	sshrl.u32 s26, $0x3  }
0x10: {  	s16 =	sshrl.u32 s14, $0x3;
	s20 =	sshrl.u32 s18, $0x3;
	[dreg:$0xf] =	wrdreg s5  }
0x11: {  	s23 =	sshrl.u32 s8, $0x3;
	[dreg:$0x10] =	wrdreg s0;
	s26 =	sshrl.u32 s10, $0x3  }
0x12: {  	s10 =	simm.s32 $0xB;
	s25 =	sadd.s32 s6, s11;
	[dreg:$0x11] =	wrdreg s26  }
0x13: {  	s14 =	simm.s32 $0x80;
	s6 =	sadd.s32 s6, s9;
	[dreg:$0x3] =	wrdreg s25  }
0x14: {  	s18 =	simm.s32 $0x380;
	s13 =	sadd.s32 s12, s11;
	[dreg:$0x4] =	wrdreg s6  }
0x15: {  	s5 =	simm.s32 $0x0;
	s15 =	sadd.s32 s12, s9;
	[dreg:$0x5] =	wrdreg s13  }
0x16: {  	s17 =	sadd.s32 s16, s11;
	s19 =	sadd.s32 s16, s9;
	[dreg:$0x6] =	wrdreg s15  }
0x17: {  	s21 =	sadd.s32 s20, s11;
	s22 =	sadd.s32 s20, s9;
	[dreg:$0x7] =	wrdreg s17  }
0x18: {  	s24 =	sadd.s32 s23, s11;
	s11 =	simm.s32 $0x280;
	[dreg:$0x8] =	wrdreg s19  }
0x19: {  	s12 =	simm.s32 $0x28;
	s16 =	simm.s32 $0x1900;
	[dreg:$0x9] =	wrdreg s21  }
0x1a: {  	s20 =	simm.s32 $0x180;
	s26 =	simm.s32 $0x1;
	[dreg:$0xa] =	wrdreg s22  }
0x1b: {  	[dreg:$0xb] =	wrdreg s24;
	s25 =	sadd.s32 s23, s9;
	s13 =	simm.s32 $0x500  }
0x1c: {  	s15 =	simm.s32 $0x300;
	s17 =	simm.s32 $0x100;
	s19 =	simm.s32 $0x2D00  }
0x1d: {  	s21 =	simm.s32 $0x400;
	s22 =	simm.s32 $0x4100;
	s23 =	simm.s32 $0x200  }
0x1e: {  	s24 =	simm.s32 $0x480;
	[dreg:$0xc] =	wrdreg s25;
	s25 =	simm.s32 $0x5500  }
.LBB2_1:
0x1f: {  	[dreg:$0x12] =	wrdreg s5  }
0x20: {  	s0 =	rddreg [dreg:$0xd]  }
0x21: {  	s1 =	rddreg [dreg:$0xe]  }
0x22: {  	s7 =	rddreg [dreg:$0x11]  }
0x23: {  	[spmem:s7], [sflag:s1] =	dma.local [hbm:s0], $0x2780  }
0x24: {  	_ =	swait.ge [sflag:s10], $0x2780  }
0x25: {  	[sflag:s10] =	ssyncset.done $0x0  }
0x26: {  	p0 =	por $0x1, $0x1;
	[sflag:s10] =	ssyncadd.s32 $0xFFFFD880  }
0x27: {  	s0 =	simm.s32 @!p0 $0x6;
	[bflag:$0x0] =	sbarrier.arrive $0xFFFF  }
0x28: {  	_ =	swait.ge @!p0 [sflag:s0], $0x1400  }
0x29: {  	s8 =	rddreg [dreg:$0xc];
	[sflag:s0] =	ssyncset.done @!p0 $0x0  }
0x2a: {  	[sflag:s0] =	ssyncadd.s32 @!p0 $0xFFFFEC00;
	s9 =	sadd.s32 $0x0, s8  }
0x2b: {  	[tilespmem:s3], [sflag:$0xB] =	stream.linear.gather [hbm4b:s9+s3], $0x28, $0x38;
	[tilespmem:$0x1A500] =	vst v63  }
0x2c: {  	_ =	swait.ge [sflag:s10], $0x28  }
0x2d: {  	s1 =	rddreg [dreg:$0xb];
	[sflag:s10] =	ssyncset.done $0x0  }
0x2e: {  	[sflag:s10] =	ssyncadd.s32 $0xFFFFFFD8;
	s0 =	sadd.s32 $0x0, s1  }
0x2f: {  	[tilespmem:s11], [sflag:$0xB] =	stream.linear.gather [hbm4b:s0+s3], $0x28, $0x38;
	[tilespmem:$0x1A500] =	vst v63  }
0x30: {  	_ =	swait.ge [sflag:s10], $0x28  }
0x31: {  	[sflag:s10] =	ssyncset.done $0x0  }
0x32: {  	s0 =	simm.s32 @!p0 $0x7;
	[sflag:s10] =	ssyncadd.s32 $0xFFFFFFD8  }
0x33: {  	[tilespmem:s13], [sflag:$0x1] =	stream.indirect.gather [spmem:s2], $0x80, s3, s12, $0xb8;
	[tilespmem:$0x1A500] =	vst v63  }
0x34: {  	_ =	swait.ge @!p0 [sflag:s0], $0x1400  }
0x35: {  	s5 =	rddreg [dreg:$0xa];
	[sflag:s0] =	ssyncset.done @!p0 $0x0  }
0x36: {  	[sflag:s0] =	ssyncadd.s32 @!p0 $0xFFFFEC00;
	s6 =	sadd.s32 $0x0, s5  }
0x37: {  	[tilespmem:s14], [sflag:$0xB] =	stream.linear.gather [hbm4b:s6+s3], $0x28, $0x38;
	[tilespmem:$0x1A500] =	vst v63  }
0x38: {  	_ =	swait.ge [sflag:s10], $0x28  }
0x39: {  	s7 =	rddreg [dreg:$0x9];
	[sflag:s10] =	ssyncset.done $0x0  }
0x3a: {  	[sflag:s10] =	ssyncadd.s32 $0xFFFFFFD8;
	s0 =	sadd.s32 $0x0, s7  }
0x3b: {  	[tilespmem:s15], [sflag:$0xB] =	stream.linear.gather [hbm4b:s0+s3], $0x28, $0x38;
	[tilespmem:$0x1A500] =	vst v63  }
0x3c: {  	_ =	swait.ge [sflag:s10], $0x28  }
0x3d: {  	[sflag:s10] =	ssyncset.done $0x0  }
0x3e: {  	s0 =	simm.s32 @!p0 $0x8;
	[sflag:s10] =	ssyncadd.s32 $0xFFFFFFD8  }
0x3f: {  	[tilespmem:s16], [sflag:$0x2] =	stream.indirect.gather [spmem:s2], $0x80, s14, s12, $0xb8;
	[tilespmem:$0x1A500] =	vst v63  }
0x40: {  	_ =	swait.ge @!p0 [sflag:s0], $0x1400  }
0x41: {  	s8 =	rddreg [dreg:$0x8];
	[sflag:s0] =	ssyncset.done @!p0 $0x0  }
0x42: {  	[sflag:s0] =	ssyncadd.s32 @!p0 $0xFFFFEC00;
	s9 =	sadd.s32 $0x0, s8  }
0x43: {  	[tilespmem:s17], [sflag:$0xB] =	stream.linear.gather [hbm4b:s9+s3], $0x28, $0x38;
	[tilespmem:$0x1A500] =	vst v63  }
0x44: {  	_ =	swait.ge [sflag:s10], $0x28  }
0x45: {  	s1 =	rddreg [dreg:$0x7];
	[sflag:s10] =	ssyncset.done $0x0  }
0x46: {  	[sflag:s10] =	ssyncadd.s32 $0xFFFFFFD8;
	s0 =	sadd.s32 $0x0, s1  }
0x47: {  	[tilespmem:s18], [sflag:$0xB] =	stream.linear.gather [hbm4b:s0+s3], $0x28, $0x38;
	[tilespmem:$0x1A500] =	vst v63  }
0x48: {  	_ =	swait.ge [sflag:s10], $0x28  }
0x49: {  	[sflag:s10] =	ssyncset.done $0x0  }
0x4a: {  	s0 =	simm.s32 @!p0 $0x9;
	[sflag:s10] =	ssyncadd.s32 $0xFFFFFFD8  }
0x4b: {  	[tilespmem:s19], [sflag:$0x3] =	stream.indirect.gather [spmem:s2], $0x80, s17, s12, $0xb8;
	[tilespmem:$0x1A500] =	vst v63  }
0x4c: {  	_ =	swait.ge @!p0 [sflag:s0], $0x1400  }
0x4d: {  	s5 =	rddreg [dreg:$0x6];
	[sflag:s0] =	ssyncset.done @!p0 $0x0  }
0x4e: {  	[sflag:s0] =	ssyncadd.s32 @!p0 $0xFFFFEC00;
	s6 =	sadd.s32 $0x0, s5  }
0x4f: {  	[tilespmem:s20], [sflag:$0xB] =	stream.linear.gather [hbm4b:s6+s3], $0x28, $0x38;
	[tilespmem:$0x1A500] =	vst v63  }
0x50: {  	_ =	swait.ge [sflag:s10], $0x28  }
0x51: {  	s7 =	rddreg [dreg:$0x5];
	[sflag:s10] =	ssyncset.done $0x0  }
0x52: {  	[sflag:s10] =	ssyncadd.s32 $0xFFFFFFD8;
	s0 =	sadd.s32 $0x0, s7  }
0x53: {  	[tilespmem:s21], [sflag:$0xB] =	stream.linear.gather [hbm4b:s0+s3], $0x28, $0x38;
	[tilespmem:$0x1A500] =	vst v63  }
0x54: {  	_ =	swait.ge [sflag:s10], $0x28  }
0x55: {  	[sflag:s10] =	ssyncset.done $0x0  }
0x56: {  	s0 =	simm.s32 @!p0 $0xA;
	[sflag:s10] =	ssyncadd.s32 $0xFFFFFFD8  }
0x57: {  	[tilespmem:s22], [sflag:$0x4] =	stream.indirect.gather [spmem:s2], $0x80, s20, s12, $0xb8;
	[tilespmem:$0x1A500] =	vst v63  }
0x58: {  	_ =	swait.ge @!p0 [sflag:s0], $0x1400  }
0x59: {  	s8 =	rddreg [dreg:$0x4];
	[sflag:s0] =	ssyncset.done @!p0 $0x0  }
0x5a: {  	[sflag:s0] =	ssyncadd.s32 @!p0 $0xFFFFEC00;
	s9 =	sadd.s32 $0x0, s8  }
0x5b: {  	[tilespmem:s23], [sflag:$0xB] =	stream.linear.gather [hbm4b:s9+s3], $0x28, $0x38;
	[tilespmem:$0x1A500] =	vst v63  }
0x5c: {  	_ =	swait.ge [sflag:s10], $0x28  }
0x5d: {  	s1 =	rddreg [dreg:$0x3];
	[sflag:s10] =	ssyncset.done $0x0  }
0x5e: {  	[sflag:s10] =	ssyncadd.s32 $0xFFFFFFD8;
	s0 =	sadd.s32 $0x0, s1  }
0x5f: {  	[tilespmem:s24], [sflag:$0xB] =	stream.linear.gather [hbm4b:s0+s3], $0x28, $0x38;
	[tilespmem:$0x1A500] =	vst v63  }
0x60: {  	_ =	swait.ge [sflag:s10], $0x28  }
0x61: {  	[sflag:s10] =	ssyncset.done $0x0  }
0x62: {  	[sflag:s10] =	ssyncadd.s32 $0xFFFFFFD8  }
0x63: {  	[tilespmem:s25], [sflag:$0x5] =	stream.indirect.gather [spmem:s2], $0x80, s23, s12, $0xb8;
	[tilespmem:$0x1A500] =	vst v63  }
0x64: {  	_ =	swait.ge [sflag:s26], $0x1400  }
0x65: {  	[sflag:s26] =	ssyncset.done $0x0  }
0x66: {  	[sflag:s26] =	ssyncadd.s32 $0xFFFFEC00  }
0x67: {  	[tilespmem:s13], [sflag:$0xB] =	stream.indirect.gather.add.f32 [hbm:s4], $0x80, s11, s12, $0xb8;
	[tilespmem:$0x1A500] =	vst v63  }
0x68: {  	_ =	swait.ge [sflag:s10], $0x1400  }
0x69: {  	[sflag:s10] =	ssyncset.done $0x0;
	s8 =	rddreg [dreg:$0x10]  }
0x6a: {  	[sflag:s10] =	ssyncadd.s32 $0xFFFFEC00;
	s5 =	sadd.s32 $0xFFFFF600, s8  }
0x6b: {  	[hbm4b:s5+s3] =	stream.linear.scatter [tilespmem:s13], [sflag:$0x6], $0x1400, $0x38;
	[tilespmem:$0x1A500] =	vst v63  }
0x6c: {  	_ =	swait.ge [sflag:s28], $0x1400  }
0x6d: {  	[sflag:s28] =	ssyncset.done $0x0  }
0x6e: {  	[sflag:s28] =	ssyncadd.s32 $0xFFFFEC00  }
0x6f: {  	[tilespmem:s16], [sflag:$0xB] =	stream.indirect.gather.add.f32 [hbm:s4], $0x80, s15, s12, $0xb8;
	[tilespmem:$0x1A500] =	vst v63  }
0x70: {  	_ =	swait.ge [sflag:s10], $0x1400  }
0x71: {  	[sflag:s10] =	ssyncset.done $0x0  }
0x72: {  	s6 =	sadd.s32 $0xFFFFF880, s8;
	[sflag:s10] =	ssyncadd.s32 $0xFFFFEC00  }
0x73: {  	[hbm4b:s6+s3] =	stream.linear.scatter [tilespmem:s16], [sflag:$0x7], $0x1400, $0x38;
	[tilespmem:$0x1A500] =	vst v63  }
0x74: {  	_ =	swait.ge [sflag:s29], $0x1400  }
0x75: {  	[sflag:s29] =	ssyncset.done $0x0  }
0x76: {  	[sflag:s29] =	ssyncadd.s32 $0xFFFFEC00  }
0x77: {  	[tilespmem:s19], [sflag:$0xB] =	stream.indirect.gather.add.f32 [hbm:s4], $0x80, s18, s12, $0xb8;
	[tilespmem:$0x1A500] =	vst v63  }
0x78: {  	_ =	swait.ge [sflag:s10], $0x1400  }
0x79: {  	[sflag:s10] =	ssyncset.done $0x0  }
0x7a: {  	s7 =	sadd.s32 $0xFFFFFB00, s8;
	[sflag:s10] =	ssyncadd.s32 $0xFFFFEC00  }
0x7b: {  	[hbm4b:s7+s3] =	stream.linear.scatter [tilespmem:s19], [sflag:$0x8], $0x1400, $0x38;
	[tilespmem:$0x1A500] =	vst v63  }
0x7c: {  	_ =	swait.ge [sflag:s30], $0x1400  }
0x7d: {  	[sflag:s30] =	ssyncset.done $0x0  }
0x7e: {  	[sflag:s30] =	ssyncadd.s32 $0xFFFFEC00  }
0x7f: {  	[tilespmem:s22], [sflag:$0xB] =	stream.indirect.gather.add.f32 [hbm:s4], $0x80, s21, s12, $0xb8;
	[tilespmem:$0x1A500] =	vst v63  }
0x80: {  	_ =	swait.ge [sflag:s10], $0x1400  }
0x81: {  	[sflag:s10] =	ssyncset.done $0x0  }
0x82: {  	s9 =	sadd.s32 $0xFFFFFD80, s8;
	[sflag:s10] =	ssyncadd.s32 $0xFFFFEC00  }
0x83: {  	[hbm4b:s9+s3] =	stream.linear.scatter [tilespmem:s22], [sflag:$0x9], $0x1400, $0x38;
	[tilespmem:$0x1A500] =	vst v63  }
0x84: {  	_ =	swait.ge [sflag:s31], $0x1400  }
0x85: {  	[sflag:s31] =	ssyncset.done $0x0  }
0x86: {  	[sflag:s31] =	ssyncadd.s32 $0xFFFFEC00  }
0x87: {  	[tilespmem:s25], [sflag:$0xB] =	stream.indirect.gather.add.f32 [hbm:s4], $0x80, s24, s12, $0xb8;
	[tilespmem:$0x1A500] =	vst v63  }
0x88: {  	p1 =	por $0x0, $0x0;
	s1 =	simm.s32 $0x19;
	_ =	swait.ge [sflag:s10], $0x1400  }
0x89: {  	s0 =	sadd.s32 $0xC80, s8;
	s5 =	simm.s32 $0x32;
	[sflag:s10] =	ssyncset.done $0x0  }
.LBB2_2:
0x8a: {  	s6 =	simm.s32 @!p1 $0x6;
	[sflag:s10] =	ssyncadd.s32 $0xFFFFEC00  }
0x8b: {  	[hbm4b:s8+s3] =	stream.linear.scatter [tilespmem:s25], [sflag:$0xA], $0x1400, $0x38;
	[tilespmem:$0x1A500] =	vst v63  }
0x8c: {  	_ =	swait.ge @!p1 [sflag:s6], $0x1400  }
0x8d: {  	[sflag:s6] =	ssyncset.done @!p1 $0x0;
	s9 =	rddreg [dreg:$0xc]  }
0x8e: {  	[sflag:s6] =	ssyncadd.s32 @!p1 $0xFFFFEC00;
	s9 =	sadd.s32 s1, s9  }
0x8f: {  	[tilespmem:s3], [sflag:$0xB] =	stream.linear.gather [hbm4b:s9+s3], $0x28, $0x38;
	[tilespmem:$0x1A500] =	vst v63  }
0x90: {  	_ =	swait.ge [sflag:s10], $0x28  }
0x91: {  	s9 =	rddreg [dreg:$0xb];
	[sflag:s10] =	ssyncset.done $0x0  }
0x92: {  	[sflag:s10] =	ssyncadd.s32 $0xFFFFFFD8;
	s6 =	sadd.s32 s1, s9  }
0x93: {  	[tilespmem:s11], [sflag:$0xB] =	stream.linear.gather [hbm4b:s6+s3], $0x28, $0x38;
	[tilespmem:$0x1A500] =	vst v63  }
0x94: {  	_ =	swait.ge [sflag:s10], $0x28  }
0x95: {  	[sflag:s10] =	ssyncset.done $0x0  }
0x96: {  	s6 =	simm.s32 @!p1 $0x7;
	[sflag:s10] =	ssyncadd.s32 $0xFFFFFFD8  }
0x97: {  	[tilespmem:s13], [sflag:$0x1] =	stream.indirect.gather [spmem:s2], $0x80, s3, s12, $0xb8;
	[tilespmem:$0x1A500] =	vst v63  }
0x98: {  	_ =	swait.ge @!p1 [sflag:s6], $0x1400  }
0x99: {  	[sflag:s6] =	ssyncset.done @!p1 $0x0;
	s9 =	rddreg [dreg:$0xa]  }
0x9a: {  	[sflag:s6] =	ssyncadd.s32 @!p1 $0xFFFFEC00;
	s9 =	sadd.s32 s1, s9  }
0x9b: {  	[tilespmem:s14], [sflag:$0xB] =	stream.linear.gather [hbm4b:s9+s3], $0x28, $0x38;
	[tilespmem:$0x1A500] =	vst v63  }
0x9c: {  	_ =	swait.ge [sflag:s10], $0x28  }
0x9d: {  	s9 =	rddreg [dreg:$0x9];
	[sflag:s10] =	ssyncset.done $0x0  }
0x9e: {  	[sflag:s10] =	ssyncadd.s32 $0xFFFFFFD8;
	s6 =	sadd.s32 s1, s9  }
0x9f: {  	[tilespmem:s15], [sflag:$0xB] =	stream.linear.gather [hbm4b:s6+s3], $0x28, $0x38;
	[tilespmem:$0x1A500] =	vst v63  }
0xa0: {  	_ =	swait.ge [sflag:s10], $0x28  }
0xa1: {  	[sflag:s10] =	ssyncset.done $0x0  }
0xa2: {  	s6 =	simm.s32 @!p1 $0x8;
	[sflag:s10] =	ssyncadd.s32 $0xFFFFFFD8  }
0xa3: {  	[tilespmem:s16], [sflag:$0x2] =	stream.indirect.gather [spmem:s2], $0x80, s14, s12, $0xb8;
	[tilespmem:$0x1A500] =	vst v63  }
0xa4: {  	_ =	swait.ge @!p1 [sflag:s6], $0x1400  }
0xa5: {  	[sflag:s6] =	ssyncset.done @!p1 $0x0;
	s9 =	rddreg [dreg:$0x8]  }
0xa6: {  	[sflag:s6] =	ssyncadd.s32 @!p1 $0xFFFFEC00;
	s9 =	sadd.s32 s1, s9  }
0xa7: {  	[tilespmem:s17], [sflag:$0xB] =	stream.linear.gather [hbm4b:s9+s3], $0x28, $0x38;
	[tilespmem:$0x1A500] =	vst v63  }
0xa8: {  	_ =	swait.ge [sflag:s10], $0x28  }
0xa9: {  	s9 =	rddreg [dreg:$0x7];
	[sflag:s10] =	ssyncset.done $0x0  }
0xaa: {  	[sflag:s10] =	ssyncadd.s32 $0xFFFFFFD8;
	s6 =	sadd.s32 s1, s9  }
0xab: {  	[tilespmem:s18], [sflag:$0xB] =	stream.linear.gather [hbm4b:s6+s3], $0x28, $0x38;
	[tilespmem:$0x1A500] =	vst v63  }
0xac: {  	_ =	swait.ge [sflag:s10], $0x28  }
0xad: {  	[sflag:s10] =	ssyncset.done $0x0  }
0xae: {  	s6 =	simm.s32 @!p1 $0x9;
	[sflag:s10] =	ssyncadd.s32 $0xFFFFFFD8  }
0xaf: {  	[tilespmem:s19], [sflag:$0x3] =	stream.indirect.gather [spmem:s2], $0x80, s17, s12, $0xb8;
	[tilespmem:$0x1A500] =	vst v63  }
0xb0: {  	_ =	swait.ge @!p1 [sflag:s6], $0x1400  }
0xb1: {  	[sflag:s6] =	ssyncset.done @!p1 $0x0;
	s9 =	rddreg [dreg:$0x6]  }
0xb2: {  	[sflag:s6] =	ssyncadd.s32 @!p1 $0xFFFFEC00;
	s9 =	sadd.s32 s1, s9  }
0xb3: {  	[tilespmem:s20], [sflag:$0xB] =	stream.linear.gather [hbm4b:s9+s3], $0x28, $0x38;
	[tilespmem:$0x1A500] =	vst v63  }
0xb4: {  	_ =	swait.ge [sflag:s10], $0x28  }
0xb5: {  	s9 =	rddreg [dreg:$0x5];
	[sflag:s10] =	ssyncset.done $0x0  }
0xb6: {  	[sflag:s10] =	ssyncadd.s32 $0xFFFFFFD8;
	s6 =	sadd.s32 s1, s9  }
0xb7: {  	[tilespmem:s21], [sflag:$0xB] =	stream.linear.gather [hbm4b:s6+s3], $0x28, $0x38;
	[tilespmem:$0x1A500] =	vst v63  }
0xb8: {  	_ =	swait.ge [sflag:s10], $0x28  }
0xb9: {  	[sflag:s10] =	ssyncset.done $0x0  }
0xba: {  	s6 =	simm.s32 @!p1 $0xA;
	[sflag:s10] =	ssyncadd.s32 $0xFFFFFFD8  }
0xbb: {  	[tilespmem:s22], [sflag:$0x4] =	stream.indirect.gather [spmem:s2], $0x80, s20, s12, $0xb8;
	[tilespmem:$0x1A500] =	vst v63  }
0xbc: {  	_ =	swait.ge @!p1 [sflag:s6], $0x1400  }
0xbd: {  	[sflag:s6] =	ssyncset.done @!p1 $0x0;
	s9 =	rddreg [dreg:$0x4]  }
0xbe: {  	[sflag:s6] =	ssyncadd.s32 @!p1 $0xFFFFEC00;
	s9 =	sadd.s32 s1, s9  }
0xbf: {  	[tilespmem:s23], [sflag:$0xB] =	stream.linear.gather [hbm4b:s9+s3], $0x28, $0x38;
	[tilespmem:$0x1A500] =	vst v63  }
0xc0: {  	_ =	swait.ge [sflag:s10], $0x28  }
0xc1: {  	s9 =	rddreg [dreg:$0x3];
	[sflag:s10] =	ssyncset.done $0x0  }
0xc2: {  	[sflag:s10] =	ssyncadd.s32 $0xFFFFFFD8;
	s6 =	sadd.s32 s1, s9  }
0xc3: {  	[tilespmem:s24], [sflag:$0xB] =	stream.linear.gather [hbm4b:s6+s3], $0x28, $0x38;
	[tilespmem:$0x1A500] =	vst v63  }
0xc4: {  	_ =	swait.ge [sflag:s10], $0x28  }
0xc5: {  	[sflag:s10] =	ssyncset.done $0x0  }
0xc6: {  	[sflag:s10] =	ssyncadd.s32 $0xFFFFFFD8  }
0xc7: {  	[tilespmem:s25], [sflag:$0x5] =	stream.indirect.gather [spmem:s2], $0x80, s23, s12, $0xb8;
	[tilespmem:$0x1A500] =	vst v63  }
0xc8: {  	_ =	swait.ge [sflag:s26], $0x1400  }
0xc9: {  	[sflag:s26] =	ssyncset.done $0x0  }
0xca: {  	[sflag:s26] =	ssyncadd.s32 $0xFFFFEC00  }
0xcb: {  	[tilespmem:s13], [sflag:$0xB] =	stream.indirect.gather.add.f32 [hbm:s4], $0x80, s11, s12, $0xb8;
	[tilespmem:$0x1A500] =	vst v63  }
0xcc: {  	_ =	swait.ge [sflag:s10], $0x1400  }
0xcd: {  	s7 =	smov.u32 s5;
	[sflag:s10] =	ssyncset.done $0x0  }
0xce: {  	s1 =	smov.u32 s7;
	s7 =	sadd.s32 $0xFFFFF600, s0;
	[sflag:s10] =	ssyncadd.s32 $0xFFFFEC00  }
0xcf: {  	[hbm4b:s7+s3] =	stream.linear.scatter [tilespmem:s13], [sflag:$0x6], $0x1400, $0x38;
	[tilespmem:$0x1A500] =	vst v63  }
0xd0: {  	_ =	swait.ge [sflag:s28], $0x1400  }
0xd1: {  	[sflag:s28] =	ssyncset.done $0x0  }
0xd2: {  	[sflag:s28] =	ssyncadd.s32 $0xFFFFEC00  }
0xd3: {  	[tilespmem:s16], [sflag:$0xB] =	stream.indirect.gather.add.f32 [hbm:s4], $0x80, s15, s12, $0xb8;
	[tilespmem:$0x1A500] =	vst v63  }
0xd4: {  	_ =	swait.ge [sflag:s10], $0x1400  }
0xd5: {  	[sflag:s10] =	ssyncset.done $0x0  }
0xd6: {  	s9 =	sadd.s32 $0xFFFFF880, s0;
	[sflag:s10] =	ssyncadd.s32 $0xFFFFEC00  }
0xd7: {  	[hbm4b:s9+s3] =	stream.linear.scatter [tilespmem:s16], [sflag:$0x7], $0x1400, $0x38;
	[tilespmem:$0x1A500] =	vst v63  }
0xd8: {  	_ =	swait.ge [sflag:s29], $0x1400  }
0xd9: {  	[sflag:s29] =	ssyncset.done $0x0  }
0xda: {  	[sflag:s29] =	ssyncadd.s32 $0xFFFFEC00  }
0xdb: {  	[tilespmem:s19], [sflag:$0xB] =	stream.indirect.gather.add.f32 [hbm:s4], $0x80, s18, s12, $0xb8;
	[tilespmem:$0x1A500] =	vst v63  }
0xdc: {  	_ =	swait.ge [sflag:s10], $0x1400  }
0xdd: {  	[sflag:s10] =	ssyncset.done $0x0  }
0xde: {  	s7 =	sadd.s32 $0xFFFFFB00, s0;
	[sflag:s10] =	ssyncadd.s32 $0xFFFFEC00  }
0xdf: {  	[hbm4b:s7+s3] =	stream.linear.scatter [tilespmem:s19], [sflag:$0x8], $0x1400, $0x38;
	[tilespmem:$0x1A500] =	vst v63  }
0xe0: {  	_ =	swait.ge [sflag:s30], $0x1400  }
0xe1: {  	[sflag:s30] =	ssyncset.done $0x0  }
0xe2: {  	[sflag:s30] =	ssyncadd.s32 $0xFFFFEC00  }
0xe3: {  	[tilespmem:s22], [sflag:$0xB] =	stream.indirect.gather.add.f32 [hbm:s4], $0x80, s21, s12, $0xb8;
	[tilespmem:$0x1A500] =	vst v63  }
0xe4: {  	_ =	swait.ge [sflag:s10], $0x1400  }
0xe5: {  	[sflag:s10] =	ssyncset.done $0x0  }
0xe6: {  	s5 =	sadd.s32 $0x19, s5;
	s9 =	sadd.s32 $0xFFFFFD80, s0;
	[sflag:s10] =	ssyncadd.s32 $0xFFFFEC00  }
0xe7: {  	[hbm4b:s9+s3] =	stream.linear.scatter [tilespmem:s22], [sflag:$0x9], $0x1400, $0x38;
	[tilespmem:$0x1A500] =	vst v63  }
0xe8: {  	p0 =	sne.s32 s5, $0x271;
	_ =	swait.ge [sflag:s31], $0x1400  }
.Ltmp0:
0xe9: {  	[sflag:s31] =	ssyncset.done $0x0;
	(pc) =	sbr.rel @p0 .LBB2_2-.Ltmp0, $4  }
0xea: {  	[sflag:s31] =	ssyncadd.s32 $0xFFFFEC00  }
0xeb: {  	[tilespmem:s25], [sflag:$0xB] =	stream.indirect.gather.add.f32 [hbm:s4], $0x80, s24, s12, $0xb8;
	[tilespmem:$0x1A500] =	vst v63  }
0xec: {  	s8 =	smov.u32 s0;
	_ =	swait.ge [sflag:s10], $0x1400  }
0xed: {  	p1 =	seq.s32 s1, $0x0;
	s0 =	sadd.s32 $0xC80, s0;
	[sflag:s10] =	ssyncset.done $0x0  }
0xee: {  	s5 =	simm.s32 @!p1 $0x6;
	[sflag:s10] =	ssyncadd.s32 $0xFFFFEC00  }
0xef: {  	[hbm4b:s8+s3] =	stream.linear.scatter [tilespmem:s25], [sflag:$0xA], $0x1400, $0x38;
	[tilespmem:$0x1A500] =	vst v63  }
0xf0: {  	_ =	swait.ge @!p1 [sflag:s5], $0x1400  }
0xf1: {  	s6 =	rddreg [dreg:$0xc];
	[sflag:s5] =	ssyncset.done @!p1 $0x0  }
0xf2: {  	[sflag:s5] =	ssyncadd.s32 @!p1 $0xFFFFEC00;
	s7 =	sadd.s32 s1, s6  }
0xf3: {  	[tilespmem:s3], [sflag:$0xB] =	stream.linear.gather [hbm4b:s7+s3], $0x28, $0x38;
	[tilespmem:$0x1A500] =	vst v63  }
0xf4: {  	_ =	swait.ge [sflag:s10], $0x28  }
0xf5: {  	s8 =	rddreg [dreg:$0xb];
	[sflag:s10] =	ssyncset.done $0x0  }
0xf6: {  	[sflag:s10] =	ssyncadd.s32 $0xFFFFFFD8;
	s5 =	sadd.s32 s1, s8  }
0xf7: {  	[tilespmem:s11], [sflag:$0xB] =	stream.linear.gather [hbm4b:s5+s3], $0x28, $0x38;
	[tilespmem:$0x1A500] =	vst v63  }
0xf8: {  	_ =	swait.ge [sflag:s10], $0x28  }
0xf9: {  	[sflag:s10] =	ssyncset.done $0x0  }
0xfa: {  	s5 =	simm.s32 @!p1 $0x7;
	[sflag:s10] =	ssyncadd.s32 $0xFFFFFFD8  }
0xfb: {  	[tilespmem:s13], [sflag:$0x1] =	stream.indirect.gather [spmem:s2], $0x80, s3, s12, $0xb8;
	[tilespmem:$0x1A500] =	vst v63  }
0xfc: {  	_ =	swait.ge @!p1 [sflag:s5], $0x1400  }
0xfd: {  	s9 =	rddreg [dreg:$0xa];
	[sflag:s5] =	ssyncset.done @!p1 $0x0  }
0xfe: {  	[sflag:s5] =	ssyncadd.s32 @!p1 $0xFFFFEC00;
	s7 =	sadd.s32 s1, s9  }
0xff: {  	[tilespmem:s14], [sflag:$0xB] =	stream.linear.gather [hbm4b:s7+s3], $0x28, $0x38;
	[tilespmem:$0x1A500] =	vst v63  }
0x100: {  	_ =	swait.ge [sflag:s10], $0x28  }
0x101: {  	s8 =	rddreg [dreg:$0x9];
	[sflag:s10] =	ssyncset.done $0x0  }
0x102: {  	[sflag:s10] =	ssyncadd.s32 $0xFFFFFFD8;
	s5 =	sadd.s32 s1, s8  }
0x103: {  	[tilespmem:s15], [sflag:$0xB] =	stream.linear.gather [hbm4b:s5+s3], $0x28, $0x38;
	[tilespmem:$0x1A500] =	vst v63  }
0x104: {  	_ =	swait.ge [sflag:s10], $0x28  }
0x105: {  	[sflag:s10] =	ssyncset.done $0x0  }
0x106: {  	s5 =	simm.s32 @!p1 $0x8;
	[sflag:s10] =	ssyncadd.s32 $0xFFFFFFD8  }
0x107: {  	[tilespmem:s16], [sflag:$0x2] =	stream.indirect.gather [spmem:s2], $0x80, s14, s12, $0xb8;
	[tilespmem:$0x1A500] =	vst v63  }
0x108: {  	_ =	swait.ge @!p1 [sflag:s5], $0x1400  }
0x109: {  	s9 =	rddreg [dreg:$0x8];
	[sflag:s5] =	ssyncset.done @!p1 $0x0  }
0x10a: {  	[sflag:s5] =	ssyncadd.s32 @!p1 $0xFFFFEC00;
	s7 =	sadd.s32 s1, s9  }
0x10b: {  	[tilespmem:s17], [sflag:$0xB] =	stream.linear.gather [hbm4b:s7+s3], $0x28, $0x38;
	[tilespmem:$0x1A500] =	vst v63  }
0x10c: {  	_ =	swait.ge [sflag:s10], $0x28  }
0x10d: {  	s8 =	rddreg [dreg:$0x7];
	[sflag:s10] =	ssyncset.done $0x0  }
0x10e: {  	[sflag:s10] =	ssyncadd.s32 $0xFFFFFFD8;
	s5 =	sadd.s32 s1, s8  }
0x10f: {  	[tilespmem:s18], [sflag:$0xB] =	stream.linear.gather [hbm4b:s5+s3], $0x28, $0x38;
	[tilespmem:$0x1A500] =	vst v63  }
0x110: {  	_ =	swait.ge [sflag:s10], $0x28  }
0x111: {  	[sflag:s10] =	ssyncset.done $0x0  }
0x112: {  	s5 =	simm.s32 @!p1 $0x9;
	[sflag:s10] =	ssyncadd.s32 $0xFFFFFFD8  }
0x113: {  	[tilespmem:s19], [sflag:$0x3] =	stream.indirect.gather [spmem:s2], $0x80, s17, s12, $0xb8;
	[tilespmem:$0x1A500] =	vst v63  }
0x114: {  	_ =	swait.ge @!p1 [sflag:s5], $0x1400  }
0x115: {  	s9 =	rddreg [dreg:$0x6];
	[sflag:s5] =	ssyncset.done @!p1 $0x0  }
0x116: {  	[sflag:s5] =	ssyncadd.s32 @!p1 $0xFFFFEC00;
	s7 =	sadd.s32 s1, s9  }
0x117: {  	[tilespmem:s20], [sflag:$0xB] =	stream.linear.gather [hbm4b:s7+s3], $0x28, $0x38;
	[tilespmem:$0x1A500] =	vst v63  }
0x118: {  	_ =	swait.ge [sflag:s10], $0x28  }
0x119: {  	s8 =	rddreg [dreg:$0x5];
	[sflag:s10] =	ssyncset.done $0x0  }
0x11a: {  	[sflag:s10] =	ssyncadd.s32 $0xFFFFFFD8;
	s5 =	sadd.s32 s1, s8  }
0x11b: {  	[tilespmem:s21], [sflag:$0xB] =	stream.linear.gather [hbm4b:s5+s3], $0x28, $0x38;
	[tilespmem:$0x1A500] =	vst v63  }
0x11c: {  	_ =	swait.ge [sflag:s10], $0x28  }
0x11d: {  	[sflag:s10] =	ssyncset.done $0x0  }
0x11e: {  	s5 =	simm.s32 @!p1 $0xA;
	[sflag:s10] =	ssyncadd.s32 $0xFFFFFFD8  }
0x11f: {  	[tilespmem:s22], [sflag:$0x4] =	stream.indirect.gather [spmem:s2], $0x80, s20, s12, $0xb8;
	[tilespmem:$0x1A500] =	vst v63  }
0x120: {  	_ =	swait.ge @!p1 [sflag:s5], $0x1400  }
0x121: {  	s9 =	rddreg [dreg:$0x4];
	[sflag:s5] =	ssyncset.done @!p1 $0x0  }
0x122: {  	[sflag:s5] =	ssyncadd.s32 @!p1 $0xFFFFEC00;
	s7 =	sadd.s32 s1, s9  }
0x123: {  	[tilespmem:s23], [sflag:$0xB] =	stream.linear.gather [hbm4b:s7+s3], $0x28, $0x38;
	[tilespmem:$0x1A500] =	vst v63  }
0x124: {  	_ =	swait.ge [sflag:s10], $0x28  }
0x125: {  	s8 =	rddreg [dreg:$0x3];
	[sflag:s10] =	ssyncset.done $0x0  }
0x126: {  	s9 =	sadd.s32 s1, s8;
	[sflag:s10] =	ssyncadd.s32 $0xFFFFFFD8  }
0x127: {  	[tilespmem:s24], [sflag:$0xB] =	stream.linear.gather [hbm4b:s9+s3], $0x28, $0x38;
	[tilespmem:$0x1A500] =	vst v63  }
0x128: {  	_ =	swait.ge [sflag:s10], $0x28  }
0x129: {  	[sflag:s10] =	ssyncset.done $0x0  }
0x12a: {  	[sflag:s10] =	ssyncadd.s32 $0xFFFFFFD8  }
0x12b: {  	[tilespmem:s25], [sflag:$0x5] =	stream.indirect.gather [spmem:s2], $0x80, s23, s12, $0xb8;
	[tilespmem:$0x1A500] =	vst v63  }
0x12c: {  	_ =	swait.ge [sflag:s26], $0x1400  }
0x12d: {  	[sflag:s26] =	ssyncset.done $0x0  }
0x12e: {  	[sflag:s26] =	ssyncadd.s32 $0xFFFFEC00  }
0x12f: {  	[tilespmem:s13], [sflag:$0xB] =	stream.indirect.gather.add.f32 [hbm:s4], $0x80, s11, s12, $0xb8;
	[tilespmem:$0x1A500] =	vst v63  }
0x130: {  	_ =	swait.ge [sflag:s10], $0x1400  }
0x131: {  	[sflag:s10] =	ssyncset.done $0x0  }
0x132: {  	s5 =	sadd.s32 $0xFFFFF600, s0;
	[sflag:s10] =	ssyncadd.s32 $0xFFFFEC00  }
0x133: {  	[hbm4b:s5+s3] =	stream.linear.scatter [tilespmem:s13], [sflag:$0x6], $0x1400, $0x38;
	[tilespmem:$0x1A500] =	vst v63  }
0x134: {  	_ =	swait.ge [sflag:s28], $0x1400  }
0x135: {  	[sflag:s28] =	ssyncset.done $0x0  }
0x136: {  	[sflag:s28] =	ssyncadd.s32 $0xFFFFEC00  }
0x137: {  	[tilespmem:s16], [sflag:$0xB] =	stream.indirect.gather.add.f32 [hbm:s4], $0x80, s15, s12, $0xb8;
	[tilespmem:$0x1A500] =	vst v63  }
0x138: {  	_ =	swait.ge [sflag:s10], $0x1400  }
0x139: {  	[sflag:s10] =	ssyncset.done $0x0  }
0x13a: {  	s6 =	sadd.s32 $0xFFFFF880, s0;
	[sflag:s10] =	ssyncadd.s32 $0xFFFFEC00  }
0x13b: {  	[hbm4b:s6+s3] =	stream.linear.scatter [tilespmem:s16], [sflag:$0x7], $0x1400, $0x38;
	[tilespmem:$0x1A500] =	vst v63  }
0x13c: {  	_ =	swait.ge [sflag:s29], $0x1400  }
0x13d: {  	[sflag:s29] =	ssyncset.done $0x0  }
0x13e: {  	[sflag:s29] =	ssyncadd.s32 $0xFFFFEC00  }
0x13f: {  	[tilespmem:s19], [sflag:$0xB] =	stream.indirect.gather.add.f32 [hbm:s4], $0x80, s18, s12, $0xb8;
	[tilespmem:$0x1A500] =	vst v63  }
0x140: {  	_ =	swait.ge [sflag:s10], $0x1400  }
0x141: {  	[sflag:s10] =	ssyncset.done $0x0  }
0x142: {  	s7 =	sadd.s32 $0xFFFFFB00, s0;
	[sflag:s10] =	ssyncadd.s32 $0xFFFFEC00  }
0x143: {  	[hbm4b:s7+s3] =	stream.linear.scatter [tilespmem:s19], [sflag:$0x8], $0x1400, $0x38;
	[tilespmem:$0x1A500] =	vst v63  }
0x144: {  	_ =	swait.ge [sflag:s30], $0x1400  }
0x145: {  	[sflag:s30] =	ssyncset.done $0x0  }
0x146: {  	[sflag:s30] =	ssyncadd.s32 $0xFFFFEC00  }
0x147: {  	[tilespmem:s22], [sflag:$0xB] =	stream.indirect.gather.add.f32 [hbm:s4], $0x80, s21, s12, $0xb8;
	[tilespmem:$0x1A500] =	vst v63  }
0x148: {  	_ =	swait.ge [sflag:s10], $0x1400  }
0x149: {  	[sflag:s10] =	ssyncset.done $0x0  }
0x14a: {  	s8 =	sadd.s32 $0xFFFFFD80, s0;
	[sflag:s10] =	ssyncadd.s32 $0xFFFFEC00  }
0x14b: {  	[hbm4b:s8+s3] =	stream.linear.scatter [tilespmem:s22], [sflag:$0x9], $0x1400, $0x38;
	[tilespmem:$0x1A500] =	vst v63  }
0x14c: {  	_ =	swait.ge [sflag:s31], $0x1400  }
0x14d: {  	[sflag:s31] =	ssyncset.done $0x0  }
0x14e: {  	[sflag:s31] =	ssyncadd.s32 $0xFFFFEC00  }
0x14f: {  	[tilespmem:s25], [sflag:$0xB] =	stream.indirect.gather.add.f32 [hbm:s4], $0x80, s24, s12, $0xb8;
	[tilespmem:$0x1A500] =	vst v63  }
0x150: {  	_ =	swait.ge [sflag:s10], $0x1400  }
0x151: {  	[sflag:s10] =	ssyncset.done $0x0  }
0x152: {  	s9 =	simm.s32 $0x6;
	[sflag:s10] =	ssyncadd.s32 $0xFFFFEC00  }
0x153: {  	[hbm4b:s0+s3] =	stream.linear.scatter [tilespmem:s25], [sflag:$0xA], $0x1400, $0x38;
	[tilespmem:$0x1A500] =	vst v63  }
0x154: {  	_ =	swait.ge [sflag:s9], $0x1400  }
0x155: {  	[sflag:s9] =	ssyncset.done $0x0  }
0x156: {  	s1 =	simm.s32 $0x7;
	[sflag:s9] =	ssyncadd.s32 $0xFFFFEC00  }
0x157: {  	_ =	swait.ge [sflag:s1], $0x1400  }
0x158: {  	[sflag:s1] =	ssyncset.done $0x0  }
0x159: {  	s5 =	simm.s32 $0x8;
	[sflag:s1] =	ssyncadd.s32 $0xFFFFEC00  }
0x15a: {  	_ =	swait.ge [sflag:s5], $0x1400  }
0x15b: {  	[sflag:s5] =	ssyncset.done $0x0  }
0x15c: {  	s6 =	simm.s32 $0x9;
	[sflag:s5] =	ssyncadd.s32 $0xFFFFEC00  }
0x15d: {  	_ =	swait.ge [sflag:s6], $0x1400  }
0x15e: {  	[sflag:s6] =	ssyncset.done $0x0  }
0x15f: {  	s7 =	simm.s32 $0xA;
	[sflag:s6] =	ssyncadd.s32 $0xFFFFEC00  }
0x160: {  	_ =	swait.ge [sflag:s7], $0x1400  }
0x161: {  	s8 =	rddreg [dreg:$0x12]  }
0x162: {  	s9 =	rddreg [dreg:$0xf];
	s5 =	sadd.s32 $0x1, s8  }
0x163: {  	p0 =	sne.s32 s5, s9  }
.Ltmp1:
0x164: {  	_ = 	snop;
	(pc) =	sbr.rel @p0 .LBB2_1-.Ltmp1, $3  }
0x165: {  	_ =	sdelay $0x1  }
0x166: {  	[sflag:s7] =	ssyncset.done $0x0  }
0x167: {  	[sflag:s7] =	ssyncadd.s32 $0xFFFFEC00  }
0x168: {  	_ =	sfence.sel $0x180000  }
0x169: {  	[bflag:$0x0] =	sbarrier.arrive $0xFFFF  }
0x16a: {  	_ =	strace $0x90000047  }
0x16b: {  	s0 =	stileid.u32;
	[bflag:$0x2] =	sbarrier.arrive $0xFFFF  }
0x16c: {  	p0 =	sne.s32 s0, $0x0;
	s0 =	rddreg [dreg:$0x2]  }
0x16d: {  	s0 =	sadd.s32 @!p0 $0x100000, s0  }
0x16e: {  	[sflag:s0] =	ssyncadd.tile.s32 @!p0 $0x1;
	_ =	shalt  }
.Lfunc_end2:
_tile_overlayer_lowered:
.L_overlay_start_2:
0x16f: {  	(tag) =	ssettag $0x2  }
0x170: {  	s0 =	rddreg [dreg:$0x0];
	s2 =	stileid.u32  }
0x171: {  	s1 =	rddreg [dreg:$0x1];
	p0 =	sne.s32 s2, $0x0  }
0x172: {  	s3 =	rddreg [dreg:$0x2];
	[bflag:$0x3] =	sbarrier.arrive $0xFFFF;
	s2 =	simm.s32 @!p0 $0x1C0B  }
0x173: {  	[timem:s3], [sflag:s2] =	dma.local @!p0 [hbm:s0], s1  }
0x174: {  	s0 =	simm.s32 @!p0 $0xB  }
0x175: {  	_ =	swait.ge @!p0 [sflag:s0], s1  }
0x176: {  	s1 =	ssub.s32 @!p0 $0x0, s1;
	[sflag:s0] =	ssyncset.done @!p0 $0x0  }
0x177: {  	[sflag:s0] =	ssyncadd.s32 @!p0 s1  }
0x178: {  	[bflag:$0x3] =	sbarrier.arrive $0xFFFF  }
0x179: {  	_ =	shalt  }

// kernel: kernel.13.cloned.1.call-start
scs
__scs_entry_jumppad:
0x0: {  	(pc) =	sbr.rel $0x88, $3  }
0x1: {  	(tag) =	ssettag $0x0;
	lr =	simm.s32 $0x1  }
0x2: {  	[smem:$0x3F91] =	sst lr;
	_ =	strace $0xD0000000  }
0x3: {  	_ = 	snop  }
0x4: {  	_ = 	snop  }
0x5: {  	_ = 	snop  }
0x6: {  	_ = 	snop  }
0x7: {  	_ = 	snop  }
__scs_overlays_trampoline_lowered:
0x8: {  	[smem:$0x3FA0] =	sst s0  }
0x9: {  	[smem:$0x3FA1] =	sst s1  }
0xa: {  	[smem:$0x3FA2] =	sst s2  }
0xb: {  	[smem:$0x3FA3] =	sst s3  }
0xc: {  	[smem:$0x3FA4] =	sst s4  }
0xd: {  	[smem:$0x3FA5] =	sst s5  }
0xe: {  	[smem:$0x3FA6] =	sst s6  }
0xf: {  	[smem:$0x3FA7] =	sst s7  }
0x10: {  	[smem:$0x3FA8] =	sst s8  }
0x11: {  	[smem:$0x3FA9] =	sst s9;
	s0 =	simm.s32 @!p0 $0x0  }
0x12: {  	s1 =	sld [smem:$0x3F8F];
	s0 =	simm.s32 @p0 $0x1  }
0x13: {  	[smem:$0x3FAA] =	sst s0;
	s0 =	simm.s32 @!p1 $0x0  }
0x14: {  	s2 =	sld [smem:$0x3F8E];
	s0 =	simm.s32 @p1 $0x1  }
0x15: {  	[smem:$0x3FAB] =	sst s0;
	s0 =	simm.s32 @!p2 $0x0  }
0x16: {  	s3 =	sld [smem:$0x3FDB];
	s0 =	simm.s32 @p2 $0x1  }
0x17: {  	s4 =	simm.s32 $0x1BF5;
	[smem:$0x3FAD] =	sst s0  }
0x18: {  	s0 =	sld [smem:$0x3F90];
	_ =	swait.ge [sflag:s4], $0x0  }
0x19: {  	s7 =	sld [smem:$0x3F91]  }
0x1a: {  	s8 =	sadd.s32 $0xFFFFE003, lr  }
0x1b: {  	s9 =	sadd.s32 $0xFFFFFEF7, lr;
	s5 =	simm.s32 $0xFFFFFFFF;
	p2 =	slt.u32 s8, $0xFFFFF086  }
0x1c: {  	p1 =	slt.u32 s9, $0xF7A;
	s5 =	simm.s32 @!p2 $0x0  }
0x1d: {  	s5 =	simm.s32 @p1 $0x1;
	p0 =	seq.s32 s7, s2  }
0x1e: {  	s7 =	smul.u32 @!p0 $0xF7A, s2;
	p2 =	seq.s32 @!p0 s5, $0x0  }
0x1f: {  	s9 =	smul.u32 $0xF7A, s1;
	s8 =	simm.s32 @!p0 $0x1BF5;
	p2 =	por !p2, p0  }
0x20: {  	[sflag:s8] =	ssyncset.s32 @!p0 $0xFFFFF086;
	s6 =	sadd.s32 @!p0 s3, s7;
	s7 =	simm.s32 @!p0 $0x108  }
0x21: {  	s3 =	sadd.s32 s3, s9;
	s6 =	sadd.s32 @!p0 $0x88, s6;
	s7 =	simm.s32 @p2 $0x1082  }
0x22: {  	[simem:s7], [sflag:s8] =	dma.local @!p0 [hbm:s6], $0xF7A  }
0x23: {  	s9 =	sor.u32 $0xD0000000, s2;
	s6 =	simm.s32 $0x108;
	_ =	swait.ge @!p0 [sflag:s8], $0x0  }
0x24: {  	s3 =	sadd.s32 $0x88, s3;
	s6 =	simm.s32 @!p1 $0x1082;
	[sflag:s4] =	ssyncset.s32 $0xFFFFF086  }
0x25: {  	[simem:s6], [sflag:s4] =	dma.local [hbm:s3], $0xF7A  }
0x26: {  	[smem:$0x3F91] =	sst s1;
	(tag) =	ssettag s2;
	_ =	strace s9  }
0x27: {  	s1 =	sld [smem:$0x3FA1]  }
0x28: {  	s2 =	sld [smem:$0x3FA2]  }
0x29: {  	s4 =	sld [smem:$0x3FA4]  }
0x2a: {  	p0 =	seq.s32 s5, $0x0;
	s5 =	sld [smem:$0x3FA5]  }
0x2b: {  	s6 =	sld [smem:$0x3FA6]  }
0x2c: {  	s7 =	sld [smem:$0x3FA7]  }
0x2d: {  	s3 =	simm.s32 $0x108;
	s8 =	sld [smem:$0x3FA8]  }
0x2e: {  	s3 =	simm.s32 @!p0 $0x1082;
	s9 =	sld [smem:$0x3FA9]  }
0x2f: {  	lr =	sadd.s32 s0, s3;
	s0 =	sld [smem:$0x3FA0]  }
0x30: {  	s3 =	sld [smem:$0x3FA3]  }
0x31: {  	[smem:$0x3FAC] =	sst s10  }
0x32: {  	s10 =	sld [smem:$0x3FAA];
	_ =	sdelay $0x3  }
0x33: {  	p0 =	seq.s32 s10, $0x1;
	s10 =	sld [smem:$0x3FAC];
	_ =	sdelay $0x3  }
0x34: {  	[smem:$0x3FAC] =	sst s10  }
0x35: {  	s10 =	sld [smem:$0x3FAB];
	_ =	sdelay $0x3  }
0x36: {  	p1 =	seq.s32 s10, $0x1;
	s10 =	sld [smem:$0x3FAC];
	_ =	sdelay $0x3  }
0x37: {  	[smem:$0x3FAC] =	sst s10  }
0x38: {  	s10 =	sld [smem:$0x3FAD]  }
0x39: {  	_ = 	snop;
	(pc) =	sbr.ind lr, $3  }
0x3a: {  	_ = 	snop  }
0x3b: {  	_ = 	snop  }
0x3c: {  	p2 =	seq.s32 s10, $0x1;
	s10 =	sld [smem:$0x3FAC]  }
0x3d: {  	_ =	shalt  }
0x3e: {  	_ =	shalt  }
0x3f: {  	_ =	shalt  }
0x40: {  	_ =	shalt  }
0x41: {  	_ =	shalt  }
0x42: {  	_ =	shalt  }
0x43: {  	_ =	shalt  }
0x44: {  	_ =	shalt  }
0x45: {  	_ =	shalt  }
0x46: {  	_ =	shalt  }
0x47: {  	_ =	shalt  }
0x48: {  	_ =	shalt  }
0x49: {  	_ =	shalt  }
0x4a: {  	_ =	shalt  }
0x4b: {  	_ =	shalt  }
0x4c: {  	_ =	shalt  }
0x4d: {  	_ =	shalt  }
0x4e: {  	_ =	shalt  }
0x4f: {  	_ =	shalt  }
0x50: {  	_ =	shalt  }
0x51: {  	_ =	shalt  }
0x52: {  	_ =	shalt  }
0x53: {  	_ =	shalt  }
0x54: {  	_ =	shalt  }
0x55: {  	_ =	shalt  }
0x56: {  	_ =	shalt  }
0x57: {  	_ =	shalt  }
0x58: {  	_ =	shalt  }
0x59: {  	_ =	shalt  }
0x5a: {  	_ =	shalt  }
0x5b: {  	_ =	shalt  }
0x5c: {  	_ =	shalt  }
0x5d: {  	_ =	shalt  }
0x5e: {  	_ =	shalt  }
0x5f: {  	_ =	shalt  }
0x60: {  	_ =	shalt  }
0x61: {  	_ =	shalt  }
0x62: {  	_ =	shalt  }
0x63: {  	_ =	shalt  }
0x64: {  	_ =	shalt  }
0x65: {  	_ =	shalt  }
0x66: {  	_ =	shalt  }
0x67: {  	_ =	shalt  }
0x68: {  	_ =	shalt  }
0x69: {  	_ =	shalt  }
0x6a: {  	_ =	shalt  }
0x6b: {  	_ =	shalt  }
0x6c: {  	_ =	shalt  }
0x6d: {  	_ =	shalt  }
0x6e: {  	_ =	shalt  }
0x6f: {  	_ =	shalt  }
0x70: {  	_ =	shalt  }
0x71: {  	_ =	shalt  }
0x72: {  	_ =	shalt  }
0x73: {  	_ =	shalt  }
0x74: {  	_ =	shalt  }
0x75: {  	_ =	shalt  }
0x76: {  	_ =	shalt  }
0x77: {  	_ =	shalt  }
0x78: {  	_ =	shalt  }
0x79: {  	_ =	shalt  }
0x7a: {  	_ =	shalt  }
0x7b: {  	_ =	shalt  }
0x7c: {  	_ =	shalt  }
0x7d: {  	_ =	shalt  }
0x7e: {  	_ =	shalt  }
0x7f: {  	_ =	shalt  }
0x80: {  	_ =	shalt  }
0x81: {  	_ =	shalt  }
0x82: {  	_ =	shalt  }
0x83: {  	_ =	shalt  }
0x84: {  	_ =	shalt  }
0x85: {  	_ =	shalt  }
0x86: {  	_ =	shalt  }
0x87: {  	_ =	shalt  }
.Lfunc_end0:
.L_simem_size_0:
called_computation.1_lowered:
.L_overlay_start_0:
0x88: {  	s2 =	sld [smem:$0x3FD9]  }
0x89: {  	s3 =	sld [smem:$0x3FFE];
	_ =	sdelay $0x1  }
0x8a: {  	s1 =	srdreg.scid  }
0x8b: {  	s0 =	sand.u32 $0x1, s1  }
0x8c: {  	s17 =	sshll.u32 s0, $0xA;
	s2 =	sadd.s32 s3, s2  }
0x8d: {  	s2 =	sadd.s32 s2, s17  }
0x8e: {  	[smem:$0x3FB8] =	sst s2  }
0x8f: {  	_ = 	snop  }
0x90: {  	(tm) =	ssettm $0x1  }
0x91: {  	s18 =	sld [smem:$0x3FFB];
	_ =	sdelay $0x3  }
0x92: {  	_ =	strace s18  }
0x93: {  	s2 =	sld [smem:$0x3FFC];
	_ =	sdelay $0x3  }
0x94: {  	_ =	strace s2  }
0x95: {  	s2 =	sld [smem:$0x3FFD];
	_ =	sdelay $0x3  }
0x96: {  	_ =	strace s2  }
0x97: {  	_ =	strace $0x8FFFFFFF  }
0x98: {  	s19 =	sld [smem:$0x3FDB];
	_ =	sdelay $0x1  }
0x99: {  	s20 =	simm.s32 $_scs_section_size  }
0x9a: {  	s4 =	simm.s32 $_size__tile_overlayer_lowered;
	s5 =	simm.s32 $_tile_overlayer_lowered  }
0x9b: {  	s6 =	simm.s32 $0x1BFF;
	s21 =	sshll.u32 s5, $0x1;
	s3 =	sadd.s32 s20, s19  }
0x9c: {  	s22 =	simm.s32 $0x0;
	s4 =	sshll.u32 s4, $0x1;
	s5 =	sadd.s32 s21, s3  }
0x9d: {  	[timem:s22], [sflag:s6] =	dma.local [hbm:s5], s4  }
0x9e: {  	_ =	swait.ge [sflag:s6], s4  }
0x9f: {  	s4 =	ssub.s32 $0x0, s4;
	[sflag:s6] =	ssyncset.done $0x0  }
0xa0: {  	[sflag:s6] =	ssyncadd.s32 s4;
	_ =	sdelay $0x1  }
0xa1: {  	s23 =	simm.s32 $0x1B8B  }
0xa2: {  	_ =	swait.ge [sflag:s23], $0x1  }
0xa3: {  	[sflag:s23] =	ssyncset.done $0x0  }
0xa4: {  	[sflag:s23] =	ssyncadd.s32 $0xFFFFFFFF  }
0xa5: {  	s4 =	sld [smem:$0x0]  }
0xa6: {  	s5 =	sand.u32 $0xFFFFFFFE, s1  }
0xa7: {  	p0 =	sne.s32 s1, s5  }
0xa8: {  	s5 =	sshll.u32 @p0 s5, $0xE  }
0xa9: {  	s5 =	sadd.s32 @p0 $0x11B8D, s5;
	s6 =	sshll.u32 @p0 s4, $0x11  }
0xaa: {  	s5 =	sor.u32 @p0 s6, s5  }
0xab: {  	[sflag:s5] =	ssyncadd.remote.s32 @p0 $0x1;
	_ =	sdelay $0x1  }
0xac: {  	s5 =	simm.s32 @p0 $0x1B8D  }
0xad: {  	_ =	swait.eq @p0 [sflag:s5], $0x1  }
0xae: {  	[sflag:s5] =	ssyncadd.s32 @p0 $0xFFFFFFFF  }
0xaf: {  	s6 =	sshll.u32 @!p0 s1, $0xE  }
0xb0: {  	s6 =	sor.u32 @!p0 $0x4000, s6;
	s5 =	simm.s32 @!p0 $0x1B8D  }
0xb1: {  	s4 =	sshll.u32 @!p0 s4, $0x11;
	s6 =	sadd.s32 @!p0 $0x11B8D, s6;
	_ =	swait.eq @!p0 [sflag:s5], $0x1  }
0xb2: {  	s4 =	sor.u32 @!p0 s4, s6;
	[sflag:s5] =	ssyncadd.s32 @!p0 $0xFFFFFFFF  }
0xb3: {  	s25 =	simm.s32 $0x1B8E;
	s24 =	sld [smem:$0x3FFE];
	[sflag:s4] =	ssyncadd.remote.s32 @!p0 $0x1  }
0xb4: {  	s26 =	simm.s32 $execute0_lowered;
	[smem:$0x3FD2] =	sst s25  }
0xb5: {  	s5 =	sshll.u32 s26, $0x1;
	_ =	strace $0x8000004C;
	[dreg:$0x1] =	wrdreg $0xFFFFFFFF  }
0xb6: {  	s28 =	simm.s32 $_size_execute0_lowered;
	s3 =	sadd.s32 s3, s5;
	[dreg:$0x0] =	wrdreg $0x0  }
0xb7: {  	s5 =	sshll.u32 s28, $0x1;
	[dreg:$0x2] =	wrdreg s3  }
0xb8: {  	[dreg:$0x3] =	wrdreg s5  }
0xb9: {  	[dreg:$0x4] =	wrdreg $0xC0  }
0xba: {  	_ =	task [dreg:s22], $0x5FFFF  }
0xbb: {  	[dreg:$0x1] =	wrdreg $0xFFFFFFFF  }
0xbc: {  	[dreg:$0x0] =	wrdreg $0x60  }
0xbd: {  	[dreg:$0x2] =	wrdreg s24  }
0xbe: {  	[dreg:$0x3] =	wrdreg $0x66800  }
0xbf: {  	[dreg:$0x4] =	wrdreg $0x9  }
0xc0: {  	_ =	task.clear_ibuf [dreg:s22], $0x5FFFF;
	_ =	strace $0x9000004C  }
0xc1: {  	s29 =	simm.s32 $0x9;
	_ =	strace $0x8000004E  }
0xc2: {  	_ =	swait.ge [sflag:s29], $0x1  }
0xc3: {  	[sflag:s29] =	ssyncadd.s32 $0xFFFFFFFF  }
0xc4: {  	_ =	strace $0x9000004E  }
0xc5: {  	_ =	sfence  }
0xc6: {  	s30 =	sld [smem:$0x0];
	_ =	sdelay $0x2  }
0xc7: {  	s31 =	sshll.u32 s1, $0xD;
	s1 =	sshrl.u32 s1, $0x2  }
0xc8: {  	s4 =	sand.u32 $0x4000, s31;
	s1 =	sadd.s32 s1, s30  }
0xc9: {  	s0 =	sor.u32 s4, s0;
	s1 =	sshll.u32 s1, $0x11  }
0xca: {  	s0 =	sor.u32 s1, s0  }
0xcb: {  	s0 =	sadd.s32 $0x8F2B, s0  }
0xcc: {  	[sflag:s0] =	ssyncadd.remote.s32 $0x1  }
0xcd: {  	_ =	sfence.sel $0xFFFF  }
0xce: {  	[dreg:$0x0] =	wrdreg $0xFFFFFFFF;
	(pc) =	sbr.abs _section_cstart, $3  }
0xcf: {  	[dreg:$0x1] =	wrdreg $0xFFFFFFFF  }
0xd0: {  	_ =	task.clear_ibuf [dreg:s22], $0x2FFFF;
	_ =	strace $0x9FFFFFFF  }
0xd1: {  	(tm) =	ssettm $0x7FFFFFFF  }
tec
execute0_lowered:
.L_overlay_start_1:
0x0: {  	(tag) =	ssettag $0x1  }
0x1: {  	s0 =	rddreg [dreg:$0x0]  }
0x2: {  	s1 =	rddreg [dreg:$0x1];
	s3 =	simm.s32 $0x0;
	s13 =	stileid.u32  }
0x3: {  	s2 =	srdreg.scid;
	s28 =	simm.s32 $0x28;
	s5 =	smul.u32 $0x13C00, s13  }
0x4: {  	s29 =	simm.s32 $0x80;
	s30 =	simm.s32 $0x2;
	s18 =	smul.u32 $0x4F000, s13  }
0x5: {  	s31 =	simm.s32 $0x100;
	[smem:$0x7FF] =	sst s3;
	s23 =	smul.u32 $0x2710, s13  }
0x6: {  	s2 =	sand.u32 $0x1, s2;
	s6 =	sadd.s32 $0x7B9800, s0;
	s17 =	smul.u32 $0x27100, s13  }
0x7: {  	s8 =	sadd.s32 $0x3800, s0;
	s19 =	sshll.u32 s13, $0x1;
	s4 =	smul.u32 $0x13C000, s2  }
0x8: {  	_ =	strace $0x8000004D;
	[dreg:$0x3] =	wrdreg s8;
	s26 =	smul.u32 $0x1388, s2  }
0x9: {  	s9 =	ssub.s32 $0x2, s2;
	s8 =	sor.u32 s2, s19;
	s2 =	smul.u32 $0x13880, s2  }
0xa: {  	s7 =	sadd.s32 $0x8800, s0;
	s21 =	sshll.u32 s13, $0x6;
	s11 =	smul.u32 $0x9C400, s8  }
0xb: {  	s10 =	sshrl.u32 s9, $0x1;
	s8 =	smul.u32 $0x13880, s8;
	s4 =	sadd.s32 s5, s4  }
0xc: {  	s5 =	sshrl.u32 s18, $0x2;
	s20 =	ssub.s32 s9, s10;
	s4 =	sshrl.u32 s4, $0x3  }
0xd: {  	s12 =	sadd.s32 s5, s1;
	s22 =	sshrl.u32 s11, $0x3;
	s11 =	sor.u32 $0x1C06, s21  }
0xe: {  	s24 =	sadd.s32 s6, s8;
	s8 =	sadd.s32 s26, s23;
	s0 =	sadd.s32 s4, s0  }
0xf: {  	s9 =	sadd.s32 s6, s22;
	[dreg:$0x4] =	wrdreg s24;
	s4 =	smax.u32 s20, $0x1  }
0x10: {  	s18 =	sadd.s32 $0xA0, s8;
	s19 =	sadd.s32 $0x78, s8;
	s22 =	sadd.s32 $0x50, s8  }
0x11: {  	s23 =	sadd.s32 $0x28, s8;
	s24 =	sshrl.u32 s8, $0x3;
	s8 =	simm.s32 $0x0  }
0x12: {  	s25 =	sadd.s32 $0x280, s9;
	s14 =	sadd.s32 $0x500, s9;
	[dreg:$0xa] =	wrdreg s4  }
0x13: {  	s15 =	sadd.s32 $0x780, s9;
	s16 =	sadd.s32 $0xA00, s9;
	[dreg:$0x5] =	wrdreg s25  }
0x14: {  	s0 =	sadd.s32 $0x5C800, s0;
	s4 =	sshrl.u32 s18, $0x3;
	[dreg:$0x6] =	wrdreg s14  }
0x15: {  	s21 =	sshrl.u32 s19, $0x3;
	s26 =	sadd.s32 s24, s7;
	[dreg:$0x7] =	wrdreg s15  }
0x16: {  	s9 =	sshrl.u32 s12, $0x3;
	s24 =	simm.s32 $0x3E80;
	[dreg:$0x8] =	wrdreg s16  }
0x17: {  	[dreg:$0x9] =	wrdreg s0;
	s0 =	sadd.s32 s17, s6;
	s20 =	sadd.s32 s4, s7  }
0x18: {  	[dreg:$0xf] =	wrdreg s26;
	s26 =	simm.s32 $0x1;
	s4 =	simm.s32 $0x4  }
0x19: {  	s6 =	simm.s32 $0x200;
	[dreg:$0x10] =	wrdreg s9;
	s13 =	sadd.s32 s2, s0  }
0x1a: {  	[dreg:$0xb] =	wrdreg s20;
	s0 =	sadd.s32 s21, s7;
	s2 =	sshrl.u32 s23, $0x3  }
.Ltmp0:
0x1b: {  	s20 =	simm.s32 $0x6;
	s21 =	simm.s32 $0x280;
	(pc) =	sbr.rel .LBB2_1-.Ltmp0, $4  }
0x1c: {  	s23 =	simm.s32 $0x2A80;
	[dreg:$0xc] =	wrdreg s0;
	s0 =	sshrl.u32 s22, $0x3  }
0x1d: {  	s25 =	sadd.s32 s2, s7;
	s22 =	simm.s32 $0x1680;
	s2 =	simm.s32 $0x180  }
0x1e: {  	s0 =	sadd.s32 s0, s7;
	[dreg:$0xe] =	wrdreg s25;
	s25 =	simm.s32 $0x5280  }
0x1f: {  	s7 =	simm.s32 $0x5;
	[dreg:$0xd] =	wrdreg s0;
	s0 =	simm.s32 $0x3  }
.LBB2_4:
0x20: {  	[bflag:$0x0] =	sbarrier.arrive $0xFFFF  }
0x21: {  	s5 =	rddreg [dreg:$0x9]  }
0x22: {  	s9 =	rddreg [dreg:$0x10]  }
0x23: {  	[hbm:s5], [sflag:s19] =	dma.local [spmem:s9], $0x2780  }
0x24: {  	_ =	swait.ge [sflag:s20], $0x2780  }
0x25: {  	s11 =	smov.u32 s19;
	s8 =	sadd.s32 $0x1, s8;
	s19 =	rddreg [dreg:$0xa]  }
0x26: {  	p0 =	sne.s32 s8, s19  }
.Ltmp1:
0x27: {  	_ = 	snop;
	(pc) =	sbr.rel @!p0 .LBB2_5-.Ltmp1, $3  }
0x28: {  	_ =	sdelay $0x1  }
0x29: {  	[sflag:s20] =	ssyncset.done $0x0  }
0x2a: {  	[sflag:s20] =	ssyncadd.s32 $0xFFFFD880  }
.LBB2_1:
0x2b: {  	s5 =	rddreg [dreg:$0x3]  }
0x2c: {  	[spmem:s9], [sflag:s11] =	dma.local [hbm:s5], $0x2780  }
0x2d: {  	_ =	swait.ge [sflag:s20], $0x2780  }
0x2e: {  	[sflag:s20] =	ssyncset.done $0x0  }
0x2f: {  	s14 =	rddreg [dreg:$0x4];
	[sflag:s20] =	ssyncadd.s32 $0xFFFFD880  }
0x30: {  	[tilespmem:s21], [sflag:$0x1] =	stream.linear.gather [hbm4b:s14+s3], $0x1400, $0x38;
	[tilespmem:$0x1A280] =	vst v63  }
0x31: {  	s15 =	rddreg [dreg:$0x5]  }
0x32: {  	[tilespmem:s22], [sflag:$0x2] =	stream.linear.gather [hbm4b:s15+s3], $0x1400, $0x38;
	[tilespmem:$0x1A280] =	vst v63  }
0x33: {  	s16 =	rddreg [dreg:$0x6]  }
0x34: {  	[tilespmem:s23], [sflag:$0x3] =	stream.linear.gather [hbm4b:s16+s3], $0x1400, $0x38;
	[tilespmem:$0x1A280] =	vst v63  }
0x35: {  	s17 =	rddreg [dreg:$0x7]  }
0x36: {  	[tilespmem:s24], [sflag:$0x4] =	stream.linear.gather [hbm4b:s17+s3], $0x1400, $0x38;
	[tilespmem:$0x1A280] =	vst v63  }
0x37: {  	s18 =	rddreg [dreg:$0x8]  }
0x38: {  	[tilespmem:s25], [sflag:$0x5] =	stream.linear.gather [hbm4b:s18+s3], $0x1400, $0x38;
	[tilespmem:$0x1A280] =	vst v63  }
0x39: {  	[bflag:$0x0] =	sbarrier.arrive $0xFFFF  }
0x3a: {  	s18 =	rddreg [dreg:$0xf]  }
0x3b: {  	s17 =	rddreg [dreg:$0xe]  }
0x3c: {  	s16 =	rddreg [dreg:$0xd]  }
0x3d: {  	s15 =	rddreg [dreg:$0xc]  }
0x3e: {  	s19 =	smov.u32 s11;
	s12 =	simm.s32 $0x0;
	s14 =	rddreg [dreg:$0xb]  }
.LBB2_2:
0x3f: {  	[tilespmem:s3], [sflag:$0x6] =	stream.linear.gather [hbm4b:s18+s3], $0x28, $0x38;
	[tilespmem:$0x1A280] =	vst v63  }
0x40: {  	_ =	swait.ge [sflag:s20], $0x28  }
0x41: {  	[sflag:s20] =	ssyncset.done $0x0  }
0x42: {  	[sflag:s20] =	ssyncadd.s32 $0xFFFFFFD8  }
0x43: {  	_ =	swait.ge [sflag:s26], $0x1400  }
0x44: {  	[sflag:s26] =	ssyncset.done $0x0  }
0x45: {  	[sflag:s26] =	ssyncadd.s32 $0xFFFFEC00  }
0x46: {  	[spmem:s1] =	stream.indirect.scatter.add.f32 [tilespmem:s21], [sflag:$0x6], $0x80, s3, s28, $0xb8;
	[tilespmem:$0x1A280] =	vst v63  }
0x47: {  	p0 =	seq.s32 s12, $0x12C00;
	_ =	swait.ge [sflag:s20], $0x1400  }
0x48: {  	s11 =	sadd.s32 @!p0 s12, s13;
	s9 =	simm.s32 @!p0 $0x0;
	[sflag:s20] =	ssyncset.done $0x0  }
0x49: {  	s5 =	simm.s32 @!p0 $0x280;
	s10 =	sadd.s32 @!p0 $0xC80, s11;
	[sflag:s20] =	ssyncadd.s32 $0xFFFFEC00  }
0x4a: {  	[tilespmem:s5], [sflag:$0x1] =	stream.linear.gather @!p0 [hbm4b:s10+s9], $0x1400, $0x38;
	[tilespmem:$0x1A280] =	vst v63  }
0x4b: {  	_ = 	snop  }
0x4c: {  	[tilespmem:s29], [sflag:$0x6] =	stream.linear.gather [hbm4b:s17+s3], $0x28, $0x38;
	[tilespmem:$0x1A280] =	vst v63  }
0x4d: {  	_ =	swait.ge [sflag:s20], $0x28  }
0x4e: {  	[sflag:s20] =	ssyncset.done $0x0  }
0x4f: {  	[sflag:s20] =	ssyncadd.s32 $0xFFFFFFD8  }
0x50: {  	_ =	swait.ge [sflag:s30], $0x1400  }
0x51: {  	[sflag:s30] =	ssyncset.done $0x0  }
0x52: {  	[sflag:s30] =	ssyncadd.s32 $0xFFFFEC00  }
0x53: {  	[spmem:s1] =	stream.indirect.scatter.add.f32 [tilespmem:s22], [sflag:$0x6], $0x80, s29, s28, $0xb8;
	[tilespmem:$0x1A280] =	vst v63  }
0x54: {  	_ =	swait.ge [sflag:s20], $0x1400  }
0x55: {  	[sflag:s20] =	ssyncset.done $0x0  }
0x56: {  	s5 =	sadd.s32 @!p0 $0xF00, s11;
	s10 =	simm.s32 @!p0 $0x1680;
	[sflag:s20] =	ssyncadd.s32 $0xFFFFEC00  }
0x57: {  	[tilespmem:s10], [sflag:$0x2] =	stream.linear.gather @!p0 [hbm4b:s5+s9], $0x1400, $0x38;
	[tilespmem:$0x1A280] =	vst v63  }
0x58: {  	_ = 	snop  }
0x59: {  	[tilespmem:s31], [sflag:$0x6] =	stream.linear.gather [hbm4b:s16+s3], $0x28, $0x38;
	[tilespmem:$0x1A280] =	vst v63  }
0x5a: {  	_ =	swait.ge [sflag:s20], $0x28  }
0x5b: {  	[sflag:s20] =	ssyncset.done $0x0  }
0x5c: {  	[sflag:s20] =	ssyncadd.s32 $0xFFFFFFD8  }
0x5d: {  	_ =	swait.ge [sflag:s0], $0x1400  }
0x5e: {  	[sflag:s0] =	ssyncset.done $0x0  }
0x5f: {  	[sflag:s0] =	ssyncadd.s32 $0xFFFFEC00  }
0x60: {  	[spmem:s1] =	stream.indirect.scatter.add.f32 [tilespmem:s23], [sflag:$0x6], $0x80, s31, s28, $0xb8;
	[tilespmem:$0x1A280] =	vst v63  }
0x61: {  	_ =	swait.ge [sflag:s20], $0x1400  }
0x62: {  	[sflag:s20] =	ssyncset.done $0x0  }
0x63: {  	s5 =	sadd.s32 @!p0 $0x1180, s11;
	s10 =	simm.s32 @!p0 $0x2A80;
	[sflag:s20] =	ssyncadd.s32 $0xFFFFEC00  }
0x64: {  	[tilespmem:s10], [sflag:$0x3] =	stream.linear.gather @!p0 [hbm4b:s5+s9], $0x1400, $0x38;
	[tilespmem:$0x1A280] =	vst v63  }
0x65: {  	_ = 	snop  }
0x66: {  	[tilespmem:s2], [sflag:$0x6] =	stream.linear.gather [hbm4b:s15+s3], $0x28, $0x38;
	[tilespmem:$0x1A280] =	vst v63  }
0x67: {  	_ =	swait.ge [sflag:s20], $0x28  }
0x68: {  	[sflag:s20] =	ssyncset.done $0x0  }
0x69: {  	[sflag:s20] =	ssyncadd.s32 $0xFFFFFFD8  }
0x6a: {  	_ =	swait.ge [sflag:s4], $0x1400  }
0x6b: {  	[sflag:s4] =	ssyncset.done $0x0  }
0x6c: {  	[sflag:s4] =	ssyncadd.s32 $0xFFFFEC00  }
0x6d: {  	[spmem:s1] =	stream.indirect.scatter.add.f32 [tilespmem:s24], [sflag:$0x6], $0x80, s2, s28, $0xb8;
	[tilespmem:$0x1A280] =	vst v63  }
0x6e: {  	_ =	swait.ge [sflag:s20], $0x1400  }
0x6f: {  	[sflag:s20] =	ssyncset.done $0x0  }
0x70: {  	s5 =	sadd.s32 @!p0 $0x1400, s11;
	s10 =	simm.s32 @!p0 $0x3E80;
	[sflag:s20] =	ssyncadd.s32 $0xFFFFEC00  }
0x71: {  	[tilespmem:s10], [sflag:$0x4] =	stream.linear.gather @!p0 [hbm4b:s5+s9], $0x1400, $0x38;
	[tilespmem:$0x1A280] =	vst v63  }
0x72: {  	_ = 	snop  }
0x73: {  	[tilespmem:s6], [sflag:$0x6] =	stream.linear.gather [hbm4b:s14+s3], $0x28, $0x38;
	[tilespmem:$0x1A280] =	vst v63  }
0x74: {  	_ =	swait.ge [sflag:s20], $0x28  }
0x75: {  	[sflag:s20] =	ssyncset.done $0x0  }
0x76: {  	[sflag:s20] =	ssyncadd.s32 $0xFFFFFFD8  }
0x77: {  	_ =	swait.ge [sflag:s7], $0x1400  }
0x78: {  	[sflag:s7] =	ssyncset.done $0x0  }
.Ltmp2:
0x79: {  	[sflag:s7] =	ssyncadd.s32 $0xFFFFEC00;
	(pc) =	sbr.rel @p0 .LBB2_4-.Ltmp2, $4  }
0x7a: {  	[spmem:s1] =	stream.indirect.scatter.add.f32 [tilespmem:s25], [sflag:$0x6], $0x80, s6, s28, $0xb8;
	[tilespmem:$0x1A280] =	vst v63  }
0x7b: {  	_ =	swait.ge [sflag:s20], $0x1400  }
0x7c: {  	[sflag:s20] =	ssyncset.done $0x0  }
0x7d: {  	[sflag:s20] =	ssyncadd.s32 $0xFFFFEC00  }
.Ltmp3:
0x7e: {  	(pc) =	sbr.rel .LBB2_2-.Ltmp3, $4  }
0x7f: {  	s5 =	sadd.s32 s12, s13;
	s12 =	sadd.s32 $0xC80, s12  }
0x80: {  	s14 =	sadd.s32 $0x19, s14;
	s15 =	sadd.s32 $0x19, s15;
	s16 =	sadd.s32 $0x19, s16  }
0x81: {  	s17 =	sadd.s32 $0x19, s17;
	s18 =	sadd.s32 $0x19, s18;
	s5 =	sadd.s32 $0x1680, s5  }
0x82: {  	[tilespmem:s25], [sflag:$0x5] =	stream.linear.gather [hbm4b:s5+s3], $0x1400, $0x38;
	[tilespmem:$0x1A280] =	vst v63  }
.LBB2_5:
0x83: {  	_ =	sfence.sel $0x180000  }
0x84: {  	[bflag:$0x0] =	sbarrier.arrive $0xFFFF  }
0x85: {  	_ =	strace $0x9000004D  }
0x86: {  	s0 =	stileid.u32;
	[bflag:$0x2] =	sbarrier.arrive $0xFFFF  }
0x87: {  	p0 =	sne.s32 s0, $0x0;
	s0 =	rddreg [dreg:$0x2]  }
0x88: {  	s0 =	sadd.s32 @!p0 $0x100000, s0  }
0x89: {  	[sflag:s0] =	ssyncadd.tile.s32 @!p0 $0x1;
	_ =	shalt  }
.Lfunc_end2:
_tile_overlayer_lowered:
.L_overlay_start_2:
0x8a: {  	(tag) =	ssettag $0x2  }
0x8b: {  	s0 =	rddreg [dreg:$0x0];
	s2 =	stileid.u32  }
0x8c: {  	s1 =	rddreg [dreg:$0x1];
	p0 =	sne.s32 s2, $0x0  }
0x8d: {  	s3 =	rddreg [dreg:$0x2];
	[bflag:$0x3] =	sbarrier.arrive $0xFFFF;
	s2 =	simm.s32 @!p0 $0x1C06  }
0x8e: {  	[timem:s3], [sflag:s2] =	dma.local @!p0 [hbm:s0], s1  }
0x8f: {  	s0 =	simm.s32 @!p0 $0x6  }
0x90: {  	_ =	swait.ge @!p0 [sflag:s0], s1  }
0x91: {  	s1 =	ssub.s32 @!p0 $0x0, s1;
	[sflag:s0] =	ssyncset.done @!p0 $0x0  }
0x92: {  	[sflag:s0] =	ssyncadd.s32 @!p0 s1  }
0x93: {  	[bflag:$0x3] =	sbarrier.arrive $0xFFFF  }
0x94: {  	_ =	shalt  }

// kernel: kernel.16.cloned.1.call-start
scs
__scs_entry_jumppad:
0x0: {  	(pc) =	sbr.rel $0x88, $3  }
0x1: {  	(tag) =	ssettag $0x0;
	lr =	simm.s32 $0x1  }
0x2: {  	[smem:$0x3F91] =	sst lr;
	_ =	strace $0xD0000000  }
0x3: {  	_ = 	snop  }
0x4: {  	_ = 	snop  }
0x5: {  	_ = 	snop  }
0x6: {  	_ = 	snop  }
0x7: {  	_ = 	snop  }
__scs_overlays_trampoline_lowered:
0x8: {  	[smem:$0x3FA0] =	sst s0  }
0x9: {  	[smem:$0x3FA1] =	sst s1  }
0xa: {  	[smem:$0x3FA2] =	sst s2  }
0xb: {  	[smem:$0x3FA3] =	sst s3  }
0xc: {  	[smem:$0x3FA4] =	sst s4  }
0xd: {  	[smem:$0x3FA5] =	sst s5  }
0xe: {  	[smem:$0x3FA6] =	sst s6  }
0xf: {  	[smem:$0x3FA7] =	sst s7  }
0x10: {  	[smem:$0x3FA8] =	sst s8  }
0x11: {  	[smem:$0x3FA9] =	sst s9;
	s0 =	simm.s32 @!p0 $0x0  }
0x12: {  	s1 =	sld [smem:$0x3F8F];
	s0 =	simm.s32 @p0 $0x1  }
0x13: {  	[smem:$0x3FAA] =	sst s0;
	s0 =	simm.s32 @!p1 $0x0  }
0x14: {  	s2 =	sld [smem:$0x3F8E];
	s0 =	simm.s32 @p1 $0x1  }
0x15: {  	[smem:$0x3FAB] =	sst s0;
	s0 =	simm.s32 @!p2 $0x0  }
0x16: {  	s3 =	sld [smem:$0x3FDB];
	s0 =	simm.s32 @p2 $0x1  }
0x17: {  	s4 =	simm.s32 $0x1BF5;
	[smem:$0x3FAD] =	sst s0  }
0x18: {  	s0 =	sld [smem:$0x3F90];
	_ =	swait.ge [sflag:s4], $0x0  }
0x19: {  	s7 =	sld [smem:$0x3F91]  }
0x1a: {  	s8 =	sadd.s32 $0xFFFFE003, lr  }
0x1b: {  	s9 =	sadd.s32 $0xFFFFFEF7, lr;
	s5 =	simm.s32 $0xFFFFFFFF;
	p2 =	slt.u32 s8, $0xFFFFF086  }
0x1c: {  	p1 =	slt.u32 s9, $0xF7A;
	s5 =	simm.s32 @!p2 $0x0  }
0x1d: {  	s5 =	simm.s32 @p1 $0x1;
	p0 =	seq.s32 s7, s2  }
0x1e: {  	s7 =	smul.u32 @!p0 $0xF7A, s2;
	p2 =	seq.s32 @!p0 s5, $0x0  }
0x1f: {  	s9 =	smul.u32 $0xF7A, s1;
	s8 =	simm.s32 @!p0 $0x1BF5;
	p2 =	por !p2, p0  }
0x20: {  	[sflag:s8] =	ssyncset.s32 @!p0 $0xFFFFF086;
	s6 =	sadd.s32 @!p0 s3, s7;
	s7 =	simm.s32 @!p0 $0x108  }
0x21: {  	s3 =	sadd.s32 s3, s9;
	s6 =	sadd.s32 @!p0 $0x88, s6;
	s7 =	simm.s32 @p2 $0x1082  }
0x22: {  	[simem:s7], [sflag:s8] =	dma.local @!p0 [hbm:s6], $0xF7A  }
0x23: {  	s9 =	sor.u32 $0xD0000000, s2;
	s6 =	simm.s32 $0x108;
	_ =	swait.ge @!p0 [sflag:s8], $0x0  }
0x24: {  	s3 =	sadd.s32 $0x88, s3;
	s6 =	simm.s32 @!p1 $0x1082;
	[sflag:s4] =	ssyncset.s32 $0xFFFFF086  }
0x25: {  	[simem:s6], [sflag:s4] =	dma.local [hbm:s3], $0xF7A  }
0x26: {  	[smem:$0x3F91] =	sst s1;
	(tag) =	ssettag s2;
	_ =	strace s9  }
0x27: {  	s1 =	sld [smem:$0x3FA1]  }
0x28: {  	s2 =	sld [smem:$0x3FA2]  }
0x29: {  	s4 =	sld [smem:$0x3FA4]  }
0x2a: {  	p0 =	seq.s32 s5, $0x0;
	s5 =	sld [smem:$0x3FA5]  }
0x2b: {  	s6 =	sld [smem:$0x3FA6]  }
0x2c: {  	s7 =	sld [smem:$0x3FA7]  }
0x2d: {  	s3 =	simm.s32 $0x108;
	s8 =	sld [smem:$0x3FA8]  }
0x2e: {  	s3 =	simm.s32 @!p0 $0x1082;
	s9 =	sld [smem:$0x3FA9]  }
0x2f: {  	lr =	sadd.s32 s0, s3;
	s0 =	sld [smem:$0x3FA0]  }
0x30: {  	s3 =	sld [smem:$0x3FA3]  }
0x31: {  	[smem:$0x3FAC] =	sst s10  }
0x32: {  	s10 =	sld [smem:$0x3FAA];
	_ =	sdelay $0x3  }
0x33: {  	p0 =	seq.s32 s10, $0x1;
	s10 =	sld [smem:$0x3FAC];
	_ =	sdelay $0x3  }
0x34: {  	[smem:$0x3FAC] =	sst s10  }
0x35: {  	s10 =	sld [smem:$0x3FAB];
	_ =	sdelay $0x3  }
0x36: {  	p1 =	seq.s32 s10, $0x1;
	s10 =	sld [smem:$0x3FAC];
	_ =	sdelay $0x3  }
0x37: {  	[smem:$0x3FAC] =	sst s10  }
0x38: {  	s10 =	sld [smem:$0x3FAD]  }
0x39: {  	_ = 	snop;
	(pc) =	sbr.ind lr, $3  }
0x3a: {  	_ = 	snop  }
0x3b: {  	_ = 	snop  }
0x3c: {  	p2 =	seq.s32 s10, $0x1;
	s10 =	sld [smem:$0x3FAC]  }
0x3d: {  	_ =	shalt  }
0x3e: {  	_ =	shalt  }
0x3f: {  	_ =	shalt  }
0x40: {  	_ =	shalt  }
0x41: {  	_ =	shalt  }
0x42: {  	_ =	shalt  }
0x43: {  	_ =	shalt  }
0x44: {  	_ =	shalt  }
0x45: {  	_ =	shalt  }
0x46: {  	_ =	shalt  }
0x47: {  	_ =	shalt  }
0x48: {  	_ =	shalt  }
0x49: {  	_ =	shalt  }
0x4a: {  	_ =	shalt  }
0x4b: {  	_ =	shalt  }
0x4c: {  	_ =	shalt  }
0x4d: {  	_ =	shalt  }
0x4e: {  	_ =	shalt  }
0x4f: {  	_ =	shalt  }
0x50: {  	_ =	shalt  }
0x51: {  	_ =	shalt  }
0x52: {  	_ =	shalt  }
0x53: {  	_ =	shalt  }
0x54: {  	_ =	shalt  }
0x55: {  	_ =	shalt  }
0x56: {  	_ =	shalt  }
0x57: {  	_ =	shalt  }
0x58: {  	_ =	shalt  }
0x59: {  	_ =	shalt  }
0x5a: {  	_ =	shalt  }
0x5b: {  	_ =	shalt  }
0x5c: {  	_ =	shalt  }
0x5d: {  	_ =	shalt  }
0x5e: {  	_ =	shalt  }
0x5f: {  	_ =	shalt  }
0x60: {  	_ =	shalt  }
0x61: {  	_ =	shalt  }
0x62: {  	_ =	shalt  }
0x63: {  	_ =	shalt  }
0x64: {  	_ =	shalt  }
0x65: {  	_ =	shalt  }
0x66: {  	_ =	shalt  }
0x67: {  	_ =	shalt  }
0x68: {  	_ =	shalt  }
0x69: {  	_ =	shalt  }
0x6a: {  	_ =	shalt  }
0x6b: {  	_ =	shalt  }
0x6c: {  	_ =	shalt  }
0x6d: {  	_ =	shalt  }
0x6e: {  	_ =	shalt  }
0x6f: {  	_ =	shalt  }
0x70: {  	_ =	shalt  }
0x71: {  	_ =	shalt  }
0x72: {  	_ =	shalt  }
0x73: {  	_ =	shalt  }
0x74: {  	_ =	shalt  }
0x75: {  	_ =	shalt  }
0x76: {  	_ =	shalt  }
0x77: {  	_ =	shalt  }
0x78: {  	_ =	shalt  }
0x79: {  	_ =	shalt  }
0x7a: {  	_ =	shalt  }
0x7b: {  	_ =	shalt  }
0x7c: {  	_ =	shalt  }
0x7d: {  	_ =	shalt  }
0x7e: {  	_ =	shalt  }
0x7f: {  	_ =	shalt  }
0x80: {  	_ =	shalt  }
0x81: {  	_ =	shalt  }
0x82: {  	_ =	shalt  }
0x83: {  	_ =	shalt  }
0x84: {  	_ =	shalt  }
0x85: {  	_ =	shalt  }
0x86: {  	_ =	shalt  }
0x87: {  	_ =	shalt  }
.Lfunc_end0:
.L_simem_size_0:
called_computation.2_lowered:
.L_overlay_start_0:
0x88: {  	s2 =	sld [smem:$0x3FD9]  }
0x89: {  	s3 =	sld [smem:$0x3FFE];
	_ =	sdelay $0x1  }
0x8a: {  	s1 =	srdreg.scid  }
0x8b: {  	s0 =	sand.u32 $0x1, s1  }
0x8c: {  	s17 =	sshll.u32 s0, $0xA;
	s2 =	sadd.s32 s3, s2  }
0x8d: {  	s2 =	sadd.s32 s2, s17  }
0x8e: {  	[smem:$0x3FB8] =	sst s2  }
0x8f: {  	_ = 	snop  }
0x90: {  	s18 =	sld [smem:$0x3FD0];
	(tm) =	ssettm $0x1  }
0x91: {  	s19 =	sld [smem:$0x3FFB];
	_ =	sdelay $0x3  }
0x92: {  	_ =	strace s19  }
0x93: {  	s2 =	sld [smem:$0x3FFC];
	_ =	sdelay $0x3  }
0x94: {  	_ =	strace s2  }
0x95: {  	s2 =	sld [smem:$0x3FFD];
	_ =	sdelay $0x3  }
0x96: {  	_ =	strace s2  }
0x97: {  	_ =	strace $0x8FFFFFFF  }
0x98: {  	s20 =	sld [smem:$0x3FDB];
	_ =	sdelay $0x1  }
0x99: {  	s4 =	simm.s32 $_scs_section_size  }
0x9a: {  	s5 =	simm.s32 $_size__tile_overlayer_lowered;
	s6 =	simm.s32 $_tile_overlayer_lowered  }
0x9b: {  	s7 =	simm.s32 $0x1BFF;
	s21 =	sshll.u32 s6, $0x1;
	s4 =	sadd.s32 s4, s20  }
0x9c: {  	s22 =	simm.s32 $0x0;
	s5 =	sshll.u32 s5, $0x1;
	s6 =	sadd.s32 s21, s4  }
0x9d: {  	[timem:s22], [sflag:s7] =	dma.local [hbm:s6], s5  }
0x9e: {  	_ =	swait.ge [sflag:s7], s5  }
0x9f: {  	s5 =	ssub.s32 $0x0, s5;
	[sflag:s7] =	ssyncset.done $0x0  }
0xa0: {  	[sflag:s7] =	ssyncadd.s32 s5;
	_ =	sdelay $0x1  }
0xa1: {  	s23 =	simm.s32 $0x1B8B  }
0xa2: {  	_ =	swait.ge [sflag:s23], $0x1  }
0xa3: {  	[sflag:s23] =	ssyncset.done $0x0  }
0xa4: {  	[sflag:s23] =	ssyncadd.s32 $0xFFFFFFFF  }
0xa5: {  	s5 =	sld [smem:$0x0]  }
0xa6: {  	s6 =	sand.u32 $0xFFFFFFFE, s1  }
0xa7: {  	p0 =	sne.s32 s1, s6  }
0xa8: {  	s6 =	sshll.u32 @p0 s6, $0xE  }
0xa9: {  	s6 =	sadd.s32 @p0 $0x11B8D, s6;
	s7 =	sshll.u32 @p0 s5, $0x11  }
0xaa: {  	s6 =	sor.u32 @p0 s7, s6  }
0xab: {  	[sflag:s6] =	ssyncadd.remote.s32 @p0 $0x1;
	_ =	sdelay $0x1  }
0xac: {  	s6 =	simm.s32 @p0 $0x1B8D  }
0xad: {  	_ =	swait.eq @p0 [sflag:s6], $0x1  }
0xae: {  	[sflag:s6] =	ssyncadd.s32 @p0 $0xFFFFFFFF  }
0xaf: {  	s7 =	sshll.u32 @!p0 s1, $0xE  }
0xb0: {  	s7 =	sor.u32 @!p0 $0x4000, s7;
	s6 =	simm.s32 @!p0 $0x1B8D  }
0xb1: {  	s5 =	sshll.u32 @!p0 s5, $0x11;
	s7 =	sadd.s32 @!p0 $0x11B8D, s7;
	_ =	swait.eq @!p0 [sflag:s6], $0x1  }
0xb2: {  	s5 =	sor.u32 @!p0 s5, s7;
	[sflag:s6] =	ssyncadd.s32 @!p0 $0xFFFFFFFF  }
0xb3: {  	s25 =	simm.s32 $0x1B8E;
	s24 =	sld [smem:$0x3FFE];
	[sflag:s5] =	ssyncadd.remote.s32 @!p0 $0x1  }
0xb4: {  	s26 =	simm.s32 $execute0_lowered;
	[smem:$0x3FD2] =	sst s25  }
0xb5: {  	s6 =	sshll.u32 s26, $0x1;
	_ =	strace $0x80000049;
	[dreg:$0x1] =	wrdreg $0xFFFFFFFF  }
0xb6: {  	s28 =	simm.s32 $_size_execute0_lowered;
	s4 =	sadd.s32 s4, s6;
	[dreg:$0x0] =	wrdreg $0x0  }
0xb7: {  	s6 =	sshll.u32 s28, $0x1;
	[dreg:$0x2] =	wrdreg s4  }
0xb8: {  	[dreg:$0x3] =	wrdreg s6  }
0xb9: {  	[dreg:$0x4] =	wrdreg $0xC0  }
0xba: {  	_ =	task [dreg:s22], $0x5FFFF  }
0xbb: {  	[dreg:$0x1] =	wrdreg $0xFFFFFFFF  }
0xbc: {  	[dreg:$0x0] =	wrdreg $0x60  }
0xbd: {  	[dreg:$0x2] =	wrdreg s24  }
0xbe: {  	[dreg:$0x3] =	wrdreg s18  }
0xbf: {  	[dreg:$0x4] =	wrdreg $0x69000  }
0xc0: {  	[dreg:$0x5] =	wrdreg $0xA  }
0xc1: {  	_ =	task.clear_ibuf [dreg:s22], $0x6FFFF;
	_ =	strace $0x90000049  }
0xc2: {  	s29 =	simm.s32 $0xA;
	_ =	strace $0x8000004B  }
0xc3: {  	_ =	swait.ge [sflag:s29], $0x1  }
0xc4: {  	[sflag:s29] =	ssyncadd.s32 $0xFFFFFFFF  }
0xc5: {  	_ =	strace $0x9000004B  }
0xc6: {  	_ =	sfence  }
0xc7: {  	s30 =	sld [smem:$0x0];
	_ =	sdelay $0x2  }
0xc8: {  	s31 =	sshll.u32 s1, $0xD;
	s1 =	sshrl.u32 s1, $0x2  }
0xc9: {  	s4 =	sand.u32 $0x4000, s31;
	s1 =	sadd.s32 s1, s30  }
0xca: {  	s0 =	sor.u32 s4, s0;
	s1 =	sshll.u32 s1, $0x11  }
0xcb: {  	s0 =	sor.u32 s1, s0  }
0xcc: {  	s0 =	sadd.s32 $0x8F2B, s0  }
0xcd: {  	[sflag:s0] =	ssyncadd.remote.s32 $0x1  }
0xce: {  	_ =	sfence.sel $0xFFFF  }
0xcf: {  	[dreg:$0x0] =	wrdreg $0xFFFFFFFF;
	(pc) =	sbr.abs _section_cstart, $3  }
0xd0: {  	[dreg:$0x1] =	wrdreg $0xFFFFFFFF  }
0xd1: {  	_ =	task.clear_ibuf [dreg:s22], $0x2FFFF;
	_ =	strace $0x9FFFFFFF  }
0xd2: {  	(tm) =	ssettm $0x7FFFFFFF  }
0xd3: {  	_ =	shalt  }
tec
execute0_lowered:
.L_overlay_start_1:
0x0: {  	(tag) =	ssettag $0x1  }
0x1: {  	s0 =	rddreg [dreg:$0x0]  }
0x2: {  	s1 =	rddreg [dreg:$0x1]  }
0x3: {  	s2 =	rddreg [dreg:$0x2];
	s13 =	stileid.u32  }
0x4: {  	s3 =	simm.s32 $0x0;
	s6 =	srdreg.scid;
	s4 =	smul.u32 $0x2780, s13  }
0x5: {  	s28 =	simm.s32 $0x2;
	s29 =	simm.s32 $0x3;
	s5 =	smul.u32 $0x27100, s13  }
0x6: {  	s30 =	simm.s32 $0x4;
	s31 =	simm.s32 $0x5;
	s7 =	smul.u32 $0x4F000, s13  }
0x7: {  	[smem:$0x7FF] =	sst s3;
	s6 =	sand.u32 $0x1, s6;
	s8 =	smul.u32 $0x2710, s13  }
0x8: {  	s11 =	sadd.s32 $0x2CD800, s0;
	s24 =	sshll.u32 s13, $0x6;
	s10 =	smul.u32 $0x1388, s6  }
0x9: {  	_ =	strace $0x8000004A;
	s23 =	ssub.s32 $0x2, s6;
	s6 =	smul.u32 $0x13880, s6  }
0xa: {  	s9 =	sadd.s32 s4, s0;
	s4 =	sadd.s32 $0x35000, s0;
	s0 =	sadd.s32 s5, s0  }
0xb: {  	s12 =	sshrl.u32 s23, $0x1;
	s7 =	sshrl.u32 s7, $0x2;
	s8 =	sadd.s32 s10, s8  }
0xc: {  	s5 =	ssub.s32 s23, s12;
	s7 =	sadd.s32 s7, s2;
	s9 =	sadd.s32 $0xD800, s9  }
0xd: {  	s0 =	sadd.s32 s6, s0;
	s12 =	simm.s32 $0x28;
	s10 =	sadd.s32 $0xA0, s8  }
0xe: {  	[dreg:$0xe] =	wrdreg s9;
	s9 =	sor.u32 $0x1C0B, s24;
	s26 =	sadd.s32 $0x78, s8  }
0xf: {  	s16 =	sadd.s32 $0x50, s8;
	s20 =	sadd.s32 $0x28, s8;
	s8 =	sshrl.u32 s8, $0x3  }
0x10: {  	s5 =	smax.u32 s5, $0x1;
	s0 =	sadd.s32 $0x2D3200, s0;
	[dreg:$0xf] =	wrdreg s9  }
0x11: {  	s10 =	sshrl.u32 s10, $0x3;
	s14 =	sshrl.u32 s26, $0x3;
	[dreg:$0x10] =	wrdreg s5  }
0x12: {  	s18 =	sshrl.u32 s16, $0x3;
	[dreg:$0x11] =	wrdreg s0;
	s26 =	sshrl.u32 s7, $0x3  }
0x13: {  	s22 =	sshrl.u32 s20, $0x3;
	s25 =	sadd.s32 s10, s11;
	[dreg:$0x12] =	wrdreg s26  }
0x14: {  	s16 =	simm.s32 $0x1900;
	s13 =	sadd.s32 s10, s1;
	[dreg:$0x4] =	wrdreg s25  }
0x15: {  	s20 =	simm.s32 $0x180;
	s15 =	sadd.s32 s14, s11;
	[dreg:$0x5] =	wrdreg s13  }
0x16: {  	s5 =	simm.s32 $0x0;
	s17 =	sadd.s32 s14, s1;
	[dreg:$0x6] =	wrdreg s15  }
0x17: {  	s19 =	sadd.s32 s18, s11;
	s21 =	sadd.s32 s18, s1;
	[dreg:$0x7] =	wrdreg s17  }
0x18: {  	s23 =	sadd.s32 s22, s11;
	s24 =	sadd.s32 s22, s1;
	[dreg:$0x8] =	wrdreg s19  }
0x19: {  	s1 =	sadd.s32 s8, s1;
	s10 =	simm.s32 $0xB;
	[dreg:$0x9] =	wrdreg s21  }
0x1a: {  	s14 =	simm.s32 $0x80;
	s18 =	simm.s32 $0x380;
	[dreg:$0xa] =	wrdreg s23  }
0x1b: {  	s22 =	simm.s32 $0x4100;
	s26 =	simm.s32 $0x1;
	[dreg:$0xb] =	wrdreg s24  }
0x1c: {  	s25 =	sadd.s32 s8, s11;
	[dreg:$0xd] =	wrdreg s1;
	s11 =	simm.s32 $0x280  }
0x1d: {  	s13 =	simm.s32 $0x500;
	s15 =	simm.s32 $0x300;
	s17 =	simm.s32 $0x100  }
0x1e: {  	s19 =	simm.s32 $0x2D00;
	s21 =	simm.s32 $0x400;
	s23 =	simm.s32 $0x200  }
0x1f: {  	s24 =	simm.s32 $0x480;
	[dreg:$0xc] =	wrdreg s25;
	s25 =	simm.s32 $0x5500  }
.LBB2_1:
0x20: {  	[dreg:$0x13] =	wrdreg s5  }
0x21: {  	s0 =	rddreg [dreg:$0xe]  }
0x22: {  	s1 =	rddreg [dreg:$0xf]  }
0x23: {  	s7 =	rddreg [dreg:$0x12]  }
0x24: {  	[spmem:s7], [sflag:s1] =	dma.local [hbm:s0], $0x2780  }
0x25: {  	_ =	swait.ge [sflag:s10], $0x2780  }
0x26: {  	[sflag:s10] =	ssyncset.done $0x0  }
0x27: {  	p0 =	por $0x1, $0x1;
	[sflag:s10] =	ssyncadd.s32 $0xFFFFD880  }
0x28: {  	s0 =	simm.s32 @!p0 $0x6;
	[bflag:$0x0] =	sbarrier.arrive $0xFFFF  }
0x29: {  	_ =	swait.ge @!p0 [sflag:s0], $0x1400  }
0x2a: {  	s8 =	rddreg [dreg:$0xd];
	[sflag:s0] =	ssyncset.done @!p0 $0x0  }
0x2b: {  	[sflag:s0] =	ssyncadd.s32 @!p0 $0xFFFFEC00;
	s9 =	sadd.s32 $0x0, s8  }
0x2c: {  	[tilespmem:s3], [sflag:$0xB] =	stream.linear.gather [hbm4b:s9+s3], $0x28, $0x38;
	[tilespmem:$0x1A500] =	vst v63  }
0x2d: {  	_ =	swait.ge [sflag:s10], $0x28  }
0x2e: {  	s1 =	rddreg [dreg:$0xc];
	[sflag:s10] =	ssyncset.done $0x0  }
0x2f: {  	[sflag:s10] =	ssyncadd.s32 $0xFFFFFFD8;
	s0 =	sadd.s32 $0x0, s1  }
0x30: {  	[tilespmem:s11], [sflag:$0xB] =	stream.linear.gather [hbm4b:s0+s3], $0x28, $0x38;
	[tilespmem:$0x1A500] =	vst v63  }
0x31: {  	_ =	swait.ge [sflag:s10], $0x28  }
0x32: {  	[sflag:s10] =	ssyncset.done $0x0  }
0x33: {  	s0 =	simm.s32 @!p0 $0x7;
	[sflag:s10] =	ssyncadd.s32 $0xFFFFFFD8  }
0x34: {  	[tilespmem:s13], [sflag:$0x1] =	stream.indirect.gather [spmem:s2], $0x80, s3, s12, $0xb8;
	[tilespmem:$0x1A500] =	vst v63  }
0x35: {  	_ =	swait.ge @!p0 [sflag:s0], $0x1400  }
0x36: {  	s5 =	rddreg [dreg:$0xb];
	[sflag:s0] =	ssyncset.done @!p0 $0x0  }
0x37: {  	[sflag:s0] =	ssyncadd.s32 @!p0 $0xFFFFEC00;
	s6 =	sadd.s32 $0x0, s5  }
0x38: {  	[tilespmem:s14], [sflag:$0xB] =	stream.linear.gather [hbm4b:s6+s3], $0x28, $0x38;
	[tilespmem:$0x1A500] =	vst v63  }
0x39: {  	_ =	swait.ge [sflag:s10], $0x28  }
0x3a: {  	s7 =	rddreg [dreg:$0xa];
	[sflag:s10] =	ssyncset.done $0x0  }
0x3b: {  	[sflag:s10] =	ssyncadd.s32 $0xFFFFFFD8;
	s0 =	sadd.s32 $0x0, s7  }
0x3c: {  	[tilespmem:s15], [sflag:$0xB] =	stream.linear.gather [hbm4b:s0+s3], $0x28, $0x38;
	[tilespmem:$0x1A500] =	vst v63  }
0x3d: {  	_ =	swait.ge [sflag:s10], $0x28  }
0x3e: {  	[sflag:s10] =	ssyncset.done $0x0  }
0x3f: {  	s0 =	simm.s32 @!p0 $0x8;
	[sflag:s10] =	ssyncadd.s32 $0xFFFFFFD8  }
0x40: {  	[tilespmem:s16], [sflag:$0x2] =	stream.indirect.gather [spmem:s2], $0x80, s14, s12, $0xb8;
	[tilespmem:$0x1A500] =	vst v63  }
0x41: {  	_ =	swait.ge @!p0 [sflag:s0], $0x1400  }
0x42: {  	s8 =	rddreg [dreg:$0x9];
	[sflag:s0] =	ssyncset.done @!p0 $0x0  }
0x43: {  	[sflag:s0] =	ssyncadd.s32 @!p0 $0xFFFFEC00;
	s9 =	sadd.s32 $0x0, s8  }
0x44: {  	[tilespmem:s17], [sflag:$0xB] =	stream.linear.gather [hbm4b:s9+s3], $0x28, $0x38;
	[tilespmem:$0x1A500] =	vst v63  }
0x45: {  	_ =	swait.ge [sflag:s10], $0x28  }
0x46: {  	s1 =	rddreg [dreg:$0x8];
	[sflag:s10] =	ssyncset.done $0x0  }
0x47: {  	[sflag:s10] =	ssyncadd.s32 $0xFFFFFFD8;
	s0 =	sadd.s32 $0x0, s1  }
0x48: {  	[tilespmem:s18], [sflag:$0xB] =	stream.linear.gather [hbm4b:s0+s3], $0x28, $0x38;
	[tilespmem:$0x1A500] =	vst v63  }
0x49: {  	_ =	swait.ge [sflag:s10], $0x28  }
0x4a: {  	[sflag:s10] =	ssyncset.done $0x0  }
0x4b: {  	s0 =	simm.s32 @!p0 $0x9;
	[sflag:s10] =	ssyncadd.s32 $0xFFFFFFD8  }
0x4c: {  	[tilespmem:s19], [sflag:$0x3] =	stream.indirect.gather [spmem:s2], $0x80, s17, s12, $0xb8;
	[tilespmem:$0x1A500] =	vst v63  }
0x4d: {  	_ =	swait.ge @!p0 [sflag:s0], $0x1400  }
0x4e: {  	s5 =	rddreg [dreg:$0x7];
	[sflag:s0] =	ssyncset.done @!p0 $0x0  }
0x4f: {  	[sflag:s0] =	ssyncadd.s32 @!p0 $0xFFFFEC00;
	s6 =	sadd.s32 $0x0, s5  }
0x50: {  	[tilespmem:s20], [sflag:$0xB] =	stream.linear.gather [hbm4b:s6+s3], $0x28, $0x38;
	[tilespmem:$0x1A500] =	vst v63  }
0x51: {  	_ =	swait.ge [sflag:s10], $0x28  }
0x52: {  	s7 =	rddreg [dreg:$0x6];
	[sflag:s10] =	ssyncset.done $0x0  }
0x53: {  	[sflag:s10] =	ssyncadd.s32 $0xFFFFFFD8;
	s0 =	sadd.s32 $0x0, s7  }
0x54: {  	[tilespmem:s21], [sflag:$0xB] =	stream.linear.gather [hbm4b:s0+s3], $0x28, $0x38;
	[tilespmem:$0x1A500] =	vst v63  }
0x55: {  	_ =	swait.ge [sflag:s10], $0x28  }
0x56: {  	[sflag:s10] =	ssyncset.done $0x0  }
0x57: {  	s0 =	simm.s32 @!p0 $0xA;
	[sflag:s10] =	ssyncadd.s32 $0xFFFFFFD8  }
0x58: {  	[tilespmem:s22], [sflag:$0x4] =	stream.indirect.gather [spmem:s2], $0x80, s20, s12, $0xb8;
	[tilespmem:$0x1A500] =	vst v63  }
0x59: {  	_ =	swait.ge @!p0 [sflag:s0], $0x1400  }
0x5a: {  	s8 =	rddreg [dreg:$0x5];
	[sflag:s0] =	ssyncset.done @!p0 $0x0  }
0x5b: {  	[sflag:s0] =	ssyncadd.s32 @!p0 $0xFFFFEC00;
	s9 =	sadd.s32 $0x0, s8  }
0x5c: {  	[tilespmem:s23], [sflag:$0xB] =	stream.linear.gather [hbm4b:s9+s3], $0x28, $0x38;
	[tilespmem:$0x1A500] =	vst v63  }
0x5d: {  	_ =	swait.ge [sflag:s10], $0x28  }
0x5e: {  	s1 =	rddreg [dreg:$0x4];
	[sflag:s10] =	ssyncset.done $0x0  }
0x5f: {  	[sflag:s10] =	ssyncadd.s32 $0xFFFFFFD8;
	s0 =	sadd.s32 $0x0, s1  }
0x60: {  	[tilespmem:s24], [sflag:$0xB] =	stream.linear.gather [hbm4b:s0+s3], $0x28, $0x38;
	[tilespmem:$0x1A500] =	vst v63  }
0x61: {  	_ =	swait.ge [sflag:s10], $0x28  }
0x62: {  	[sflag:s10] =	ssyncset.done $0x0  }
0x63: {  	[sflag:s10] =	ssyncadd.s32 $0xFFFFFFD8  }
0x64: {  	[tilespmem:s25], [sflag:$0x5] =	stream.indirect.gather [spmem:s2], $0x80, s23, s12, $0xb8;
	[tilespmem:$0x1A500] =	vst v63  }
0x65: {  	_ =	swait.ge [sflag:s26], $0x1400  }
0x66: {  	[sflag:s26] =	ssyncset.done $0x0  }
0x67: {  	[sflag:s26] =	ssyncadd.s32 $0xFFFFEC00  }
0x68: {  	[tilespmem:s13], [sflag:$0xB] =	stream.indirect.gather.add.f32 [hbm:s4], $0x80, s11, s12, $0xb8;
	[tilespmem:$0x1A500] =	vst v63  }
0x69: {  	_ =	swait.ge [sflag:s10], $0x1400  }
0x6a: {  	[sflag:s10] =	ssyncset.done $0x0;
	s8 =	rddreg [dreg:$0x11]  }
0x6b: {  	[sflag:s10] =	ssyncadd.s32 $0xFFFFEC00;
	s5 =	sadd.s32 $0xFFFFF600, s8  }
0x6c: {  	[hbm4b:s5+s3] =	stream.linear.scatter [tilespmem:s13], [sflag:$0x6], $0x1400, $0x38;
	[tilespmem:$0x1A500] =	vst v63  }
0x6d: {  	_ =	swait.ge [sflag:s28], $0x1400  }
0x6e: {  	[sflag:s28] =	ssyncset.done $0x0  }
0x6f: {  	[sflag:s28] =	ssyncadd.s32 $0xFFFFEC00  }
0x70: {  	[tilespmem:s16], [sflag:$0xB] =	stream.indirect.gather.add.f32 [hbm:s4], $0x80, s15, s12, $0xb8;
	[tilespmem:$0x1A500] =	vst v63  }
0x71: {  	_ =	swait.ge [sflag:s10], $0x1400  }
0x72: {  	[sflag:s10] =	ssyncset.done $0x0  }
0x73: {  	s6 =	sadd.s32 $0xFFFFF880, s8;
	[sflag:s10] =	ssyncadd.s32 $0xFFFFEC00  }
0x74: {  	[hbm4b:s6+s3] =	stream.linear.scatter [tilespmem:s16], [sflag:$0x7], $0x1400, $0x38;
	[tilespmem:$0x1A500] =	vst v63  }
0x75: {  	_ =	swait.ge [sflag:s29], $0x1400  }
0x76: {  	[sflag:s29] =	ssyncset.done $0x0  }
0x77: {  	[sflag:s29] =	ssyncadd.s32 $0xFFFFEC00  }
0x78: {  	[tilespmem:s19], [sflag:$0xB] =	stream.indirect.gather.add.f32 [hbm:s4], $0x80, s18, s12, $0xb8;
	[tilespmem:$0x1A500] =	vst v63  }
0x79: {  	_ =	swait.ge [sflag:s10], $0x1400  }
0x7a: {  	[sflag:s10] =	ssyncset.done $0x0  }
0x7b: {  	s7 =	sadd.s32 $0xFFFFFB00, s8;
	[sflag:s10] =	ssyncadd.s32 $0xFFFFEC00  }
0x7c: {  	[hbm4b:s7+s3] =	stream.linear.scatter [tilespmem:s19], [sflag:$0x8], $0x1400, $0x38;
	[tilespmem:$0x1A500] =	vst v63  }
0x7d: {  	_ =	swait.ge [sflag:s30], $0x1400  }
0x7e: {  	[sflag:s30] =	ssyncset.done $0x0  }
0x7f: {  	[sflag:s30] =	ssyncadd.s32 $0xFFFFEC00  }
0x80: {  	[tilespmem:s22], [sflag:$0xB] =	stream.indirect.gather.add.f32 [hbm:s4], $0x80, s21, s12, $0xb8;
	[tilespmem:$0x1A500] =	vst v63  }
0x81: {  	_ =	swait.ge [sflag:s10], $0x1400  }
0x82: {  	[sflag:s10] =	ssyncset.done $0x0  }
0x83: {  	s9 =	sadd.s32 $0xFFFFFD80, s8;
	[sflag:s10] =	ssyncadd.s32 $0xFFFFEC00  }
0x84: {  	[hbm4b:s9+s3] =	stream.linear.scatter [tilespmem:s22], [sflag:$0x9], $0x1400, $0x38;
	[tilespmem:$0x1A500] =	vst v63  }
0x85: {  	_ =	swait.ge [sflag:s31], $0x1400  }
0x86: {  	[sflag:s31] =	ssyncset.done $0x0  }
0x87: {  	[sflag:s31] =	ssyncadd.s32 $0xFFFFEC00  }
0x88: {  	[tilespmem:s25], [sflag:$0xB] =	stream.indirect.gather.add.f32 [hbm:s4], $0x80, s24, s12, $0xb8;
	[tilespmem:$0x1A500] =	vst v63  }
0x89: {  	p1 =	por $0x0, $0x0;
	s1 =	simm.s32 $0x19;
	_ =	swait.ge [sflag:s10], $0x1400  }
0x8a: {  	s0 =	sadd.s32 $0xC80, s8;
	s5 =	simm.s32 $0x32;
	[sflag:s10] =	ssyncset.done $0x0  }
.LBB2_2:
0x8b: {  	s6 =	simm.s32 @!p1 $0x6;
	[sflag:s10] =	ssyncadd.s32 $0xFFFFEC00  }
0x8c: {  	[hbm4b:s8+s3] =	stream.linear.scatter [tilespmem:s25], [sflag:$0xA], $0x1400, $0x38;
	[tilespmem:$0x1A500] =	vst v63  }
0x8d: {  	_ =	swait.ge @!p1 [sflag:s6], $0x1400  }
0x8e: {  	[sflag:s6] =	ssyncset.done @!p1 $0x0;
	s9 =	rddreg [dreg:$0xd]  }
0x8f: {  	[sflag:s6] =	ssyncadd.s32 @!p1 $0xFFFFEC00;
	s9 =	sadd.s32 s1, s9  }
0x90: {  	[tilespmem:s3], [sflag:$0xB] =	stream.linear.gather [hbm4b:s9+s3], $0x28, $0x38;
	[tilespmem:$0x1A500] =	vst v63  }
0x91: {  	_ =	swait.ge [sflag:s10], $0x28  }
0x92: {  	s9 =	rddreg [dreg:$0xc];
	[sflag:s10] =	ssyncset.done $0x0  }
0x93: {  	[sflag:s10] =	ssyncadd.s32 $0xFFFFFFD8;
	s6 =	sadd.s32 s1, s9  }
0x94: {  	[tilespmem:s11], [sflag:$0xB] =	stream.linear.gather [hbm4b:s6+s3], $0x28, $0x38;
	[tilespmem:$0x1A500] =	vst v63  }
0x95: {  	_ =	swait.ge [sflag:s10], $0x28  }
0x96: {  	[sflag:s10] =	ssyncset.done $0x0  }
0x97: {  	s6 =	simm.s32 @!p1 $0x7;
	[sflag:s10] =	ssyncadd.s32 $0xFFFFFFD8  }
0x98: {  	[tilespmem:s13], [sflag:$0x1] =	stream.indirect.gather [spmem:s2], $0x80, s3, s12, $0xb8;
	[tilespmem:$0x1A500] =	vst v63  }
0x99: {  	_ =	swait.ge @!p1 [sflag:s6], $0x1400  }
0x9a: {  	[sflag:s6] =	ssyncset.done @!p1 $0x0;
	s9 =	rddreg [dreg:$0xb]  }
0x9b: {  	[sflag:s6] =	ssyncadd.s32 @!p1 $0xFFFFEC00;
	s9 =	sadd.s32 s1, s9  }
0x9c: {  	[tilespmem:s14], [sflag:$0xB] =	stream.linear.gather [hbm4b:s9+s3], $0x28, $0x38;
	[tilespmem:$0x1A500] =	vst v63  }
0x9d: {  	_ =	swait.ge [sflag:s10], $0x28  }
0x9e: {  	s9 =	rddreg [dreg:$0xa];
	[sflag:s10] =	ssyncset.done $0x0  }
0x9f: {  	[sflag:s10] =	ssyncadd.s32 $0xFFFFFFD8;
	s6 =	sadd.s32 s1, s9  }
0xa0: {  	[tilespmem:s15], [sflag:$0xB] =	stream.linear.gather [hbm4b:s6+s3], $0x28, $0x38;
	[tilespmem:$0x1A500] =	vst v63  }
0xa1: {  	_ =	swait.ge [sflag:s10], $0x28  }
0xa2: {  	[sflag:s10] =	ssyncset.done $0x0  }
0xa3: {  	s6 =	simm.s32 @!p1 $0x8;
	[sflag:s10] =	ssyncadd.s32 $0xFFFFFFD8  }
0xa4: {  	[tilespmem:s16], [sflag:$0x2] =	stream.indirect.gather [spmem:s2], $0x80, s14, s12, $0xb8;
	[tilespmem:$0x1A500] =	vst v63  }
0xa5: {  	_ =	swait.ge @!p1 [sflag:s6], $0x1400  }
0xa6: {  	[sflag:s6] =	ssyncset.done @!p1 $0x0;
	s9 =	rddreg [dreg:$0x9]  }
0xa7: {  	[sflag:s6] =	ssyncadd.s32 @!p1 $0xFFFFEC00;
	s9 =	sadd.s32 s1, s9  }
0xa8: {  	[tilespmem:s17], [sflag:$0xB] =	stream.linear.gather [hbm4b:s9+s3], $0x28, $0x38;
	[tilespmem:$0x1A500] =	vst v63  }
0xa9: {  	_ =	swait.ge [sflag:s10], $0x28  }
0xaa: {  	s9 =	rddreg [dreg:$0x8];
	[sflag:s10] =	ssyncset.done $0x0  }
0xab: {  	[sflag:s10] =	ssyncadd.s32 $0xFFFFFFD8;
	s6 =	sadd.s32 s1, s9  }
0xac: {  	[tilespmem:s18], [sflag:$0xB] =	stream.linear.gather [hbm4b:s6+s3], $0x28, $0x38;
	[tilespmem:$0x1A500] =	vst v63  }
0xad: {  	_ =	swait.ge [sflag:s10], $0x28  }
0xae: {  	[sflag:s10] =	ssyncset.done $0x0  }
0xaf: {  	s6 =	simm.s32 @!p1 $0x9;
	[sflag:s10] =	ssyncadd.s32 $0xFFFFFFD8  }
0xb0: {  	[tilespmem:s19], [sflag:$0x3] =	stream.indirect.gather [spmem:s2], $0x80, s17, s12, $0xb8;
	[tilespmem:$0x1A500] =	vst v63  }
0xb1: {  	_ =	swait.ge @!p1 [sflag:s6], $0x1400  }
0xb2: {  	[sflag:s6] =	ssyncset.done @!p1 $0x0;
	s9 =	rddreg [dreg:$0x7]  }
0xb3: {  	[sflag:s6] =	ssyncadd.s32 @!p1 $0xFFFFEC00;
	s9 =	sadd.s32 s1, s9  }
0xb4: {  	[tilespmem:s20], [sflag:$0xB] =	stream.linear.gather [hbm4b:s9+s3], $0x28, $0x38;
	[tilespmem:$0x1A500] =	vst v63  }
0xb5: {  	_ =	swait.ge [sflag:s10], $0x28  }
0xb6: {  	s9 =	rddreg [dreg:$0x6];
	[sflag:s10] =	ssyncset.done $0x0  }
0xb7: {  	[sflag:s10] =	ssyncadd.s32 $0xFFFFFFD8;
	s6 =	sadd.s32 s1, s9  }
0xb8: {  	[tilespmem:s21], [sflag:$0xB] =	stream.linear.gather [hbm4b:s6+s3], $0x28, $0x38;
	[tilespmem:$0x1A500] =	vst v63  }
0xb9: {  	_ =	swait.ge [sflag:s10], $0x28  }
0xba: {  	[sflag:s10] =	ssyncset.done $0x0  }
0xbb: {  	s6 =	simm.s32 @!p1 $0xA;
	[sflag:s10] =	ssyncadd.s32 $0xFFFFFFD8  }
0xbc: {  	[tilespmem:s22], [sflag:$0x4] =	stream.indirect.gather [spmem:s2], $0x80, s20, s12, $0xb8;
	[tilespmem:$0x1A500] =	vst v63  }
0xbd: {  	_ =	swait.ge @!p1 [sflag:s6], $0x1400  }
0xbe: {  	[sflag:s6] =	ssyncset.done @!p1 $0x0;
	s9 =	rddreg [dreg:$0x5]  }
0xbf: {  	[sflag:s6] =	ssyncadd.s32 @!p1 $0xFFFFEC00;
	s9 =	sadd.s32 s1, s9  }
0xc0: {  	[tilespmem:s23], [sflag:$0xB] =	stream.linear.gather [hbm4b:s9+s3], $0x28, $0x38;
	[tilespmem:$0x1A500] =	vst v63  }
0xc1: {  	_ =	swait.ge [sflag:s10], $0x28  }
0xc2: {  	s9 =	rddreg [dreg:$0x4];
	[sflag:s10] =	ssyncset.done $0x0  }
0xc3: {  	[sflag:s10] =	ssyncadd.s32 $0xFFFFFFD8;
	s6 =	sadd.s32 s1, s9  }
0xc4: {  	[tilespmem:s24], [sflag:$0xB] =	stream.linear.gather [hbm4b:s6+s3], $0x28, $0x38;
	[tilespmem:$0x1A500] =	vst v63  }
0xc5: {  	_ =	swait.ge [sflag:s10], $0x28  }
0xc6: {  	[sflag:s10] =	ssyncset.done $0x0  }
0xc7: {  	[sflag:s10] =	ssyncadd.s32 $0xFFFFFFD8  }
0xc8: {  	[tilespmem:s25], [sflag:$0x5] =	stream.indirect.gather [spmem:s2], $0x80, s23, s12, $0xb8;
	[tilespmem:$0x1A500] =	vst v63  }
0xc9: {  	_ =	swait.ge [sflag:s26], $0x1400  }
0xca: {  	[sflag:s26] =	ssyncset.done $0x0  }
0xcb: {  	[sflag:s26] =	ssyncadd.s32 $0xFFFFEC00  }
0xcc: {  	[tilespmem:s13], [sflag:$0xB] =	stream.indirect.gather.add.f32 [hbm:s4], $0x80, s11, s12, $0xb8;
	[tilespmem:$0x1A500] =	vst v63  }
0xcd: {  	_ =	swait.ge [sflag:s10], $0x1400  }
0xce: {  	s7 =	smov.u32 s5;
	[sflag:s10] =	ssyncset.done $0x0  }
0xcf: {  	s1 =	smov.u32 s7;
	s7 =	sadd.s32 $0xFFFFF600, s0;
	[sflag:s10] =	ssyncadd.s32 $0xFFFFEC00  }
0xd0: {  	[hbm4b:s7+s3] =	stream.linear.scatter [tilespmem:s13], [sflag:$0x6], $0x1400, $0x38;
	[tilespmem:$0x1A500] =	vst v63  }
0xd1: {  	_ =	swait.ge [sflag:s28], $0x1400  }
0xd2: {  	[sflag:s28] =	ssyncset.done $0x0  }
0xd3: {  	[sflag:s28] =	ssyncadd.s32 $0xFFFFEC00  }
0xd4: {  	[tilespmem:s16], [sflag:$0xB] =	stream.indirect.gather.add.f32 [hbm:s4], $0x80, s15, s12, $0xb8;
	[tilespmem:$0x1A500] =	vst v63  }
0xd5: {  	_ =	swait.ge [sflag:s10], $0x1400  }
0xd6: {  	[sflag:s10] =	ssyncset.done $0x0  }
0xd7: {  	s9 =	sadd.s32 $0xFFFFF880, s0;
	[sflag:s10] =	ssyncadd.s32 $0xFFFFEC00  }
0xd8: {  	[hbm4b:s9+s3] =	stream.linear.scatter [tilespmem:s16], [sflag:$0x7], $0x1400, $0x38;
	[tilespmem:$0x1A500] =	vst v63  }
0xd9: {  	_ =	swait.ge [sflag:s29], $0x1400  }
0xda: {  	[sflag:s29] =	ssyncset.done $0x0  }
0xdb: {  	[sflag:s29] =	ssyncadd.s32 $0xFFFFEC00  }
0xdc: {  	[tilespmem:s19], [sflag:$0xB] =	stream.indirect.gather.add.f32 [hbm:s4], $0x80, s18, s12, $0xb8;
	[tilespmem:$0x1A500] =	vst v63  }
0xdd: {  	_ =	swait.ge [sflag:s10], $0x1400  }
0xde: {  	[sflag:s10] =	ssyncset.done $0x0  }
0xdf: {  	s7 =	sadd.s32 $0xFFFFFB00, s0;
	[sflag:s10] =	ssyncadd.s32 $0xFFFFEC00  }
0xe0: {  	[hbm4b:s7+s3] =	stream.linear.scatter [tilespmem:s19], [sflag:$0x8], $0x1400, $0x38;
	[tilespmem:$0x1A500] =	vst v63  }
0xe1: {  	_ =	swait.ge [sflag:s30], $0x1400  }
0xe2: {  	[sflag:s30] =	ssyncset.done $0x0  }
0xe3: {  	[sflag:s30] =	ssyncadd.s32 $0xFFFFEC00  }
0xe4: {  	[tilespmem:s22], [sflag:$0xB] =	stream.indirect.gather.add.f32 [hbm:s4], $0x80, s21, s12, $0xb8;
	[tilespmem:$0x1A500] =	vst v63  }
0xe5: {  	_ =	swait.ge [sflag:s10], $0x1400  }
0xe6: {  	[sflag:s10] =	ssyncset.done $0x0  }
0xe7: {  	s5 =	sadd.s32 $0x19, s5;
	s9 =	sadd.s32 $0xFFFFFD80, s0;
	[sflag:s10] =	ssyncadd.s32 $0xFFFFEC00  }
0xe8: {  	[hbm4b:s9+s3] =	stream.linear.scatter [tilespmem:s22], [sflag:$0x9], $0x1400, $0x38;
	[tilespmem:$0x1A500] =	vst v63  }
0xe9: {  	p0 =	sne.s32 s5, $0x271;
	_ =	swait.ge [sflag:s31], $0x1400  }
.Ltmp0:
0xea: {  	[sflag:s31] =	ssyncset.done $0x0;
	(pc) =	sbr.rel @p0 .LBB2_2-.Ltmp0, $4  }
0xeb: {  	[sflag:s31] =	ssyncadd.s32 $0xFFFFEC00  }
0xec: {  	[tilespmem:s25], [sflag:$0xB] =	stream.indirect.gather.add.f32 [hbm:s4], $0x80, s24, s12, $0xb8;
	[tilespmem:$0x1A500] =	vst v63  }
0xed: {  	s8 =	smov.u32 s0;
	_ =	swait.ge [sflag:s10], $0x1400  }
0xee: {  	p1 =	seq.s32 s1, $0x0;
	s0 =	sadd.s32 $0xC80, s0;
	[sflag:s10] =	ssyncset.done $0x0  }
0xef: {  	s5 =	simm.s32 @!p1 $0x6;
	[sflag:s10] =	ssyncadd.s32 $0xFFFFEC00  }
0xf0: {  	[hbm4b:s8+s3] =	stream.linear.scatter [tilespmem:s25], [sflag:$0xA], $0x1400, $0x38;
	[tilespmem:$0x1A500] =	vst v63  }
0xf1: {  	_ =	swait.ge @!p1 [sflag:s5], $0x1400  }
0xf2: {  	s6 =	rddreg [dreg:$0xd];
	[sflag:s5] =	ssyncset.done @!p1 $0x0  }
0xf3: {  	[sflag:s5] =	ssyncadd.s32 @!p1 $0xFFFFEC00;
	s7 =	sadd.s32 s1, s6  }
0xf4: {  	[tilespmem:s3], [sflag:$0xB] =	stream.linear.gather [hbm4b:s7+s3], $0x28, $0x38;
	[tilespmem:$0x1A500] =	vst v63  }
0xf5: {  	_ =	swait.ge [sflag:s10], $0x28  }
0xf6: {  	s8 =	rddreg [dreg:$0xc];
	[sflag:s10] =	ssyncset.done $0x0  }
0xf7: {  	[sflag:s10] =	ssyncadd.s32 $0xFFFFFFD8;
	s5 =	sadd.s32 s1, s8  }
0xf8: {  	[tilespmem:s11], [sflag:$0xB] =	stream.linear.gather [hbm4b:s5+s3], $0x28, $0x38;
	[tilespmem:$0x1A500] =	vst v63  }
0xf9: {  	_ =	swait.ge [sflag:s10], $0x28  }
0xfa: {  	[sflag:s10] =	ssyncset.done $0x0  }
0xfb: {  	s5 =	simm.s32 @!p1 $0x7;
	[sflag:s10] =	ssyncadd.s32 $0xFFFFFFD8  }
0xfc: {  	[tilespmem:s13], [sflag:$0x1] =	stream.indirect.gather [spmem:s2], $0x80, s3, s12, $0xb8;
	[tilespmem:$0x1A500] =	vst v63  }
0xfd: {  	_ =	swait.ge @!p1 [sflag:s5], $0x1400  }
0xfe: {  	s9 =	rddreg [dreg:$0xb];
	[sflag:s5] =	ssyncset.done @!p1 $0x0  }
0xff: {  	[sflag:s5] =	ssyncadd.s32 @!p1 $0xFFFFEC00;
	s7 =	sadd.s32 s1, s9  }
0x100: {  	[tilespmem:s14], [sflag:$0xB] =	stream.linear.gather [hbm4b:s7+s3], $0x28, $0x38;
	[tilespmem:$0x1A500] =	vst v63  }
0x101: {  	_ =	swait.ge [sflag:s10], $0x28  }
0x102: {  	s8 =	rddreg [dreg:$0xa];
	[sflag:s10] =	ssyncset.done $0x0  }
0x103: {  	[sflag:s10] =	ssyncadd.s32 $0xFFFFFFD8;
	s5 =	sadd.s32 s1, s8  }
0x104: {  	[tilespmem:s15], [sflag:$0xB] =	stream.linear.gather [hbm4b:s5+s3], $0x28, $0x38;
	[tilespmem:$0x1A500] =	vst v63  }
0x105: {  	_ =	swait.ge [sflag:s10], $0x28  }
0x106: {  	[sflag:s10] =	ssyncset.done $0x0  }
0x107: {  	s5 =	simm.s32 @!p1 $0x8;
	[sflag:s10] =	ssyncadd.s32 $0xFFFFFFD8  }
0x108: {  	[tilespmem:s16], [sflag:$0x2] =	stream.indirect.gather [spmem:s2], $0x80, s14, s12, $0xb8;
	[tilespmem:$0x1A500] =	vst v63  }
0x109: {  	_ =	swait.ge @!p1 [sflag:s5], $0x1400  }
0x10a: {  	s9 =	rddreg [dreg:$0x9];
	[sflag:s5] =	ssyncset.done @!p1 $0x0  }
0x10b: {  	[sflag:s5] =	ssyncadd.s32 @!p1 $0xFFFFEC00;
	s7 =	sadd.s32 s1, s9  }
0x10c: {  	[tilespmem:s17], [sflag:$0xB] =	stream.linear.gather [hbm4b:s7+s3], $0x28, $0x38;
	[tilespmem:$0x1A500] =	vst v63  }
0x10d: {  	_ =	swait.ge [sflag:s10], $0x28  }
0x10e: {  	s8 =	rddreg [dreg:$0x8];
	[sflag:s10] =	ssyncset.done $0x0  }
0x10f: {  	[sflag:s10] =	ssyncadd.s32 $0xFFFFFFD8;
	s5 =	sadd.s32 s1, s8  }
0x110: {  	[tilespmem:s18], [sflag:$0xB] =	stream.linear.gather [hbm4b:s5+s3], $0x28, $0x38;
	[tilespmem:$0x1A500] =	vst v63  }
0x111: {  	_ =	swait.ge [sflag:s10], $0x28  }
0x112: {  	[sflag:s10] =	ssyncset.done $0x0  }
0x113: {  	s5 =	simm.s32 @!p1 $0x9;
	[sflag:s10] =	ssyncadd.s32 $0xFFFFFFD8  }
0x114: {  	[tilespmem:s19], [sflag:$0x3] =	stream.indirect.gather [spmem:s2], $0x80, s17, s12, $0xb8;
	[tilespmem:$0x1A500] =	vst v63  }
0x115: {  	_ =	swait.ge @!p1 [sflag:s5], $0x1400  }
0x116: {  	s9 =	rddreg [dreg:$0x7];
	[sflag:s5] =	ssyncset.done @!p1 $0x0  }
0x117: {  	[sflag:s5] =	ssyncadd.s32 @!p1 $0xFFFFEC00;
	s7 =	sadd.s32 s1, s9  }
0x118: {  	[tilespmem:s20], [sflag:$0xB] =	stream.linear.gather [hbm4b:s7+s3], $0x28, $0x38;
	[tilespmem:$0x1A500] =	vst v63  }
0x119: {  	_ =	swait.ge [sflag:s10], $0x28  }
0x11a: {  	s8 =	rddreg [dreg:$0x6];
	[sflag:s10] =	ssyncset.done $0x0  }
0x11b: {  	[sflag:s10] =	ssyncadd.s32 $0xFFFFFFD8;
	s5 =	sadd.s32 s1, s8  }
0x11c: {  	[tilespmem:s21], [sflag:$0xB] =	stream.linear.gather [hbm4b:s5+s3], $0x28, $0x38;
	[tilespmem:$0x1A500] =	vst v63  }
0x11d: {  	_ =	swait.ge [sflag:s10], $0x28  }
0x11e: {  	[sflag:s10] =	ssyncset.done $0x0  }
0x11f: {  	s5 =	simm.s32 @!p1 $0xA;
	[sflag:s10] =	ssyncadd.s32 $0xFFFFFFD8  }
0x120: {  	[tilespmem:s22], [sflag:$0x4] =	stream.indirect.gather [spmem:s2], $0x80, s20, s12, $0xb8;
	[tilespmem:$0x1A500] =	vst v63  }
0x121: {  	_ =	swait.ge @!p1 [sflag:s5], $0x1400  }
0x122: {  	s9 =	rddreg [dreg:$0x5];
	[sflag:s5] =	ssyncset.done @!p1 $0x0  }
0x123: {  	[sflag:s5] =	ssyncadd.s32 @!p1 $0xFFFFEC00;
	s7 =	sadd.s32 s1, s9  }
0x124: {  	[tilespmem:s23], [sflag:$0xB] =	stream.linear.gather [hbm4b:s7+s3], $0x28, $0x38;
	[tilespmem:$0x1A500] =	vst v63  }
0x125: {  	_ =	swait.ge [sflag:s10], $0x28  }
0x126: {  	s8 =	rddreg [dreg:$0x4];
	[sflag:s10] =	ssyncset.done $0x0  }
0x127: {  	s9 =	sadd.s32 s1, s8;
	[sflag:s10] =	ssyncadd.s32 $0xFFFFFFD8  }
0x128: {  	[tilespmem:s24], [sflag:$0xB] =	stream.linear.gather [hbm4b:s9+s3], $0x28, $0x38;
	[tilespmem:$0x1A500] =	vst v63  }
0x129: {  	_ =	swait.ge [sflag:s10], $0x28  }
0x12a: {  	[sflag:s10] =	ssyncset.done $0x0  }
0x12b: {  	[sflag:s10] =	ssyncadd.s32 $0xFFFFFFD8  }
0x12c: {  	[tilespmem:s25], [sflag:$0x5] =	stream.indirect.gather [spmem:s2], $0x80, s23, s12, $0xb8;
	[tilespmem:$0x1A500] =	vst v63  }
0x12d: {  	_ =	swait.ge [sflag:s26], $0x1400  }
0x12e: {  	[sflag:s26] =	ssyncset.done $0x0  }
0x12f: {  	[sflag:s26] =	ssyncadd.s32 $0xFFFFEC00  }
0x130: {  	[tilespmem:s13], [sflag:$0xB] =	stream.indirect.gather.add.f32 [hbm:s4], $0x80, s11, s12, $0xb8;
	[tilespmem:$0x1A500] =	vst v63  }
0x131: {  	_ =	swait.ge [sflag:s10], $0x1400  }
0x132: {  	[sflag:s10] =	ssyncset.done $0x0  }
0x133: {  	s5 =	sadd.s32 $0xFFFFF600, s0;
	[sflag:s10] =	ssyncadd.s32 $0xFFFFEC00  }
0x134: {  	[hbm4b:s5+s3] =	stream.linear.scatter [tilespmem:s13], [sflag:$0x6], $0x1400, $0x38;
	[tilespmem:$0x1A500] =	vst v63  }
0x135: {  	_ =	swait.ge [sflag:s28], $0x1400  }
0x136: {  	[sflag:s28] =	ssyncset.done $0x0  }
0x137: {  	[sflag:s28] =	ssyncadd.s32 $0xFFFFEC00  }
0x138: {  	[tilespmem:s16], [sflag:$0xB] =	stream.indirect.gather.add.f32 [hbm:s4], $0x80, s15, s12, $0xb8;
	[tilespmem:$0x1A500] =	vst v63  }
0x139: {  	_ =	swait.ge [sflag:s10], $0x1400  }
0x13a: {  	[sflag:s10] =	ssyncset.done $0x0  }
0x13b: {  	s6 =	sadd.s32 $0xFFFFF880, s0;
	[sflag:s10] =	ssyncadd.s32 $0xFFFFEC00  }
0x13c: {  	[hbm4b:s6+s3] =	stream.linear.scatter [tilespmem:s16], [sflag:$0x7], $0x1400, $0x38;
	[tilespmem:$0x1A500] =	vst v63  }
0x13d: {  	_ =	swait.ge [sflag:s29], $0x1400  }
0x13e: {  	[sflag:s29] =	ssyncset.done $0x0  }
0x13f: {  	[sflag:s29] =	ssyncadd.s32 $0xFFFFEC00  }
0x140: {  	[tilespmem:s19], [sflag:$0xB] =	stream.indirect.gather.add.f32 [hbm:s4], $0x80, s18, s12, $0xb8;
	[tilespmem:$0x1A500] =	vst v63  }
0x141: {  	_ =	swait.ge [sflag:s10], $0x1400  }
0x142: {  	[sflag:s10] =	ssyncset.done $0x0  }
0x143: {  	s7 =	sadd.s32 $0xFFFFFB00, s0;
	[sflag:s10] =	ssyncadd.s32 $0xFFFFEC00  }
0x144: {  	[hbm4b:s7+s3] =	stream.linear.scatter [tilespmem:s19], [sflag:$0x8], $0x1400, $0x38;
	[tilespmem:$0x1A500] =	vst v63  }
0x145: {  	_ =	swait.ge [sflag:s30], $0x1400  }
0x146: {  	[sflag:s30] =	ssyncset.done $0x0  }
0x147: {  	[sflag:s30] =	ssyncadd.s32 $0xFFFFEC00  }
0x148: {  	[tilespmem:s22], [sflag:$0xB] =	stream.indirect.gather.add.f32 [hbm:s4], $0x80, s21, s12, $0xb8;
	[tilespmem:$0x1A500] =	vst v63  }
0x149: {  	_ =	swait.ge [sflag:s10], $0x1400  }
0x14a: {  	[sflag:s10] =	ssyncset.done $0x0  }
0x14b: {  	s8 =	sadd.s32 $0xFFFFFD80, s0;
	[sflag:s10] =	ssyncadd.s32 $0xFFFFEC00  }
0x14c: {  	[hbm4b:s8+s3] =	stream.linear.scatter [tilespmem:s22], [sflag:$0x9], $0x1400, $0x38;
	[tilespmem:$0x1A500] =	vst v63  }
0x14d: {  	_ =	swait.ge [sflag:s31], $0x1400  }
0x14e: {  	[sflag:s31] =	ssyncset.done $0x0  }
0x14f: {  	[sflag:s31] =	ssyncadd.s32 $0xFFFFEC00  }
0x150: {  	[tilespmem:s25], [sflag:$0xB] =	stream.indirect.gather.add.f32 [hbm:s4], $0x80, s24, s12, $0xb8;
	[tilespmem:$0x1A500] =	vst v63  }
0x151: {  	_ =	swait.ge [sflag:s10], $0x1400  }
0x152: {  	[sflag:s10] =	ssyncset.done $0x0  }
0x153: {  	s9 =	simm.s32 $0x6;
	[sflag:s10] =	ssyncadd.s32 $0xFFFFEC00  }
0x154: {  	[hbm4b:s0+s3] =	stream.linear.scatter [tilespmem:s25], [sflag:$0xA], $0x1400, $0x38;
	[tilespmem:$0x1A500] =	vst v63  }
0x155: {  	_ =	swait.ge [sflag:s9], $0x1400  }
0x156: {  	[sflag:s9] =	ssyncset.done $0x0  }
0x157: {  	s1 =	simm.s32 $0x7;
	[sflag:s9] =	ssyncadd.s32 $0xFFFFEC00  }
0x158: {  	_ =	swait.ge [sflag:s1], $0x1400  }
0x159: {  	[sflag:s1] =	ssyncset.done $0x0  }
0x15a: {  	s5 =	simm.s32 $0x8;
	[sflag:s1] =	ssyncadd.s32 $0xFFFFEC00  }
0x15b: {  	_ =	swait.ge [sflag:s5], $0x1400  }
0x15c: {  	[sflag:s5] =	ssyncset.done $0x0  }
0x15d: {  	s6 =	simm.s32 $0x9;
	[sflag:s5] =	ssyncadd.s32 $0xFFFFEC00  }
0x15e: {  	_ =	swait.ge [sflag:s6], $0x1400  }
0x15f: {  	[sflag:s6] =	ssyncset.done $0x0  }
0x160: {  	s7 =	simm.s32 $0xA;
	[sflag:s6] =	ssyncadd.s32 $0xFFFFEC00  }
0x161: {  	_ =	swait.ge [sflag:s7], $0x1400  }
0x162: {  	s8 =	rddreg [dreg:$0x13]  }
0x163: {  	s9 =	rddreg [dreg:$0x10];
	s5 =	sadd.s32 $0x1, s8  }
0x164: {  	p0 =	sne.s32 s5, s9  }
.Ltmp1:
0x165: {  	_ = 	snop;
	(pc) =	sbr.rel @p0 .LBB2_1-.Ltmp1, $3  }
0x166: {  	_ =	sdelay $0x1  }
0x167: {  	[sflag:s7] =	ssyncset.done $0x0  }
0x168: {  	[sflag:s7] =	ssyncadd.s32 $0xFFFFEC00  }
0x169: {  	_ =	sfence.sel $0x180000  }
0x16a: {  	[bflag:$0x0] =	sbarrier.arrive $0xFFFF  }
0x16b: {  	_ =	strace $0x9000004A  }
0x16c: {  	s0 =	stileid.u32;
	[bflag:$0x2] =	sbarrier.arrive $0xFFFF  }
0x16d: {  	p0 =	sne.s32 s0, $0x0;
	s0 =	rddreg [dreg:$0x3]  }
0x16e: {  	s0 =	sadd.s32 @!p0 $0x100000, s0  }
0x16f: {  	[sflag:s0] =	ssyncadd.tile.s32 @!p0 $0x1;
	_ =	shalt  }
.Lfunc_end2:
_tile_overlayer_lowered:
.L_overlay_start_2:
0x170: {  	(tag) =	ssettag $0x2  }
0x171: {  	s0 =	rddreg [dreg:$0x0];
	s2 =	stileid.u32  }
0x172: {  	s1 =	rddreg [dreg:$0x1];
	p0 =	sne.s32 s2, $0x0  }
0x173: {  	s3 =	rddreg [dreg:$0x2];
	[bflag:$0x3] =	sbarrier.arrive $0xFFFF;
	s2 =	simm.s32 @!p0 $0x1C0B  }
0x174: {  	[timem:s3], [sflag:s2] =	dma.local @!p0 [hbm:s0], s1  }
0x175: {  	s0 =	simm.s32 @!p0 $0xB  }
0x176: {  	_ =	swait.ge @!p0 [sflag:s0], s1  }
0x177: {  	s1 =	ssub.s32 @!p0 $0x0, s1;
	[sflag:s0] =	ssyncset.done @!p0 $0x0  }
0x178: {  	[sflag:s0] =	ssyncadd.s32 @!p0 s1  }
0x179: {  	[bflag:$0x3] =	sbarrier.arrive $0xFFFF  }
0x17a: {  	_ =	shalt  }

// kernel: kernel.19.cloned.1.call-start
scs
__scs_entry_jumppad:
0x0: {  	(pc) =	sbr.rel $0x88, $3  }
0x1: {  	(tag) =	ssettag $0x0;
	lr =	simm.s32 $0x1  }
0x2: {  	[smem:$0x3F91] =	sst lr;
	_ =	strace $0xD0000000  }
0x3: {  	_ = 	snop  }
0x4: {  	_ = 	snop  }
0x5: {  	_ = 	snop  }
0x6: {  	_ = 	snop  }
0x7: {  	_ = 	snop  }
__scs_overlays_trampoline_lowered:
0x8: {  	[smem:$0x3FA0] =	sst s0  }
0x9: {  	[smem:$0x3FA1] =	sst s1  }
0xa: {  	[smem:$0x3FA2] =	sst s2  }
0xb: {  	[smem:$0x3FA3] =	sst s3  }
0xc: {  	[smem:$0x3FA4] =	sst s4  }
0xd: {  	[smem:$0x3FA5] =	sst s5  }
0xe: {  	[smem:$0x3FA6] =	sst s6  }
0xf: {  	[smem:$0x3FA7] =	sst s7  }
0x10: {  	[smem:$0x3FA8] =	sst s8  }
0x11: {  	[smem:$0x3FA9] =	sst s9;
	s0 =	simm.s32 @!p0 $0x0  }
0x12: {  	s1 =	sld [smem:$0x3F8F];
	s0 =	simm.s32 @p0 $0x1  }
0x13: {  	[smem:$0x3FAA] =	sst s0;
	s0 =	simm.s32 @!p1 $0x0  }
0x14: {  	s2 =	sld [smem:$0x3F8E];
	s0 =	simm.s32 @p1 $0x1  }
0x15: {  	[smem:$0x3FAB] =	sst s0;
	s0 =	simm.s32 @!p2 $0x0  }
0x16: {  	s3 =	sld [smem:$0x3FDB];
	s0 =	simm.s32 @p2 $0x1  }
0x17: {  	s4 =	simm.s32 $0x1BF5;
	[smem:$0x3FAD] =	sst s0  }
0x18: {  	s0 =	sld [smem:$0x3F90];
	_ =	swait.ge [sflag:s4], $0x0  }
0x19: {  	s7 =	sld [smem:$0x3F91]  }
0x1a: {  	s8 =	sadd.s32 $0xFFFFE003, lr  }
0x1b: {  	s9 =	sadd.s32 $0xFFFFFEF7, lr;
	s5 =	simm.s32 $0xFFFFFFFF;
	p2 =	slt.u32 s8, $0xFFFFF086  }
0x1c: {  	p1 =	slt.u32 s9, $0xF7A;
	s5 =	simm.s32 @!p2 $0x0  }
0x1d: {  	s5 =	simm.s32 @p1 $0x1;
	p0 =	seq.s32 s7, s2  }
0x1e: {  	s7 =	smul.u32 @!p0 $0xF7A, s2;
	p2 =	seq.s32 @!p0 s5, $0x0  }
0x1f: {  	s9 =	smul.u32 $0xF7A, s1;
	s8 =	simm.s32 @!p0 $0x1BF5;
	p2 =	por !p2, p0  }
0x20: {  	[sflag:s8] =	ssyncset.s32 @!p0 $0xFFFFF086;
	s6 =	sadd.s32 @!p0 s3, s7;
	s7 =	simm.s32 @!p0 $0x108  }
0x21: {  	s3 =	sadd.s32 s3, s9;
	s6 =	sadd.s32 @!p0 $0x88, s6;
	s7 =	simm.s32 @p2 $0x1082  }
0x22: {  	[simem:s7], [sflag:s8] =	dma.local @!p0 [hbm:s6], $0xF7A  }
0x23: {  	s9 =	sor.u32 $0xD0000000, s2;
	s6 =	simm.s32 $0x108;
	_ =	swait.ge @!p0 [sflag:s8], $0x0  }
0x24: {  	s3 =	sadd.s32 $0x88, s3;
	s6 =	simm.s32 @!p1 $0x1082;
	[sflag:s4] =	ssyncset.s32 $0xFFFFF086  }
0x25: {  	[simem:s6], [sflag:s4] =	dma.local [hbm:s3], $0xF7A  }
0x26: {  	[smem:$0x3F91] =	sst s1;
	(tag) =	ssettag s2;
	_ =	strace s9  }
0x27: {  	s1 =	sld [smem:$0x3FA1]  }
0x28: {  	s2 =	sld [smem:$0x3FA2]  }
0x29: {  	s4 =	sld [smem:$0x3FA4]  }
0x2a: {  	p0 =	seq.s32 s5, $0x0;
	s5 =	sld [smem:$0x3FA5]  }
0x2b: {  	s6 =	sld [smem:$0x3FA6]  }
0x2c: {  	s7 =	sld [smem:$0x3FA7]  }
0x2d: {  	s3 =	simm.s32 $0x108;
	s8 =	sld [smem:$0x3FA8]  }
0x2e: {  	s3 =	simm.s32 @!p0 $0x1082;
	s9 =	sld [smem:$0x3FA9]  }
0x2f: {  	lr =	sadd.s32 s0, s3;
	s0 =	sld [smem:$0x3FA0]  }
0x30: {  	s3 =	sld [smem:$0x3FA3]  }
0x31: {  	[smem:$0x3FAC] =	sst s10  }
0x32: {  	s10 =	sld [smem:$0x3FAA];
	_ =	sdelay $0x3  }
0x33: {  	p0 =	seq.s32 s10, $0x1;
	s10 =	sld [smem:$0x3FAC];
	_ =	sdelay $0x3  }
0x34: {  	[smem:$0x3FAC] =	sst s10  }
0x35: {  	s10 =	sld [smem:$0x3FAB];
	_ =	sdelay $0x3  }
0x36: {  	p1 =	seq.s32 s10, $0x1;
	s10 =	sld [smem:$0x3FAC];
	_ =	sdelay $0x3  }
0x37: {  	[smem:$0x3FAC] =	sst s10  }
0x38: {  	s10 =	sld [smem:$0x3FAD]  }
0x39: {  	_ = 	snop;
	(pc) =	sbr.ind lr, $3  }
0x3a: {  	_ = 	snop  }
0x3b: {  	_ = 	snop  }
0x3c: {  	p2 =	seq.s32 s10, $0x1;
	s10 =	sld [smem:$0x3FAC]  }
0x3d: {  	_ =	shalt  }
0x3e: {  	_ =	shalt  }
0x3f: {  	_ =	shalt  }
0x40: {  	_ =	shalt  }
0x41: {  	_ =	shalt  }
0x42: {  	_ =	shalt  }
0x43: {  	_ =	shalt  }
0x44: {  	_ =	shalt  }
0x45: {  	_ =	shalt  }
0x46: {  	_ =	shalt  }
0x47: {  	_ =	shalt  }
0x48: {  	_ =	shalt  }
0x49: {  	_ =	shalt  }
0x4a: {  	_ =	shalt  }
0x4b: {  	_ =	shalt  }
0x4c: {  	_ =	shalt  }
0x4d: {  	_ =	shalt  }
0x4e: {  	_ =	shalt  }
0x4f: {  	_ =	shalt  }
0x50: {  	_ =	shalt  }
0x51: {  	_ =	shalt  }
0x52: {  	_ =	shalt  }
0x53: {  	_ =	shalt  }
0x54: {  	_ =	shalt  }
0x55: {  	_ =	shalt  }
0x56: {  	_ =	shalt  }
0x57: {  	_ =	shalt  }
0x58: {  	_ =	shalt  }
0x59: {  	_ =	shalt  }
0x5a: {  	_ =	shalt  }
0x5b: {  	_ =	shalt  }
0x5c: {  	_ =	shalt  }
0x5d: {  	_ =	shalt  }
0x5e: {  	_ =	shalt  }
0x5f: {  	_ =	shalt  }
0x60: {  	_ =	shalt  }
0x61: {  	_ =	shalt  }
0x62: {  	_ =	shalt  }
0x63: {  	_ =	shalt  }
0x64: {  	_ =	shalt  }
0x65: {  	_ =	shalt  }
0x66: {  	_ =	shalt  }
0x67: {  	_ =	shalt  }
0x68: {  	_ =	shalt  }
0x69: {  	_ =	shalt  }
0x6a: {  	_ =	shalt  }
0x6b: {  	_ =	shalt  }
0x6c: {  	_ =	shalt  }
0x6d: {  	_ =	shalt  }
0x6e: {  	_ =	shalt  }
0x6f: {  	_ =	shalt  }
0x70: {  	_ =	shalt  }
0x71: {  	_ =	shalt  }
0x72: {  	_ =	shalt  }
0x73: {  	_ =	shalt  }
0x74: {  	_ =	shalt  }
0x75: {  	_ =	shalt  }
0x76: {  	_ =	shalt  }
0x77: {  	_ =	shalt  }
0x78: {  	_ =	shalt  }
0x79: {  	_ =	shalt  }
0x7a: {  	_ =	shalt  }
0x7b: {  	_ =	shalt  }
0x7c: {  	_ =	shalt  }
0x7d: {  	_ =	shalt  }
0x7e: {  	_ =	shalt  }
0x7f: {  	_ =	shalt  }
0x80: {  	_ =	shalt  }
0x81: {  	_ =	shalt  }
0x82: {  	_ =	shalt  }
0x83: {  	_ =	shalt  }
0x84: {  	_ =	shalt  }
0x85: {  	_ =	shalt  }
0x86: {  	_ =	shalt  }
0x87: {  	_ =	shalt  }
.Lfunc_end0:
.L_simem_size_0:
called_computation.3_lowered:
.L_overlay_start_0:
0x88: {  	s2 =	sld [smem:$0x3FD9]  }
0x89: {  	s3 =	sld [smem:$0x3FFE];
	_ =	sdelay $0x1  }
0x8a: {  	s1 =	srdreg.scid  }
0x8b: {  	s0 =	sand.u32 $0x1, s1  }
0x8c: {  	s17 =	sshll.u32 s0, $0xA;
	s2 =	sadd.s32 s3, s2  }
0x8d: {  	s2 =	sadd.s32 s2, s17  }
0x8e: {  	[smem:$0x3FB8] =	sst s2  }
0x8f: {  	_ = 	snop  }
0x90: {  	(tm) =	ssettm $0x1  }
0x91: {  	s18 =	sld [smem:$0x3FFB];
	_ =	sdelay $0x3  }
0x92: {  	_ =	strace s18  }
0x93: {  	s2 =	sld [smem:$0x3FFC];
	_ =	sdelay $0x3  }
0x94: {  	_ =	strace s2  }
0x95: {  	s2 =	sld [smem:$0x3FFD];
	_ =	sdelay $0x3  }
0x96: {  	_ =	strace s2  }
0x97: {  	_ =	strace $0x8FFFFFFF  }
0x98: {  	s19 =	sld [smem:$0x3FDB];
	_ =	sdelay $0x1  }
0x99: {  	s20 =	simm.s32 $_scs_section_size  }
0x9a: {  	s4 =	simm.s32 $_size__tile_overlayer_lowered;
	s5 =	simm.s32 $_tile_overlayer_lowered  }
0x9b: {  	s6 =	simm.s32 $0x1BFF;
	s21 =	sshll.u32 s5, $0x1;
	s3 =	sadd.s32 s20, s19  }
0x9c: {  	s22 =	simm.s32 $0x0;
	s4 =	sshll.u32 s4, $0x1;
	s5 =	sadd.s32 s21, s3  }
0x9d: {  	[timem:s22], [sflag:s6] =	dma.local [hbm:s5], s4  }
0x9e: {  	_ =	swait.ge [sflag:s6], s4  }
0x9f: {  	s4 =	ssub.s32 $0x0, s4;
	[sflag:s6] =	ssyncset.done $0x0  }
0xa0: {  	[sflag:s6] =	ssyncadd.s32 s4;
	_ =	sdelay $0x1  }
0xa1: {  	s23 =	simm.s32 $0x1B8B  }
0xa2: {  	_ =	swait.ge [sflag:s23], $0x1  }
0xa3: {  	[sflag:s23] =	ssyncset.done $0x0  }
0xa4: {  	[sflag:s23] =	ssyncadd.s32 $0xFFFFFFFF  }
0xa5: {  	s4 =	sld [smem:$0x0]  }
0xa6: {  	s5 =	sand.u32 $0xFFFFFFFE, s1  }
0xa7: {  	p0 =	sne.s32 s1, s5  }
0xa8: {  	s5 =	sshll.u32 @p0 s5, $0xE  }
0xa9: {  	s5 =	sadd.s32 @p0 $0x11B8D, s5;
	s6 =	sshll.u32 @p0 s4, $0x11  }
0xaa: {  	s5 =	sor.u32 @p0 s6, s5  }
0xab: {  	[sflag:s5] =	ssyncadd.remote.s32 @p0 $0x1;
	_ =	sdelay $0x1  }
0xac: {  	s5 =	simm.s32 @p0 $0x1B8D  }
0xad: {  	_ =	swait.eq @p0 [sflag:s5], $0x1  }
0xae: {  	[sflag:s5] =	ssyncadd.s32 @p0 $0xFFFFFFFF  }
0xaf: {  	s6 =	sshll.u32 @!p0 s1, $0xE  }
0xb0: {  	s6 =	sor.u32 @!p0 $0x4000, s6;
	s5 =	simm.s32 @!p0 $0x1B8D  }
0xb1: {  	s4 =	sshll.u32 @!p0 s4, $0x11;
	s6 =	sadd.s32 @!p0 $0x11B8D, s6;
	_ =	swait.eq @!p0 [sflag:s5], $0x1  }
0xb2: {  	s4 =	sor.u32 @!p0 s4, s6;
	[sflag:s5] =	ssyncadd.s32 @!p0 $0xFFFFFFFF  }
0xb3: {  	s25 =	simm.s32 $0x1B8E;
	s24 =	sld [smem:$0x3FFE];
	[sflag:s4] =	ssyncadd.remote.s32 @!p0 $0x1  }
0xb4: {  	s26 =	simm.s32 $execute0_lowered;
	[smem:$0x3FD2] =	sst s25  }
0xb5: {  	s5 =	sshll.u32 s26, $0x1;
	_ =	strace $0x8000004F;
	[dreg:$0x1] =	wrdreg $0xFFFFFFFF  }
0xb6: {  	s28 =	simm.s32 $_size_execute0_lowered;
	s3 =	sadd.s32 s3, s5;
	[dreg:$0x0] =	wrdreg $0x0  }
0xb7: {  	s5 =	sshll.u32 s28, $0x1;
	[dreg:$0x2] =	wrdreg s3  }
0xb8: {  	[dreg:$0x3] =	wrdreg s5  }
0xb9: {  	[dreg:$0x4] =	wrdreg $0xC0  }
0xba: {  	_ =	task [dreg:s22], $0x5FFFF  }
0xbb: {  	[dreg:$0x1] =	wrdreg $0xFFFFFFFF  }
0xbc: {  	[dreg:$0x0] =	wrdreg $0x60  }
0xbd: {  	[dreg:$0x2] =	wrdreg s24  }
0xbe: {  	[dreg:$0x3] =	wrdreg $0x66800  }
0xbf: {  	[dreg:$0x4] =	wrdreg $0xA  }
0xc0: {  	_ =	task.clear_ibuf [dreg:s22], $0x5FFFF;
	_ =	strace $0x9000004F  }
0xc1: {  	s29 =	simm.s32 $0xA;
	_ =	strace $0x80000051  }
0xc2: {  	_ =	swait.ge [sflag:s29], $0x1  }
0xc3: {  	[sflag:s29] =	ssyncadd.s32 $0xFFFFFFFF  }
0xc4: {  	_ =	strace $0x90000051  }
0xc5: {  	_ =	sfence  }
0xc6: {  	s30 =	sld [smem:$0x0];
	_ =	sdelay $0x2  }
0xc7: {  	s31 =	sshll.u32 s1, $0xD;
	s1 =	sshrl.u32 s1, $0x2  }
0xc8: {  	s4 =	sand.u32 $0x4000, s31;
	s1 =	sadd.s32 s1, s30  }
0xc9: {  	s0 =	sor.u32 s4, s0;
	s1 =	sshll.u32 s1, $0x11  }
0xca: {  	s0 =	sor.u32 s1, s0  }
0xcb: {  	s0 =	sadd.s32 $0x8F2B, s0  }
0xcc: {  	[sflag:s0] =	ssyncadd.remote.s32 $0x1  }
0xcd: {  	_ =	sfence.sel $0xFFFF  }
0xce: {  	[dreg:$0x0] =	wrdreg $0xFFFFFFFF;
	(pc) =	sbr.abs _section_cstart, $3  }
0xcf: {  	[dreg:$0x1] =	wrdreg $0xFFFFFFFF  }
0xd0: {  	_ =	task.clear_ibuf [dreg:s22], $0x2FFFF;
	_ =	strace $0x9FFFFFFF  }
0xd1: {  	(tm) =	ssettm $0x7FFFFFFF  }
tec
execute0_lowered:
.L_overlay_start_1:
0x0: {  	(tag) =	ssettag $0x1  }
0x1: {  	s0 =	rddreg [dreg:$0x0]  }
0x2: {  	s1 =	rddreg [dreg:$0x1];
	s2 =	simm.s32 $0x0;
	s13 =	stileid.u32  }
0x3: {  	s3 =	srdreg.scid;
	s28 =	simm.s32 $0x28;
	s5 =	smul.u32 $0x13C00, s13  }
0x4: {  	s29 =	simm.s32 $0x80;
	s30 =	simm.s32 $0x2;
	s18 =	smul.u32 $0x4F000, s13  }
0x5: {  	s31 =	simm.s32 $0x100;
	[smem:$0x7FF] =	sst s2;
	s23 =	smul.u32 $0x2710, s13  }
0x6: {  	s3 =	sand.u32 $0x1, s3;
	s6 =	sadd.s32 $0xA2A800, s0;
	s17 =	smul.u32 $0x27100, s13  }
0x7: {  	s8 =	sadd.s32 $0x3800, s0;
	s19 =	sshll.u32 s13, $0x1;
	s4 =	smul.u32 $0x13C000, s3  }
0x8: {  	_ =	strace $0x80000050;
	[dreg:$0x3] =	wrdreg s8;
	s26 =	smul.u32 $0x1388, s3  }
0x9: {  	s9 =	ssub.s32 $0x2, s3;
	s8 =	sor.u32 s3, s19;
	s3 =	smul.u32 $0x13880, s3  }
0xa: {  	s7 =	sadd.s32 $0x2CD800, s0;
	s21 =	sshll.u32 s13, $0x6;
	s11 =	smul.u32 $0x9C400, s8  }
0xb: {  	s10 =	sshrl.u32 s9, $0x1;
	s8 =	smul.u32 $0x13880, s8;
	s4 =	sadd.s32 s5, s4  }
0xc: {  	s5 =	sshrl.u32 s18, $0x2;
	s20 =	ssub.s32 s9, s10;
	s4 =	sshrl.u32 s4, $0x3  }
0xd: {  	s12 =	sadd.s32 s5, s1;
	s22 =	sshrl.u32 s11, $0x3;
	s11 =	sor.u32 $0x1C06, s21  }
0xe: {  	s24 =	sadd.s32 s6, s8;
	s8 =	sadd.s32 s26, s23;
	s0 =	sadd.s32 s4, s0  }
0xf: {  	s9 =	sadd.s32 s6, s22;
	[dreg:$0x4] =	wrdreg s24;
	s4 =	smax.u32 s20, $0x1  }
0x10: {  	s18 =	sadd.s32 $0xA0, s8;
	s19 =	sadd.s32 $0x78, s8;
	s22 =	sadd.s32 $0x50, s8  }
0x11: {  	s23 =	sadd.s32 $0x28, s8;
	s24 =	sshrl.u32 s8, $0x3;
	s8 =	simm.s32 $0x0  }
0x12: {  	s25 =	sadd.s32 $0x280, s9;
	s14 =	sadd.s32 $0x500, s9;
	[dreg:$0xa] =	wrdreg s4  }
0x13: {  	s15 =	sadd.s32 $0x780, s9;
	s16 =	sadd.s32 $0xA00, s9;
	[dreg:$0x5] =	wrdreg s25  }
0x14: {  	s0 =	sadd.s32 $0xD800, s0;
	s4 =	sshrl.u32 s18, $0x3;
	[dreg:$0x6] =	wrdreg s14  }
0x15: {  	s21 =	sshrl.u32 s19, $0x3;
	s26 =	sadd.s32 s24, s7;
	[dreg:$0x7] =	wrdreg s15  }
0x16: {  	s9 =	sshrl.u32 s12, $0x3;
	s24 =	simm.s32 $0x3E80;
	[dreg:$0x8] =	wrdreg s16  }
0x17: {  	[dreg:$0x9] =	wrdreg s0;
	s0 =	sadd.s32 s17, s6;
	s20 =	sadd.s32 s4, s7  }
0x18: {  	[dreg:$0xf] =	wrdreg s26;
	s26 =	simm.s32 $0x1;
	s4 =	simm.s32 $0x4  }
0x19: {  	s6 =	simm.s32 $0x200;
	[dreg:$0x10] =	wrdreg s9;
	s13 =	sadd.s32 s3, s0  }
0x1a: {  	[dreg:$0xb] =	wrdreg s20;
	s0 =	sadd.s32 s21, s7;
	s3 =	sshrl.u32 s23, $0x3  }
.Ltmp0:
0x1b: {  	s20 =	simm.s32 $0x6;
	s21 =	simm.s32 $0x280;
	(pc) =	sbr.rel .LBB2_1-.Ltmp0, $4  }
0x1c: {  	s23 =	simm.s32 $0x2A80;
	[dreg:$0xc] =	wrdreg s0;
	s0 =	sshrl.u32 s22, $0x3  }
0x1d: {  	s25 =	sadd.s32 s3, s7;
	s22 =	simm.s32 $0x1680;
	s3 =	simm.s32 $0x180  }
0x1e: {  	s0 =	sadd.s32 s0, s7;
	[dreg:$0xe] =	wrdreg s25;
	s25 =	simm.s32 $0x5280  }
0x1f: {  	s7 =	simm.s32 $0x5;
	[dreg:$0xd] =	wrdreg s0;
	s0 =	simm.s32 $0x3  }
.LBB2_4:
0x20: {  	[bflag:$0x0] =	sbarrier.arrive $0xFFFF  }
0x21: {  	s5 =	rddreg [dreg:$0x9]  }
0x22: {  	s9 =	rddreg [dreg:$0x10]  }
0x23: {  	[hbm:s5], [sflag:s19] =	dma.local [spmem:s9], $0x2780  }
0x24: {  	_ =	swait.ge [sflag:s20], $0x2780  }
0x25: {  	s11 =	smov.u32 s19;
	s8 =	sadd.s32 $0x1, s8;
	s19 =	rddreg [dreg:$0xa]  }
0x26: {  	p0 =	sne.s32 s8, s19  }
.Ltmp1:
0x27: {  	_ = 	snop;
	(pc) =	sbr.rel @!p0 .LBB2_5-.Ltmp1, $3  }
0x28: {  	_ =	sdelay $0x1  }
0x29: {  	[sflag:s20] =	ssyncset.done $0x0  }
0x2a: {  	[sflag:s20] =	ssyncadd.s32 $0xFFFFD880  }
.LBB2_1:
0x2b: {  	s5 =	rddreg [dreg:$0x3]  }
0x2c: {  	[spmem:s9], [sflag:s11] =	dma.local [hbm:s5], $0x2780  }
0x2d: {  	_ =	swait.ge [sflag:s20], $0x2780  }
0x2e: {  	[sflag:s20] =	ssyncset.done $0x0  }
0x2f: {  	s14 =	rddreg [dreg:$0x4];
	[sflag:s20] =	ssyncadd.s32 $0xFFFFD880  }
0x30: {  	[tilespmem:s21], [sflag:$0x1] =	stream.linear.gather [hbm4b:s14+s2], $0x1400, $0x38;
	[tilespmem:$0x1A280] =	vst v63  }
0x31: {  	s15 =	rddreg [dreg:$0x5]  }
0x32: {  	[tilespmem:s22], [sflag:$0x2] =	stream.linear.gather [hbm4b:s15+s2], $0x1400, $0x38;
	[tilespmem:$0x1A280] =	vst v63  }
0x33: {  	s16 =	rddreg [dreg:$0x6]  }
0x34: {  	[tilespmem:s23], [sflag:$0x3] =	stream.linear.gather [hbm4b:s16+s2], $0x1400, $0x38;
	[tilespmem:$0x1A280] =	vst v63  }
0x35: {  	s17 =	rddreg [dreg:$0x7]  }
0x36: {  	[tilespmem:s24], [sflag:$0x4] =	stream.linear.gather [hbm4b:s17+s2], $0x1400, $0x38;
	[tilespmem:$0x1A280] =	vst v63  }
0x37: {  	s18 =	rddreg [dreg:$0x8]  }
0x38: {  	[tilespmem:s25], [sflag:$0x5] =	stream.linear.gather [hbm4b:s18+s2], $0x1400, $0x38;
	[tilespmem:$0x1A280] =	vst v63  }
0x39: {  	[bflag:$0x0] =	sbarrier.arrive $0xFFFF  }
0x3a: {  	s18 =	rddreg [dreg:$0xf]  }
0x3b: {  	s17 =	rddreg [dreg:$0xe]  }
0x3c: {  	s16 =	rddreg [dreg:$0xd]  }
0x3d: {  	s15 =	rddreg [dreg:$0xc]  }
0x3e: {  	s19 =	smov.u32 s11;
	s12 =	simm.s32 $0x0;
	s14 =	rddreg [dreg:$0xb]  }
.LBB2_2:
0x3f: {  	[tilespmem:s2], [sflag:$0x6] =	stream.linear.gather [hbm4b:s18+s2], $0x28, $0x38;
	[tilespmem:$0x1A280] =	vst v63  }
0x40: {  	_ =	swait.ge [sflag:s20], $0x28  }
0x41: {  	[sflag:s20] =	ssyncset.done $0x0  }
0x42: {  	[sflag:s20] =	ssyncadd.s32 $0xFFFFFFD8  }
0x43: {  	_ =	swait.ge [sflag:s26], $0x1400  }
0x44: {  	[sflag:s26] =	ssyncset.done $0x0  }
0x45: {  	[sflag:s26] =	ssyncadd.s32 $0xFFFFEC00  }
0x46: {  	[spmem:s1] =	stream.indirect.scatter.add.f32 [tilespmem:s21], [sflag:$0x6], $0x80, s2, s28, $0xb8;
	[tilespmem:$0x1A280] =	vst v63  }
0x47: {  	p0 =	seq.s32 s12, $0x12C00;
	_ =	swait.ge [sflag:s20], $0x1400  }
0x48: {  	s11 =	sadd.s32 @!p0 s12, s13;
	s9 =	simm.s32 @!p0 $0x0;
	[sflag:s20] =	ssyncset.done $0x0  }
0x49: {  	s5 =	simm.s32 @!p0 $0x280;
	s10 =	sadd.s32 @!p0 $0xC80, s11;
	[sflag:s20] =	ssyncadd.s32 $0xFFFFEC00  }
0x4a: {  	[tilespmem:s5], [sflag:$0x1] =	stream.linear.gather @!p0 [hbm4b:s10+s9], $0x1400, $0x38;
	[tilespmem:$0x1A280] =	vst v63  }
0x4b: {  	_ = 	snop  }
0x4c: {  	[tilespmem:s29], [sflag:$0x6] =	stream.linear.gather [hbm4b:s17+s2], $0x28, $0x38;
	[tilespmem:$0x1A280] =	vst v63  }
0x4d: {  	_ =	swait.ge [sflag:s20], $0x28  }
0x4e: {  	[sflag:s20] =	ssyncset.done $0x0  }
0x4f: {  	[sflag:s20] =	ssyncadd.s32 $0xFFFFFFD8  }
0x50: {  	_ =	swait.ge [sflag:s30], $0x1400  }
0x51: {  	[sflag:s30] =	ssyncset.done $0x0  }
0x52: {  	[sflag:s30] =	ssyncadd.s32 $0xFFFFEC00  }
0x53: {  	[spmem:s1] =	stream.indirect.scatter.add.f32 [tilespmem:s22], [sflag:$0x6], $0x80, s29, s28, $0xb8;
	[tilespmem:$0x1A280] =	vst v63  }
0x54: {  	_ =	swait.ge [sflag:s20], $0x1400  }
0x55: {  	[sflag:s20] =	ssyncset.done $0x0  }
0x56: {  	s5 =	sadd.s32 @!p0 $0xF00, s11;
	s10 =	simm.s32 @!p0 $0x1680;
	[sflag:s20] =	ssyncadd.s32 $0xFFFFEC00  }
0x57: {  	[tilespmem:s10], [sflag:$0x2] =	stream.linear.gather @!p0 [hbm4b:s5+s9], $0x1400, $0x38;
	[tilespmem:$0x1A280] =	vst v63  }
0x58: {  	_ = 	snop  }
0x59: {  	[tilespmem:s31], [sflag:$0x6] =	stream.linear.gather [hbm4b:s16+s2], $0x28, $0x38;
	[tilespmem:$0x1A280] =	vst v63  }
0x5a: {  	_ =	swait.ge [sflag:s20], $0x28  }
0x5b: {  	[sflag:s20] =	ssyncset.done $0x0  }
0x5c: {  	[sflag:s20] =	ssyncadd.s32 $0xFFFFFFD8  }
0x5d: {  	_ =	swait.ge [sflag:s0], $0x1400  }
0x5e: {  	[sflag:s0] =	ssyncset.done $0x0  }
0x5f: {  	[sflag:s0] =	ssyncadd.s32 $0xFFFFEC00  }
0x60: {  	[spmem:s1] =	stream.indirect.scatter.add.f32 [tilespmem:s23], [sflag:$0x6], $0x80, s31, s28, $0xb8;
	[tilespmem:$0x1A280] =	vst v63  }
0x61: {  	_ =	swait.ge [sflag:s20], $0x1400  }
0x62: {  	[sflag:s20] =	ssyncset.done $0x0  }
0x63: {  	s5 =	sadd.s32 @!p0 $0x1180, s11;
	s10 =	simm.s32 @!p0 $0x2A80;
	[sflag:s20] =	ssyncadd.s32 $0xFFFFEC00  }
0x64: {  	[tilespmem:s10], [sflag:$0x3] =	stream.linear.gather @!p0 [hbm4b:s5+s9], $0x1400, $0x38;
	[tilespmem:$0x1A280] =	vst v63  }
0x65: {  	_ = 	snop  }
0x66: {  	[tilespmem:s3], [sflag:$0x6] =	stream.linear.gather [hbm4b:s15+s2], $0x28, $0x38;
	[tilespmem:$0x1A280] =	vst v63  }
0x67: {  	_ =	swait.ge [sflag:s20], $0x28  }
0x68: {  	[sflag:s20] =	ssyncset.done $0x0  }
0x69: {  	[sflag:s20] =	ssyncadd.s32 $0xFFFFFFD8  }
0x6a: {  	_ =	swait.ge [sflag:s4], $0x1400  }
0x6b: {  	[sflag:s4] =	ssyncset.done $0x0  }
0x6c: {  	[sflag:s4] =	ssyncadd.s32 $0xFFFFEC00  }
0x6d: {  	[spmem:s1] =	stream.indirect.scatter.add.f32 [tilespmem:s24], [sflag:$0x6], $0x80, s3, s28, $0xb8;
	[tilespmem:$0x1A280] =	vst v63  }
0x6e: {  	_ =	swait.ge [sflag:s20], $0x1400  }
0x6f: {  	[sflag:s20] =	ssyncset.done $0x0  }
0x70: {  	s5 =	sadd.s32 @!p0 $0x1400, s11;
	s10 =	simm.s32 @!p0 $0x3E80;
	[sflag:s20] =	ssyncadd.s32 $0xFFFFEC00  }
0x71: {  	[tilespmem:s10], [sflag:$0x4] =	stream.linear.gather @!p0 [hbm4b:s5+s9], $0x1400, $0x38;
	[tilespmem:$0x1A280] =	vst v63  }
0x72: {  	_ = 	snop  }
0x73: {  	[tilespmem:s6], [sflag:$0x6] =	stream.linear.gather [hbm4b:s14+s2], $0x28, $0x38;
	[tilespmem:$0x1A280] =	vst v63  }
0x74: {  	_ =	swait.ge [sflag:s20], $0x28  }
0x75: {  	[sflag:s20] =	ssyncset.done $0x0  }
0x76: {  	[sflag:s20] =	ssyncadd.s32 $0xFFFFFFD8  }
0x77: {  	_ =	swait.ge [sflag:s7], $0x1400  }
0x78: {  	[sflag:s7] =	ssyncset.done $0x0  }
.Ltmp2:
0x79: {  	[sflag:s7] =	ssyncadd.s32 $0xFFFFEC00;
	(pc) =	sbr.rel @p0 .LBB2_4-.Ltmp2, $4  }
0x7a: {  	[spmem:s1] =	stream.indirect.scatter.add.f32 [tilespmem:s25], [sflag:$0x6], $0x80, s6, s28, $0xb8;
	[tilespmem:$0x1A280] =	vst v63  }
0x7b: {  	_ =	swait.ge [sflag:s20], $0x1400  }
0x7c: {  	[sflag:s20] =	ssyncset.done $0x0  }
0x7d: {  	[sflag:s20] =	ssyncadd.s32 $0xFFFFEC00  }
.Ltmp3:
0x7e: {  	(pc) =	sbr.rel .LBB2_2-.Ltmp3, $4  }
0x7f: {  	s5 =	sadd.s32 s12, s13;
	s12 =	sadd.s32 $0xC80, s12  }
0x80: {  	s14 =	sadd.s32 $0x19, s14;
	s15 =	sadd.s32 $0x19, s15;
	s16 =	sadd.s32 $0x19, s16  }
0x81: {  	s17 =	sadd.s32 $0x19, s17;
	s18 =	sadd.s32 $0x19, s18;
	s5 =	sadd.s32 $0x1680, s5  }
0x82: {  	[tilespmem:s25], [sflag:$0x5] =	stream.linear.gather [hbm4b:s5+s2], $0x1400, $0x38;
	[tilespmem:$0x1A280] =	vst v63  }
.LBB2_5:
0x83: {  	_ =	sfence.sel $0x180000  }
0x84: {  	[bflag:$0x0] =	sbarrier.arrive $0xFFFF  }
0x85: {  	_ =	strace $0x90000050  }
0x86: {  	s0 =	stileid.u32;
	[bflag:$0x2] =	sbarrier.arrive $0xFFFF  }
0x87: {  	p0 =	sne.s32 s0, $0x0;
	s0 =	rddreg [dreg:$0x2]  }
0x88: {  	s0 =	sadd.s32 @!p0 $0x100000, s0  }
0x89: {  	[sflag:s0] =	ssyncadd.tile.s32 @!p0 $0x1;
	_ =	shalt  }
.Lfunc_end2:
_tile_overlayer_lowered:
.L_overlay_start_2:
0x8a: {  	(tag) =	ssettag $0x2  }
0x8b: {  	s0 =	rddreg [dreg:$0x0];
	s2 =	stileid.u32  }
0x8c: {  	s1 =	rddreg [dreg:$0x1];
	p0 =	sne.s32 s2, $0x0  }
0x8d: {  	s3 =	rddreg [dreg:$0x2];
	[bflag:$0x3] =	sbarrier.arrive $0xFFFF;
	s2 =	simm.s32 @!p0 $0x1C06  }
0x8e: {  	[timem:s3], [sflag:s2] =	dma.local @!p0 [hbm:s0], s1  }
0x8f: {  	s0 =	simm.s32 @!p0 $0x6  }
0x90: {  	_ =	swait.ge @!p0 [sflag:s0], s1  }
0x91: {  	s1 =	ssub.s32 @!p0 $0x0, s1;
	[sflag:s0] =	ssyncset.done @!p0 $0x0  }
0x92: {  	[sflag:s0] =	ssyncadd.s32 @!p0 s1  }
0x93: {  	[bflag:$0x3] =	sbarrier.arrive $0xFFFF  }
0x94: {  	_ =	shalt  }

</sc_bundles>
